<compile_context>
chip_gen: v7x
topology: tpu7x:2x2x1
jax: 0.10.2.dev20260603
libtpu: 0.0.44.dev20260713+nightly
codegen_flags: <defaults>
</compile_context>

<pallas_src>
import functools

import jax
import jax.numpy as jnp
from jax import lax
from jax.experimental import pallas as pl
from jax.experimental.pallas import tpu as pltpu
from jax.experimental.pallas import tpu_sc as plsc

B, N, C, K = 8, 2048, 128, 16
TM = 256
TN = 512
NUM_IDX = B * N * K


TQ = 128
_NG = N // 16
_R = 8


def _knn_body(xq_ref, xc_ref, pt_ref, idx_ref, lp_ref, dscr):
    b = pl.program_id(0)
    acc = jnp.dot(xq_ref[0], xc_ref[0],
                  preferred_element_type=jnp.float32,
                  precision=jax.lax.Precision.HIGHEST)
    dscr[...] = acc
    m = jnp.max(dscr[...].reshape(2, _NG, 8, TQ), axis=1)
    pt = pt_ref[...]
    lp_ref[...] = jnp.where(pt >= 0, pt, 0.01 * pt)
    g4 = lax.broadcasted_iota(jnp.int32, (2, _NG, 8, 1), 1)

    vals, ixs = [], []
    for i in range(_R):
        w = dscr[...].reshape(2, _NG, 8, TQ)
        mb = m[:, None]
        eq = w == mb
        ixg = jnp.min(jnp.where(eq, g4, _NG - 1), axis=1)
        vals.append(m)
        ixs.append(ixg)
        if i < _R - 1:
            m = jnp.max(jnp.where(w < mb, w, -jnp.inf), axis=1)

    aio = lax.broadcasted_iota(jnp.int32, (2, 8, TQ), 0)
    sio = lax.broadcasted_iota(jnp.int32, (2, 8, TQ), 1)
    wv = jnp.concatenate([v.reshape(16, TQ) for v in vals], axis=0)
    nn = jnp.concatenate(
        [((aio * _NG + ix) * 8 + sio).reshape(16, TQ) for ix in ixs], axis=0)

    out = jnp.zeros((32, TQ), jnp.int32)
    orow = lax.broadcasted_iota(jnp.int32, (32, TQ), 0)
    base = b * N
    for j in range(K + 1):
        mm = jnp.max(wv, axis=0, keepdims=True)
        eq2 = wv == mm
        sel = jnp.min(jnp.where(eq2, nn, jnp.int32(1 << 30)),
                      axis=0, keepdims=True)
        if j > 0:
            out = jnp.where(orow == j - 1,
                            jnp.broadcast_to(sel + base, (32, TQ)), out)
        if j < K:
            wv = jnp.where(eq2 & (nn == sel), -jnp.inf, wv)
    idx_ref[...] = jnp.transpose(out, (1, 0))[:, :K]


B2 = B // 2


def _knn_call(xc, xq, pT, h):
    b0 = h * B2
    qn = N // TQ
    return pl.pallas_call(
        _knn_body,
        grid=(B2, qn),
        in_specs=[
            pl.BlockSpec((1, N, 8), lambda b, q: (b + b0, 0, 0)),
            pl.BlockSpec((1, 8, TQ), lambda b, q: (b + b0, 0, q)),
            pl.BlockSpec((TQ, C), lambda b, q: ((b + b0) * qn + q, 0)),
        ],
        out_specs=[
            pl.BlockSpec((TQ, K), lambda b, q: (b * qn + q, 0)),
            pl.BlockSpec((TQ, C), lambda b, q: (b * qn + q, 0)),
        ],
        out_shape=[
            jax.ShapeDtypeStruct((B2 * N, K), jnp.int32),
            jax.ShapeDtypeStruct((B2 * N, C), jnp.float32),
        ],
        scratch_shapes=[pltpu.VMEM((N, TQ), jnp.float32)],
    )(xq, xc, pT)


_NW = 32
_NIH = NUM_IDX // 2
_BPW = _NIH // _NW
_CH = 128
_NCHUNK = _BPW // _CH
_PPC = _CH // K
_NB = 4


def _sc_gather_sum(lpT, gidx):
    mesh = plsc.VectorSubcoreMesh(core_axis_name="c", subcore_axis_name="s")

    @functools.partial(
        pl.kernel,
        mesh=mesh,
        out_type=jax.ShapeDtypeStruct((B2 * N, C), jnp.float32),
        scratch_types=[
            pltpu.VMEM((_NB, _CH), jnp.int32),
            pltpu.VMEM((_NB, _CH, C), jnp.float32),
            pltpu.VMEM_SHARED((16, _NB, _PPC, C), jnp.float32),
            pltpu.VMEM((_PPC, C), jnp.float32),
            pltpu.VMEM((_CH,), jnp.int32),
        ] + [pltpu.SemaphoreType.DMA] * (2 * _NB),
    )
    def k(lp_hbm, idx_hbm, out_hbm, idx_v, rows_v, acc_sh, zeros_v, seg_v,
          *sems):
        gsem = sems[:_NB]
        osem = sems[_NB:]
        sid = lax.axis_index("s")
        wid = sid * 2 + lax.axis_index("c")
        ibase = wid * _BPW
        pbase = wid * (_BPW // K)
        for r in range(_PPC):
            seg_v[pl.ds(r * K, K)] = jnp.full((K,), r, jnp.int32)
            for g in range(C // 16):
                zeros_v[r, pl.ds(g * 16, 16)] = jnp.zeros((16,), jnp.float32)
        for s in range(_NB):
            pltpu.sync_copy(idx_hbm.at[pl.ds(ibase + s * _CH, _CH)],
                            idx_v.at[s])
            pltpu.async_copy(lp_hbm.at[idx_v.at[s]], rows_v.at[s], gsem[s])

        @pl.loop(0, _NCHUNK, step=_NB)
        def _(t0):
            for s in range(_NB):
                t = t0 + s
                acc = acc_sh.at[sid, s]
                @pl.when(t >= _NB)
                def _():
                    pltpu.make_async_copy(
                        acc, out_hbm.at[pl.ds(pbase, _PPC)],
                        osem[s]).wait()
                pltpu.sync_copy(zeros_v, acc)
                pltpu.make_async_copy(lp_hbm.at[pl.ds(0, _CH)], rows_v.at[s],
                                      gsem[s]).wait()
                pltpu.sync_copy(rows_v.at[s], acc.at[seg_v], add=True)
                pltpu.async_copy(acc,
                                 out_hbm.at[pl.ds(pbase + t * _PPC, _PPC)],
                                 osem[s])
                @pl.when(t + _NB < _NCHUNK)
                def _():
                    pltpu.sync_copy(
                        idx_hbm.at[pl.ds(ibase + (t + _NB) * _CH, _CH)],
                        idx_v.at[s])
                    pltpu.async_copy(lp_hbm.at[idx_v.at[s]], rows_v.at[s],
                                     gsem[s])

        for s in range(_NB):
            pltpu.make_async_copy(acc_sh.at[sid, s],
                                  out_hbm.at[pl.ds(pbase, _PPC)],
                                  osem[s]).wait()

    return k(lpT, gidx)


_TPB = N // TN


def _mm_body(p_ref, ns0_ref, ns1_ref, w0_ref, w1_ref, w2_ref, w3_ref,
             b0_ref, b1_ref, b2_ref, b3_ref, out_ref):
    i = pl.program_id(0)
    p = p_ref[...]
    lp = jnp.where(p >= 0, p, 0.01 * p)
    ns = jnp.where(i < (B2 * N // TN), ns0_ref[...], ns1_ref[...])
    t1 = (jnp.dot(lp, w0_ref[...], preferred_element_type=jnp.float32)
          + b0_ref[...]
          + jnp.dot(ns, w1_ref[...], preferred_element_type=jnp.float32)
          + K * b1_ref[...]) * (1.0 / (K + 1)) + p
    lt1 = jnp.where(t1 >= 0, t1, 0.01 * t1)
    w23 = w2_ref[...] + w3_ref[...]
    res = (jnp.dot(lt1, w23, preferred_element_type=jnp.float32)
           + (b2_ref[...] + b3_ref[...])) * 0.5 + t1
    out_ref[0] = jnp.transpose(res, (1, 0))


def _mm_call(pT, ns0, ns1, w0t, w1t, w2t, w3t, b0, b1, b2, b3):
    nh = B2 * N // TN
    wspec = pl.BlockSpec((C, C), lambda i: (0, 0))
    bspec = pl.BlockSpec((1, C), lambda i: (0, 0))
    hspec0 = pl.BlockSpec((TN, C), lambda i: (jnp.minimum(i, nh - 1), 0))
    hspec1 = pl.BlockSpec((TN, C),
                          lambda i: (jnp.maximum(i - nh, 0), 0))
    return pl.pallas_call(
        _mm_body,
        grid=(B * N // TN,),
        in_specs=[
            pl.BlockSpec((TN, C), lambda i: (i, 0)),
            hspec0, hspec1,
            wspec, wspec, wspec, wspec,
            bspec, bspec, bspec, bspec,
        ],
        out_specs=pl.BlockSpec((1, C, TN),
                               lambda i: (i // _TPB, 0, i % _TPB)),
        out_shape=jax.ShapeDtypeStruct((B, C, N), jnp.float32),
    )(pT, ns0, ns1, w0t, w1t, w2t, w3t, b0, b1, b2, b3)


def kernel(xyz, points, W0, b0, W1, b1, W2, b2, W3, b3):
    xt = jnp.transpose(xyz, (0, 2, 1))
    sq = jnp.sum(xt * xt, axis=2, keepdims=True)
    one = jnp.ones((B, N, 1), jnp.float32)
    zero = jnp.zeros((B, N, 3), jnp.float32)
    xq = jnp.concatenate([xt, sq, one, zero], axis=2)
    xc = jnp.transpose(
        jnp.concatenate([-2.0 * xt, one, sq, zero], axis=2), (0, 2, 1))
    pT = jnp.transpose(points, (0, 2, 1)).reshape(B * N, C)
    args = (W0.T, W1.T, W2.T, W3.T, b0.reshape(1, C), b1.reshape(1, C),
            b2.reshape(1, C), b3.reshape(1, C))
    nss = []
    for h in range(2):
        idx_h, lp_h = _knn_call(xc, xq, pT, h)
        nss.append(_sc_gather_sum(lp_h, idx_h.reshape(_NIH)))
    return _mm_call(pT, nss[0], nss[1], *args)

# --- scband reference (transcript-rebuilt; emitter-appended) ---
"""Pipeline reference for scband-res-gcn-d-79714593014269 (READ-ONLY COPY).

The authoritative reference and input builder live on the scoring server;
editing this copy changes nothing except your own understanding.
"""

import jax, jax.numpy as jnp
import numpy as np

B, N, C, K, NB = 8, 2048, 128, 16, 2


def setup_inputs(seed: int = 0) -> dict:
    key = jax.random.key(seed)
    ks = jax.random.split(key, 12)
    inp = {}
    inp["xyz"] = jax.random.normal(ks[0], (B, 3, N), dtype=jnp.float32)
    inp["points"] = jax.random.normal(ks[1], (B, C, N), dtype=jnp.float32)
    for i in range(2 * NB):
        inp["W%d" % i] = jax.random.normal(ks[2 + 2 * i], (C, C), dtype=jnp.float32) * 0.05
        inp["b%d" % i] = jax.random.normal(ks[3 + 2 * i], (C,), dtype=jnp.float32) * 0.05
    return inp


def _group_gather(features, idx):
    # features: [B, C, N], idx: [B, N, K]
    # pointnet2 grouping_operation(features, idx.permute(0,2,1)):
    #   out[b, c, j, n] = features[b, c, idx[b, n, j]]  -> [B, C, K, N]
    Bv, Cv, Nv = features.shape
    Kv = idx.shape[-1]
    idxT = jnp.transpose(idx, (0, 2, 1))  # [B, K, N]
    idx_b = jnp.broadcast_to(idxT[:, None, :, :], (Bv, Cv, Kv, Nv))
    feat_b = jnp.broadcast_to(features[:, :, None, :], (Bv, Cv, Kv, Nv))
    return jnp.take_along_axis(feat_b, idx_b, axis=3)


def _forward(xyz, points, Ws, bs):
    for i in range(NB):
        shortcut = points                      # [B, C, N]
        p = jnp.transpose(points, (0, 2, 1))   # [B, N, C]
        x = jnp.transpose(xyz, (0, 2, 1))      # [B, N, 3]
        p = jax.nn.leaky_relu(p, negative_slope=0.01)
        if i == 0:
            # knn_point: dist[b,m,n] = ||x[b,n]-x[b,m]||^2 ; torch.topk -> LARGEST k+1 (faithful)
            sq = jnp.sum(x * x, axis=-1)  # [B, N]
            dist = sq[:, :, None] + sq[:, None, :] - 2.0 * jnp.einsum('bmc,bnc->bmn', x, x)
            _, idx = jax.lax.top_k(dist, K + 1)  # sorted descending, like torch.topk
            idx = idx[:, :, 1:]                  # drop first -> [B, N, K]
            feats = jnp.transpose(p, (0, 2, 1))  # [B, C, N] (leaky-relu'd points)
            grouped = _group_gather(feats, idx)  # [B, C, K, N]
        else:
            grouped = jnp.transpose(p[:, :, None, :], (0, 3, 2, 1))  # [B, C, 1, N]
        center = jnp.transpose(p, (0, 2, 1))[:, :, None, :]  # [B, C, 1, N]
        Wc, bc = Ws[2 * i], bs[2 * i]
        Wg, bg = Ws[2 * i + 1], bs[2 * i + 1]
        out_c = jnp.einsum('oi,bisn->bosn', Wc, center) + bc[None, :, None, None]
        out_g = jnp.einsum('oi,bisn->bosn', Wg, grouped) + bg[None, :, None, None]
        points = jnp.mean(jnp.concatenate([out_c, out_g], axis=2), axis=2) + shortcut
    return points


def reference(xyz, points, W0, b0, W1, b1, W2, b2, W3, b3):
    return _forward(xyz, points, [W0, W1, W2, W3], [b0, b1, b2, b3])

if __name__ == "__main__":
    import jax
    _d = setup_inputs()
    print(jax.jit(kernel)(*tuple(_d.values())))

</pallas_src>

<mosaic_0001>
#map = affine_map<(d0, d1) -> (0, 0)>
#map1 = affine_map<(d0, d1) -> (0)>
module attributes {stable_mosaic.version = 14 : i64} {
  func.func @k(%arg0: i32, %arg1: i32, %arg2: memref<8192x128xf32, #tpu.memory_space<hbm>>, %arg3: memref<131072xi32, #tpu.memory_space<hbm>>, %arg4: memref<8192x128xf32, #tpu.memory_space<hbm>>, %arg5: memref<4x128xi32, #tpu.memory_space<vmem>>, %arg6: memref<4x128x128xf32, #tpu.memory_space<vmem>>, %arg7: memref<16x4x8x128xf32, #tpu.memory_space<vmem_shared>>, %arg8: memref<8x128xf32, #tpu.memory_space<vmem>>, %arg9: memref<128xi32, #tpu.memory_space<vmem>>, %arg10: memref<!tpu.dma_semaphore, #tpu.memory_space<semaphore_mem>>, %arg11: memref<!tpu.dma_semaphore, #tpu.memory_space<semaphore_mem>>, %arg12: memref<!tpu.dma_semaphore, #tpu.memory_space<semaphore_mem>>, %arg13: memref<!tpu.dma_semaphore, #tpu.memory_space<semaphore_mem>>, %arg14: memref<!tpu.dma_semaphore, #tpu.memory_space<semaphore_mem>>, %arg15: memref<!tpu.dma_semaphore, #tpu.memory_space<semaphore_mem>>, %arg16: memref<!tpu.dma_semaphore, #tpu.memory_space<semaphore_mem>>, %arg17: memref<!tpu.dma_semaphore, #tpu.memory_space<semaphore_mem>>) attributes {dimension_semantics = [#tpu.dimension_semantics<core_parallel>, #tpu.dimension_semantics<subcore_parallel>], iteration_bounds = array<i64: 2, 16>, scalar_prefetch = 0 : i64, scratch_operands = 13 : i64, tpu.core_type = #tpu.core_type<sc_vector_subcore>, window_params = [{transform_indices = #map}, {transform_indices = #map1}, {transform_indices = #map}]} {
    %mul3A = arith.constant 2 : i32
    %mul3A_0 = arith.muli %arg1, %mul3A : i32
    %add3A = arith.addi %mul3A_0, %arg0 : i32
    %mul3A_1 = arith.constant 4096 : i32
    %mul3A_2 = arith.muli %add3A, %mul3A_1 : i32
    %mul3A_3 = arith.constant 256 : i32
    %mul3A_4 = arith.muli %add3A, %mul3A_3 : i32
    %broadcast_in_dim3A = arith.constant 0 : i32
    %broadcast_in_dim3A_5 = vector.broadcast %broadcast_in_dim3A : i32 to vector<16xi32>
    %swap3A = arith.constant 0 : index
    %swap3A_6 = tpu.vector_load %arg9[%swap3A] {strides = array<i32>} : memref<128xi32, #tpu.memory_space<vmem>>, vector<16xi32>,
    %swap3A_7 = vector.shape_cast %swap3A_6 : vector<16xi32> to vector<16xi32>
    %swap3A_8 = vector.shape_cast %broadcast_in_dim3A_5 : vector<16xi32> to vector<16xi32>
    tpu.vector_store %arg9[%swap3A], %swap3A_8 {strides = array<i32>} : memref<128xi32, #tpu.memory_space<vmem>>, vector<16xi32>,
    %broadcast_in_dim3A_9 = arith.constant 0.000000e+00 : f32
    %broadcast_in_dim3A_10 = vector.broadcast %broadcast_in_dim3A_9 : f32 to vector<16xf32>
    %swap3A_11 = arith.constant 0 : i32
    %swap3A_12 = arith.index_cast %swap3A_11 : i32 to index
    %swap3A_13 = arith.constant 0 : index
    %swap3A_14 = tpu.vector_load %arg8[%swap3A_12, %swap3A_13] {strides = array<i32>} : memref<8x128xf32, #tpu.memory_space<vmem>>, vector<1x16xf32>,
    %swap3A_15 = vector.shape_cast %swap3A_14 : vector<1x16xf32> to vector<16xf32>
    %swap3A_16 = vector.shape_cast %broadcast_in_dim3A_10 : vector<16xf32> to vector<1x16xf32>
    tpu.vector_store %arg8[%swap3A_12, %swap3A_13], %swap3A_16 {strides = array<i32>} : memref<8x128xf32, #tpu.memory_space<vmem>>, vector<1x16xf32>,
    %broadcast_in_dim3A_17 = arith.constant 0.000000e+00 : f32
    %broadcast_in_dim3A_18 = vector.broadcast %broadcast_in_dim3A_17 : f32 to vector<16xf32>
    %swap3A_19 = arith.constant 0 : i32
    %swap3A_20 = arith.index_cast %swap3A_19 : i32 to index
    %swap3A_21 = arith.constant 16 : index
    %swap3A_22 = tpu.vector_load %arg8[%swap3A_20, %swap3A_21] {strides = array<i32>} : memref<8x128xf32, #tpu.memory_space<vmem>>, vector<1x16xf32>,
    %swap3A_23 = vector.shape_cast %swap3A_22 : vector<1x16xf32> to vector<16xf32>
    %swap3A_24 = vector.shape_cast %broadcast_in_dim3A_18 : vector<16xf32> to vector<1x16xf32>
    tpu.vector_store %arg8[%swap3A_20, %swap3A_21], %swap3A_24 {strides = array<i32>} : memref<8x128xf32, #tpu.memory_space<vmem>>, vector<1x16xf32>,
    %broadcast_in_dim3A_25 = arith.constant 0.000000e+00 : f32
    %broadcast_in_dim3A_26 = vector.broadcast %broadcast_in_dim3A_25 : f32 to vector<16xf32>
    %swap3A_27 = arith.constant 0 : i32
    %swap3A_28 = arith.index_cast %swap3A_27 : i32 to index
    %swap3A_29 = arith.constant 32 : index
    %swap3A_30 = tpu.vector_load %arg8[%swap3A_28, %swap3A_29] {strides = array<i32>} : memref<8x128xf32, #tpu.memory_space<vmem>>, vector<1x16xf32>,
    %swap3A_31 = vector.shape_cast %swap3A_30 : vector<1x16xf32> to vector<16xf32>
    %swap3A_32 = vector.shape_cast %broadcast_in_dim3A_26 : vector<16xf32> to vector<1x16xf32>
    tpu.vector_store %arg8[%swap3A_28, %swap3A_29], %swap3A_32 {strides = array<i32>} : memref<8x128xf32, #tpu.memory_space<vmem>>, vector<1x16xf32>,
    %broadcast_in_dim3A_33 = arith.constant 0.000000e+00 : f32
    %broadcast_in_dim3A_34 = vector.broadcast %broadcast_in_dim3A_33 : f32 to vector<16xf32>
    %swap3A_35 = arith.constant 0 : i32
    %swap3A_36 = arith.index_cast %swap3A_35 : i32 to index
    %swap3A_37 = arith.constant 48 : index
    %swap3A_38 = tpu.vector_load %arg8[%swap3A_36, %swap3A_37] {strides = array<i32>} : memref<8x128xf32, #tpu.memory_space<vmem>>, vector<1x16xf32>,
    %swap3A_39 = vector.shape_cast %swap3A_38 : vector<1x16xf32> to vector<16xf32>
    %swap3A_40 = vector.shape_cast %broadcast_in_dim3A_34 : vector<16xf32> to vector<1x16xf32>
    tpu.vector_store %arg8[%swap3A_36, %swap3A_37], %swap3A_40 {strides = array<i32>} : memref<8x128xf32, #tpu.memory_space<vmem>>, vector<1x16xf32>,
    %broadcast_in_dim3A_41 = arith.constant 0.000000e+00 : f32
    %broadcast_in_dim3A_42 = vector.broadcast %broadcast_in_dim3A_41 : f32 to vector<16xf32>
    %swap3A_43 = arith.constant 0 : i32
    %swap3A_44 = arith.index_cast %swap3A_43 : i32 to index
    %swap3A_45 = arith.constant 64 : index
    %swap3A_46 = tpu.vector_load %arg8[%swap3A_44, %swap3A_45] {strides = array<i32>} : memref<8x128xf32, #tpu.memory_space<vmem>>, vector<1x16xf32>,
    %swap3A_47 = vector.shape_cast %swap3A_46 : vector<1x16xf32> to vector<16xf32>
    %swap3A_48 = vector.shape_cast %broadcast_in_dim3A_42 : vector<16xf32> to vector<1x16xf32>
    tpu.vector_store %arg8[%swap3A_44, %swap3A_45], %swap3A_48 {strides = array<i32>} : memref<8x128xf32, #tpu.memory_space<vmem>>, vector<1x16xf32>,
    %broadcast_in_dim3A_49 = arith.constant 0.000000e+00 : f32
    %broadcast_in_dim3A_50 = vector.broadcast %broadcast_in_dim3A_49 : f32 to vector<16xf32>
    %swap3A_51 = arith.constant 0 : i32
    %swap3A_52 = arith.index_cast %swap3A_51 : i32 to index
    %swap3A_53 = arith.constant 80 : index
    %swap3A_54 = tpu.vector_load %arg8[%swap3A_52, %swap3A_53] {strides = array<i32>} : memref<8x128xf32, #tpu.memory_space<vmem>>, vector<1x16xf32>,
    %swap3A_55 = vector.shape_cast %swap3A_54 : vector<1x16xf32> to vector<16xf32>
    %swap3A_56 = vector.shape_cast %broadcast_in_dim3A_50 : vector<16xf32> to vector<1x16xf32>
    tpu.vector_store %arg8[%swap3A_52, %swap3A_53], %swap3A_56 {strides = array<i32>} : memref<8x128xf32, #tpu.memory_space<vmem>>, vector<1x16xf32>,
    %broadcast_in_dim3A_57 = arith.constant 0.000000e+00 : f32
    %broadcast_in_dim3A_58 = vector.broadcast %broadcast_in_dim3A_57 : f32 to vector<16xf32>
    %swap3A_59 = arith.constant 0 : i32
    %swap3A_60 = arith.index_cast %swap3A_59 : i32 to index
    %swap3A_61 = arith.constant 96 : index
    %swap3A_62 = tpu.vector_load %arg8[%swap3A_60, %swap3A_61] {strides = array<i32>} : memref<8x128xf32, #tpu.memory_space<vmem>>, vector<1x16xf32>,
    %swap3A_63 = vector.shape_cast %swap3A_62 : vector<1x16xf32> to vector<16xf32>
    %swap3A_64 = vector.shape_cast %broadcast_in_dim3A_58 : vector<16xf32> to vector<1x16xf32>
    tpu.vector_store %arg8[%swap3A_60, %swap3A_61], %swap3A_64 {strides = array<i32>} : memref<8x128xf32, #tpu.memory_space<vmem>>, vector<1x16xf32>,
    %broadcast_in_dim3A_65 = arith.constant 0.000000e+00 : f32
    %broadcast_in_dim3A_66 = vector.broadcast %broadcast_in_dim3A_65 : f32 to vector<16xf32>
    %swap3A_67 = arith.constant 0 : i32
    %swap3A_68 = arith.index_cast %swap3A_67 : i32 to index
    %swap3A_69 = arith.constant 112 : index
    %swap3A_70 = tpu.vector_load %arg8[%swap3A_68, %swap3A_69] {strides = array<i32>} : memref<8x128xf32, #tpu.memory_space<vmem>>, vector<1x16xf32>,
    %swap3A_71 = vector.shape_cast %swap3A_70 : vector<1x16xf32> to vector<16xf32>
    %swap3A_72 = vector.shape_cast %broadcast_in_dim3A_66 : vector<16xf32> to vector<1x16xf32>
    tpu.vector_store %arg8[%swap3A_68, %swap3A_69], %swap3A_72 {strides = array<i32>} : memref<8x128xf32, #tpu.memory_space<vmem>>, vector<1x16xf32>,
    %broadcast_in_dim3A_73 = arith.constant 1 : i32
    %broadcast_in_dim3A_74 = vector.broadcast %broadcast_in_dim3A_73 : i32 to vector<16xi32>
    %swap3A_75 = arith.constant 16 : index
    %swap3A_76 = tpu.vector_load %arg9[%swap3A_75] {strides = array<i32>} : memref<128xi32, #tpu.memory_space<vmem>>, vector<16xi32>,
    %swap3A_77 = vector.shape_cast %swap3A_76 : vector<16xi32> to vector<16xi32>
    %swap3A_78 = vector.shape_cast %broadcast_in_dim3A_74 : vector<16xi32> to vector<16xi32>
    tpu.vector_store %arg9[%swap3A_75], %swap3A_78 {strides = array<i32>} : memref<128xi32, #tpu.memory_space<vmem>>, vector<16xi32>,
    %broadcast_in_dim3A_79 = arith.constant 0.000000e+00 : f32
    %broadcast_in_dim3A_80 = vector.broadcast %broadcast_in_dim3A_79 : f32 to vector<16xf32>
    %swap3A_81 = arith.constant 1 : i32
    %swap3A_82 = arith.index_cast %swap3A_81 : i32 to index
    %swap3A_83 = arith.constant 0 : index
    %swap3A_84 = tpu.vector_load %arg8[%swap3A_82, %swap3A_83] {strides = array<i32>} : memref<8x128xf32, #tpu.memory_space<vmem>>, vector<1x16xf32>,
    %swap3A_85 = vector.shape_cast %swap3A_84 : vector<1x16xf32> to vector<16xf32>
    %swap3A_86 = vector.shape_cast %broadcast_in_dim3A_80 : vector<16xf32> to vector<1x16xf32>
    tpu.vector_store %arg8[%swap3A_82, %swap3A_83], %swap3A_86 {strides = array<i32>} : memref<8x128xf32, #tpu.memory_space<vmem>>, vector<1x16xf32>,
    %broadcast_in_dim3A_87 = arith.constant 0.000000e+00 : f32
    %broadcast_in_dim3A_88 = vector.broadcast %broadcast_in_dim3A_87 : f32 to vector<16xf32>
    %swap3A_89 = arith.constant 1 : i32
    %swap3A_90 = arith.index_cast %swap3A_89 : i32 to index
    %swap3A_91 = arith.constant 16 : index
    %swap3A_92 = tpu.vector_load %arg8[%swap3A_90, %swap3A_91] {strides = array<i32>} : memref<8x128xf32, #tpu.memory_space<vmem>>, vector<1x16xf32>,
    %swap3A_93 = vector.shape_cast %swap3A_92 : vector<1x16xf32> to vector<16xf32>
    %swap3A_94 = vector.shape_cast %broadcast_in_dim3A_88 : vector<16xf32> to vector<1x16xf32>
    tpu.vector_store %arg8[%swap3A_90, %swap3A_91], %swap3A_94 {strides = array<i32>} : memref<8x128xf32, #tpu.memory_space<vmem>>, vector<1x16xf32>,
    %broadcast_in_dim3A_95 = arith.constant 0.000000e+00 : f32
    %broadcast_in_dim3A_96 = vector.broadcast %broadcast_in_dim3A_95 : f32 to vector<16xf32>
    %swap3A_97 = arith.constant 1 : i32
    %swap3A_98 = arith.index_cast %swap3A_97 : i32 to index
    %swap3A_99 = arith.constant 32 : index
    %swap3A_100 = tpu.vector_load %arg8[%swap3A_98, %swap3A_99] {strides = array<i32>} : memref<8x128xf32, #tpu.memory_space<vmem>>, vector<1x16xf32>,
    %swap3A_101 = vector.shape_cast %swap3A_100 : vector<1x16xf32> to vector<16xf32>
    %swap3A_102 = vector.shape_cast %broadcast_in_dim3A_96 : vector<16xf32> to vector<1x16xf32>
    tpu.vector_store %arg8[%swap3A_98, %swap3A_99], %swap3A_102 {strides = array<i32>} : memref<8x128xf32, #tpu.memory_space<vmem>>, vector<1x16xf32>,
    %broadcast_in_dim3A_103 = arith.constant 0.000000e+00 : f32
    %broadcast_in_dim3A_104 = vector.broadcast %broadcast_in_dim3A_103 : f32 to vector<16xf32>
    %swap3A_105 = arith.constant 1 : i32
    %swap3A_106 = arith.index_cast %swap3A_105 : i32 to index
    %swap3A_107 = arith.constant 48 : index
    %swap3A_108 = tpu.vector_load %arg8[%swap3A_106, %swap3A_107] {strides = array<i32>} : memref<8x128xf32, #tpu.memory_space<vmem>>, vector<1x16xf32>,
    %swap3A_109 = vector.shape_cast %swap3A_108 : vector<1x16xf32> to vector<16xf32>
    %swap3A_110 = vector.shape_cast %broadcast_in_dim3A_104 : vector<16xf32> to vector<1x16xf32>
    tpu.vector_store %arg8[%swap3A_106, %swap3A_107], %swap3A_110 {strides = array<i32>} : memref<8x128xf32, #tpu.memory_space<vmem>>, vector<1x16xf32>,
    %broadcast_in_dim3A_111 = arith.constant 0.000000e+00 : f32
    %broadcast_in_dim3A_112 = vector.broadcast %broadcast_in_dim3A_111 : f32 to vector<16xf32>
    %swap3A_113 = arith.constant 1 : i32
    %swap3A_114 = arith.index_cast %swap3A_113 : i32 to index
    %swap3A_115 = arith.constant 64 : index
    %swap3A_116 = tpu.vector_load %arg8[%swap3A_114, %swap3A_115] {strides = array<i32>} : memref<8x128xf32, #tpu.memory_space<vmem>>, vector<1x16xf32>,
    %swap3A_117 = vector.shape_cast %swap3A_116 : vector<1x16xf32> to vector<16xf32>
    %swap3A_118 = vector.shape_cast %broadcast_in_dim3A_112 : vector<16xf32> to vector<1x16xf32>
    tpu.vector_store %arg8[%swap3A_114, %swap3A_115], %swap3A_118 {strides = array<i32>} : memref<8x128xf32, #tpu.memory_space<vmem>>, vector<1x16xf32>,
    %broadcast_in_dim3A_119 = arith.constant 0.000000e+00 : f32
    %broadcast_in_dim3A_120 = vector.broadcast %broadcast_in_dim3A_119 : f32 to vector<16xf32>
    %swap3A_121 = arith.constant 1 : i32
    %swap3A_122 = arith.index_cast %swap3A_121 : i32 to index
    %swap3A_123 = arith.constant 80 : index
    %swap3A_124 = tpu.vector_load %arg8[%swap3A_122, %swap3A_123] {strides = array<i32>} : memref<8x128xf32, #tpu.memory_space<vmem>>, vector<1x16xf32>,
    %swap3A_125 = vector.shape_cast %swap3A_124 : vector<1x16xf32> to vector<16xf32>
    %swap3A_126 = vector.shape_cast %broadcast_in_dim3A_120 : vector<16xf32> to vector<1x16xf32>
    tpu.vector_store %arg8[%swap3A_122, %swap3A_123], %swap3A_126 {strides = array<i32>} : memref<8x128xf32, #tpu.memory_space<vmem>>, vector<1x16xf32>,
    %broadcast_in_dim3A_127 = arith.constant 0.000000e+00 : f32
    %broadcast_in_dim3A_128 = vector.broadcast %broadcast_in_dim3A_127 : f32 to vector<16xf32>
    %swap3A_129 = arith.constant 1 : i32
    %swap3A_130 = arith.index_cast %swap3A_129 : i32 to index
    %swap3A_131 = arith.constant 96 : index
    %swap3A_132 = tpu.vector_load %arg8[%swap3A_130, %swap3A_131] {strides = array<i32>} : memref<8x128xf32, #tpu.memory_space<vmem>>, vector<1x16xf32>,
    %swap3A_133 = vector.shape_cast %swap3A_132 : vector<1x16xf32> to vector<16xf32>
    %swap3A_134 = vector.shape_cast %broadcast_in_dim3A_128 : vector<16xf32> to vector<1x16xf32>
    tpu.vector_store %arg8[%swap3A_130, %swap3A_131], %swap3A_134 {strides = array<i32>} : memref<8x128xf32, #tpu.memory_space<vmem>>, vector<1x16xf32>,
    %broadcast_in_dim3A_135 = arith.constant 0.000000e+00 : f32
    %broadcast_in_dim3A_136 = vector.broadcast %broadcast_in_dim3A_135 : f32 to vector<16xf32>
    %swap3A_137 = arith.constant 1 : i32
    %swap3A_138 = arith.index_cast %swap3A_137 : i32 to index
    %swap3A_139 = arith.constant 112 : index
    %swap3A_140 = tpu.vector_load %arg8[%swap3A_138, %swap3A_139] {strides = array<i32>} : memref<8x128xf32, #tpu.memory_space<vmem>>, vector<1x16xf32>,
    %swap3A_141 = vector.shape_cast %swap3A_140 : vector<1x16xf32> to vector<16xf32>
    %swap3A_142 = vector.shape_cast %broadcast_in_dim3A_136 : vector<16xf32> to vector<1x16xf32>
    tpu.vector_store %arg8[%swap3A_138, %swap3A_139], %swap3A_142 {strides = array<i32>} : memref<8x128xf32, #tpu.memory_space<vmem>>, vector<1x16xf32>,
    %broadcast_in_dim3A_143 = arith.constant 2 : i32
    %broadcast_in_dim3A_144 = vector.broadcast %broadcast_in_dim3A_143 : i32 to vector<16xi32>
    %swap3A_145 = arith.constant 32 : index
    %swap3A_146 = tpu.vector_load %arg9[%swap3A_145] {strides = array<i32>} : memref<128xi32, #tpu.memory_space<vmem>>, vector<16xi32>,
    %swap3A_147 = vector.shape_cast %swap3A_146 : vector<16xi32> to vector<16xi32>
    %swap3A_148 = vector.shape_cast %broadcast_in_dim3A_144 : vector<16xi32> to vector<16xi32>
    tpu.vector_store %arg9[%swap3A_145], %swap3A_148 {strides = array<i32>} : memref<128xi32, #tpu.memory_space<vmem>>, vector<16xi32>,
    %broadcast_in_dim3A_149 = arith.constant 0.000000e+00 : f32
    %broadcast_in_dim3A_150 = vector.broadcast %broadcast_in_dim3A_149 : f32 to vector<16xf32>
    %swap3A_151 = arith.constant 2 : i32
    %swap3A_152 = arith.index_cast %swap3A_151 : i32 to index
    %swap3A_153 = arith.constant 0 : index
    %swap3A_154 = tpu.vector_load %arg8[%swap3A_152, %swap3A_153] {strides = array<i32>} : memref<8x128xf32, #tpu.memory_space<vmem>>, vector<1x16xf32>,
    %swap3A_155 = vector.shape_cast %swap3A_154 : vector<1x16xf32> to vector<16xf32>
    %swap3A_156 = vector.shape_cast %broadcast_in_dim3A_150 : vector<16xf32> to vector<1x16xf32>
    tpu.vector_store %arg8[%swap3A_152, %swap3A_153], %swap3A_156 {strides = array<i32>} : memref<8x128xf32, #tpu.memory_space<vmem>>, vector<1x16xf32>,
    %broadcast_in_dim3A_157 = arith.constant 0.000000e+00 : f32
    %broadcast_in_dim3A_158 = vector.broadcast %broadcast_in_dim3A_157 : f32 to vector<16xf32>
    %swap3A_159 = arith.constant 2 : i32
    %swap3A_160 = arith.index_cast %swap3A_159 : i32 to index
    %swap3A_161 = arith.constant 16 : index
    %swap3A_162 = tpu.vector_load %arg8[%swap3A_160, %swap3A_161] {strides = array<i32>} : memref<8x128xf32, #tpu.memory_space<vmem>>, vector<1x16xf32>,
    %swap3A_163 = vector.shape_cast %swap3A_162 : vector<1x16xf32> to vector<16xf32>
    %swap3A_164 = vector.shape_cast %broadcast_in_dim3A_158 : vector<16xf32> to vector<1x16xf32>
    tpu.vector_store %arg8[%swap3A_160, %swap3A_161], %swap3A_164 {strides = array<i32>} : memref<8x128xf32, #tpu.memory_space<vmem>>, vector<1x16xf32>,
    %broadcast_in_dim3A_165 = arith.constant 0.000000e+00 : f32
    %broadcast_in_dim3A_166 = vector.broadcast %broadcast_in_dim3A_165 : f32 to vector<16xf32>
    %swap3A_167 = arith.constant 2 : i32
    %swap3A_168 = arith.index_cast %swap3A_167 : i32 to index
    %swap3A_169 = arith.constant 32 : index
    %swap3A_170 = tpu.vector_load %arg8[%swap3A_168, %swap3A_169] {strides = array<i32>} : memref<8x128xf32, #tpu.memory_space<vmem>>, vector<1x16xf32>,
    %swap3A_171 = vector.shape_cast %swap3A_170 : vector<1x16xf32> to vector<16xf32>
    %swap3A_172 = vector.shape_cast %broadcast_in_dim3A_166 : vector<16xf32> to vector<1x16xf32>
    tpu.vector_store %arg8[%swap3A_168, %swap3A_169], %swap3A_172 {strides = array<i32>} : memref<8x128xf32, #tpu.memory_space<vmem>>, vector<1x16xf32>,
    %broadcast_in_dim3A_173 = arith.constant 0.000000e+00 : f32
    %broadcast_in_dim3A_174 = vector.broadcast %broadcast_in_dim3A_173 : f32 to vector<16xf32>
    %swap3A_175 = arith.constant 2 : i32
    %swap3A_176 = arith.index_cast %swap3A_175 : i32 to index
    %swap3A_177 = arith.constant 48 : index
    %swap3A_178 = tpu.vector_load %arg8[%swap3A_176, %swap3A_177] {strides = array<i32>} : memref<8x128xf32, #tpu.memory_space<vmem>>, vector<1x16xf32>,
    %swap3A_179 = vector.shape_cast %swap3A_178 : vector<1x16xf32> to vector<16xf32>
    %swap3A_180 = vector.shape_cast %broadcast_in_dim3A_174 : vector<16xf32> to vector<1x16xf32>
    tpu.vector_store %arg8[%swap3A_176, %swap3A_177], %swap3A_180 {strides = array<i32>} : memref<8x128xf32, #tpu.memory_space<vmem>>, vector<1x16xf32>,
    %broadcast_in_dim3A_181 = arith.constant 0.000000e+00 : f32
    %broadcast_in_dim3A_182 = vector.broadcast %broadcast_in_dim3A_181 : f32 to vector<16xf32>
    %swap3A_183 = arith.constant 2 : i32
    %swap3A_184 = arith.index_cast %swap3A_183 : i32 to index
    %swap3A_185 = arith.constant 64 : index
    %swap3A_186 = tpu.vector_load %arg8[%swap3A_184, %swap3A_185] {strides = array<i32>} : memref<8x128xf32, #tpu.memory_space<vmem>>, vector<1x16xf32>,
    %swap3A_187 = vector.shape_cast %swap3A_186 : vector<1x16xf32> to vector<16xf32>
    %swap3A_188 = vector.shape_cast %broadcast_in_dim3A_182 : vector<16xf32> to vector<1x16xf32>
    tpu.vector_store %arg8[%swap3A_184, %swap3A_185], %swap3A_188 {strides = array<i32>} : memref<8x128xf32, #tpu.memory_space<vmem>>, vector<1x16xf32>,
    %broadcast_in_dim3A_189 = arith.constant 0.000000e+00 : f32
    %broadcast_in_dim3A_190 = vector.broadcast %broadcast_in_dim3A_189 : f32 to vector<16xf32>
    %swap3A_191 = arith.constant 2 : i32
    %swap3A_192 = arith.index_cast %swap3A_191 : i32 to index
    %swap3A_193 = arith.constant 80 : index
    %swap3A_194 = tpu.vector_load %arg8[%swap3A_192, %swap3A_193] {strides = array<i32>} : memref<8x128xf32, #tpu.memory_space<vmem>>, vector<1x16xf32>,
    %swap3A_195 = vector.shape_cast %swap3A_194 : vector<1x16xf32> to vector<16xf32>
    %swap3A_196 = vector.shape_cast %broadcast_in_dim3A_190 : vector<16xf32> to vector<1x16xf32>
    tpu.vector_store %arg8[%swap3A_192, %swap3A_193], %swap3A_196 {strides = array<i32>} : memref<8x128xf32, #tpu.memory_space<vmem>>, vector<1x16xf32>,
    %broadcast_in_dim3A_197 = arith.constant 0.000000e+00 : f32
    %broadcast_in_dim3A_198 = vector.broadcast %broadcast_in_dim3A_197 : f32 to vector<16xf32>
    %swap3A_199 = arith.constant 2 : i32
    %swap3A_200 = arith.index_cast %swap3A_199 : i32 to index
    %swap3A_201 = arith.constant 96 : index
    %swap3A_202 = tpu.vector_load %arg8[%swap3A_200, %swap3A_201] {strides = array<i32>} : memref<8x128xf32, #tpu.memory_space<vmem>>, vector<1x16xf32>,
    %swap3A_203 = vector.shape_cast %swap3A_202 : vector<1x16xf32> to vector<16xf32>
    %swap3A_204 = vector.shape_cast %broadcast_in_dim3A_198 : vector<16xf32> to vector<1x16xf32>
    tpu.vector_store %arg8[%swap3A_200, %swap3A_201], %swap3A_204 {strides = array<i32>} : memref<8x128xf32, #tpu.memory_space<vmem>>, vector<1x16xf32>,
    %broadcast_in_dim3A_205 = arith.constant 0.000000e+00 : f32
    %broadcast_in_dim3A_206 = vector.broadcast %broadcast_in_dim3A_205 : f32 to vector<16xf32>
    %swap3A_207 = arith.constant 2 : i32
    %swap3A_208 = arith.index_cast %swap3A_207 : i32 to index
    %swap3A_209 = arith.constant 112 : index
    %swap3A_210 = tpu.vector_load %arg8[%swap3A_208, %swap3A_209] {strides = array<i32>} : memref<8x128xf32, #tpu.memory_space<vmem>>, vector<1x16xf32>,
    %swap3A_211 = vector.shape_cast %swap3A_210 : vector<1x16xf32> to vector<16xf32>
    %swap3A_212 = vector.shape_cast %broadcast_in_dim3A_206 : vector<16xf32> to vector<1x16xf32>
    tpu.vector_store %arg8[%swap3A_208, %swap3A_209], %swap3A_212 {strides = array<i32>} : memref<8x128xf32, #tpu.memory_space<vmem>>, vector<1x16xf32>,
    %broadcast_in_dim3A_213 = arith.constant 3 : i32
    %broadcast_in_dim3A_214 = vector.broadcast %broadcast_in_dim3A_213 : i32 to vector<16xi32>
    %swap3A_215 = arith.constant 48 : index
    %swap3A_216 = tpu.vector_load %arg9[%swap3A_215] {strides = array<i32>} : memref<128xi32, #tpu.memory_space<vmem>>, vector<16xi32>,
    %swap3A_217 = vector.shape_cast %swap3A_216 : vector<16xi32> to vector<16xi32>
    %swap3A_218 = vector.shape_cast %broadcast_in_dim3A_214 : vector<16xi32> to vector<16xi32>
    tpu.vector_store %arg9[%swap3A_215], %swap3A_218 {strides = array<i32>} : memref<128xi32, #tpu.memory_space<vmem>>, vector<16xi32>,
    %broadcast_in_dim3A_219 = arith.constant 0.000000e+00 : f32
    %broadcast_in_dim3A_220 = vector.broadcast %broadcast_in_dim3A_219 : f32 to vector<16xf32>
    %swap3A_221 = arith.constant 3 : i32
    %swap3A_222 = arith.index_cast %swap3A_221 : i32 to index
    %swap3A_223 = arith.constant 0 : index
    %swap3A_224 = tpu.vector_load %arg8[%swap3A_222, %swap3A_223] {strides = array<i32>} : memref<8x128xf32, #tpu.memory_space<vmem>>, vector<1x16xf32>,
    %swap3A_225 = vector.shape_cast %swap3A_224 : vector<1x16xf32> to vector<16xf32>
    %swap3A_226 = vector.shape_cast %broadcast_in_dim3A_220 : vector<16xf32> to vector<1x16xf32>
    tpu.vector_store %arg8[%swap3A_222, %swap3A_223], %swap3A_226 {strides = array<i32>} : memref<8x128xf32, #tpu.memory_space<vmem>>, vector<1x16xf32>,
    %broadcast_in_dim3A_227 = arith.constant 0.000000e+00 : f32
    %broadcast_in_dim3A_228 = vector.broadcast %broadcast_in_dim3A_227 : f32 to vector<16xf32>
    %swap3A_229 = arith.constant 3 : i32
    %swap3A_230 = arith.index_cast %swap3A_229 : i32 to index
    %swap3A_231 = arith.constant 16 : index
    %swap3A_232 = tpu.vector_load %arg8[%swap3A_230, %swap3A_231] {strides = array<i32>} : memref<8x128xf32, #tpu.memory_space<vmem>>, vector<1x16xf32>,
    %swap3A_233 = vector.shape_cast %swap3A_232 : vector<1x16xf32> to vector<16xf32>
    %swap3A_234 = vector.shape_cast %broadcast_in_dim3A_228 : vector<16xf32> to vector<1x16xf32>
    tpu.vector_store %arg8[%swap3A_230, %swap3A_231], %swap3A_234 {strides = array<i32>} : memref<8x128xf32, #tpu.memory_space<vmem>>, vector<1x16xf32>,
    %broadcast_in_dim3A_235 = arith.constant 0.000000e+00 : f32
    %broadcast_in_dim3A_236 = vector.broadcast %broadcast_in_dim3A_235 : f32 to vector<16xf32>
    %swap3A_237 = arith.constant 3 : i32
    %swap3A_238 = arith.index_cast %swap3A_237 : i32 to index
    %swap3A_239 = arith.constant 32 : index
    %swap3A_240 = tpu.vector_load %arg8[%swap3A_238, %swap3A_239] {strides = array<i32>} : memref<8x128xf32, #tpu.memory_space<vmem>>, vector<1x16xf32>,
    %swap3A_241 = vector.shape_cast %swap3A_240 : vector<1x16xf32> to vector<16xf32>
    %swap3A_242 = vector.shape_cast %broadcast_in_dim3A_236 : vector<16xf32> to vector<1x16xf32>
    tpu.vector_store %arg8[%swap3A_238, %swap3A_239], %swap3A_242 {strides = array<i32>} : memref<8x128xf32, #tpu.memory_space<vmem>>, vector<1x16xf32>,
    %broadcast_in_dim3A_243 = arith.constant 0.000000e+00 : f32
    %broadcast_in_dim3A_244 = vector.broadcast %broadcast_in_dim3A_243 : f32 to vector<16xf32>
    %swap3A_245 = arith.constant 3 : i32
    %swap3A_246 = arith.index_cast %swap3A_245 : i32 to index
    %swap3A_247 = arith.constant 48 : index
    %swap3A_248 = tpu.vector_load %arg8[%swap3A_246, %swap3A_247] {strides = array<i32>} : memref<8x128xf32, #tpu.memory_space<vmem>>, vector<1x16xf32>,
    %swap3A_249 = vector.shape_cast %swap3A_248 : vector<1x16xf32> to vector<16xf32>
    %swap3A_250 = vector.shape_cast %broadcast_in_dim3A_244 : vector<16xf32> to vector<1x16xf32>
    tpu.vector_store %arg8[%swap3A_246, %swap3A_247], %swap3A_250 {strides = array<i32>} : memref<8x128xf32, #tpu.memory_space<vmem>>, vector<1x16xf32>,
    %broadcast_in_dim3A_251 = arith.constant 0.000000e+00 : f32
    %broadcast_in_dim3A_252 = vector.broadcast %broadcast_in_dim3A_251 : f32 to vector<16xf32>
    %swap3A_253 = arith.constant 3 : i32
    %swap3A_254 = arith.index_cast %swap3A_253 : i32 to index
    %swap3A_255 = arith.constant 64 : index
    %swap3A_256 = tpu.vector_load %arg8[%swap3A_254, %swap3A_255] {strides = array<i32>} : memref<8x128xf32, #tpu.memory_space<vmem>>, vector<1x16xf32>,
    %swap3A_257 = vector.shape_cast %swap3A_256 : vector<1x16xf32> to vector<16xf32>
    %swap3A_258 = vector.shape_cast %broadcast_in_dim3A_252 : vector<16xf32> to vector<1x16xf32>
    tpu.vector_store %arg8[%swap3A_254, %swap3A_255], %swap3A_258 {strides = array<i32>} : memref<8x128xf32, #tpu.memory_space<vmem>>, vector<1x16xf32>,
    %broadcast_in_dim3A_259 = arith.constant 0.000000e+00 : f32
    %broadcast_in_dim3A_260 = vector.broadcast %broadcast_in_dim3A_259 : f32 to vector<16xf32>
    %swap3A_261 = arith.constant 3 : i32
    %swap3A_262 = arith.index_cast %swap3A_261 : i32 to index
    %swap3A_263 = arith.constant 80 : index
    %swap3A_264 = tpu.vector_load %arg8[%swap3A_262, %swap3A_263] {strides = array<i32>} : memref<8x128xf32, #tpu.memory_space<vmem>>, vector<1x16xf32>,
    %swap3A_265 = vector.shape_cast %swap3A_264 : vector<1x16xf32> to vector<16xf32>
    %swap3A_266 = vector.shape_cast %broadcast_in_dim3A_260 : vector<16xf32> to vector<1x16xf32>
    tpu.vector_store %arg8[%swap3A_262, %swap3A_263], %swap3A_266 {strides = array<i32>} : memref<8x128xf32, #tpu.memory_space<vmem>>, vector<1x16xf32>,
    %broadcast_in_dim3A_267 = arith.constant 0.000000e+00 : f32
    %broadcast_in_dim3A_268 = vector.broadcast %broadcast_in_dim3A_267 : f32 to vector<16xf32>
    %swap3A_269 = arith.constant 3 : i32
    %swap3A_270 = arith.index_cast %swap3A_269 : i32 to index
    %swap3A_271 = arith.constant 96 : index
    %swap3A_272 = tpu.vector_load %arg8[%swap3A_270, %swap3A_271] {strides = array<i32>} : memref<8x128xf32, #tpu.memory_space<vmem>>, vector<1x16xf32>,
    %swap3A_273 = vector.shape_cast %swap3A_272 : vector<1x16xf32> to vector<16xf32>
    %swap3A_274 = vector.shape_cast %broadcast_in_dim3A_268 : vector<16xf32> to vector<1x16xf32>
    tpu.vector_store %arg8[%swap3A_270, %swap3A_271], %swap3A_274 {strides = array<i32>} : memref<8x128xf32, #tpu.memory_space<vmem>>, vector<1x16xf32>,
    %broadcast_in_dim3A_275 = arith.constant 0.000000e+00 : f32
    %broadcast_in_dim3A_276 = vector.broadcast %broadcast_in_dim3A_275 : f32 to vector<16xf32>
    %swap3A_277 = arith.constant 3 : i32
    %swap3A_278 = arith.index_cast %swap3A_277 : i32 to index
    %swap3A_279 = arith.constant 112 : index
    %swap3A_280 = tpu.vector_load %arg8[%swap3A_278, %swap3A_279] {strides = array<i32>} : memref<8x128xf32, #tpu.memory_space<vmem>>, vector<1x16xf32>,
    %swap3A_281 = vector.shape_cast %swap3A_280 : vector<1x16xf32> to vector<16xf32>
    %swap3A_282 = vector.shape_cast %broadcast_in_dim3A_276 : vector<16xf32> to vector<1x16xf32>
    tpu.vector_store %arg8[%swap3A_278, %swap3A_279], %swap3A_282 {strides = array<i32>} : memref<8x128xf32, #tpu.memory_space<vmem>>, vector<1x16xf32>,
    %broadcast_in_dim3A_283 = arith.constant 4 : i32
    %broadcast_in_dim3A_284 = vector.broadcast %broadcast_in_dim3A_283 : i32 to vector<16xi32>
    %swap3A_285 = arith.constant 64 : index
    %swap3A_286 = tpu.vector_load %arg9[%swap3A_285] {strides = array<i32>} : memref<128xi32, #tpu.memory_space<vmem>>, vector<16xi32>,
    %swap3A_287 = vector.shape_cast %swap3A_286 : vector<16xi32> to vector<16xi32>
    %swap3A_288 = vector.shape_cast %broadcast_in_dim3A_284 : vector<16xi32> to vector<16xi32>
    tpu.vector_store %arg9[%swap3A_285], %swap3A_288 {strides = array<i32>} : memref<128xi32, #tpu.memory_space<vmem>>, vector<16xi32>,
    %broadcast_in_dim3A_289 = arith.constant 0.000000e+00 : f32
    %broadcast_in_dim3A_290 = vector.broadcast %broadcast_in_dim3A_289 : f32 to vector<16xf32>
    %swap3A_291 = arith.constant 4 : i32
    %swap3A_292 = arith.index_cast %swap3A_291 : i32 to index
    %swap3A_293 = arith.constant 0 : index
    %swap3A_294 = tpu.vector_load %arg8[%swap3A_292, %swap3A_293] {strides = array<i32>} : memref<8x128xf32, #tpu.memory_space<vmem>>, vector<1x16xf32>,
    %swap3A_295 = vector.shape_cast %swap3A_294 : vector<1x16xf32> to vector<16xf32>
    %swap3A_296 = vector.shape_cast %broadcast_in_dim3A_290 : vector<16xf32> to vector<1x16xf32>
    tpu.vector_store %arg8[%swap3A_292, %swap3A_293], %swap3A_296 {strides = array<i32>} : memref<8x128xf32, #tpu.memory_space<vmem>>, vector<1x16xf32>,
    %broadcast_in_dim3A_297 = arith.constant 0.000000e+00 : f32
    %broadcast_in_dim3A_298 = vector.broadcast %broadcast_in_dim3A_297 : f32 to vector<16xf32>
    %swap3A_299 = arith.constant 4 : i32
    %swap3A_300 = arith.index_cast %swap3A_299 : i32 to index
    %swap3A_301 = arith.constant 16 : index
    %swap3A_302 = tpu.vector_load %arg8[%swap3A_300, %swap3A_301] {strides = array<i32>} : memref<8x128xf32, #tpu.memory_space<vmem>>, vector<1x16xf32>,
    %swap3A_303 = vector.shape_cast %swap3A_302 : vector<1x16xf32> to vector<16xf32>
    %swap3A_304 = vector.shape_cast %broadcast_in_dim3A_298 : vector<16xf32> to vector<1x16xf32>
    tpu.vector_store %arg8[%swap3A_300, %swap3A_301], %swap3A_304 {strides = array<i32>} : memref<8x128xf32, #tpu.memory_space<vmem>>, vector<1x16xf32>,
    %broadcast_in_dim3A_305 = arith.constant 0.000000e+00 : f32
    %broadcast_in_dim3A_306 = vector.broadcast %broadcast_in_dim3A_305 : f32 to vector<16xf32>
    %swap3A_307 = arith.constant 4 : i32
    %swap3A_308 = arith.index_cast %swap3A_307 : i32 to index
    %swap3A_309 = arith.constant 32 : index
    %swap3A_310 = tpu.vector_load %arg8[%swap3A_308, %swap3A_309] {strides = array<i32>} : memref<8x128xf32, #tpu.memory_space<vmem>>, vector<1x16xf32>,
    %swap3A_311 = vector.shape_cast %swap3A_310 : vector<1x16xf32> to vector<16xf32>
    %swap3A_312 = vector.shape_cast %broadcast_in_dim3A_306 : vector<16xf32> to vector<1x16xf32>
    tpu.vector_store %arg8[%swap3A_308, %swap3A_309], %swap3A_312 {strides = array<i32>} : memref<8x128xf32, #tpu.memory_space<vmem>>, vector<1x16xf32>,
    %broadcast_in_dim3A_313 = arith.constant 0.000000e+00 : f32
    %broadcast_in_dim3A_314 = vector.broadcast %broadcast_in_dim3A_313 : f32 to vector<16xf32>
    %swap3A_315 = arith.constant 4 : i32
    %swap3A_316 = arith.index_cast %swap3A_315 : i32 to index
    %swap3A_317 = arith.constant 48 : index
    %swap3A_318 = tpu.vector_load %arg8[%swap3A_316, %swap3A_317] {strides = array<i32>} : memref<8x128xf32, #tpu.memory_space<vmem>>, vector<1x16xf32>,
    %swap3A_319 = vector.shape_cast %swap3A_318 : vector<1x16xf32> to vector<16xf32>
    %swap3A_320 = vector.shape_cast %broadcast_in_dim3A_314 : vector<16xf32> to vector<1x16xf32>
    tpu.vector_store %arg8[%swap3A_316, %swap3A_317], %swap3A_320 {strides = array<i32>} : memref<8x128xf32, #tpu.memory_space<vmem>>, vector<1x16xf32>,
    %broadcast_in_dim3A_321 = arith.constant 0.000000e+00 : f32
    %broadcast_in_dim3A_322 = vector.broadcast %broadcast_in_dim3A_321 : f32 to vector<16xf32>
    %swap3A_323 = arith.constant 4 : i32
    %swap3A_324 = arith.index_cast %swap3A_323 : i32 to index
    %swap3A_325 = arith.constant 64 : index
    %swap3A_326 = tpu.vector_load %arg8[%swap3A_324, %swap3A_325] {strides = array<i32>} : memref<8x128xf32, #tpu.memory_space<vmem>>, vector<1x16xf32>,
    %swap3A_327 = vector.shape_cast %swap3A_326 : vector<1x16xf32> to vector<16xf32>
    %swap3A_328 = vector.shape_cast %broadcast_in_dim3A_322 : vector<16xf32> to vector<1x16xf32>
    tpu.vector_store %arg8[%swap3A_324, %swap3A_325], %swap3A_328 {strides = array<i32>} : memref<8x128xf32, #tpu.memory_space<vmem>>, vector<1x16xf32>,
    %broadcast_in_dim3A_329 = arith.constant 0.000000e+00 : f32
    %broadcast_in_dim3A_330 = vector.broadcast %broadcast_in_dim3A_329 : f32 to vector<16xf32>
    %swap3A_331 = arith.constant 4 : i32
    %swap3A_332 = arith.index_cast %swap3A_331 : i32 to index
    %swap3A_333 = arith.constant 80 : index
    %swap3A_334 = tpu.vector_load %arg8[%swap3A_332, %swap3A_333] {strides = array<i32>} : memref<8x128xf32, #tpu.memory_space<vmem>>, vector<1x16xf32>,
    %swap3A_335 = vector.shape_cast %swap3A_334 : vector<1x16xf32> to vector<16xf32>
    %swap3A_336 = vector.shape_cast %broadcast_in_dim3A_330 : vector<16xf32> to vector<1x16xf32>
    tpu.vector_store %arg8[%swap3A_332, %swap3A_333], %swap3A_336 {strides = array<i32>} : memref<8x128xf32, #tpu.memory_space<vmem>>, vector<1x16xf32>,
    %broadcast_in_dim3A_337 = arith.constant 0.000000e+00 : f32
    %broadcast_in_dim3A_338 = vector.broadcast %broadcast_in_dim3A_337 : f32 to vector<16xf32>
    %swap3A_339 = arith.constant 4 : i32
    %swap3A_340 = arith.index_cast %swap3A_339 : i32 to index
    %swap3A_341 = arith.constant 96 : index
    %swap3A_342 = tpu.vector_load %arg8[%swap3A_340, %swap3A_341] {strides = array<i32>} : memref<8x128xf32, #tpu.memory_space<vmem>>, vector<1x16xf32>,
    %swap3A_343 = vector.shape_cast %swap3A_342 : vector<1x16xf32> to vector<16xf32>
    %swap3A_344 = vector.shape_cast %broadcast_in_dim3A_338 : vector<16xf32> to vector<1x16xf32>
    tpu.vector_store %arg8[%swap3A_340, %swap3A_341], %swap3A_344 {strides = array<i32>} : memref<8x128xf32, #tpu.memory_space<vmem>>, vector<1x16xf32>,
    %broadcast_in_dim3A_345 = arith.constant 0.000000e+00 : f32
    %broadcast_in_dim3A_346 = vector.broadcast %broadcast_in_dim3A_345 : f32 to vector<16xf32>
    %swap3A_347 = arith.constant 4 : i32
    %swap3A_348 = arith.index_cast %swap3A_347 : i32 to index
    %swap3A_349 = arith.constant 112 : index
    %swap3A_350 = tpu.vector_load %arg8[%swap3A_348, %swap3A_349] {strides = array<i32>} : memref<8x128xf32, #tpu.memory_space<vmem>>, vector<1x16xf32>,
    %swap3A_351 = vector.shape_cast %swap3A_350 : vector<1x16xf32> to vector<16xf32>
    %swap3A_352 = vector.shape_cast %broadcast_in_dim3A_346 : vector<16xf32> to vector<1x16xf32>
    tpu.vector_store %arg8[%swap3A_348, %swap3A_349], %swap3A_352 {strides = array<i32>} : memref<8x128xf32, #tpu.memory_space<vmem>>, vector<1x16xf32>,
    %broadcast_in_dim3A_353 = arith.constant 5 : i32
    %broadcast_in_dim3A_354 = vector.broadcast %broadcast_in_dim3A_353 : i32 to vector<16xi32>
    %swap3A_355 = arith.constant 80 : index
    %swap3A_356 = tpu.vector_load %arg9[%swap3A_355] {strides = array<i32>} : memref<128xi32, #tpu.memory_space<vmem>>, vector<16xi32>,
    %swap3A_357 = vector.shape_cast %swap3A_356 : vector<16xi32> to vector<16xi32>
    %swap3A_358 = vector.shape_cast %broadcast_in_dim3A_354 : vector<16xi32> to vector<16xi32>
    tpu.vector_store %arg9[%swap3A_355], %swap3A_358 {strides = array<i32>} : memref<128xi32, #tpu.memory_space<vmem>>, vector<16xi32>,
    %broadcast_in_dim3A_359 = arith.constant 0.000000e+00 : f32
    %broadcast_in_dim3A_360 = vector.broadcast %broadcast_in_dim3A_359 : f32 to vector<16xf32>
    %swap3A_361 = arith.constant 5 : i32
    %swap3A_362 = arith.index_cast %swap3A_361 : i32 to index
    %swap3A_363 = arith.constant 0 : index
    %swap3A_364 = tpu.vector_load %arg8[%swap3A_362, %swap3A_363] {strides = array<i32>} : memref<8x128xf32, #tpu.memory_space<vmem>>, vector<1x16xf32>,
    %swap3A_365 = vector.shape_cast %swap3A_364 : vector<1x16xf32> to vector<16xf32>
    %swap3A_366 = vector.shape_cast %broadcast_in_dim3A_360 : vector<16xf32> to vector<1x16xf32>
    tpu.vector_store %arg8[%swap3A_362, %swap3A_363], %swap3A_366 {strides = array<i32>} : memref<8x128xf32, #tpu.memory_space<vmem>>, vector<1x16xf32>,
    %broadcast_in_dim3A_367 = arith.constant 0.000000e+00 : f32
    %broadcast_in_dim3A_368 = vector.broadcast %broadcast_in_dim3A_367 : f32 to vector<16xf32>
    %swap3A_369 = arith.constant 5 : i32
    %swap3A_370 = arith.index_cast %swap3A_369 : i32 to index
    %swap3A_371 = arith.constant 16 : index
    %swap3A_372 = tpu.vector_load %arg8[%swap3A_370, %swap3A_371] {strides = array<i32>} : memref<8x128xf32, #tpu.memory_space<vmem>>, vector<1x16xf32>,
    %swap3A_373 = vector.shape_cast %swap3A_372 : vector<1x16xf32> to vector<16xf32>
    %swap3A_374 = vector.shape_cast %broadcast_in_dim3A_368 : vector<16xf32> to vector<1x16xf32>
    tpu.vector_store %arg8[%swap3A_370, %swap3A_371], %swap3A_374 {strides = array<i32>} : memref<8x128xf32, #tpu.memory_space<vmem>>, vector<1x16xf32>,
    %broadcast_in_dim3A_375 = arith.constant 0.000000e+00 : f32
    %broadcast_in_dim3A_376 = vector.broadcast %broadcast_in_dim3A_375 : f32 to vector<16xf32>
    %swap3A_377 = arith.constant 5 : i32
    %swap3A_378 = arith.index_cast %swap3A_377 : i32 to index
    %swap3A_379 = arith.constant 32 : index
    %swap3A_380 = tpu.vector_load %arg8[%swap3A_378, %swap3A_379] {strides = array<i32>} : memref<8x128xf32, #tpu.memory_space<vmem>>, vector<1x16xf32>,
    %swap3A_381 = vector.shape_cast %swap3A_380 : vector<1x16xf32> to vector<16xf32>
    %swap3A_382 = vector.shape_cast %broadcast_in_dim3A_376 : vector<16xf32> to vector<1x16xf32>
    tpu.vector_store %arg8[%swap3A_378, %swap3A_379], %swap3A_382 {strides = array<i32>} : memref<8x128xf32, #tpu.memory_space<vmem>>, vector<1x16xf32>,
    %broadcast_in_dim3A_383 = arith.constant 0.000000e+00 : f32
    %broadcast_in_dim3A_384 = vector.broadcast %broadcast_in_dim3A_383 : f32 to vector<16xf32>
    %swap3A_385 = arith.constant 5 : i32
    %swap3A_386 = arith.index_cast %swap3A_385 : i32 to index
    %swap3A_387 = arith.constant 48 : index
    %swap3A_388 = tpu.vector_load %arg8[%swap3A_386, %swap3A_387] {strides = array<i32>} : memref<8x128xf32, #tpu.memory_space<vmem>>, vector<1x16xf32>,
    %swap3A_389 = vector.shape_cast %swap3A_388 : vector<1x16xf32> to vector<16xf32>
    %swap3A_390 = vector.shape_cast %broadcast_in_dim3A_384 : vector<16xf32> to vector<1x16xf32>
    tpu.vector_store %arg8[%swap3A_386, %swap3A_387], %swap3A_390 {strides = array<i32>} : memref<8x128xf32, #tpu.memory_space<vmem>>, vector<1x16xf32>,
    %broadcast_in_dim3A_391 = arith.constant 0.000000e+00 : f32
    %broadcast_in_dim3A_392 = vector.broadcast %broadcast_in_dim3A_391 : f32 to vector<16xf32>
    %swap3A_393 = arith.constant 5 : i32
    %swap3A_394 = arith.index_cast %swap3A_393 : i32 to index
    %swap3A_395 = arith.constant 64 : index
    %swap3A_396 = tpu.vector_load %arg8[%swap3A_394, %swap3A_395] {strides = array<i32>} : memref<8x128xf32, #tpu.memory_space<vmem>>, vector<1x16xf32>,
    %swap3A_397 = vector.shape_cast %swap3A_396 : vector<1x16xf32> to vector<16xf32>
    %swap3A_398 = vector.shape_cast %broadcast_in_dim3A_392 : vector<16xf32> to vector<1x16xf32>
    tpu.vector_store %arg8[%swap3A_394, %swap3A_395], %swap3A_398 {strides = array<i32>} : memref<8x128xf32, #tpu.memory_space<vmem>>, vector<1x16xf32>,
    %broadcast_in_dim3A_399 = arith.constant 0.000000e+00 : f32
    %broadcast_in_dim3A_400 = vector.broadcast %broadcast_in_dim3A_399 : f32 to vector<16xf32>
    %swap3A_401 = arith.constant 5 : i32
    %swap3A_402 = arith.index_cast %swap3A_401 : i32 to index
    %swap3A_403 = arith.constant 80 : index
    %swap3A_404 = tpu.vector_load %arg8[%swap3A_402, %swap3A_403] {strides = array<i32>} : memref<8x128xf32, #tpu.memory_space<vmem>>, vector<1x16xf32>,
    %swap3A_405 = vector.shape_cast %swap3A_404 : vector<1x16xf32> to vector<16xf32>
    %swap3A_406 = vector.shape_cast %broadcast_in_dim3A_400 : vector<16xf32> to vector<1x16xf32>
    tpu.vector_store %arg8[%swap3A_402, %swap3A_403], %swap3A_406 {strides = array<i32>} : memref<8x128xf32, #tpu.memory_space<vmem>>, vector<1x16xf32>,
    %broadcast_in_dim3A_407 = arith.constant 0.000000e+00 : f32
    %broadcast_in_dim3A_408 = vector.broadcast %broadcast_in_dim3A_407 : f32 to vector<16xf32>
    %swap3A_409 = arith.constant 5 : i32
    %swap3A_410 = arith.index_cast %swap3A_409 : i32 to index
    %swap3A_411 = arith.constant 96 : index
    %swap3A_412 = tpu.vector_load %arg8[%swap3A_410, %swap3A_411] {strides = array<i32>} : memref<8x128xf32, #tpu.memory_space<vmem>>, vector<1x16xf32>,
    %swap3A_413 = vector.shape_cast %swap3A_412 : vector<1x16xf32> to vector<16xf32>
    %swap3A_414 = vector.shape_cast %broadcast_in_dim3A_408 : vector<16xf32> to vector<1x16xf32>
    tpu.vector_store %arg8[%swap3A_410, %swap3A_411], %swap3A_414 {strides = array<i32>} : memref<8x128xf32, #tpu.memory_space<vmem>>, vector<1x16xf32>,
    %broadcast_in_dim3A_415 = arith.constant 0.000000e+00 : f32
    %broadcast_in_dim3A_416 = vector.broadcast %broadcast_in_dim3A_415 : f32 to vector<16xf32>
    %swap3A_417 = arith.constant 5 : i32
    %swap3A_418 = arith.index_cast %swap3A_417 : i32 to index
    %swap3A_419 = arith.constant 112 : index
    %swap3A_420 = tpu.vector_load %arg8[%swap3A_418, %swap3A_419] {strides = array<i32>} : memref<8x128xf32, #tpu.memory_space<vmem>>, vector<1x16xf32>,
    %swap3A_421 = vector.shape_cast %swap3A_420 : vector<1x16xf32> to vector<16xf32>
    %swap3A_422 = vector.shape_cast %broadcast_in_dim3A_416 : vector<16xf32> to vector<1x16xf32>
    tpu.vector_store %arg8[%swap3A_418, %swap3A_419], %swap3A_422 {strides = array<i32>} : memref<8x128xf32, #tpu.memory_space<vmem>>, vector<1x16xf32>,
    %broadcast_in_dim3A_423 = arith.constant 6 : i32
    %broadcast_in_dim3A_424 = vector.broadcast %broadcast_in_dim3A_423 : i32 to vector<16xi32>
    %swap3A_425 = arith.constant 96 : index
    %swap3A_426 = tpu.vector_load %arg9[%swap3A_425] {strides = array<i32>} : memref<128xi32, #tpu.memory_space<vmem>>, vector<16xi32>,
    %swap3A_427 = vector.shape_cast %swap3A_426 : vector<16xi32> to vector<16xi32>
    %swap3A_428 = vector.shape_cast %broadcast_in_dim3A_424 : vector<16xi32> to vector<16xi32>
    tpu.vector_store %arg9[%swap3A_425], %swap3A_428 {strides = array<i32>} : memref<128xi32, #tpu.memory_space<vmem>>, vector<16xi32>,
    %broadcast_in_dim3A_429 = arith.constant 0.000000e+00 : f32
    %broadcast_in_dim3A_430 = vector.broadcast %broadcast_in_dim3A_429 : f32 to vector<16xf32>
    %swap3A_431 = arith.constant 6 : i32
    %swap3A_432 = arith.index_cast %swap3A_431 : i32 to index
    %swap3A_433 = arith.constant 0 : index
    %swap3A_434 = tpu.vector_load %arg8[%swap3A_432, %swap3A_433] {strides = array<i32>} : memref<8x128xf32, #tpu.memory_space<vmem>>, vector<1x16xf32>,
    %swap3A_435 = vector.shape_cast %swap3A_434 : vector<1x16xf32> to vector<16xf32>
    %swap3A_436 = vector.shape_cast %broadcast_in_dim3A_430 : vector<16xf32> to vector<1x16xf32>
    tpu.vector_store %arg8[%swap3A_432, %swap3A_433], %swap3A_436 {strides = array<i32>} : memref<8x128xf32, #tpu.memory_space<vmem>>, vector<1x16xf32>,
    %broadcast_in_dim3A_437 = arith.constant 0.000000e+00 : f32
    %broadcast_in_dim3A_438 = vector.broadcast %broadcast_in_dim3A_437 : f32 to vector<16xf32>
    %swap3A_439 = arith.constant 6 : i32
    %swap3A_440 = arith.index_cast %swap3A_439 : i32 to index
    %swap3A_441 = arith.constant 16 : index
    %swap3A_442 = tpu.vector_load %arg8[%swap3A_440, %swap3A_441] {strides = array<i32>} : memref<8x128xf32, #tpu.memory_space<vmem>>, vector<1x16xf32>,
    %swap3A_443 = vector.shape_cast %swap3A_442 : vector<1x16xf32> to vector<16xf32>
    %swap3A_444 = vector.shape_cast %broadcast_in_dim3A_438 : vector<16xf32> to vector<1x16xf32>
    tpu.vector_store %arg8[%swap3A_440, %swap3A_441], %swap3A_444 {strides = array<i32>} : memref<8x128xf32, #tpu.memory_space<vmem>>, vector<1x16xf32>,
    %broadcast_in_dim3A_445 = arith.constant 0.000000e+00 : f32
    %broadcast_in_dim3A_446 = vector.broadcast %broadcast_in_dim3A_445 : f32 to vector<16xf32>
    %swap3A_447 = arith.constant 6 : i32
    %swap3A_448 = arith.index_cast %swap3A_447 : i32 to index
    %swap3A_449 = arith.constant 32 : index
    %swap3A_450 = tpu.vector_load %arg8[%swap3A_448, %swap3A_449] {strides = array<i32>} : memref<8x128xf32, #tpu.memory_space<vmem>>, vector<1x16xf32>,
    %swap3A_451 = vector.shape_cast %swap3A_450 : vector<1x16xf32> to vector<16xf32>
    %swap3A_452 = vector.shape_cast %broadcast_in_dim3A_446 : vector<16xf32> to vector<1x16xf32>
    tpu.vector_store %arg8[%swap3A_448, %swap3A_449], %swap3A_452 {strides = array<i32>} : memref<8x128xf32, #tpu.memory_space<vmem>>, vector<1x16xf32>,
    %broadcast_in_dim3A_453 = arith.constant 0.000000e+00 : f32
    %broadcast_in_dim3A_454 = vector.broadcast %broadcast_in_dim3A_453 : f32 to vector<16xf32>
    %swap3A_455 = arith.constant 6 : i32
    %swap3A_456 = arith.index_cast %swap3A_455 : i32 to index
    %swap3A_457 = arith.constant 48 : index
    %swap3A_458 = tpu.vector_load %arg8[%swap3A_456, %swap3A_457] {strides = array<i32>} : memref<8x128xf32, #tpu.memory_space<vmem>>, vector<1x16xf32>,
    %swap3A_459 = vector.shape_cast %swap3A_458 : vector<1x16xf32> to vector<16xf32>
    %swap3A_460 = vector.shape_cast %broadcast_in_dim3A_454 : vector<16xf32> to vector<1x16xf32>
    tpu.vector_store %arg8[%swap3A_456, %swap3A_457], %swap3A_460 {strides = array<i32>} : memref<8x128xf32, #tpu.memory_space<vmem>>, vector<1x16xf32>,
    %broadcast_in_dim3A_461 = arith.constant 0.000000e+00 : f32
    %broadcast_in_dim3A_462 = vector.broadcast %broadcast_in_dim3A_461 : f32 to vector<16xf32>
    %swap3A_463 = arith.constant 6 : i32
    %swap3A_464 = arith.index_cast %swap3A_463 : i32 to index
    %swap3A_465 = arith.constant 64 : index
    %swap3A_466 = tpu.vector_load %arg8[%swap3A_464, %swap3A_465] {strides = array<i32>} : memref<8x128xf32, #tpu.memory_space<vmem>>, vector<1x16xf32>,
    %swap3A_467 = vector.shape_cast %swap3A_466 : vector<1x16xf32> to vector<16xf32>
    %swap3A_468 = vector.shape_cast %broadcast_in_dim3A_462 : vector<16xf32> to vector<1x16xf32>
    tpu.vector_store %arg8[%swap3A_464, %swap3A_465], %swap3A_468 {strides = array<i32>} : memref<8x128xf32, #tpu.memory_space<vmem>>, vector<1x16xf32>,
    %broadcast_in_dim3A_469 = arith.constant 0.000000e+00 : f32
    %broadcast_in_dim3A_470 = vector.broadcast %broadcast_in_dim3A_469 : f32 to vector<16xf32>
    %swap3A_471 = arith.constant 6 : i32
    %swap3A_472 = arith.index_cast %swap3A_471 : i32 to index
    %swap3A_473 = arith.constant 80 : index
    %swap3A_474 = tpu.vector_load %arg8[%swap3A_472, %swap3A_473] {strides = array<i32>} : memref<8x128xf32, #tpu.memory_space<vmem>>, vector<1x16xf32>,
    %swap3A_475 = vector.shape_cast %swap3A_474 : vector<1x16xf32> to vector<16xf32>
    %swap3A_476 = vector.shape_cast %broadcast_in_dim3A_470 : vector<16xf32> to vector<1x16xf32>
    tpu.vector_store %arg8[%swap3A_472, %swap3A_473], %swap3A_476 {strides = array<i32>} : memref<8x128xf32, #tpu.memory_space<vmem>>, vector<1x16xf32>,
    %broadcast_in_dim3A_477 = arith.constant 0.000000e+00 : f32
    %broadcast_in_dim3A_478 = vector.broadcast %broadcast_in_dim3A_477 : f32 to vector<16xf32>
    %swap3A_479 = arith.constant 6 : i32
    %swap3A_480 = arith.index_cast %swap3A_479 : i32 to index
    %swap3A_481 = arith.constant 96 : index
    %swap3A_482 = tpu.vector_load %arg8[%swap3A_480, %swap3A_481] {strides = array<i32>} : memref<8x128xf32, #tpu.memory_space<vmem>>, vector<1x16xf32>,
    %swap3A_483 = vector.shape_cast %swap3A_482 : vector<1x16xf32> to vector<16xf32>
    %swap3A_484 = vector.shape_cast %broadcast_in_dim3A_478 : vector<16xf32> to vector<1x16xf32>
    tpu.vector_store %arg8[%swap3A_480, %swap3A_481], %swap3A_484 {strides = array<i32>} : memref<8x128xf32, #tpu.memory_space<vmem>>, vector<1x16xf32>,
    %broadcast_in_dim3A_485 = arith.constant 0.000000e+00 : f32
    %broadcast_in_dim3A_486 = vector.broadcast %broadcast_in_dim3A_485 : f32 to vector<16xf32>
    %swap3A_487 = arith.constant 6 : i32
    %swap3A_488 = arith.index_cast %swap3A_487 : i32 to index
    %swap3A_489 = arith.constant 112 : index
    %swap3A_490 = tpu.vector_load %arg8[%swap3A_488, %swap3A_489] {strides = array<i32>} : memref<8x128xf32, #tpu.memory_space<vmem>>, vector<1x16xf32>,
    %swap3A_491 = vector.shape_cast %swap3A_490 : vector<1x16xf32> to vector<16xf32>
    %swap3A_492 = vector.shape_cast %broadcast_in_dim3A_486 : vector<16xf32> to vector<1x16xf32>
    tpu.vector_store %arg8[%swap3A_488, %swap3A_489], %swap3A_492 {strides = array<i32>} : memref<8x128xf32, #tpu.memory_space<vmem>>, vector<1x16xf32>,
    %broadcast_in_dim3A_493 = arith.constant 7 : i32
    %broadcast_in_dim3A_494 = vector.broadcast %broadcast_in_dim3A_493 : i32 to vector<16xi32>
    %swap3A_495 = arith.constant 112 : index
    %swap3A_496 = tpu.vector_load %arg9[%swap3A_495] {strides = array<i32>} : memref<128xi32, #tpu.memory_space<vmem>>, vector<16xi32>,
    %swap3A_497 = vector.shape_cast %swap3A_496 : vector<16xi32> to vector<16xi32>
    %swap3A_498 = vector.shape_cast %broadcast_in_dim3A_494 : vector<16xi32> to vector<16xi32>
    tpu.vector_store %arg9[%swap3A_495], %swap3A_498 {strides = array<i32>} : memref<128xi32, #tpu.memory_space<vmem>>, vector<16xi32>,
    %broadcast_in_dim3A_499 = arith.constant 0.000000e+00 : f32
    %broadcast_in_dim3A_500 = vector.broadcast %broadcast_in_dim3A_499 : f32 to vector<16xf32>
    %swap3A_501 = arith.constant 7 : i32
    %swap3A_502 = arith.index_cast %swap3A_501 : i32 to index
    %swap3A_503 = arith.constant 0 : index
    %swap3A_504 = tpu.vector_load %arg8[%swap3A_502, %swap3A_503] {strides = array<i32>} : memref<8x128xf32, #tpu.memory_space<vmem>>, vector<1x16xf32>,
    %swap3A_505 = vector.shape_cast %swap3A_504 : vector<1x16xf32> to vector<16xf32>
    %swap3A_506 = vector.shape_cast %broadcast_in_dim3A_500 : vector<16xf32> to vector<1x16xf32>
    tpu.vector_store %arg8[%swap3A_502, %swap3A_503], %swap3A_506 {strides = array<i32>} : memref<8x128xf32, #tpu.memory_space<vmem>>, vector<1x16xf32>,
    %broadcast_in_dim3A_507 = arith.constant 0.000000e+00 : f32
    %broadcast_in_dim3A_508 = vector.broadcast %broadcast_in_dim3A_507 : f32 to vector<16xf32>
    %swap3A_509 = arith.constant 7 : i32
    %swap3A_510 = arith.index_cast %swap3A_509 : i32 to index
    %swap3A_511 = arith.constant 16 : index
    %swap3A_512 = tpu.vector_load %arg8[%swap3A_510, %swap3A_511] {strides = array<i32>} : memref<8x128xf32, #tpu.memory_space<vmem>>, vector<1x16xf32>,
    %swap3A_513 = vector.shape_cast %swap3A_512 : vector<1x16xf32> to vector<16xf32>
    %swap3A_514 = vector.shape_cast %broadcast_in_dim3A_508 : vector<16xf32> to vector<1x16xf32>
    tpu.vector_store %arg8[%swap3A_510, %swap3A_511], %swap3A_514 {strides = array<i32>} : memref<8x128xf32, #tpu.memory_space<vmem>>, vector<1x16xf32>,
    %broadcast_in_dim3A_515 = arith.constant 0.000000e+00 : f32
    %broadcast_in_dim3A_516 = vector.broadcast %broadcast_in_dim3A_515 : f32 to vector<16xf32>
    %swap3A_517 = arith.constant 7 : i32
    %swap3A_518 = arith.index_cast %swap3A_517 : i32 to index
    %swap3A_519 = arith.constant 32 : index
    %swap3A_520 = tpu.vector_load %arg8[%swap3A_518, %swap3A_519] {strides = array<i32>} : memref<8x128xf32, #tpu.memory_space<vmem>>, vector<1x16xf32>,
    %swap3A_521 = vector.shape_cast %swap3A_520 : vector<1x16xf32> to vector<16xf32>
    %swap3A_522 = vector.shape_cast %broadcast_in_dim3A_516 : vector<16xf32> to vector<1x16xf32>
    tpu.vector_store %arg8[%swap3A_518, %swap3A_519], %swap3A_522 {strides = array<i32>} : memref<8x128xf32, #tpu.memory_space<vmem>>, vector<1x16xf32>,
    %broadcast_in_dim3A_523 = arith.constant 0.000000e+00 : f32
    %broadcast_in_dim3A_524 = vector.broadcast %broadcast_in_dim3A_523 : f32 to vector<16xf32>
    %swap3A_525 = arith.constant 7 : i32
    %swap3A_526 = arith.index_cast %swap3A_525 : i32 to index
    %swap3A_527 = arith.constant 48 : index
    %swap3A_528 = tpu.vector_load %arg8[%swap3A_526, %swap3A_527] {strides = array<i32>} : memref<8x128xf32, #tpu.memory_space<vmem>>, vector<1x16xf32>,
    %swap3A_529 = vector.shape_cast %swap3A_528 : vector<1x16xf32> to vector<16xf32>
    %swap3A_530 = vector.shape_cast %broadcast_in_dim3A_524 : vector<16xf32> to vector<1x16xf32>
    tpu.vector_store %arg8[%swap3A_526, %swap3A_527], %swap3A_530 {strides = array<i32>} : memref<8x128xf32, #tpu.memory_space<vmem>>, vector<1x16xf32>,
    %broadcast_in_dim3A_531 = arith.constant 0.000000e+00 : f32
    %broadcast_in_dim3A_532 = vector.broadcast %broadcast_in_dim3A_531 : f32 to vector<16xf32>
    %swap3A_533 = arith.constant 7 : i32
    %swap3A_534 = arith.index_cast %swap3A_533 : i32 to index
    %swap3A_535 = arith.constant 64 : index
    %swap3A_536 = tpu.vector_load %arg8[%swap3A_534, %swap3A_535] {strides = array<i32>} : memref<8x128xf32, #tpu.memory_space<vmem>>, vector<1x16xf32>,
    %swap3A_537 = vector.shape_cast %swap3A_536 : vector<1x16xf32> to vector<16xf32>
    %swap3A_538 = vector.shape_cast %broadcast_in_dim3A_532 : vector<16xf32> to vector<1x16xf32>
    tpu.vector_store %arg8[%swap3A_534, %swap3A_535], %swap3A_538 {strides = array<i32>} : memref<8x128xf32, #tpu.memory_space<vmem>>, vector<1x16xf32>,
    %broadcast_in_dim3A_539 = arith.constant 0.000000e+00 : f32
    %broadcast_in_dim3A_540 = vector.broadcast %broadcast_in_dim3A_539 : f32 to vector<16xf32>
    %swap3A_541 = arith.constant 7 : i32
    %swap3A_542 = arith.index_cast %swap3A_541 : i32 to index
    %swap3A_543 = arith.constant 80 : index
    %swap3A_544 = tpu.vector_load %arg8[%swap3A_542, %swap3A_543] {strides = array<i32>} : memref<8x128xf32, #tpu.memory_space<vmem>>, vector<1x16xf32>,
    %swap3A_545 = vector.shape_cast %swap3A_544 : vector<1x16xf32> to vector<16xf32>
    %swap3A_546 = vector.shape_cast %broadcast_in_dim3A_540 : vector<16xf32> to vector<1x16xf32>
    tpu.vector_store %arg8[%swap3A_542, %swap3A_543], %swap3A_546 {strides = array<i32>} : memref<8x128xf32, #tpu.memory_space<vmem>>, vector<1x16xf32>,
    %broadcast_in_dim3A_547 = arith.constant 0.000000e+00 : f32
    %broadcast_in_dim3A_548 = vector.broadcast %broadcast_in_dim3A_547 : f32 to vector<16xf32>
    %swap3A_549 = arith.constant 7 : i32
    %swap3A_550 = arith.index_cast %swap3A_549 : i32 to index
    %swap3A_551 = arith.constant 96 : index
    %swap3A_552 = tpu.vector_load %arg8[%swap3A_550, %swap3A_551] {strides = array<i32>} : memref<8x128xf32, #tpu.memory_space<vmem>>, vector<1x16xf32>,
    %swap3A_553 = vector.shape_cast %swap3A_552 : vector<1x16xf32> to vector<16xf32>
    %swap3A_554 = vector.shape_cast %broadcast_in_dim3A_548 : vector<16xf32> to vector<1x16xf32>
    tpu.vector_store %arg8[%swap3A_550, %swap3A_551], %swap3A_554 {strides = array<i32>} : memref<8x128xf32, #tpu.memory_space<vmem>>, vector<1x16xf32>,
    %broadcast_in_dim3A_555 = arith.constant 0.000000e+00 : f32
    %broadcast_in_dim3A_556 = vector.broadcast %broadcast_in_dim3A_555 : f32 to vector<16xf32>
    %swap3A_557 = arith.constant 7 : i32
    %swap3A_558 = arith.index_cast %swap3A_557 : i32 to index
    %swap3A_559 = arith.constant 112 : index
    %swap3A_560 = tpu.vector_load %arg8[%swap3A_558, %swap3A_559] {strides = array<i32>} : memref<8x128xf32, #tpu.memory_space<vmem>>, vector<1x16xf32>,
    %swap3A_561 = vector.shape_cast %swap3A_560 : vector<1x16xf32> to vector<16xf32>
    %swap3A_562 = vector.shape_cast %broadcast_in_dim3A_556 : vector<16xf32> to vector<1x16xf32>
    tpu.vector_store %arg8[%swap3A_558, %swap3A_559], %swap3A_562 {strides = array<i32>} : memref<8x128xf32, #tpu.memory_space<vmem>>, vector<1x16xf32>,
    %add3A_563 = arith.constant 0 : i32
    %add3A_564 = arith.addi %mul3A_2, %add3A_563 : i32
    %run_scoped3A = arith.constant 0 : i32
    "tpu.region"() ({
      %run_scoped3A_652 = tpu.sem_alloc : memref<!tpu.dma_semaphore, #tpu.memory_space<semaphore_mem>>
      %dma_start3A_653 = arith.constant 0 : i32
      %dma_start3A_654 = tpu.memref_slice %arg5[%run_scoped3A, %dma_start3A_653] : memref<4x128xi32, #tpu.memory_space<vmem>> -> memref<1x128xi32, #tpu.memory_space<vmem>>
      %dma_start3A_655 = tpu.memref_squeeze %dma_start3A_654 : memref<1x128xi32, #tpu.memory_space<vmem>> -> memref<128xi32, #tpu.memory_space<vmem>>
      %dma_start3A_656 = tpu.memref_slice %arg3[%add3A_564] : memref<131072xi32, #tpu.memory_space<hbm>> -> memref<128xi32, #tpu.memory_space<hbm>>
      %dma_start3A_657 = arith.constant 0 : i32
      %dma_start3A_658 = tpu.memref_slice %arg5[%run_scoped3A, %dma_start3A_657] : memref<4x128xi32, #tpu.memory_space<vmem>> -> memref<1x128xi32, #tpu.memory_space<vmem>>
      %dma_start3A_659 = tpu.memref_squeeze %dma_start3A_658 : memref<1x128xi32, #tpu.memory_space<vmem>> -> memref<128xi32, #tpu.memory_space<vmem>>
      %dma_start3A_660 = tpu.memref_slice %arg3[%add3A_564] : memref<131072xi32, #tpu.memory_space<hbm>> -> memref<128xi32, #tpu.memory_space<hbm>>
      tpu.enqueue_dma source(%dma_start3A_660 : memref<128xi32, #tpu.memory_space<hbm>>) target(%dma_start3A_659 : memref<128xi32, #tpu.memory_space<vmem>>) target_semaphore(%run_scoped3A_652 : memref<!tpu.dma_semaphore, #tpu.memory_space<semaphore_mem>>)
      %dma_wait3A_661 = arith.constant 0 : i32
      %dma_wait3A_662 = tpu.memref_slice %arg5[%run_scoped3A, %dma_wait3A_661] : memref<4x128xi32, #tpu.memory_space<vmem>> -> memref<1x128xi32, #tpu.memory_space<vmem>>
      %dma_wait3A_663 = tpu.memref_squeeze %dma_wait3A_662 : memref<1x128xi32, #tpu.memory_space<vmem>> -> memref<128xi32, #tpu.memory_space<vmem>>
      %dma_wait3A_664 = tpu.memref_slice %arg3[%add3A_564] : memref<131072xi32, #tpu.memory_space<hbm>> -> memref<128xi32, #tpu.memory_space<hbm>>
      %dma_wait3A_665 = arith.constant 0 : i32
      %dma_wait3A_666 = tpu.memref_slice %arg5[%run_scoped3A, %dma_wait3A_665] : memref<4x128xi32, #tpu.memory_space<vmem>> -> memref<1x128xi32, #tpu.memory_space<vmem>>
      %dma_wait3A_667 = tpu.memref_squeeze %dma_wait3A_666 : memref<1x128xi32, #tpu.memory_space<vmem>> -> memref<128xi32, #tpu.memory_space<vmem>>
      %dma_wait3A_668 = tpu.memref_slice %arg3[%add3A_564] : memref<131072xi32, #tpu.memory_space<hbm>> -> memref<128xi32, #tpu.memory_space<hbm>>
      tpu.wait_dma2 semaphore(%run_scoped3A_652 : memref<!tpu.dma_semaphore, #tpu.memory_space<semaphore_mem>>) src(%dma_wait3A_668 : memref<128xi32, #tpu.memory_space<hbm>>) dst(%dma_wait3A_667 : memref<128xi32, #tpu.memory_space<vmem>>)
      tpu.yield
    }) : () -> ()
    %dma_start3A = arith.constant 0 : i32
    %dma_start3A_565 = arith.constant 0 : i32
    %dma_start3A_566 = arith.constant 0 : i32
    %dma_start3A_567 = arith.constant 0 : i32
    %dma_start3A_568 = tpu.memref_slice %arg6[%dma_start3A_565, %dma_start3A_566, %dma_start3A_567] : memref<4x128x128xf32, #tpu.memory_space<vmem>> -> memref<1x128x128xf32, #tpu.memory_space<vmem>>
    %dma_start3A_569 = tpu.memref_squeeze %dma_start3A_568 : memref<1x128x128xf32, #tpu.memory_space<vmem>> -> memref<128x128xf32, #tpu.memory_space<vmem>>
    %dma_start3A_570 = arith.constant 0 : i32
    %dma_start3A_571 = tpu.memref_slice %arg5[%dma_start3A, %dma_start3A_570] : memref<4x128xi32, #tpu.memory_space<vmem>> -> memref<1x128xi32, #tpu.memory_space<vmem>>
    %dma_start3A_572 = tpu.memref_squeeze %dma_start3A_571 : memref<1x128xi32, #tpu.memory_space<vmem>> -> memref<128xi32, #tpu.memory_space<vmem>>
    %dma_start3A_573 = arith.constant 0 : i32
    %dma_start3A_574 = arith.constant 0 : i32
    %dma_start3A_575 = tpu.memref_slice %arg2[%dma_start3A_573, %dma_start3A_574] : memref<8192x128xf32, #tpu.memory_space<hbm>> -> memref<8192x128xf32, #tpu.memory_space<hbm>>
    tpu.enqueue_indirect_dma source(%dma_start3A_575 : memref<8192x128xf32, #tpu.memory_space<hbm>>) target(%dma_start3A_569 : memref<128x128xf32, #tpu.memory_space<vmem>>) offsets(%dma_start3A_572 : memref<128xi32, #tpu.memory_space<vmem>>) semaphore(%arg10 : memref<!tpu.dma_semaphore, #tpu.memory_space<semaphore_mem>>)
    %add3A_576 = arith.constant 128 : i32
    %add3A_577 = arith.addi %mul3A_2, %add3A_576 : i32
    %run_scoped3A_578 = arith.constant 1 : i32
    "tpu.region"() ({
      %run_scoped3A_652 = tpu.sem_alloc : memref<!tpu.dma_semaphore, #tpu.memory_space<semaphore_mem>>
      %dma_start3A_653 = arith.constant 0 : i32
      %dma_start3A_654 = tpu.memref_slice %arg5[%run_scoped3A_578, %dma_start3A_653] : memref<4x128xi32, #tpu.memory_space<vmem>> -> memref<1x128xi32, #tpu.memory_space<vmem>>
      %dma_start3A_655 = tpu.memref_squeeze %dma_start3A_654 : memref<1x128xi32, #tpu.memory_space<vmem>> -> memref<128xi32, #tpu.memory_space<vmem>>
      %dma_start3A_656 = tpu.memref_slice %arg3[%add3A_577] : memref<131072xi32, #tpu.memory_space<hbm>> -> memref<128xi32, #tpu.memory_space<hbm>>
      %dma_start3A_657 = arith.constant 0 : i32
      %dma_start3A_658 = tpu.memref_slice %arg5[%run_scoped3A_578, %dma_start3A_657] : memref<4x128xi32, #tpu.memory_space<vmem>> -> memref<1x128xi32, #tpu.memory_space<vmem>>
      %dma_start3A_659 = tpu.memref_squeeze %dma_start3A_658 : memref<1x128xi32, #tpu.memory_space<vmem>> -> memref<128xi32, #tpu.memory_space<vmem>>
      %dma_start3A_660 = tpu.memref_slice %arg3[%add3A_577] : memref<131072xi32, #tpu.memory_space<hbm>> -> memref<128xi32, #tpu.memory_space<hbm>>
      tpu.enqueue_dma source(%dma_start3A_660 : memref<128xi32, #tpu.memory_space<hbm>>) target(%dma_start3A_659 : memref<128xi32, #tpu.memory_space<vmem>>) target_semaphore(%run_scoped3A_652 : memref<!tpu.dma_semaphore, #tpu.memory_space<semaphore_mem>>)
      %dma_wait3A_661 = arith.constant 0 : i32
      %dma_wait3A_662 = tpu.memref_slice %arg5[%run_scoped3A_578, %dma_wait3A_661] : memref<4x128xi32, #tpu.memory_space<vmem>> -> memref<1x128xi32, #tpu.memory_space<vmem>>
      %dma_wait3A_663 = tpu.memref_squeeze %dma_wait3A_662 : memref<1x128xi32, #tpu.memory_space<vmem>> -> memref<128xi32, #tpu.memory_space<vmem>>
      %dma_wait3A_664 = tpu.memref_slice %arg3[%add3A_577] : memref<131072xi32, #tpu.memory_space<hbm>> -> memref<128xi32, #tpu.memory_space<hbm>>
      %dma_wait3A_665 = arith.constant 0 : i32
      %dma_wait3A_666 = tpu.memref_slice %arg5[%run_scoped3A_578, %dma_wait3A_665] : memref<4x128xi32, #tpu.memory_space<vmem>> -> memref<1x128xi32, #tpu.memory_space<vmem>>
      %dma_wait3A_667 = tpu.memref_squeeze %dma_wait3A_666 : memref<1x128xi32, #tpu.memory_space<vmem>> -> memref<128xi32, #tpu.memory_space<vmem>>
      %dma_wait3A_668 = tpu.memref_slice %arg3[%add3A_577] : memref<131072xi32, #tpu.memory_space<hbm>> -> memref<128xi32, #tpu.memory_space<hbm>>
      tpu.wait_dma2 semaphore(%run_scoped3A_652 : memref<!tpu.dma_semaphore, #tpu.memory_space<semaphore_mem>>) src(%dma_wait3A_668 : memref<128xi32, #tpu.memory_space<hbm>>) dst(%dma_wait3A_667 : memref<128xi32, #tpu.memory_space<vmem>>)
      tpu.yield
    }) : () -> ()
    %dma_start3A_579 = arith.constant 1 : i32
    %dma_start3A_580 = arith.constant 1 : i32
    %dma_start3A_581 = arith.constant 0 : i32
    %dma_start3A_582 = arith.constant 0 : i32
    %dma_start3A_583 = tpu.memref_slice %arg6[%dma_start3A_580, %dma_start3A_581, %dma_start3A_582] : memref<4x128x128xf32, #tpu.memory_space<vmem>> -> memref<1x128x128xf32, #tpu.memory_space<vmem>>
    %dma_start3A_584 = tpu.memref_squeeze %dma_start3A_583 : memref<1x128x128xf32, #tpu.memory_space<vmem>> -> memref<128x128xf32, #tpu.memory_space<vmem>>
    %dma_start3A_585 = arith.constant 0 : i32
    %dma_start3A_586 = tpu.memref_slice %arg5[%dma_start3A_579, %dma_start3A_585] : memref<4x128xi32, #tpu.memory_space<vmem>> -> memref<1x128xi32, #tpu.memory_space<vmem>>
    %dma_start3A_587 = tpu.memref_squeeze %dma_start3A_586 : memref<1x128xi32, #tpu.memory_space<vmem>> -> memref<128xi32, #tpu.memory_space<vmem>>
    %dma_start3A_588 = arith.constant 0 : i32
    %dma_start3A_589 = arith.constant 0 : i32
    %dma_start3A_590 = tpu.memref_slice %arg2[%dma_start3A_588, %dma_start3A_589] : memref<8192x128xf32, #tpu.memory_space<hbm>> -> memref<8192x128xf32, #tpu.memory_space<hbm>>
    tpu.enqueue_indirect_dma source(%dma_start3A_590 : memref<8192x128xf32, #tpu.memory_space<hbm>>) target(%dma_start3A_584 : memref<128x128xf32, #tpu.memory_space<vmem>>) offsets(%dma_start3A_587 : memref<128xi32, #tpu.memory_space<vmem>>) semaphore(%arg11 : memref<!tpu.dma_semaphore, #tpu.memory_space<semaphore_mem>>)
    %add3A_591 = arith.constant 256 : i32
    %add3A_592 = arith.addi %mul3A_2, %add3A_591 : i32
    %run_scoped3A_593 = arith.constant 2 : i32
    "tpu.region"() ({
      %run_scoped3A_652 = tpu.sem_alloc : memref<!tpu.dma_semaphore, #tpu.memory_space<semaphore_mem>>
      %dma_start3A_653 = arith.constant 0 : i32
      %dma_start3A_654 = tpu.memref_slice %arg5[%run_scoped3A_593, %dma_start3A_653] : memref<4x128xi32, #tpu.memory_space<vmem>> -> memref<1x128xi32, #tpu.memory_space<vmem>>
      %dma_start3A_655 = tpu.memref_squeeze %dma_start3A_654 : memref<1x128xi32, #tpu.memory_space<vmem>> -> memref<128xi32, #tpu.memory_space<vmem>>
      %dma_start3A_656 = tpu.memref_slice %arg3[%add3A_592] : memref<131072xi32, #tpu.memory_space<hbm>> -> memref<128xi32, #tpu.memory_space<hbm>>
      %dma_start3A_657 = arith.constant 0 : i32
      %dma_start3A_658 = tpu.memref_slice %arg5[%run_scoped3A_593, %dma_start3A_657] : memref<4x128xi32, #tpu.memory_space<vmem>> -> memref<1x128xi32, #tpu.memory_space<vmem>>
      %dma_start3A_659 = tpu.memref_squeeze %dma_start3A_658 : memref<1x128xi32, #tpu.memory_space<vmem>> -> memref<128xi32, #tpu.memory_space<vmem>>
      %dma_start3A_660 = tpu.memref_slice %arg3[%add3A_592] : memref<131072xi32, #tpu.memory_space<hbm>> -> memref<128xi32, #tpu.memory_space<hbm>>
      tpu.enqueue_dma source(%dma_start3A_660 : memref<128xi32, #tpu.memory_space<hbm>>) target(%dma_start3A_659 : memref<128xi32, #tpu.memory_space<vmem>>) target_semaphore(%run_scoped3A_652 : memref<!tpu.dma_semaphore, #tpu.memory_space<semaphore_mem>>)
      %dma_wait3A_661 = arith.constant 0 : i32
      %dma_wait3A_662 = tpu.memref_slice %arg5[%run_scoped3A_593, %dma_wait3A_661] : memref<4x128xi32, #tpu.memory_space<vmem>> -> memref<1x128xi32, #tpu.memory_space<vmem>>
      %dma_wait3A_663 = tpu.memref_squeeze %dma_wait3A_662 : memref<1x128xi32, #tpu.memory_space<vmem>> -> memref<128xi32, #tpu.memory_space<vmem>>
      %dma_wait3A_664 = tpu.memref_slice %arg3[%add3A_592] : memref<131072xi32, #tpu.memory_space<hbm>> -> memref<128xi32, #tpu.memory_space<hbm>>
      %dma_wait3A_665 = arith.constant 0 : i32
      %dma_wait3A_666 = tpu.memref_slice %arg5[%run_scoped3A_593, %dma_wait3A_665] : memref<4x128xi32, #tpu.memory_space<vmem>> -> memref<1x128xi32, #tpu.memory_space<vmem>>
      %dma_wait3A_667 = tpu.memref_squeeze %dma_wait3A_666 : memref<1x128xi32, #tpu.memory_space<vmem>> -> memref<128xi32, #tpu.memory_space<vmem>>
      %dma_wait3A_668 = tpu.memref_slice %arg3[%add3A_592] : memref<131072xi32, #tpu.memory_space<hbm>> -> memref<128xi32, #tpu.memory_space<hbm>>
      tpu.wait_dma2 semaphore(%run_scoped3A_652 : memref<!tpu.dma_semaphore, #tpu.memory_space<semaphore_mem>>) src(%dma_wait3A_668 : memref<128xi32, #tpu.memory_space<hbm>>) dst(%dma_wait3A_667 : memref<128xi32, #tpu.memory_space<vmem>>)
      tpu.yield
    }) : () -> ()
    %dma_start3A_594 = arith.constant 2 : i32
    %dma_start3A_595 = arith.constant 2 : i32
    %dma_start3A_596 = arith.constant 0 : i32
    %dma_start3A_597 = arith.constant 0 : i32
    %dma_start3A_598 = tpu.memref_slice %arg6[%dma_start3A_595, %dma_start3A_596, %dma_start3A_597] : memref<4x128x128xf32, #tpu.memory_space<vmem>> -> memref<1x128x128xf32, #tpu.memory_space<vmem>>
    %dma_start3A_599 = tpu.memref_squeeze %dma_start3A_598 : memref<1x128x128xf32, #tpu.memory_space<vmem>> -> memref<128x128xf32, #tpu.memory_space<vmem>>
    %dma_start3A_600 = arith.constant 0 : i32
    %dma_start3A_601 = tpu.memref_slice %arg5[%dma_start3A_594, %dma_start3A_600] : memref<4x128xi32, #tpu.memory_space<vmem>> -> memref<1x128xi32, #tpu.memory_space<vmem>>
    %dma_start3A_602 = tpu.memref_squeeze %dma_start3A_601 : memref<1x128xi32, #tpu.memory_space<vmem>> -> memref<128xi32, #tpu.memory_space<vmem>>
    %dma_start3A_603 = arith.constant 0 : i32
    %dma_start3A_604 = arith.constant 0 : i32
    %dma_start3A_605 = tpu.memref_slice %arg2[%dma_start3A_603, %dma_start3A_604] : memref<8192x128xf32, #tpu.memory_space<hbm>> -> memref<8192x128xf32, #tpu.memory_space<hbm>>
    tpu.enqueue_indirect_dma source(%dma_start3A_605 : memref<8192x128xf32, #tpu.memory_space<hbm>>) target(%dma_start3A_599 : memref<128x128xf32, #tpu.memory_space<vmem>>) offsets(%dma_start3A_602 : memref<128xi32, #tpu.memory_space<vmem>>) semaphore(%arg12 : memref<!tpu.dma_semaphore, #tpu.memory_space<semaphore_mem>>)
    %add3A_606 = arith.constant 384 : i32
    %add3A_607 = arith.addi %mul3A_2, %add3A_606 : i32
    %run_scoped3A_608 = arith.constant 3 : i32
    "tpu.region"() ({
      %run_scoped3A_652 = tpu.sem_alloc : memref<!tpu.dma_semaphore, #tpu.memory_space<semaphore_mem>>
      %dma_start3A_653 = arith.constant 0 : i32
      %dma_start3A_654 = tpu.memref_slice %arg5[%run_scoped3A_608, %dma_start3A_653] : memref<4x128xi32, #tpu.memory_space<vmem>> -> memref<1x128xi32, #tpu.memory_space<vmem>>
      %dma_start3A_655 = tpu.memref_squeeze %dma_start3A_654 : memref<1x128xi32, #tpu.memory_space<vmem>> -> memref<128xi32, #tpu.memory_space<vmem>>
      %dma_start3A_656 = tpu.memref_slice %arg3[%add3A_607] : memref<131072xi32, #tpu.memory_space<hbm>> -> memref<128xi32, #tpu.memory_space<hbm>>
      %dma_start3A_657 = arith.constant 0 : i32
      %dma_start3A_658 = tpu.memref_slice %arg5[%run_scoped3A_608, %dma_start3A_657] : memref<4x128xi32, #tpu.memory_space<vmem>> -> memref<1x128xi32, #tpu.memory_space<vmem>>
      %dma_start3A_659 = tpu.memref_squeeze %dma_start3A_658 : memref<1x128xi32, #tpu.memory_space<vmem>> -> memref<128xi32, #tpu.memory_space<vmem>>
      %dma_start3A_660 = tpu.memref_slice %arg3[%add3A_607] : memref<131072xi32, #tpu.memory_space<hbm>> -> memref<128xi32, #tpu.memory_space<hbm>>
      tpu.enqueue_dma source(%dma_start3A_660 : memref<128xi32, #tpu.memory_space<hbm>>) target(%dma_start3A_659 : memref<128xi32, #tpu.memory_space<vmem>>) target_semaphore(%run_scoped3A_652 : memref<!tpu.dma_semaphore, #tpu.memory_space<semaphore_mem>>)
      %dma_wait3A_661 = arith.constant 0 : i32
      %dma_wait3A_662 = tpu.memref_slice %arg5[%run_scoped3A_608, %dma_wait3A_661] : memref<4x128xi32, #tpu.memory_space<vmem>> -> memref<1x128xi32, #tpu.memory_space<vmem>>
      %dma_wait3A_663 = tpu.memref_squeeze %dma_wait3A_662 : memref<1x128xi32, #tpu.memory_space<vmem>> -> memref<128xi32, #tpu.memory_space<vmem>>
      %dma_wait3A_664 = tpu.memref_slice %arg3[%add3A_607] : memref<131072xi32, #tpu.memory_space<hbm>> -> memref<128xi32, #tpu.memory_space<hbm>>
      %dma_wait3A_665 = arith.constant 0 : i32
      %dma_wait3A_666 = tpu.memref_slice %arg5[%run_scoped3A_608, %dma_wait3A_665] : memref<4x128xi32, #tpu.memory_space<vmem>> -> memref<1x128xi32, #tpu.memory_space<vmem>>
      %dma_wait3A_667 = tpu.memref_squeeze %dma_wait3A_666 : memref<1x128xi32, #tpu.memory_space<vmem>> -> memref<128xi32, #tpu.memory_space<vmem>>
      %dma_wait3A_668 = tpu.memref_slice %arg3[%add3A_607] : memref<131072xi32, #tpu.memory_space<hbm>> -> memref<128xi32, #tpu.memory_space<hbm>>
      tpu.wait_dma2 semaphore(%run_scoped3A_652 : memref<!tpu.dma_semaphore, #tpu.memory_space<semaphore_mem>>) src(%dma_wait3A_668 : memref<128xi32, #tpu.memory_space<hbm>>) dst(%dma_wait3A_667 : memref<128xi32, #tpu.memory_space<vmem>>)
      tpu.yield
    }) : () -> ()
    %dma_start3A_609 = arith.constant 3 : i32
    %dma_start3A_610 = arith.constant 3 : i32
    %dma_start3A_611 = arith.constant 0 : i32
    %dma_start3A_612 = arith.constant 0 : i32
    %dma_start3A_613 = tpu.memref_slice %arg6[%dma_start3A_610, %dma_start3A_611, %dma_start3A_612] : memref<4x128x128xf32, #tpu.memory_space<vmem>> -> memref<1x128x128xf32, #tpu.memory_space<vmem>>
    %dma_start3A_614 = tpu.memref_squeeze %dma_start3A_613 : memref<1x128x128xf32, #tpu.memory_space<vmem>> -> memref<128x128xf32, #tpu.memory_space<vmem>>
    %dma_start3A_615 = arith.constant 0 : i32
    %dma_start3A_616 = tpu.memref_slice %arg5[%dma_start3A_609, %dma_start3A_615] : memref<4x128xi32, #tpu.memory_space<vmem>> -> memref<1x128xi32, #tpu.memory_space<vmem>>
    %dma_start3A_617 = tpu.memref_squeeze %dma_start3A_616 : memref<1x128xi32, #tpu.memory_space<vmem>> -> memref<128xi32, #tpu.memory_space<vmem>>
    %dma_start3A_618 = arith.constant 0 : i32
    %dma_start3A_619 = arith.constant 0 : i32
    %dma_start3A_620 = tpu.memref_slice %arg2[%dma_start3A_618, %dma_start3A_619] : memref<8192x128xf32, #tpu.memory_space<hbm>> -> memref<8192x128xf32, #tpu.memory_space<hbm>>
    tpu.enqueue_indirect_dma source(%dma_start3A_620 : memref<8192x128xf32, #tpu.memory_space<hbm>>) target(%dma_start3A_614 : memref<128x128xf32, #tpu.memory_space<vmem>>) offsets(%dma_start3A_617 : memref<128xi32, #tpu.memory_space<vmem>>) semaphore(%arg13 : memref<!tpu.dma_semaphore, #tpu.memory_space<semaphore_mem>>)
    %scan3A = arith.constant 0 : i32
    %scan3A_621 = arith.constant 8 : i32
    %scan3A_622 = arith.addi %scan3A, %scan3A_621 : i32
    %scan3A_623 = arith.constant 1 : i32
    scf.for %scan3A_652 = %scan3A to %scan3A_622 step %scan3A_623  : i32 {
      %mul3A_653 = arith.constant 4 : i32
      %mul3A_654 = arith.muli %scan3A_652, %mul3A_653 : i32
      %add3A_655 = arith.constant 0 : i32
      %add3A_656 = arith.addi %add3A_655, %mul3A_654 : i32
      %add3A_657 = arith.constant 0 : i32
      %add3A_658 = arith.addi %add3A_656, %add3A_657 : i32
      %ge3A = arith.constant 4 : i32
      %ge3A_659 = arith.cmpi sge, %add3A_658, %ge3A : i32
      %convert_element_type3A = arith.extui %ge3A_659 : i1 to i32
      %cond3A = arith.constant 0 : i32
      %cond3A_660 = arith.constant 0 : i32
      %cond3A_661 = arith.cmpi ne, %convert_element_type3A, %cond3A_660 : i32
      scf.if %cond3A_661 {
        %dma_wait3A_825 = arith.constant 0 : i32
        %dma_wait3A_826 = tpu.memref_slice %arg4[%mul3A_4, %dma_wait3A_825] : memref<8192x128xf32, #tpu.memory_space<hbm>> -> memref<8x128xf32, #tpu.memory_space<hbm>>
        %dma_wait3A_827 = arith.constant 0 : i32
        %dma_wait3A_828 = arith.constant 0 : i32
        %dma_wait3A_829 = tpu.memref_slice %arg7[%arg1, %cond3A, %dma_wait3A_827, %dma_wait3A_828] : memref<16x4x8x128xf32, #tpu.memory_space<vmem_shared>> -> memref<1x1x8x128xf32, #tpu.memory_space<vmem_shared>>
        %dma_wait3A_830 = tpu.memref_squeeze %dma_wait3A_829 : memref<1x1x8x128xf32, #tpu.memory_space<vmem_shared>> -> memref<8x128xf32, #tpu.memory_space<vmem_shared>>
        tpu.wait_dma2 semaphore(%arg14 : memref<!tpu.dma_semaphore, #tpu.memory_space<semaphore_mem>>) src(%dma_wait3A_830 : memref<8x128xf32, #tpu.memory_space<vmem_shared>>) dst(%dma_wait3A_826 : memref<8x128xf32, #tpu.memory_space<hbm>>)
      } else {
      }
      %run_scoped3A_662 = arith.constant 0 : i32
      "tpu.region"() ({
        %run_scoped3A_825 = tpu.sem_alloc : memref<!tpu.dma_semaphore, #tpu.memory_space<semaphore_mem>>
        %dma_start3A_826 = arith.constant 0 : i32
        %dma_start3A_827 = arith.constant 0 : i32
        %dma_start3A_828 = tpu.memref_slice %arg7[%arg1, %run_scoped3A_662, %dma_start3A_826, %dma_start3A_827] : memref<16x4x8x128xf32, #tpu.memory_space<vmem_shared>> -> memref<1x1x8x128xf32, #tpu.memory_space<vmem_shared>>
        %dma_start3A_829 = tpu.memref_squeeze %dma_start3A_828 : memref<1x1x8x128xf32, #tpu.memory_space<vmem_shared>> -> memref<8x128xf32, #tpu.memory_space<vmem_shared>>
        %dma_start3A_830 = arith.constant 0 : i32
        %dma_start3A_831 = arith.constant 0 : i32
        %dma_start3A_832 = tpu.memref_slice %arg7[%arg1, %run_scoped3A_662, %dma_start3A_830, %dma_start3A_831] : memref<16x4x8x128xf32, #tpu.memory_space<vmem_shared>> -> memref<1x1x8x128xf32, #tpu.memory_space<vmem_shared>>
        %dma_start3A_833 = tpu.memref_squeeze %dma_start3A_832 : memref<1x1x8x128xf32, #tpu.memory_space<vmem_shared>> -> memref<8x128xf32, #tpu.memory_space<vmem_shared>>
        tpu.enqueue_dma source(%arg8 : memref<8x128xf32, #tpu.memory_space<vmem>>) target(%dma_start3A_833 : memref<8x128xf32, #tpu.memory_space<vmem_shared>>) target_semaphore(%run_scoped3A_825 : memref<!tpu.dma_semaphore, #tpu.memory_space<semaphore_mem>>)
        %dma_wait3A_834 = arith.constant 0 : i32
        %dma_wait3A_835 = arith.constant 0 : i32
        %dma_wait3A_836 = tpu.memref_slice %arg7[%arg1, %run_scoped3A_662, %dma_wait3A_834, %dma_wait3A_835] : memref<16x4x8x128xf32, #tpu.memory_space<vmem_shared>> -> memref<1x1x8x128xf32, #tpu.memory_space<vmem_shared>>
        %dma_wait3A_837 = tpu.memref_squeeze %dma_wait3A_836 : memref<1x1x8x128xf32, #tpu.memory_space<vmem_shared>> -> memref<8x128xf32, #tpu.memory_space<vmem_shared>>
        %dma_wait3A_838 = arith.constant 0 : i32
        %dma_wait3A_839 = arith.constant 0 : i32
        %dma_wait3A_840 = tpu.memref_slice %arg7[%arg1, %run_scoped3A_662, %dma_wait3A_838, %dma_wait3A_839] : memref<16x4x8x128xf32, #tpu.memory_space<vmem_shared>> -> memref<1x1x8x128xf32, #tpu.memory_space<vmem_shared>>
        %dma_wait3A_841 = tpu.memref_squeeze %dma_wait3A_840 : memref<1x1x8x128xf32, #tpu.memory_space<vmem_shared>> -> memref<8x128xf32, #tpu.memory_space<vmem_shared>>
        tpu.wait_dma2 semaphore(%run_scoped3A_825 : memref<!tpu.dma_semaphore, #tpu.memory_space<semaphore_mem>>) src(%arg8 : memref<8x128xf32, #tpu.memory_space<vmem>>) dst(%dma_wait3A_841 : memref<8x128xf32, #tpu.memory_space<vmem_shared>>)
        tpu.yield
      }) : () -> ()
      %dma_wait3A_663 = arith.constant 0 : i32
      %dma_wait3A_664 = arith.constant 0 : i32
      %dma_wait3A_665 = arith.constant 0 : i32
      %dma_wait3A_666 = tpu.memref_slice %arg6[%dma_wait3A_663, %dma_wait3A_664, %dma_wait3A_665] : memref<4x128x128xf32, #tpu.memory_space<vmem>> -> memref<1x128x128xf32, #tpu.memory_space<vmem>>
      %dma_wait3A_667 = tpu.memref_squeeze %dma_wait3A_666 : memref<1x128x128xf32, #tpu.memory_space<vmem>> -> memref<128x128xf32, #tpu.memory_space<vmem>>
      %dma_wait3A_668 = arith.constant 0 : i32
      %dma_wait3A_669 = arith.constant 0 : i32
      %dma_wait3A_670 = tpu.memref_slice %arg2[%dma_wait3A_668, %dma_wait3A_669] : memref<8192x128xf32, #tpu.memory_space<hbm>> -> memref<128x128xf32, #tpu.memory_space<hbm>>
      %dma_wait3A_671 = arith.constant 0 : i32
      %dma_wait3A_672 = arith.constant 0 : i32
      %dma_wait3A_673 = tpu.memref_slice %arg6[%dma_wait3A_663, %dma_wait3A_671, %dma_wait3A_672] : memref<4x128x128xf32, #tpu.memory_space<vmem>> -> memref<1x128x128xf32, #tpu.memory_space<vmem>>
      %dma_wait3A_674 = tpu.memref_squeeze %dma_wait3A_673 : memref<1x128x128xf32, #tpu.memory_space<vmem>> -> memref<128x128xf32, #tpu.memory_space<vmem>>
      %dma_wait3A_675 = arith.constant 0 : i32
      %dma_wait3A_676 = arith.constant 0 : i32
      %dma_wait3A_677 = tpu.memref_slice %arg2[%dma_wait3A_675, %dma_wait3A_676] : memref<8192x128xf32, #tpu.memory_space<hbm>> -> memref<128x128xf32, #tpu.memory_space<hbm>>
      tpu.wait_dma2 semaphore(%arg10 : memref<!tpu.dma_semaphore, #tpu.memory_space<semaphore_mem>>) src(%dma_wait3A_677 : memref<128x128xf32, #tpu.memory_space<hbm>>) dst(%dma_wait3A_674 : memref<128x128xf32, #tpu.memory_space<vmem>>)
      %run_scoped3A_678 = arith.constant 0 : i32
      %run_scoped3A_679 = arith.constant 0 : i32
      "tpu.region"() ({
        %run_scoped3A_825 = tpu.sem_alloc : memref<!tpu.dma_semaphore, #tpu.memory_space<semaphore_mem>>
        %dma_start3A_826 = arith.constant 0 : i32
        %dma_start3A_827 = arith.constant 0 : i32
        %dma_start3A_828 = tpu.memref_slice %arg6[%run_scoped3A_678, %dma_start3A_826, %dma_start3A_827] : memref<4x128x128xf32, #tpu.memory_space<vmem>> -> memref<1x128x128xf32, #tpu.memory_space<vmem>>
        %dma_start3A_829 = tpu.memref_squeeze %dma_start3A_828 : memref<1x128x128xf32, #tpu.memory_space<vmem>> -> memref<128x128xf32, #tpu.memory_space<vmem>>
        %dma_start3A_830 = arith.constant 0 : i32
        %dma_start3A_831 = arith.constant 0 : i32
        %dma_start3A_832 = tpu.memref_slice %arg7[%arg1, %run_scoped3A_679, %dma_start3A_830, %dma_start3A_831] : memref<16x4x8x128xf32, #tpu.memory_space<vmem_shared>> -> memref<1x1x8x128xf32, #tpu.memory_space<vmem_shared>>
        %dma_start3A_833 = tpu.memref_squeeze %dma_start3A_832 : memref<1x1x8x128xf32, #tpu.memory_space<vmem_shared>> -> memref<8x128xf32, #tpu.memory_space<vmem_shared>>
        %dma_start3A_834 = arith.constant 0 : i32
        %dma_start3A_835 = arith.constant 0 : i32
        %dma_start3A_836 = tpu.memref_slice %dma_start3A_833[%dma_start3A_834, %dma_start3A_835] : memref<8x128xf32, #tpu.memory_space<vmem_shared>> -> memref<8x128xf32, #tpu.memory_space<vmem_shared>>
        tpu.enqueue_indirect_dma source(%dma_start3A_829 : memref<128x128xf32, #tpu.memory_space<vmem>>) target(%dma_start3A_836 : memref<8x128xf32, #tpu.memory_space<vmem_shared>>) offsets(%arg9 : memref<128xi32, #tpu.memory_space<vmem>>) semaphore(%run_scoped3A_825 : memref<!tpu.dma_semaphore, #tpu.memory_space<semaphore_mem>>) {add = true}
        %dma_wait3A_837 = arith.constant 0 : i32
        %dma_wait3A_838 = arith.constant 0 : i32
        %dma_wait3A_839 = tpu.memref_slice %arg6[%run_scoped3A_678, %dma_wait3A_837, %dma_wait3A_838] : memref<4x128x128xf32, #tpu.memory_space<vmem>> -> memref<1x128x128xf32, #tpu.memory_space<vmem>>
        %dma_wait3A_840 = tpu.memref_squeeze %dma_wait3A_839 : memref<1x128x128xf32, #tpu.memory_space<vmem>> -> memref<128x128xf32, #tpu.memory_space<vmem>>
        %dma_wait3A_841 = arith.constant 0 : i32
        %dma_wait3A_842 = arith.constant 0 : i32
        %dma_wait3A_843 = tpu.memref_slice %arg7[%arg1, %run_scoped3A_679, %dma_wait3A_841, %dma_wait3A_842] : memref<16x4x8x128xf32, #tpu.memory_space<vmem_shared>> -> memref<1x1x8x128xf32, #tpu.memory_space<vmem_shared>>
        %dma_wait3A_844 = tpu.memref_squeeze %dma_wait3A_843 : memref<1x1x8x128xf32, #tpu.memory_space<vmem_shared>> -> memref<8x128xf32, #tpu.memory_space<vmem_shared>>
        %dma_wait3A_845 = arith.constant 0 : i32
        %dma_wait3A_846 = arith.constant 0 : i32
        %dma_wait3A_847 = tpu.memref_slice %dma_wait3A_844[%dma_wait3A_845, %dma_wait3A_846] : memref<8x128xf32, #tpu.memory_space<vmem_shared>> -> memref<8x128xf32, #tpu.memory_space<vmem_shared>>
        tpu.wait_indirect_dma semaphore(%run_scoped3A_825 : memref<!tpu.dma_semaphore, #tpu.memory_space<semaphore_mem>>) src(%dma_wait3A_840 : memref<128x128xf32, #tpu.memory_space<vmem>>) dst(%dma_wait3A_847 : memref<8x128xf32, #tpu.memory_space<vmem_shared>>)
        tpu.yield
      }) : () -> ()
      %mul3A_680 = arith.constant 8 : i32
      %mul3A_681 = arith.muli %add3A_658, %mul3A_680 : i32
      %add3A_682 = arith.addi %mul3A_4, %mul3A_681 : i32
      %dma_start3A_683 = arith.constant 0 : i32
      %dma_start3A_684 = arith.constant 0 : i32
      %dma_start3A_685 = tpu.memref_slice %arg4[%add3A_682, %dma_start3A_684] : memref<8192x128xf32, #tpu.memory_space<hbm>> -> memref<8x128xf32, #tpu.memory_space<hbm>>
      %dma_start3A_686 = arith.constant 0 : i32
      %dma_start3A_687 = arith.constant 0 : i32
      %dma_start3A_688 = tpu.memref_slice %arg7[%arg1, %dma_start3A_683, %dma_start3A_686, %dma_start3A_687] : memref<16x4x8x128xf32, #tpu.memory_space<vmem_shared>> -> memref<1x1x8x128xf32, #tpu.memory_space<vmem_shared>>
      %dma_start3A_689 = tpu.memref_squeeze %dma_start3A_688 : memref<1x1x8x128xf32, #tpu.memory_space<vmem_shared>> -> memref<8x128xf32, #tpu.memory_space<vmem_shared>>
      tpu.enqueue_dma source(%dma_start3A_689 : memref<8x128xf32, #tpu.memory_space<vmem_shared>>) target(%dma_start3A_685 : memref<8x128xf32, #tpu.memory_space<hbm>>) target_semaphore(%arg14 : memref<!tpu.dma_semaphore, #tpu.memory_space<semaphore_mem>>)
      %add3A_690 = arith.constant 4 : i32
      %add3A_691 = arith.addi %add3A_658, %add3A_690 : i32
      %lt3A = arith.constant 32 : i32
      %lt3A_692 = arith.cmpi slt, %add3A_691, %lt3A : i32
      %convert_element_type3A_693 = arith.extui %lt3A_692 : i1 to i32
      %cond3A_694 = arith.constant 0 : i32
      %cond3A_695 = arith.cmpi ne, %convert_element_type3A_693, %cond3A_694 : i32
      scf.if %cond3A_695 {
        %add3A_825 = arith.constant 4 : i32
        %add3A_826 = arith.addi %add3A_658, %add3A_825 : i32
        %mul3A_827 = arith.constant 128 : i32
        %mul3A_828 = arith.muli %add3A_826, %mul3A_827 : i32
        %add3A_829 = arith.addi %mul3A_2, %mul3A_828 : i32
        %run_scoped3A_830 = arith.constant 0 : i32
        "tpu.region"() ({
          %run_scoped3A_843 = tpu.sem_alloc : memref<!tpu.dma_semaphore, #tpu.memory_space<semaphore_mem>>
          %dma_start3A_844 = arith.constant 0 : i32
          %dma_start3A_845 = tpu.memref_slice %arg5[%run_scoped3A_830, %dma_start3A_844] : memref<4x128xi32, #tpu.memory_space<vmem>> -> memref<1x128xi32, #tpu.memory_space<vmem>>
          %dma_start3A_846 = tpu.memref_squeeze %dma_start3A_845 : memref<1x128xi32, #tpu.memory_space<vmem>> -> memref<128xi32, #tpu.memory_space<vmem>>
          %dma_start3A_847 = tpu.memref_slice %arg3[%add3A_829] : memref<131072xi32, #tpu.memory_space<hbm>> -> memref<128xi32, #tpu.memory_space<hbm>>
          %dma_start3A_848 = arith.constant 0 : i32
          %dma_start3A_849 = tpu.memref_slice %arg5[%run_scoped3A_830, %dma_start3A_848] : memref<4x128xi32, #tpu.memory_space<vmem>> -> memref<1x128xi32, #tpu.memory_space<vmem>>
          %dma_start3A_850 = tpu.memref_squeeze %dma_start3A_849 : memref<1x128xi32, #tpu.memory_space<vmem>> -> memref<128xi32, #tpu.memory_space<vmem>>
          %dma_start3A_851 = tpu.memref_slice %arg3[%add3A_829] : memref<131072xi32, #tpu.memory_space<hbm>> -> memref<128xi32, #tpu.memory_space<hbm>>
          tpu.enqueue_dma source(%dma_start3A_851 : memref<128xi32, #tpu.memory_space<hbm>>) target(%dma_start3A_850 : memref<128xi32, #tpu.memory_space<vmem>>) target_semaphore(%run_scoped3A_843 : memref<!tpu.dma_semaphore, #tpu.memory_space<semaphore_mem>>)
          %dma_wait3A_852 = arith.constant 0 : i32
          %dma_wait3A_853 = tpu.memref_slice %arg5[%run_scoped3A_830, %dma_wait3A_852] : memref<4x128xi32, #tpu.memory_space<vmem>> -> memref<1x128xi32, #tpu.memory_space<vmem>>
          %dma_wait3A_854 = tpu.memref_squeeze %dma_wait3A_853 : memref<1x128xi32, #tpu.memory_space<vmem>> -> memref<128xi32, #tpu.memory_space<vmem>>
          %dma_wait3A_855 = tpu.memref_slice %arg3[%add3A_829] : memref<131072xi32, #tpu.memory_space<hbm>> -> memref<128xi32, #tpu.memory_space<hbm>>
          %dma_wait3A_856 = arith.constant 0 : i32
          %dma_wait3A_857 = tpu.memref_slice %arg5[%run_scoped3A_830, %dma_wait3A_856] : memref<4x128xi32, #tpu.memory_space<vmem>> -> memref<1x128xi32, #tpu.memory_space<vmem>>
          %dma_wait3A_858 = tpu.memref_squeeze %dma_wait3A_857 : memref<1x128xi32, #tpu.memory_space<vmem>> -> memref<128xi32, #tpu.memory_space<vmem>>
          %dma_wait3A_859 = tpu.memref_slice %arg3[%add3A_829] : memref<131072xi32, #tpu.memory_space<hbm>> -> memref<128xi32, #tpu.memory_space<hbm>>
          tpu.wait_dma2 semaphore(%run_scoped3A_843 : memref<!tpu.dma_semaphore, #tpu.memory_space<semaphore_mem>>) src(%dma_wait3A_859 : memref<128xi32, #tpu.memory_space<hbm>>) dst(%dma_wait3A_858 : memref<128xi32, #tpu.memory_space<vmem>>)
          tpu.yield
        }) : () -> ()
        %dma_start3A_831 = arith.constant 0 : i32
        %dma_start3A_832 = arith.constant 0 : i32
        %dma_start3A_833 = arith.constant 0 : i32
        %dma_start3A_834 = arith.constant 0 : i32
        %dma_start3A_835 = tpu.memref_slice %arg6[%dma_start3A_832, %dma_start3A_833, %dma_start3A_834] : memref<4x128x128xf32, #tpu.memory_space<vmem>> -> memref<1x128x128xf32, #tpu.memory_space<vmem>>
        %dma_start3A_836 = tpu.memref_squeeze %dma_start3A_835 : memref<1x128x128xf32, #tpu.memory_space<vmem>> -> memref<128x128xf32, #tpu.memory_space<vmem>>
        %dma_start3A_837 = arith.constant 0 : i32
        %dma_start3A_838 = tpu.memref_slice %arg5[%dma_start3A_831, %dma_start3A_837] : memref<4x128xi32, #tpu.memory_space<vmem>> -> memref<1x128xi32, #tpu.memory_space<vmem>>
        %dma_start3A_839 = tpu.memref_squeeze %dma_start3A_838 : memref<1x128xi32, #tpu.memory_space<vmem>> -> memref<128xi32, #tpu.memory_space<vmem>>
        %dma_start3A_840 = arith.constant 0 : i32
        %dma_start3A_841 = arith.constant 0 : i32
        %dma_start3A_842 = tpu.memref_slice %arg2[%dma_start3A_840, %dma_start3A_841] : memref<8192x128xf32, #tpu.memory_space<hbm>> -> memref<8192x128xf32, #tpu.memory_space<hbm>>
        tpu.enqueue_indirect_dma source(%dma_start3A_842 : memref<8192x128xf32, #tpu.memory_space<hbm>>) target(%dma_start3A_836 : memref<128x128xf32, #tpu.memory_space<vmem>>) offsets(%dma_start3A_839 : memref<128xi32, #tpu.memory_space<vmem>>) semaphore(%arg10 : memref<!tpu.dma_semaphore, #tpu.memory_space<semaphore_mem>>)
      } else {
      }
      %add3A_696 = arith.constant 1 : i32
      %add3A_697 = arith.addi %add3A_656, %add3A_696 : i32
      %ge3A_698 = arith.constant 4 : i32
      %ge3A_699 = arith.cmpi sge, %add3A_697, %ge3A_698 : i32
      %convert_element_type3A_700 = arith.extui %ge3A_699 : i1 to i32
      %cond3A_701 = arith.constant 1 : i32
      %cond3A_702 = arith.constant 0 : i32
      %cond3A_703 = arith.cmpi ne, %convert_element_type3A_700, %cond3A_702 : i32
      scf.if %cond3A_703 {
        %dma_wait3A_825 = arith.constant 0 : i32
        %dma_wait3A_826 = tpu.memref_slice %arg4[%mul3A_4, %dma_wait3A_825] : memref<8192x128xf32, #tpu.memory_space<hbm>> -> memref<8x128xf32, #tpu.memory_space<hbm>>
        %dma_wait3A_827 = arith.constant 0 : i32
        %dma_wait3A_828 = arith.constant 0 : i32
        %dma_wait3A_829 = tpu.memref_slice %arg7[%arg1, %cond3A_701, %dma_wait3A_827, %dma_wait3A_828] : memref<16x4x8x128xf32, #tpu.memory_space<vmem_shared>> -> memref<1x1x8x128xf32, #tpu.memory_space<vmem_shared>>
        %dma_wait3A_830 = tpu.memref_squeeze %dma_wait3A_829 : memref<1x1x8x128xf32, #tpu.memory_space<vmem_shared>> -> memref<8x128xf32, #tpu.memory_space<vmem_shared>>
        tpu.wait_dma2 semaphore(%arg15 : memref<!tpu.dma_semaphore, #tpu.memory_space<semaphore_mem>>) src(%dma_wait3A_830 : memref<8x128xf32, #tpu.memory_space<vmem_shared>>) dst(%dma_wait3A_826 : memref<8x128xf32, #tpu.memory_space<hbm>>)
      } else {
      }
      %run_scoped3A_704 = arith.constant 1 : i32
      "tpu.region"() ({
        %run_scoped3A_825 = tpu.sem_alloc : memref<!tpu.dma_semaphore, #tpu.memory_space<semaphore_mem>>
        %dma_start3A_826 = arith.constant 0 : i32
        %dma_start3A_827 = arith.constant 0 : i32
        %dma_start3A_828 = tpu.memref_slice %arg7[%arg1, %run_scoped3A_704, %dma_start3A_826, %dma_start3A_827] : memref<16x4x8x128xf32, #tpu.memory_space<vmem_shared>> -> memref<1x1x8x128xf32, #tpu.memory_space<vmem_shared>>
        %dma_start3A_829 = tpu.memref_squeeze %dma_start3A_828 : memref<1x1x8x128xf32, #tpu.memory_space<vmem_shared>> -> memref<8x128xf32, #tpu.memory_space<vmem_shared>>
        %dma_start3A_830 = arith.constant 0 : i32
        %dma_start3A_831 = arith.constant 0 : i32
        %dma_start3A_832 = tpu.memref_slice %arg7[%arg1, %run_scoped3A_704, %dma_start3A_830, %dma_start3A_831] : memref<16x4x8x128xf32, #tpu.memory_space<vmem_shared>> -> memref<1x1x8x128xf32, #tpu.memory_space<vmem_shared>>
        %dma_start3A_833 = tpu.memref_squeeze %dma_start3A_832 : memref<1x1x8x128xf32, #tpu.memory_space<vmem_shared>> -> memref<8x128xf32, #tpu.memory_space<vmem_shared>>
        tpu.enqueue_dma source(%arg8 : memref<8x128xf32, #tpu.memory_space<vmem>>) target(%dma_start3A_833 : memref<8x128xf32, #tpu.memory_space<vmem_shared>>) target_semaphore(%run_scoped3A_825 : memref<!tpu.dma_semaphore, #tpu.memory_space<semaphore_mem>>)
        %dma_wait3A_834 = arith.constant 0 : i32
        %dma_wait3A_835 = arith.constant 0 : i32
        %dma_wait3A_836 = tpu.memref_slice %arg7[%arg1, %run_scoped3A_704, %dma_wait3A_834, %dma_wait3A_835] : memref<16x4x8x128xf32, #tpu.memory_space<vmem_shared>> -> memref<1x1x8x128xf32, #tpu.memory_space<vmem_shared>>
        %dma_wait3A_837 = tpu.memref_squeeze %dma_wait3A_836 : memref<1x1x8x128xf32, #tpu.memory_space<vmem_shared>> -> memref<8x128xf32, #tpu.memory_space<vmem_shared>>
        %dma_wait3A_838 = arith.constant 0 : i32
        %dma_wait3A_839 = arith.constant 0 : i32
        %dma_wait3A_840 = tpu.memref_slice %arg7[%arg1, %run_scoped3A_704, %dma_wait3A_838, %dma_wait3A_839] : memref<16x4x8x128xf32, #tpu.memory_space<vmem_shared>> -> memref<1x1x8x128xf32, #tpu.memory_space<vmem_shared>>
        %dma_wait3A_841 = tpu.memref_squeeze %dma_wait3A_840 : memref<1x1x8x128xf32, #tpu.memory_space<vmem_shared>> -> memref<8x128xf32, #tpu.memory_space<vmem_shared>>
        tpu.wait_dma2 semaphore(%run_scoped3A_825 : memref<!tpu.dma_semaphore, #tpu.memory_space<semaphore_mem>>) src(%arg8 : memref<8x128xf32, #tpu.memory_space<vmem>>) dst(%dma_wait3A_841 : memref<8x128xf32, #tpu.memory_space<vmem_shared>>)
        tpu.yield
      }) : () -> ()
      %dma_wait3A_705 = arith.constant 1 : i32
      %dma_wait3A_706 = arith.constant 0 : i32
      %dma_wait3A_707 = arith.constant 0 : i32
      %dma_wait3A_708 = tpu.memref_slice %arg6[%dma_wait3A_705, %dma_wait3A_706, %dma_wait3A_707] : memref<4x128x128xf32, #tpu.memory_space<vmem>> -> memref<1x128x128xf32, #tpu.memory_space<vmem>>
      %dma_wait3A_709 = tpu.memref_squeeze %dma_wait3A_708 : memref<1x128x128xf32, #tpu.memory_space<vmem>> -> memref<128x128xf32, #tpu.memory_space<vmem>>
      %dma_wait3A_710 = arith.constant 0 : i32
      %dma_wait3A_711 = arith.constant 0 : i32
      %dma_wait3A_712 = tpu.memref_slice %arg2[%dma_wait3A_710, %dma_wait3A_711] : memref<8192x128xf32, #tpu.memory_space<hbm>> -> memref<128x128xf32, #tpu.memory_space<hbm>>
      %dma_wait3A_713 = arith.constant 0 : i32
      %dma_wait3A_714 = arith.constant 0 : i32
      %dma_wait3A_715 = tpu.memref_slice %arg6[%dma_wait3A_705, %dma_wait3A_713, %dma_wait3A_714] : memref<4x128x128xf32, #tpu.memory_space<vmem>> -> memref<1x128x128xf32, #tpu.memory_space<vmem>>
      %dma_wait3A_716 = tpu.memref_squeeze %dma_wait3A_715 : memref<1x128x128xf32, #tpu.memory_space<vmem>> -> memref<128x128xf32, #tpu.memory_space<vmem>>
      %dma_wait3A_717 = arith.constant 0 : i32
      %dma_wait3A_718 = arith.constant 0 : i32
      %dma_wait3A_719 = tpu.memref_slice %arg2[%dma_wait3A_717, %dma_wait3A_718] : memref<8192x128xf32, #tpu.memory_space<hbm>> -> memref<128x128xf32, #tpu.memory_space<hbm>>
      tpu.wait_dma2 semaphore(%arg11 : memref<!tpu.dma_semaphore, #tpu.memory_space<semaphore_mem>>) src(%dma_wait3A_719 : memref<128x128xf32, #tpu.memory_space<hbm>>) dst(%dma_wait3A_716 : memref<128x128xf32, #tpu.memory_space<vmem>>)
      %run_scoped3A_720 = arith.constant 1 : i32
      %run_scoped3A_721 = arith.constant 1 : i32
      "tpu.region"() ({
        %run_scoped3A_825 = tpu.sem_alloc : memref<!tpu.dma_semaphore, #tpu.memory_space<semaphore_mem>>
        %dma_start3A_826 = arith.constant 0 : i32
        %dma_start3A_827 = arith.constant 0 : i32
        %dma_start3A_828 = tpu.memref_slice %arg6[%run_scoped3A_720, %dma_start3A_826, %dma_start3A_827] : memref<4x128x128xf32, #tpu.memory_space<vmem>> -> memref<1x128x128xf32, #tpu.memory_space<vmem>>
        %dma_start3A_829 = tpu.memref_squeeze %dma_start3A_828 : memref<1x128x128xf32, #tpu.memory_space<vmem>> -> memref<128x128xf32, #tpu.memory_space<vmem>>
        %dma_start3A_830 = arith.constant 0 : i32
        %dma_start3A_831 = arith.constant 0 : i32
        %dma_start3A_832 = tpu.memref_slice %arg7[%arg1, %run_scoped3A_721, %dma_start3A_830, %dma_start3A_831] : memref<16x4x8x128xf32, #tpu.memory_space<vmem_shared>> -> memref<1x1x8x128xf32, #tpu.memory_space<vmem_shared>>
        %dma_start3A_833 = tpu.memref_squeeze %dma_start3A_832 : memref<1x1x8x128xf32, #tpu.memory_space<vmem_shared>> -> memref<8x128xf32, #tpu.memory_space<vmem_shared>>
        %dma_start3A_834 = arith.constant 0 : i32
        %dma_start3A_835 = arith.constant 0 : i32
        %dma_start3A_836 = tpu.memref_slice %dma_start3A_833[%dma_start3A_834, %dma_start3A_835] : memref<8x128xf32, #tpu.memory_space<vmem_shared>> -> memref<8x128xf32, #tpu.memory_space<vmem_shared>>
        tpu.enqueue_indirect_dma source(%dma_start3A_829 : memref<128x128xf32, #tpu.memory_space<vmem>>) target(%dma_start3A_836 : memref<8x128xf32, #tpu.memory_space<vmem_shared>>) offsets(%arg9 : memref<128xi32, #tpu.memory_space<vmem>>) semaphore(%run_scoped3A_825 : memref<!tpu.dma_semaphore, #tpu.memory_space<semaphore_mem>>) {add = true}
        %dma_wait3A_837 = arith.constant 0 : i32
        %dma_wait3A_838 = arith.constant 0 : i32
        %dma_wait3A_839 = tpu.memref_slice %arg6[%run_scoped3A_720, %dma_wait3A_837, %dma_wait3A_838] : memref<4x128x128xf32, #tpu.memory_space<vmem>> -> memref<1x128x128xf32, #tpu.memory_space<vmem>>
        %dma_wait3A_840 = tpu.memref_squeeze %dma_wait3A_839 : memref<1x128x128xf32, #tpu.memory_space<vmem>> -> memref<128x128xf32, #tpu.memory_space<vmem>>
        %dma_wait3A_841 = arith.constant 0 : i32
        %dma_wait3A_842 = arith.constant 0 : i32
        %dma_wait3A_843 = tpu.memref_slice %arg7[%arg1, %run_scoped3A_721, %dma_wait3A_841, %dma_wait3A_842] : memref<16x4x8x128xf32, #tpu.memory_space<vmem_shared>> -> memref<1x1x8x128xf32, #tpu.memory_space<vmem_shared>>
        %dma_wait3A_844 = tpu.memref_squeeze %dma_wait3A_843 : memref<1x1x8x128xf32, #tpu.memory_space<vmem_shared>> -> memref<8x128xf32, #tpu.memory_space<vmem_shared>>
        %dma_wait3A_845 = arith.constant 0 : i32
        %dma_wait3A_846 = arith.constant 0 : i32
        %dma_wait3A_847 = tpu.memref_slice %dma_wait3A_844[%dma_wait3A_845, %dma_wait3A_846] : memref<8x128xf32, #tpu.memory_space<vmem_shared>> -> memref<8x128xf32, #tpu.memory_space<vmem_shared>>
        tpu.wait_indirect_dma semaphore(%run_scoped3A_825 : memref<!tpu.dma_semaphore, #tpu.memory_space<semaphore_mem>>) src(%dma_wait3A_840 : memref<128x128xf32, #tpu.memory_space<vmem>>) dst(%dma_wait3A_847 : memref<8x128xf32, #tpu.memory_space<vmem_shared>>)
        tpu.yield
      }) : () -> ()
      %mul3A_722 = arith.constant 8 : i32
      %mul3A_723 = arith.muli %add3A_697, %mul3A_722 : i32
      %add3A_724 = arith.addi %mul3A_4, %mul3A_723 : i32
      %dma_start3A_725 = arith.constant 1 : i32
      %dma_start3A_726 = arith.constant 0 : i32
      %dma_start3A_727 = tpu.memref_slice %arg4[%add3A_724, %dma_start3A_726] : memref<8192x128xf32, #tpu.memory_space<hbm>> -> memref<8x128xf32, #tpu.memory_space<hbm>>
      %dma_start3A_728 = arith.constant 0 : i32
      %dma_start3A_729 = arith.constant 0 : i32
      %dma_start3A_730 = tpu.memref_slice %arg7[%arg1, %dma_start3A_725, %dma_start3A_728, %dma_start3A_729] : memref<16x4x8x128xf32, #tpu.memory_space<vmem_shared>> -> memref<1x1x8x128xf32, #tpu.memory_space<vmem_shared>>
      %dma_start3A_731 = tpu.memref_squeeze %dma_start3A_730 : memref<1x1x8x128xf32, #tpu.memory_space<vmem_shared>> -> memref<8x128xf32, #tpu.memory_space<vmem_shared>>
      tpu.enqueue_dma source(%dma_start3A_731 : memref<8x128xf32, #tpu.memory_space<vmem_shared>>) target(%dma_start3A_727 : memref<8x128xf32, #tpu.memory_space<hbm>>) target_semaphore(%arg15 : memref<!tpu.dma_semaphore, #tpu.memory_space<semaphore_mem>>)
      %add3A_732 = arith.constant 4 : i32
      %add3A_733 = arith.addi %add3A_697, %add3A_732 : i32
      %lt3A_734 = arith.constant 32 : i32
      %lt3A_735 = arith.cmpi slt, %add3A_733, %lt3A_734 : i32
      %convert_element_type3A_736 = arith.extui %lt3A_735 : i1 to i32
      %cond3A_737 = arith.constant 0 : i32
      %cond3A_738 = arith.cmpi ne, %convert_element_type3A_736, %cond3A_737 : i32
      scf.if %cond3A_738 {
        %add3A_825 = arith.constant 4 : i32
        %add3A_826 = arith.addi %add3A_697, %add3A_825 : i32
        %mul3A_827 = arith.constant 128 : i32
        %mul3A_828 = arith.muli %add3A_826, %mul3A_827 : i32
        %add3A_829 = arith.addi %mul3A_2, %mul3A_828 : i32
        %run_scoped3A_830 = arith.constant 1 : i32
        "tpu.region"() ({
          %run_scoped3A_843 = tpu.sem_alloc : memref<!tpu.dma_semaphore, #tpu.memory_space<semaphore_mem>>
          %dma_start3A_844 = arith.constant 0 : i32
          %dma_start3A_845 = tpu.memref_slice %arg5[%run_scoped3A_830, %dma_start3A_844] : memref<4x128xi32, #tpu.memory_space<vmem>> -> memref<1x128xi32, #tpu.memory_space<vmem>>
          %dma_start3A_846 = tpu.memref_squeeze %dma_start3A_845 : memref<1x128xi32, #tpu.memory_space<vmem>> -> memref<128xi32, #tpu.memory_space<vmem>>
          %dma_start3A_847 = tpu.memref_slice %arg3[%add3A_829] : memref<131072xi32, #tpu.memory_space<hbm>> -> memref<128xi32, #tpu.memory_space<hbm>>
          %dma_start3A_848 = arith.constant 0 : i32
          %dma_start3A_849 = tpu.memref_slice %arg5[%run_scoped3A_830, %dma_start3A_848] : memref<4x128xi32, #tpu.memory_space<vmem>> -> memref<1x128xi32, #tpu.memory_space<vmem>>
          %dma_start3A_850 = tpu.memref_squeeze %dma_start3A_849 : memref<1x128xi32, #tpu.memory_space<vmem>> -> memref<128xi32, #tpu.memory_space<vmem>>
          %dma_start3A_851 = tpu.memref_slice %arg3[%add3A_829] : memref<131072xi32, #tpu.memory_space<hbm>> -> memref<128xi32, #tpu.memory_space<hbm>>
          tpu.enqueue_dma source(%dma_start3A_851 : memref<128xi32, #tpu.memory_space<hbm>>) target(%dma_start3A_850 : memref<128xi32, #tpu.memory_space<vmem>>) target_semaphore(%run_scoped3A_843 : memref<!tpu.dma_semaphore, #tpu.memory_space<semaphore_mem>>)
          %dma_wait3A_852 = arith.constant 0 : i32
          %dma_wait3A_853 = tpu.memref_slice %arg5[%run_scoped3A_830, %dma_wait3A_852] : memref<4x128xi32, #tpu.memory_space<vmem>> -> memref<1x128xi32, #tpu.memory_space<vmem>>
          %dma_wait3A_854 = tpu.memref_squeeze %dma_wait3A_853 : memref<1x128xi32, #tpu.memory_space<vmem>> -> memref<128xi32, #tpu.memory_space<vmem>>
          %dma_wait3A_855 = tpu.memref_slice %arg3[%add3A_829] : memref<131072xi32, #tpu.memory_space<hbm>> -> memref<128xi32, #tpu.memory_space<hbm>>
          %dma_wait3A_856 = arith.constant 0 : i32
          %dma_wait3A_857 = tpu.memref_slice %arg5[%run_scoped3A_830, %dma_wait3A_856] : memref<4x128xi32, #tpu.memory_space<vmem>> -> memref<1x128xi32, #tpu.memory_space<vmem>>
          %dma_wait3A_858 = tpu.memref_squeeze %dma_wait3A_857 : memref<1x128xi32, #tpu.memory_space<vmem>> -> memref<128xi32, #tpu.memory_space<vmem>>
          %dma_wait3A_859 = tpu.memref_slice %arg3[%add3A_829] : memref<131072xi32, #tpu.memory_space<hbm>> -> memref<128xi32, #tpu.memory_space<hbm>>
          tpu.wait_dma2 semaphore(%run_scoped3A_843 : memref<!tpu.dma_semaphore, #tpu.memory_space<semaphore_mem>>) src(%dma_wait3A_859 : memref<128xi32, #tpu.memory_space<hbm>>) dst(%dma_wait3A_858 : memref<128xi32, #tpu.memory_space<vmem>>)
          tpu.yield
        }) : () -> ()
        %dma_start3A_831 = arith.constant 1 : i32
        %dma_start3A_832 = arith.constant 1 : i32
        %dma_start3A_833 = arith.constant 0 : i32
        %dma_start3A_834 = arith.constant 0 : i32
        %dma_start3A_835 = tpu.memref_slice %arg6[%dma_start3A_832, %dma_start3A_833, %dma_start3A_834] : memref<4x128x128xf32, #tpu.memory_space<vmem>> -> memref<1x128x128xf32, #tpu.memory_space<vmem>>
        %dma_start3A_836 = tpu.memref_squeeze %dma_start3A_835 : memref<1x128x128xf32, #tpu.memory_space<vmem>> -> memref<128x128xf32, #tpu.memory_space<vmem>>
        %dma_start3A_837 = arith.constant 0 : i32
        %dma_start3A_838 = tpu.memref_slice %arg5[%dma_start3A_831, %dma_start3A_837] : memref<4x128xi32, #tpu.memory_space<vmem>> -> memref<1x128xi32, #tpu.memory_space<vmem>>
        %dma_start3A_839 = tpu.memref_squeeze %dma_start3A_838 : memref<1x128xi32, #tpu.memory_space<vmem>> -> memref<128xi32, #tpu.memory_space<vmem>>
        %dma_start3A_840 = arith.constant 0 : i32
        %dma_start3A_841 = arith.constant 0 : i32
        %dma_start3A_842 = tpu.memref_slice %arg2[%dma_start3A_840, %dma_start3A_841] : memref<8192x128xf32, #tpu.memory_space<hbm>> -> memref<8192x128xf32, #tpu.memory_space<hbm>>
        tpu.enqueue_indirect_dma source(%dma_start3A_842 : memref<8192x128xf32, #tpu.memory_space<hbm>>) target(%dma_start3A_836 : memref<128x128xf32, #tpu.memory_space<vmem>>) offsets(%dma_start3A_839 : memref<128xi32, #tpu.memory_space<vmem>>) semaphore(%arg11 : memref<!tpu.dma_semaphore, #tpu.memory_space<semaphore_mem>>)
      } else {
      }
      %add3A_739 = arith.constant 2 : i32
      %add3A_740 = arith.addi %add3A_656, %add3A_739 : i32
      %ge3A_741 = arith.constant 4 : i32
      %ge3A_742 = arith.cmpi sge, %add3A_740, %ge3A_741 : i32
      %convert_element_type3A_743 = arith.extui %ge3A_742 : i1 to i32
      %cond3A_744 = arith.constant 2 : i32
      %cond3A_745 = arith.constant 0 : i32
      %cond3A_746 = arith.cmpi ne, %convert_element_type3A_743, %cond3A_745 : i32
      scf.if %cond3A_746 {
        %dma_wait3A_825 = arith.constant 0 : i32
        %dma_wait3A_826 = tpu.memref_slice %arg4[%mul3A_4, %dma_wait3A_825] : memref<8192x128xf32, #tpu.memory_space<hbm>> -> memref<8x128xf32, #tpu.memory_space<hbm>>
        %dma_wait3A_827 = arith.constant 0 : i32
        %dma_wait3A_828 = arith.constant 0 : i32
        %dma_wait3A_829 = tpu.memref_slice %arg7[%arg1, %cond3A_744, %dma_wait3A_827, %dma_wait3A_828] : memref<16x4x8x128xf32, #tpu.memory_space<vmem_shared>> -> memref<1x1x8x128xf32, #tpu.memory_space<vmem_shared>>
        %dma_wait3A_830 = tpu.memref_squeeze %dma_wait3A_829 : memref<1x1x8x128xf32, #tpu.memory_space<vmem_shared>> -> memref<8x128xf32, #tpu.memory_space<vmem_shared>>
        tpu.wait_dma2 semaphore(%arg16 : memref<!tpu.dma_semaphore, #tpu.memory_space<semaphore_mem>>) src(%dma_wait3A_830 : memref<8x128xf32, #tpu.memory_space<vmem_shared>>) dst(%dma_wait3A_826 : memref<8x128xf32, #tpu.memory_space<hbm>>)
      } else {
      }
      %run_scoped3A_747 = arith.constant 2 : i32
      "tpu.region"() ({
        %run_scoped3A_825 = tpu.sem_alloc : memref<!tpu.dma_semaphore, #tpu.memory_space<semaphore_mem>>
        %dma_start3A_826 = arith.constant 0 : i32
        %dma_start3A_827 = arith.constant 0 : i32
        %dma_start3A_828 = tpu.memref_slice %arg7[%arg1, %run_scoped3A_747, %dma_start3A_826, %dma_start3A_827] : memref<16x4x8x128xf32, #tpu.memory_space<vmem_shared>> -> memref<1x1x8x128xf32, #tpu.memory_space<vmem_shared>>
        %dma_start3A_829 = tpu.memref_squeeze %dma_start3A_828 : memref<1x1x8x128xf32, #tpu.memory_space<vmem_shared>> -> memref<8x128xf32, #tpu.memory_space<vmem_shared>>
        %dma_start3A_830 = arith.constant 0 : i32
        %dma_start3A_831 = arith.constant 0 : i32
        %dma_start3A_832 = tpu.memref_slice %arg7[%arg1, %run_scoped3A_747, %dma_start3A_830, %dma_start3A_831] : memref<16x4x8x128xf32, #tpu.memory_space<vmem_shared>> -> memref<1x1x8x128xf32, #tpu.memory_space<vmem_shared>>
        %dma_start3A_833 = tpu.memref_squeeze %dma_start3A_832 : memref<1x1x8x128xf32, #tpu.memory_space<vmem_shared>> -> memref<8x128xf32, #tpu.memory_space<vmem_shared>>
        tpu.enqueue_dma source(%arg8 : memref<8x128xf32, #tpu.memory_space<vmem>>) target(%dma_start3A_833 : memref<8x128xf32, #tpu.memory_space<vmem_shared>>) target_semaphore(%run_scoped3A_825 : memref<!tpu.dma_semaphore, #tpu.memory_space<semaphore_mem>>)
        %dma_wait3A_834 = arith.constant 0 : i32
        %dma_wait3A_835 = arith.constant 0 : i32
        %dma_wait3A_836 = tpu.memref_slice %arg7[%arg1, %run_scoped3A_747, %dma_wait3A_834, %dma_wait3A_835] : memref<16x4x8x128xf32, #tpu.memory_space<vmem_shared>> -> memref<1x1x8x128xf32, #tpu.memory_space<vmem_shared>>
        %dma_wait3A_837 = tpu.memref_squeeze %dma_wait3A_836 : memref<1x1x8x128xf32, #tpu.memory_space<vmem_shared>> -> memref<8x128xf32, #tpu.memory_space<vmem_shared>>
        %dma_wait3A_838 = arith.constant 0 : i32
        %dma_wait3A_839 = arith.constant 0 : i32
        %dma_wait3A_840 = tpu.memref_slice %arg7[%arg1, %run_scoped3A_747, %dma_wait3A_838, %dma_wait3A_839] : memref<16x4x8x128xf32, #tpu.memory_space<vmem_shared>> -> memref<1x1x8x128xf32, #tpu.memory_space<vmem_shared>>
        %dma_wait3A_841 = tpu.memref_squeeze %dma_wait3A_840 : memref<1x1x8x128xf32, #tpu.memory_space<vmem_shared>> -> memref<8x128xf32, #tpu.memory_space<vmem_shared>>
        tpu.wait_dma2 semaphore(%run_scoped3A_825 : memref<!tpu.dma_semaphore, #tpu.memory_space<semaphore_mem>>) src(%arg8 : memref<8x128xf32, #tpu.memory_space<vmem>>) dst(%dma_wait3A_841 : memref<8x128xf32, #tpu.memory_space<vmem_shared>>)
        tpu.yield
      }) : () -> ()
      %dma_wait3A_748 = arith.constant 2 : i32
      %dma_wait3A_749 = arith.constant 0 : i32
      %dma_wait3A_750 = arith.constant 0 : i32
      %dma_wait3A_751 = tpu.memref_slice %arg6[%dma_wait3A_748, %dma_wait3A_749, %dma_wait3A_750] : memref<4x128x128xf32, #tpu.memory_space<vmem>> -> memref<1x128x128xf32, #tpu.memory_space<vmem>>
      %dma_wait3A_752 = tpu.memref_squeeze %dma_wait3A_751 : memref<1x128x128xf32, #tpu.memory_space<vmem>> -> memref<128x128xf32, #tpu.memory_space<vmem>>
      %dma_wait3A_753 = arith.constant 0 : i32
      %dma_wait3A_754 = arith.constant 0 : i32
      %dma_wait3A_755 = tpu.memref_slice %arg2[%dma_wait3A_753, %dma_wait3A_754] : memref<8192x128xf32, #tpu.memory_space<hbm>> -> memref<128x128xf32, #tpu.memory_space<hbm>>
      %dma_wait3A_756 = arith.constant 0 : i32
      %dma_wait3A_757 = arith.constant 0 : i32
      %dma_wait3A_758 = tpu.memref_slice %arg6[%dma_wait3A_748, %dma_wait3A_756, %dma_wait3A_757] : memref<4x128x128xf32, #tpu.memory_space<vmem>> -> memref<1x128x128xf32, #tpu.memory_space<vmem>>
      %dma_wait3A_759 = tpu.memref_squeeze %dma_wait3A_758 : memref<1x128x128xf32, #tpu.memory_space<vmem>> -> memref<128x128xf32, #tpu.memory_space<vmem>>
      %dma_wait3A_760 = arith.constant 0 : i32
      %dma_wait3A_761 = arith.constant 0 : i32
      %dma_wait3A_762 = tpu.memref_slice %arg2[%dma_wait3A_760, %dma_wait3A_761] : memref<8192x128xf32, #tpu.memory_space<hbm>> -> memref<128x128xf32, #tpu.memory_space<hbm>>
      tpu.wait_dma2 semaphore(%arg12 : memref<!tpu.dma_semaphore, #tpu.memory_space<semaphore_mem>>) src(%dma_wait3A_762 : memref<128x128xf32, #tpu.memory_space<hbm>>) dst(%dma_wait3A_759 : memref<128x128xf32, #tpu.memory_space<vmem>>)
      %run_scoped3A_763 = arith.constant 2 : i32
      %run_scoped3A_764 = arith.constant 2 : i32
      "tpu.region"() ({
        %run_scoped3A_825 = tpu.sem_alloc : memref<!tpu.dma_semaphore, #tpu.memory_space<semaphore_mem>>
        %dma_start3A_826 = arith.constant 0 : i32
        %dma_start3A_827 = arith.constant 0 : i32
        %dma_start3A_828 = tpu.memref_slice %arg6[%run_scoped3A_763, %dma_start3A_826, %dma_start3A_827] : memref<4x128x128xf32, #tpu.memory_space<vmem>> -> memref<1x128x128xf32, #tpu.memory_space<vmem>>
        %dma_start3A_829 = tpu.memref_squeeze %dma_start3A_828 : memref<1x128x128xf32, #tpu.memory_space<vmem>> -> memref<128x128xf32, #tpu.memory_space<vmem>>
        %dma_start3A_830 = arith.constant 0 : i32
        %dma_start3A_831 = arith.constant 0 : i32
        %dma_start3A_832 = tpu.memref_slice %arg7[%arg1, %run_scoped3A_764, %dma_start3A_830, %dma_start3A_831] : memref<16x4x8x128xf32, #tpu.memory_space<vmem_shared>> -> memref<1x1x8x128xf32, #tpu.memory_space<vmem_shared>>
        %dma_start3A_833 = tpu.memref_squeeze %dma_start3A_832 : memref<1x1x8x128xf32, #tpu.memory_space<vmem_shared>> -> memref<8x128xf32, #tpu.memory_space<vmem_shared>>
        %dma_start3A_834 = arith.constant 0 : i32
        %dma_start3A_835 = arith.constant 0 : i32
        %dma_start3A_836 = tpu.memref_slice %dma_start3A_833[%dma_start3A_834, %dma_start3A_835] : memref<8x128xf32, #tpu.memory_space<vmem_shared>> -> memref<8x128xf32, #tpu.memory_space<vmem_shared>>
        tpu.enqueue_indirect_dma source(%dma_start3A_829 : memref<128x128xf32, #tpu.memory_space<vmem>>) target(%dma_start3A_836 : memref<8x128xf32, #tpu.memory_space<vmem_shared>>) offsets(%arg9 : memref<128xi32, #tpu.memory_space<vmem>>) semaphore(%run_scoped3A_825 : memref<!tpu.dma_semaphore, #tpu.memory_space<semaphore_mem>>) {add = true}
        %dma_wait3A_837 = arith.constant 0 : i32
        %dma_wait3A_838 = arith.constant 0 : i32
        %dma_wait3A_839 = tpu.memref_slice %arg6[%run_scoped3A_763, %dma_wait3A_837, %dma_wait3A_838] : memref<4x128x128xf32, #tpu.memory_space<vmem>> -> memref<1x128x128xf32, #tpu.memory_space<vmem>>
        %dma_wait3A_840 = tpu.memref_squeeze %dma_wait3A_839 : memref<1x128x128xf32, #tpu.memory_space<vmem>> -> memref<128x128xf32, #tpu.memory_space<vmem>>
        %dma_wait3A_841 = arith.constant 0 : i32
        %dma_wait3A_842 = arith.constant 0 : i32
        %dma_wait3A_843 = tpu.memref_slice %arg7[%arg1, %run_scoped3A_764, %dma_wait3A_841, %dma_wait3A_842] : memref<16x4x8x128xf32, #tpu.memory_space<vmem_shared>> -> memref<1x1x8x128xf32, #tpu.memory_space<vmem_shared>>
        %dma_wait3A_844 = tpu.memref_squeeze %dma_wait3A_843 : memref<1x1x8x128xf32, #tpu.memory_space<vmem_shared>> -> memref<8x128xf32, #tpu.memory_space<vmem_shared>>
        %dma_wait3A_845 = arith.constant 0 : i32
        %dma_wait3A_846 = arith.constant 0 : i32
        %dma_wait3A_847 = tpu.memref_slice %dma_wait3A_844[%dma_wait3A_845, %dma_wait3A_846] : memref<8x128xf32, #tpu.memory_space<vmem_shared>> -> memref<8x128xf32, #tpu.memory_space<vmem_shared>>
        tpu.wait_indirect_dma semaphore(%run_scoped3A_825 : memref<!tpu.dma_semaphore, #tpu.memory_space<semaphore_mem>>) src(%dma_wait3A_840 : memref<128x128xf32, #tpu.memory_space<vmem>>) dst(%dma_wait3A_847 : memref<8x128xf32, #tpu.memory_space<vmem_shared>>)
        tpu.yield
      }) : () -> ()
      %mul3A_765 = arith.constant 8 : i32
      %mul3A_766 = arith.muli %add3A_740, %mul3A_765 : i32
      %add3A_767 = arith.addi %mul3A_4, %mul3A_766 : i32
      %dma_start3A_768 = arith.constant 2 : i32
      %dma_start3A_769 = arith.constant 0 : i32
      %dma_start3A_770 = tpu.memref_slice %arg4[%add3A_767, %dma_start3A_769] : memref<8192x128xf32, #tpu.memory_space<hbm>> -> memref<8x128xf32, #tpu.memory_space<hbm>>
      %dma_start3A_771 = arith.constant 0 : i32
      %dma_start3A_772 = arith.constant 0 : i32
      %dma_start3A_773 = tpu.memref_slice %arg7[%arg1, %dma_start3A_768, %dma_start3A_771, %dma_start3A_772] : memref<16x4x8x128xf32, #tpu.memory_space<vmem_shared>> -> memref<1x1x8x128xf32, #tpu.memory_space<vmem_shared>>
      %dma_start3A_774 = tpu.memref_squeeze %dma_start3A_773 : memref<1x1x8x128xf32, #tpu.memory_space<vmem_shared>> -> memref<8x128xf32, #tpu.memory_space<vmem_shared>>
      tpu.enqueue_dma source(%dma_start3A_774 : memref<8x128xf32, #tpu.memory_space<vmem_shared>>) target(%dma_start3A_770 : memref<8x128xf32, #tpu.memory_space<hbm>>) target_semaphore(%arg16 : memref<!tpu.dma_semaphore, #tpu.memory_space<semaphore_mem>>)
      %add3A_775 = arith.constant 4 : i32
      %add3A_776 = arith.addi %add3A_740, %add3A_775 : i32
      %lt3A_777 = arith.constant 32 : i32
      %lt3A_778 = arith.cmpi slt, %add3A_776, %lt3A_777 : i32
      %convert_element_type3A_779 = arith.extui %lt3A_778 : i1 to i32
      %cond3A_780 = arith.constant 0 : i32
      %cond3A_781 = arith.cmpi ne, %convert_element_type3A_779, %cond3A_780 : i32
      scf.if %cond3A_781 {
        %add3A_825 = arith.constant 4 : i32
        %add3A_826 = arith.addi %add3A_740, %add3A_825 : i32
        %mul3A_827 = arith.constant 128 : i32
        %mul3A_828 = arith.muli %add3A_826, %mul3A_827 : i32
        %add3A_829 = arith.addi %mul3A_2, %mul3A_828 : i32
        %run_scoped3A_830 = arith.constant 2 : i32
        "tpu.region"() ({
          %run_scoped3A_843 = tpu.sem_alloc : memref<!tpu.dma_semaphore, #tpu.memory_space<semaphore_mem>>
          %dma_start3A_844 = arith.constant 0 : i32
          %dma_start3A_845 = tpu.memref_slice %arg5[%run_scoped3A_830, %dma_start3A_844] : memref<4x128xi32, #tpu.memory_space<vmem>> -> memref<1x128xi32, #tpu.memory_space<vmem>>
          %dma_start3A_846 = tpu.memref_squeeze %dma_start3A_845 : memref<1x128xi32, #tpu.memory_space<vmem>> -> memref<128xi32, #tpu.memory_space<vmem>>
          %dma_start3A_847 = tpu.memref_slice %arg3[%add3A_829] : memref<131072xi32, #tpu.memory_space<hbm>> -> memref<128xi32, #tpu.memory_space<hbm>>
          %dma_start3A_848 = arith.constant 0 : i32
          %dma_start3A_849 = tpu.memref_slice %arg5[%run_scoped3A_830, %dma_start3A_848] : memref<4x128xi32, #tpu.memory_space<vmem>> -> memref<1x128xi32, #tpu.memory_space<vmem>>
          %dma_start3A_850 = tpu.memref_squeeze %dma_start3A_849 : memref<1x128xi32, #tpu.memory_space<vmem>> -> memref<128xi32, #tpu.memory_space<vmem>>
          %dma_start3A_851 = tpu.memref_slice %arg3[%add3A_829] : memref<131072xi32, #tpu.memory_space<hbm>> -> memref<128xi32, #tpu.memory_space<hbm>>
          tpu.enqueue_dma source(%dma_start3A_851 : memref<128xi32, #tpu.memory_space<hbm>>) target(%dma_start3A_850 : memref<128xi32, #tpu.memory_space<vmem>>) target_semaphore(%run_scoped3A_843 : memref<!tpu.dma_semaphore, #tpu.memory_space<semaphore_mem>>)
          %dma_wait3A_852 = arith.constant 0 : i32
          %dma_wait3A_853 = tpu.memref_slice %arg5[%run_scoped3A_830, %dma_wait3A_852] : memref<4x128xi32, #tpu.memory_space<vmem>> -> memref<1x128xi32, #tpu.memory_space<vmem>>
          %dma_wait3A_854 = tpu.memref_squeeze %dma_wait3A_853 : memref<1x128xi32, #tpu.memory_space<vmem>> -> memref<128xi32, #tpu.memory_space<vmem>>
          %dma_wait3A_855 = tpu.memref_slice %arg3[%add3A_829] : memref<131072xi32, #tpu.memory_space<hbm>> -> memref<128xi32, #tpu.memory_space<hbm>>
          %dma_wait3A_856 = arith.constant 0 : i32
          %dma_wait3A_857 = tpu.memref_slice %arg5[%run_scoped3A_830, %dma_wait3A_856] : memref<4x128xi32, #tpu.memory_space<vmem>> -> memref<1x128xi32, #tpu.memory_space<vmem>>
          %dma_wait3A_858 = tpu.memref_squeeze %dma_wait3A_857 : memref<1x128xi32, #tpu.memory_space<vmem>> -> memref<128xi32, #tpu.memory_space<vmem>>
          %dma_wait3A_859 = tpu.memref_slice %arg3[%add3A_829] : memref<131072xi32, #tpu.memory_space<hbm>> -> memref<128xi32, #tpu.memory_space<hbm>>
          tpu.wait_dma2 semaphore(%run_scoped3A_843 : memref<!tpu.dma_semaphore, #tpu.memory_space<semaphore_mem>>) src(%dma_wait3A_859 : memref<128xi32, #tpu.memory_space<hbm>>) dst(%dma_wait3A_858 : memref<128xi32, #tpu.memory_space<vmem>>)
          tpu.yield
        }) : () -> ()
        %dma_start3A_831 = arith.constant 2 : i32
        %dma_start3A_832 = arith.constant 2 : i32
        %dma_start3A_833 = arith.constant 0 : i32
        %dma_start3A_834 = arith.constant 0 : i32
        %dma_start3A_835 = tpu.memref_slice %arg6[%dma_start3A_832, %dma_start3A_833, %dma_start3A_834] : memref<4x128x128xf32, #tpu.memory_space<vmem>> -> memref<1x128x128xf32, #tpu.memory_space<vmem>>
        %dma_start3A_836 = tpu.memref_squeeze %dma_start3A_835 : memref<1x128x128xf32, #tpu.memory_space<vmem>> -> memref<128x128xf32, #tpu.memory_space<vmem>>
        %dma_start3A_837 = arith.constant 0 : i32
        %dma_start3A_838 = tpu.memref_slice %arg5[%dma_start3A_831, %dma_start3A_837] : memref<4x128xi32, #tpu.memory_space<vmem>> -> memref<1x128xi32, #tpu.memory_space<vmem>>
        %dma_start3A_839 = tpu.memref_squeeze %dma_start3A_838 : memref<1x128xi32, #tpu.memory_space<vmem>> -> memref<128xi32, #tpu.memory_space<vmem>>
        %dma_start3A_840 = arith.constant 0 : i32
        %dma_start3A_841 = arith.constant 0 : i32
        %dma_start3A_842 = tpu.memref_slice %arg2[%dma_start3A_840, %dma_start3A_841] : memref<8192x128xf32, #tpu.memory_space<hbm>> -> memref<8192x128xf32, #tpu.memory_space<hbm>>
        tpu.enqueue_indirect_dma source(%dma_start3A_842 : memref<8192x128xf32, #tpu.memory_space<hbm>>) target(%dma_start3A_836 : memref<128x128xf32, #tpu.memory_space<vmem>>) offsets(%dma_start3A_839 : memref<128xi32, #tpu.memory_space<vmem>>) semaphore(%arg12 : memref<!tpu.dma_semaphore, #tpu.memory_space<semaphore_mem>>)
      } else {
      }
      %add3A_782 = arith.constant 3 : i32
      %add3A_783 = arith.addi %add3A_656, %add3A_782 : i32
      %ge3A_784 = arith.constant 4 : i32
      %ge3A_785 = arith.cmpi sge, %add3A_783, %ge3A_784 : i32
      %convert_element_type3A_786 = arith.extui %ge3A_785 : i1 to i32
      %cond3A_787 = arith.constant 3 : i32
      %cond3A_788 = arith.constant 0 : i32
      %cond3A_789 = arith.cmpi ne, %convert_element_type3A_786, %cond3A_788 : i32
      scf.if %cond3A_789 {
        %dma_wait3A_825 = arith.constant 0 : i32
        %dma_wait3A_826 = tpu.memref_slice %arg4[%mul3A_4, %dma_wait3A_825] : memref<8192x128xf32, #tpu.memory_space<hbm>> -> memref<8x128xf32, #tpu.memory_space<hbm>>
        %dma_wait3A_827 = arith.constant 0 : i32
        %dma_wait3A_828 = arith.constant 0 : i32
        %dma_wait3A_829 = tpu.memref_slice %arg7[%arg1, %cond3A_787, %dma_wait3A_827, %dma_wait3A_828] : memref<16x4x8x128xf32, #tpu.memory_space<vmem_shared>> -> memref<1x1x8x128xf32, #tpu.memory_space<vmem_shared>>
        %dma_wait3A_830 = tpu.memref_squeeze %dma_wait3A_829 : memref<1x1x8x128xf32, #tpu.memory_space<vmem_shared>> -> memref<8x128xf32, #tpu.memory_space<vmem_shared>>
        tpu.wait_dma2 semaphore(%arg17 : memref<!tpu.dma_semaphore, #tpu.memory_space<semaphore_mem>>) src(%dma_wait3A_830 : memref<8x128xf32, #tpu.memory_space<vmem_shared>>) dst(%dma_wait3A_826 : memref<8x128xf32, #tpu.memory_space<hbm>>)
      } else {
      }
      %run_scoped3A_790 = arith.constant 3 : i32
      "tpu.region"() ({
        %run_scoped3A_825 = tpu.sem_alloc : memref<!tpu.dma_semaphore, #tpu.memory_space<semaphore_mem>>
        %dma_start3A_826 = arith.constant 0 : i32
        %dma_start3A_827 = arith.constant 0 : i32
        %dma_start3A_828 = tpu.memref_slice %arg7[%arg1, %run_scoped3A_790, %dma_start3A_826, %dma_start3A_827] : memref<16x4x8x128xf32, #tpu.memory_space<vmem_shared>> -> memref<1x1x8x128xf32, #tpu.memory_space<vmem_shared>>
        %dma_start3A_829 = tpu.memref_squeeze %dma_start3A_828 : memref<1x1x8x128xf32, #tpu.memory_space<vmem_shared>> -> memref<8x128xf32, #tpu.memory_space<vmem_shared>>
        %dma_start3A_830 = arith.constant 0 : i32
        %dma_start3A_831 = arith.constant 0 : i32
        %dma_start3A_832 = tpu.memref_slice %arg7[%arg1, %run_scoped3A_790, %dma_start3A_830, %dma_start3A_831] : memref<16x4x8x128xf32, #tpu.memory_space<vmem_shared>> -> memref<1x1x8x128xf32, #tpu.memory_space<vmem_shared>>
        %dma_start3A_833 = tpu.memref_squeeze %dma_start3A_832 : memref<1x1x8x128xf32, #tpu.memory_space<vmem_shared>> -> memref<8x128xf32, #tpu.memory_space<vmem_shared>>
        tpu.enqueue_dma source(%arg8 : memref<8x128xf32, #tpu.memory_space<vmem>>) target(%dma_start3A_833 : memref<8x128xf32, #tpu.memory_space<vmem_shared>>) target_semaphore(%run_scoped3A_825 : memref<!tpu.dma_semaphore, #tpu.memory_space<semaphore_mem>>)
        %dma_wait3A_834 = arith.constant 0 : i32
        %dma_wait3A_835 = arith.constant 0 : i32
        %dma_wait3A_836 = tpu.memref_slice %arg7[%arg1, %run_scoped3A_790, %dma_wait3A_834, %dma_wait3A_835] : memref<16x4x8x128xf32, #tpu.memory_space<vmem_shared>> -> memref<1x1x8x128xf32, #tpu.memory_space<vmem_shared>>
        %dma_wait3A_837 = tpu.memref_squeeze %dma_wait3A_836 : memref<1x1x8x128xf32, #tpu.memory_space<vmem_shared>> -> memref<8x128xf32, #tpu.memory_space<vmem_shared>>
        %dma_wait3A_838 = arith.constant 0 : i32
        %dma_wait3A_839 = arith.constant 0 : i32
        %dma_wait3A_840 = tpu.memref_slice %arg7[%arg1, %run_scoped3A_790, %dma_wait3A_838, %dma_wait3A_839] : memref<16x4x8x128xf32, #tpu.memory_space<vmem_shared>> -> memref<1x1x8x128xf32, #tpu.memory_space<vmem_shared>>
        %dma_wait3A_841 = tpu.memref_squeeze %dma_wait3A_840 : memref<1x1x8x128xf32, #tpu.memory_space<vmem_shared>> -> memref<8x128xf32, #tpu.memory_space<vmem_shared>>
        tpu.wait_dma2 semaphore(%run_scoped3A_825 : memref<!tpu.dma_semaphore, #tpu.memory_space<semaphore_mem>>) src(%arg8 : memref<8x128xf32, #tpu.memory_space<vmem>>) dst(%dma_wait3A_841 : memref<8x128xf32, #tpu.memory_space<vmem_shared>>)
        tpu.yield
      }) : () -> ()
      %dma_wait3A_791 = arith.constant 3 : i32
      %dma_wait3A_792 = arith.constant 0 : i32
      %dma_wait3A_793 = arith.constant 0 : i32
      %dma_wait3A_794 = tpu.memref_slice %arg6[%dma_wait3A_791, %dma_wait3A_792, %dma_wait3A_793] : memref<4x128x128xf32, #tpu.memory_space<vmem>> -> memref<1x128x128xf32, #tpu.memory_space<vmem>>
      %dma_wait3A_795 = tpu.memref_squeeze %dma_wait3A_794 : memref<1x128x128xf32, #tpu.memory_space<vmem>> -> memref<128x128xf32, #tpu.memory_space<vmem>>
      %dma_wait3A_796 = arith.constant 0 : i32
      %dma_wait3A_797 = arith.constant 0 : i32
      %dma_wait3A_798 = tpu.memref_slice %arg2[%dma_wait3A_796, %dma_wait3A_797] : memref<8192x128xf32, #tpu.memory_space<hbm>> -> memref<128x128xf32, #tpu.memory_space<hbm>>
      %dma_wait3A_799 = arith.constant 0 : i32
      %dma_wait3A_800 = arith.constant 0 : i32
      %dma_wait3A_801 = tpu.memref_slice %arg6[%dma_wait3A_791, %dma_wait3A_799, %dma_wait3A_800] : memref<4x128x128xf32, #tpu.memory_space<vmem>> -> memref<1x128x128xf32, #tpu.memory_space<vmem>>
      %dma_wait3A_802 = tpu.memref_squeeze %dma_wait3A_801 : memref<1x128x128xf32, #tpu.memory_space<vmem>> -> memref<128x128xf32, #tpu.memory_space<vmem>>
      %dma_wait3A_803 = arith.constant 0 : i32
      %dma_wait3A_804 = arith.constant 0 : i32
      %dma_wait3A_805 = tpu.memref_slice %arg2[%dma_wait3A_803, %dma_wait3A_804] : memref<8192x128xf32, #tpu.memory_space<hbm>> -> memref<128x128xf32, #tpu.memory_space<hbm>>
      tpu.wait_dma2 semaphore(%arg13 : memref<!tpu.dma_semaphore, #tpu.memory_space<semaphore_mem>>) src(%dma_wait3A_805 : memref<128x128xf32, #tpu.memory_space<hbm>>) dst(%dma_wait3A_802 : memref<128x128xf32, #tpu.memory_space<vmem>>)
      %run_scoped3A_806 = arith.constant 3 : i32
      %run_scoped3A_807 = arith.constant 3 : i32
      "tpu.region"() ({
        %run_scoped3A_825 = tpu.sem_alloc : memref<!tpu.dma_semaphore, #tpu.memory_space<semaphore_mem>>
        %dma_start3A_826 = arith.constant 0 : i32
        %dma_start3A_827 = arith.constant 0 : i32
        %dma_start3A_828 = tpu.memref_slice %arg6[%run_scoped3A_806, %dma_start3A_826, %dma_start3A_827] : memref<4x128x128xf32, #tpu.memory_space<vmem>> -> memref<1x128x128xf32, #tpu.memory_space<vmem>>
        %dma_start3A_829 = tpu.memref_squeeze %dma_start3A_828 : memref<1x128x128xf32, #tpu.memory_space<vmem>> -> memref<128x128xf32, #tpu.memory_space<vmem>>
        %dma_start3A_830 = arith.constant 0 : i32
        %dma_start3A_831 = arith.constant 0 : i32
        %dma_start3A_832 = tpu.memref_slice %arg7[%arg1, %run_scoped3A_807, %dma_start3A_830, %dma_start3A_831] : memref<16x4x8x128xf32, #tpu.memory_space<vmem_shared>> -> memref<1x1x8x128xf32, #tpu.memory_space<vmem_shared>>
        %dma_start3A_833 = tpu.memref_squeeze %dma_start3A_832 : memref<1x1x8x128xf32, #tpu.memory_space<vmem_shared>> -> memref<8x128xf32, #tpu.memory_space<vmem_shared>>
        %dma_start3A_834 = arith.constant 0 : i32
        %dma_start3A_835 = arith.constant 0 : i32
        %dma_start3A_836 = tpu.memref_slice %dma_start3A_833[%dma_start3A_834, %dma_start3A_835] : memref<8x128xf32, #tpu.memory_space<vmem_shared>> -> memref<8x128xf32, #tpu.memory_space<vmem_shared>>
        tpu.enqueue_indirect_dma source(%dma_start3A_829 : memref<128x128xf32, #tpu.memory_space<vmem>>) target(%dma_start3A_836 : memref<8x128xf32, #tpu.memory_space<vmem_shared>>) offsets(%arg9 : memref<128xi32, #tpu.memory_space<vmem>>) semaphore(%run_scoped3A_825 : memref<!tpu.dma_semaphore, #tpu.memory_space<semaphore_mem>>) {add = true}
        %dma_wait3A_837 = arith.constant 0 : i32
        %dma_wait3A_838 = arith.constant 0 : i32
        %dma_wait3A_839 = tpu.memref_slice %arg6[%run_scoped3A_806, %dma_wait3A_837, %dma_wait3A_838] : memref<4x128x128xf32, #tpu.memory_space<vmem>> -> memref<1x128x128xf32, #tpu.memory_space<vmem>>
        %dma_wait3A_840 = tpu.memref_squeeze %dma_wait3A_839 : memref<1x128x128xf32, #tpu.memory_space<vmem>> -> memref<128x128xf32, #tpu.memory_space<vmem>>
        %dma_wait3A_841 = arith.constant 0 : i32
        %dma_wait3A_842 = arith.constant 0 : i32
        %dma_wait3A_843 = tpu.memref_slice %arg7[%arg1, %run_scoped3A_807, %dma_wait3A_841, %dma_wait3A_842] : memref<16x4x8x128xf32, #tpu.memory_space<vmem_shared>> -> memref<1x1x8x128xf32, #tpu.memory_space<vmem_shared>>
        %dma_wait3A_844 = tpu.memref_squeeze %dma_wait3A_843 : memref<1x1x8x128xf32, #tpu.memory_space<vmem_shared>> -> memref<8x128xf32, #tpu.memory_space<vmem_shared>>
        %dma_wait3A_845 = arith.constant 0 : i32
        %dma_wait3A_846 = arith.constant 0 : i32
        %dma_wait3A_847 = tpu.memref_slice %dma_wait3A_844[%dma_wait3A_845, %dma_wait3A_846] : memref<8x128xf32, #tpu.memory_space<vmem_shared>> -> memref<8x128xf32, #tpu.memory_space<vmem_shared>>
        tpu.wait_indirect_dma semaphore(%run_scoped3A_825 : memref<!tpu.dma_semaphore, #tpu.memory_space<semaphore_mem>>) src(%dma_wait3A_840 : memref<128x128xf32, #tpu.memory_space<vmem>>) dst(%dma_wait3A_847 : memref<8x128xf32, #tpu.memory_space<vmem_shared>>)
        tpu.yield
      }) : () -> ()
      %mul3A_808 = arith.constant 8 : i32
      %mul3A_809 = arith.muli %add3A_783, %mul3A_808 : i32
      %add3A_810 = arith.addi %mul3A_4, %mul3A_809 : i32
      %dma_start3A_811 = arith.constant 3 : i32
      %dma_start3A_812 = arith.constant 0 : i32
      %dma_start3A_813 = tpu.memref_slice %arg4[%add3A_810, %dma_start3A_812] : memref<8192x128xf32, #tpu.memory_space<hbm>> -> memref<8x128xf32, #tpu.memory_space<hbm>>
      %dma_start3A_814 = arith.constant 0 : i32
      %dma_start3A_815 = arith.constant 0 : i32
      %dma_start3A_816 = tpu.memref_slice %arg7[%arg1, %dma_start3A_811, %dma_start3A_814, %dma_start3A_815] : memref<16x4x8x128xf32, #tpu.memory_space<vmem_shared>> -> memref<1x1x8x128xf32, #tpu.memory_space<vmem_shared>>
      %dma_start3A_817 = tpu.memref_squeeze %dma_start3A_816 : memref<1x1x8x128xf32, #tpu.memory_space<vmem_shared>> -> memref<8x128xf32, #tpu.memory_space<vmem_shared>>
      tpu.enqueue_dma source(%dma_start3A_817 : memref<8x128xf32, #tpu.memory_space<vmem_shared>>) target(%dma_start3A_813 : memref<8x128xf32, #tpu.memory_space<hbm>>) target_semaphore(%arg17 : memref<!tpu.dma_semaphore, #tpu.memory_space<semaphore_mem>>)
      %add3A_818 = arith.constant 4 : i32
      %add3A_819 = arith.addi %add3A_783, %add3A_818 : i32
      %lt3A_820 = arith.constant 32 : i32
      %lt3A_821 = arith.cmpi slt, %add3A_819, %lt3A_820 : i32
      %convert_element_type3A_822 = arith.extui %lt3A_821 : i1 to i32
      %cond3A_823 = arith.constant 0 : i32
      %cond3A_824 = arith.cmpi ne, %convert_element_type3A_822, %cond3A_823 : i32
      scf.if %cond3A_824 {
        %add3A_825 = arith.constant 4 : i32
        %add3A_826 = arith.addi %add3A_783, %add3A_825 : i32
        %mul3A_827 = arith.constant 128 : i32
        %mul3A_828 = arith.muli %add3A_826, %mul3A_827 : i32
        %add3A_829 = arith.addi %mul3A_2, %mul3A_828 : i32
        %run_scoped3A_830 = arith.constant 3 : i32
        "tpu.region"() ({
          %run_scoped3A_843 = tpu.sem_alloc : memref<!tpu.dma_semaphore, #tpu.memory_space<semaphore_mem>>
          %dma_start3A_844 = arith.constant 0 : i32
          %dma_start3A_845 = tpu.memref_slice %arg5[%run_scoped3A_830, %dma_start3A_844] : memref<4x128xi32, #tpu.memory_space<vmem>> -> memref<1x128xi32, #tpu.memory_space<vmem>>
          %dma_start3A_846 = tpu.memref_squeeze %dma_start3A_845 : memref<1x128xi32, #tpu.memory_space<vmem>> -> memref<128xi32, #tpu.memory_space<vmem>>
          %dma_start3A_847 = tpu.memref_slice %arg3[%add3A_829] : memref<131072xi32, #tpu.memory_space<hbm>> -> memref<128xi32, #tpu.memory_space<hbm>>
          %dma_start3A_848 = arith.constant 0 : i32
          %dma_start3A_849 = tpu.memref_slice %arg5[%run_scoped3A_830, %dma_start3A_848] : memref<4x128xi32, #tpu.memory_space<vmem>> -> memref<1x128xi32, #tpu.memory_space<vmem>>
          %dma_start3A_850 = tpu.memref_squeeze %dma_start3A_849 : memref<1x128xi32, #tpu.memory_space<vmem>> -> memref<128xi32, #tpu.memory_space<vmem>>
          %dma_start3A_851 = tpu.memref_slice %arg3[%add3A_829] : memref<131072xi32, #tpu.memory_space<hbm>> -> memref<128xi32, #tpu.memory_space<hbm>>
          tpu.enqueue_dma source(%dma_start3A_851 : memref<128xi32, #tpu.memory_space<hbm>>) target(%dma_start3A_850 : memref<128xi32, #tpu.memory_space<vmem>>) target_semaphore(%run_scoped3A_843 : memref<!tpu.dma_semaphore, #tpu.memory_space<semaphore_mem>>)
          %dma_wait3A_852 = arith.constant 0 : i32
          %dma_wait3A_853 = tpu.memref_slice %arg5[%run_scoped3A_830, %dma_wait3A_852] : memref<4x128xi32, #tpu.memory_space<vmem>> -> memref<1x128xi32, #tpu.memory_space<vmem>>
          %dma_wait3A_854 = tpu.memref_squeeze %dma_wait3A_853 : memref<1x128xi32, #tpu.memory_space<vmem>> -> memref<128xi32, #tpu.memory_space<vmem>>
          %dma_wait3A_855 = tpu.memref_slice %arg3[%add3A_829] : memref<131072xi32, #tpu.memory_space<hbm>> -> memref<128xi32, #tpu.memory_space<hbm>>
          %dma_wait3A_856 = arith.constant 0 : i32
          %dma_wait3A_857 = tpu.memref_slice %arg5[%run_scoped3A_830, %dma_wait3A_856] : memref<4x128xi32, #tpu.memory_space<vmem>> -> memref<1x128xi32, #tpu.memory_space<vmem>>
          %dma_wait3A_858 = tpu.memref_squeeze %dma_wait3A_857 : memref<1x128xi32, #tpu.memory_space<vmem>> -> memref<128xi32, #tpu.memory_space<vmem>>
          %dma_wait3A_859 = tpu.memref_slice %arg3[%add3A_829] : memref<131072xi32, #tpu.memory_space<hbm>> -> memref<128xi32, #tpu.memory_space<hbm>>
          tpu.wait_dma2 semaphore(%run_scoped3A_843 : memref<!tpu.dma_semaphore, #tpu.memory_space<semaphore_mem>>) src(%dma_wait3A_859 : memref<128xi32, #tpu.memory_space<hbm>>) dst(%dma_wait3A_858 : memref<128xi32, #tpu.memory_space<vmem>>)
          tpu.yield
        }) : () -> ()
        %dma_start3A_831 = arith.constant 3 : i32
        %dma_start3A_832 = arith.constant 3 : i32
        %dma_start3A_833 = arith.constant 0 : i32
        %dma_start3A_834 = arith.constant 0 : i32
        %dma_start3A_835 = tpu.memref_slice %arg6[%dma_start3A_832, %dma_start3A_833, %dma_start3A_834] : memref<4x128x128xf32, #tpu.memory_space<vmem>> -> memref<1x128x128xf32, #tpu.memory_space<vmem>>
        %dma_start3A_836 = tpu.memref_squeeze %dma_start3A_835 : memref<1x128x128xf32, #tpu.memory_space<vmem>> -> memref<128x128xf32, #tpu.memory_space<vmem>>
        %dma_start3A_837 = arith.constant 0 : i32
        %dma_start3A_838 = tpu.memref_slice %arg5[%dma_start3A_831, %dma_start3A_837] : memref<4x128xi32, #tpu.memory_space<vmem>> -> memref<1x128xi32, #tpu.memory_space<vmem>>
        %dma_start3A_839 = tpu.memref_squeeze %dma_start3A_838 : memref<1x128xi32, #tpu.memory_space<vmem>> -> memref<128xi32, #tpu.memory_space<vmem>>
        %dma_start3A_840 = arith.constant 0 : i32
        %dma_start3A_841 = arith.constant 0 : i32
        %dma_start3A_842 = tpu.memref_slice %arg2[%dma_start3A_840, %dma_start3A_841] : memref<8192x128xf32, #tpu.memory_space<hbm>> -> memref<8192x128xf32, #tpu.memory_space<hbm>>
        tpu.enqueue_indirect_dma source(%dma_start3A_842 : memref<8192x128xf32, #tpu.memory_space<hbm>>) target(%dma_start3A_836 : memref<128x128xf32, #tpu.memory_space<vmem>>) offsets(%dma_start3A_839 : memref<128xi32, #tpu.memory_space<vmem>>) semaphore(%arg13 : memref<!tpu.dma_semaphore, #tpu.memory_space<semaphore_mem>>)
      } else {
      }
    }
    %scan3A_624 = arith.constant 8 : i32
    %dma_wait3A = arith.constant 0 : i32
    %dma_wait3A_625 = arith.constant 0 : i32
    %dma_wait3A_626 = tpu.memref_slice %arg4[%mul3A_4, %dma_wait3A_625] : memref<8192x128xf32, #tpu.memory_space<hbm>> -> memref<8x128xf32, #tpu.memory_space<hbm>>
    %dma_wait3A_627 = arith.constant 0 : i32
    %dma_wait3A_628 = arith.constant 0 : i32
    %dma_wait3A_629 = tpu.memref_slice %arg7[%arg1, %dma_wait3A, %dma_wait3A_627, %dma_wait3A_628] : memref<16x4x8x128xf32, #tpu.memory_space<vmem_shared>> -> memref<1x1x8x128xf32, #tpu.memory_space<vmem_shared>>
    %dma_wait3A_630 = tpu.memref_squeeze %dma_wait3A_629 : memref<1x1x8x128xf32, #tpu.memory_space<vmem_shared>> -> memref<8x128xf32, #tpu.memory_space<vmem_shared>>
    tpu.wait_dma2 semaphore(%arg14 : memref<!tpu.dma_semaphore, #tpu.memory_space<semaphore_mem>>) src(%dma_wait3A_630 : memref<8x128xf32, #tpu.memory_space<vmem_shared>>) dst(%dma_wait3A_626 : memref<8x128xf32, #tpu.memory_space<hbm>>)
    %dma_wait3A_631 = arith.constant 1 : i32
    %dma_wait3A_632 = arith.constant 0 : i32
    %dma_wait3A_633 = tpu.memref_slice %arg4[%mul3A_4, %dma_wait3A_632] : memref<8192x128xf32, #tpu.memory_space<hbm>> -> memref<8x128xf32, #tpu.memory_space<hbm>>
    %dma_wait3A_634 = arith.constant 0 : i32
    %dma_wait3A_635 = arith.constant 0 : i32
    %dma_wait3A_636 = tpu.memref_slice %arg7[%arg1, %dma_wait3A_631, %dma_wait3A_634, %dma_wait3A_635] : memref<16x4x8x128xf32, #tpu.memory_space<vmem_shared>> -> memref<1x1x8x128xf32, #tpu.memory_space<vmem_shared>>
    %dma_wait3A_637 = tpu.memref_squeeze %dma_wait3A_636 : memref<1x1x8x128xf32, #tpu.memory_space<vmem_shared>> -> memref<8x128xf32, #tpu.memory_space<vmem_shared>>
    tpu.wait_dma2 semaphore(%arg15 : memref<!tpu.dma_semaphore, #tpu.memory_space<semaphore_mem>>) src(%dma_wait3A_637 : memref<8x128xf32, #tpu.memory_space<vmem_shared>>) dst(%dma_wait3A_633 : memref<8x128xf32, #tpu.memory_space<hbm>>)
    %dma_wait3A_638 = arith.constant 2 : i32
    %dma_wait3A_639 = arith.constant 0 : i32
    %dma_wait3A_640 = tpu.memref_slice %arg4[%mul3A_4, %dma_wait3A_639] : memref<8192x128xf32, #tpu.memory_space<hbm>> -> memref<8x128xf32, #tpu.memory_space<hbm>>
    %dma_wait3A_641 = arith.constant 0 : i32
    %dma_wait3A_642 = arith.constant 0 : i32
    %dma_wait3A_643 = tpu.memref_slice %arg7[%arg1, %dma_wait3A_638, %dma_wait3A_641, %dma_wait3A_642] : memref<16x4x8x128xf32, #tpu.memory_space<vmem_shared>> -> memref<1x1x8x128xf32, #tpu.memory_space<vmem_shared>>
    %dma_wait3A_644 = tpu.memref_squeeze %dma_wait3A_643 : memref<1x1x8x128xf32, #tpu.memory_space<vmem_shared>> -> memref<8x128xf32, #tpu.memory_space<vmem_shared>>
    tpu.wait_dma2 semaphore(%arg16 : memref<!tpu.dma_semaphore, #tpu.memory_space<semaphore_mem>>) src(%dma_wait3A_644 : memref<8x128xf32, #tpu.memory_space<vmem_shared>>) dst(%dma_wait3A_640 : memref<8x128xf32, #tpu.memory_space<hbm>>)
    %dma_wait3A_645 = arith.constant 3 : i32
    %dma_wait3A_646 = arith.constant 0 : i32
    %dma_wait3A_647 = tpu.memref_slice %arg4[%mul3A_4, %dma_wait3A_646] : memref<8192x128xf32, #tpu.memory_space<hbm>> -> memref<8x128xf32, #tpu.memory_space<hbm>>
    %dma_wait3A_648 = arith.constant 0 : i32
    %dma_wait3A_649 = arith.constant 0 : i32
    %dma_wait3A_650 = tpu.memref_slice %arg7[%arg1, %dma_wait3A_645, %dma_wait3A_648, %dma_wait3A_649] : memref<16x4x8x128xf32, #tpu.memory_space<vmem_shared>> -> memref<1x1x8x128xf32, #tpu.memory_space<vmem_shared>>
    %dma_wait3A_651 = tpu.memref_squeeze %dma_wait3A_650 : memref<1x1x8x128xf32, #tpu.memory_space<vmem_shared>> -> memref<8x128xf32, #tpu.memory_space<vmem_shared>>
    tpu.wait_dma2 semaphore(%arg17 : memref<!tpu.dma_semaphore, #tpu.memory_space<semaphore_mem>>) src(%dma_wait3A_651 : memref<8x128xf32, #tpu.memory_space<vmem_shared>>) dst(%dma_wait3A_647 : memref<8x128xf32, #tpu.memory_space<hbm>>)
    return
  }
}

#map = affine_map<(d0, d1) -> (0, 0)>
#map1 = affine_map<(d0, d1) -> (0)>
module attributes {stable_mosaic.version = 14 : i64} {
  func.func @k(%arg0: i32, %arg1: i32, %arg2: memref<8192x128xf32, #tpu.memory_space<hbm>>, %arg3: memref<131072xi32, #tpu.memory_space<hbm>>, %arg4: memref<8192x128xf32, #tpu.memory_space<hbm>>, %arg5: memref<4x128xi32, #tpu.memory_space<vmem>>, %arg6: memref<4x128x128xf32, #tpu.memory_space<vmem>>, %arg7: memref<16x4x8x128xf32, #tpu.memory_space<vmem_shared>>, %arg8: memref<8x128xf32, #tpu.memory_space<vmem>>, %arg9: memref<128xi32, #tpu.memory_space<vmem>>, %arg10: memref<!tpu.dma_semaphore, #tpu.memory_space<semaphore_mem>>, %arg11: memref<!tpu.dma_semaphore, #tpu.memory_space<semaphore_mem>>, %arg12: memref<!tpu.dma_semaphore, #tpu.memory_space<semaphore_mem>>, %arg13: memref<!tpu.dma_semaphore, #tpu.memory_space<semaphore_mem>>, %arg14: memref<!tpu.dma_semaphore, #tpu.memory_space<semaphore_mem>>, %arg15: memref<!tpu.dma_semaphore, #tpu.memory_space<semaphore_mem>>, %arg16: memref<!tpu.dma_semaphore, #tpu.memory_space<semaphore_mem>>, %arg17: memref<!tpu.dma_semaphore, #tpu.memory_space<semaphore_mem>>) attributes {dimension_semantics = [#tpu.dimension_semantics<core_parallel>, #tpu.dimension_semantics<subcore_parallel>], iteration_bounds = array<i64: 2, 16>, scalar_prefetch = 0 : i64, scratch_operands = 13 : i64, tpu.core_type = #tpu.core_type<sc_vector_subcore>, window_params = [{transform_indices = #map}, {transform_indices = #map1}, {transform_indices = #map}]} {
    %mul3A = arith.constant 2 : i32
    %mul3A_0 = arith.muli %arg1, %mul3A : i32
    %add3A = arith.addi %mul3A_0, %arg0 : i32
    %mul3A_1 = arith.constant 4096 : i32
    %mul3A_2 = arith.muli %add3A, %mul3A_1 : i32
    %mul3A_3 = arith.constant 256 : i32
    %mul3A_4 = arith.muli %add3A, %mul3A_3 : i32
    %broadcast_in_dim3A = arith.constant 0 : i32
    %broadcast_in_dim3A_5 = vector.broadcast %broadcast_in_dim3A : i32 to vector<16xi32>
    %swap3A = arith.constant 0 : index
    %swap3A_6 = tpu.vector_load %arg9[%swap3A] {strides = array<i32>} : memref<128xi32, #tpu.memory_space<vmem>>, vector<16xi32>,
    %swap3A_7 = vector.shape_cast %swap3A_6 : vector<16xi32> to vector<16xi32>
    %swap3A_8 = vector.shape_cast %broadcast_in_dim3A_5 : vector<16xi32> to vector<16xi32>
    tpu.vector_store %arg9[%swap3A], %swap3A_8 {strides = array<i32>} : memref<128xi32, #tpu.memory_space<vmem>>, vector<16xi32>,
    %broadcast_in_dim3A_9 = arith.constant 0.000000e+00 : f32
    %broadcast_in_dim3A_10 = vector.broadcast %broadcast_in_dim3A_9 : f32 to vector<16xf32>
    %swap3A_11 = arith.constant 0 : i32
    %swap3A_12 = arith.index_cast %swap3A_11 : i32 to index
    %swap3A_13 = arith.constant 0 : index
    %swap3A_14 = tpu.vector_load %arg8[%swap3A_12, %swap3A_13] {strides = array<i32>} : memref<8x128xf32, #tpu.memory_space<vmem>>, vector<1x16xf32>,
    %swap3A_15 = vector.shape_cast %swap3A_14 : vector<1x16xf32> to vector<16xf32>
    %swap3A_16 = vector.shape_cast %broadcast_in_dim3A_10 : vector<16xf32> to vector<1x16xf32>
    tpu.vector_store %arg8[%swap3A_12, %swap3A_13], %swap3A_16 {strides = array<i32>} : memref<8x128xf32, #tpu.memory_space<vmem>>, vector<1x16xf32>,
    %broadcast_in_dim3A_17 = arith.constant 0.000000e+00 : f32
    %broadcast_in_dim3A_18 = vector.broadcast %broadcast_in_dim3A_17 : f32 to vector<16xf32>
    %swap3A_19 = arith.constant 0 : i32
    %swap3A_20 = arith.index_cast %swap3A_19 : i32 to index
    %swap3A_21 = arith.constant 16 : index
    %swap3A_22 = tpu.vector_load %arg8[%swap3A_20, %swap3A_21] {strides = array<i32>} : memref<8x128xf32, #tpu.memory_space<vmem>>, vector<1x16xf32>,
    %swap3A_23 = vector.shape_cast %swap3A_22 : vector<1x16xf32> to vector<16xf32>
    %swap3A_24 = vector.shape_cast %broadcast_in_dim3A_18 : vector<16xf32> to vector<1x16xf32>
    tpu.vector_store %arg8[%swap3A_20, %swap3A_21], %swap3A_24 {strides = array<i32>} : memref<8x128xf32, #tpu.memory_space<vmem>>, vector<1x16xf32>,
    %broadcast_in_dim3A_25 = arith.constant 0.000000e+00 : f32
    %broadcast_in_dim3A_26 = vector.broadcast %broadcast_in_dim3A_25 : f32 to vector<16xf32>
    %swap3A_27 = arith.constant 0 : i32
    %swap3A_28 = arith.index_cast %swap3A_27 : i32 to index
    %swap3A_29 = arith.constant 32 : index
    %swap3A_30 = tpu.vector_load %arg8[%swap3A_28, %swap3A_29] {strides = array<i32>} : memref<8x128xf32, #tpu.memory_space<vmem>>, vector<1x16xf32>,
    %swap3A_31 = vector.shape_cast %swap3A_30 : vector<1x16xf32> to vector<16xf32>
    %swap3A_32 = vector.shape_cast %broadcast_in_dim3A_26 : vector<16xf32> to vector<1x16xf32>
    tpu.vector_store %arg8[%swap3A_28, %swap3A_29], %swap3A_32 {strides = array<i32>} : memref<8x128xf32, #tpu.memory_space<vmem>>, vector<1x16xf32>,
    %broadcast_in_dim3A_33 = arith.constant 0.000000e+00 : f32
    %broadcast_in_dim3A_34 = vector.broadcast %broadcast_in_dim3A_33 : f32 to vector<16xf32>
    %swap3A_35 = arith.constant 0 : i32
    %swap3A_36 = arith.index_cast %swap3A_35 : i32 to index
    %swap3A_37 = arith.constant 48 : index
    %swap3A_38 = tpu.vector_load %arg8[%swap3A_36, %swap3A_37] {strides = array<i32>} : memref<8x128xf32, #tpu.memory_space<vmem>>, vector<1x16xf32>,
    %swap3A_39 = vector.shape_cast %swap3A_38 : vector<1x16xf32> to vector<16xf32>
    %swap3A_40 = vector.shape_cast %broadcast_in_dim3A_34 : vector<16xf32> to vector<1x16xf32>
    tpu.vector_store %arg8[%swap3A_36, %swap3A_37], %swap3A_40 {strides = array<i32>} : memref<8x128xf32, #tpu.memory_space<vmem>>, vector<1x16xf32>,
    %broadcast_in_dim3A_41 = arith.constant 0.000000e+00 : f32
    %broadcast_in_dim3A_42 = vector.broadcast %broadcast_in_dim3A_41 : f32 to vector<16xf32>
    %swap3A_43 = arith.constant 0 : i32
    %swap3A_44 = arith.index_cast %swap3A_43 : i32 to index
    %swap3A_45 = arith.constant 64 : index
    %swap3A_46 = tpu.vector_load %arg8[%swap3A_44, %swap3A_45] {strides = array<i32>} : memref<8x128xf32, #tpu.memory_space<vmem>>, vector<1x16xf32>,
    %swap3A_47 = vector.shape_cast %swap3A_46 : vector<1x16xf32> to vector<16xf32>
    %swap3A_48 = vector.shape_cast %broadcast_in_dim3A_42 : vector<16xf32> to vector<1x16xf32>
    tpu.vector_store %arg8[%swap3A_44, %swap3A_45], %swap3A_48 {strides = array<i32>} : memref<8x128xf32, #tpu.memory_space<vmem>>, vector<1x16xf32>,
    %broadcast_in_dim3A_49 = arith.constant 0.000000e+00 : f32
    %broadcast_in_dim3A_50 = vector.broadcast %broadcast_in_dim3A_49 : f32 to vector<16xf32>
    %swap3A_51 = arith.constant 0 : i32
    %swap3A_52 = arith.index_cast %swap3A_51 : i32 to index
    %swap3A_53 = arith.constant 80 : index
    %swap3A_54 = tpu.vector_load %arg8[%swap3A_52, %swap3A_53] {strides = array<i32>} : memref<8x128xf32, #tpu.memory_space<vmem>>, vector<1x16xf32>,
    %swap3A_55 = vector.shape_cast %swap3A_54 : vector<1x16xf32> to vector<16xf32>
    %swap3A_56 = vector.shape_cast %broadcast_in_dim3A_50 : vector<16xf32> to vector<1x16xf32>
    tpu.vector_store %arg8[%swap3A_52, %swap3A_53], %swap3A_56 {strides = array<i32>} : memref<8x128xf32, #tpu.memory_space<vmem>>, vector<1x16xf32>,
    %broadcast_in_dim3A_57 = arith.constant 0.000000e+00 : f32
    %broadcast_in_dim3A_58 = vector.broadcast %broadcast_in_dim3A_57 : f32 to vector<16xf32>
    %swap3A_59 = arith.constant 0 : i32
    %swap3A_60 = arith.index_cast %swap3A_59 : i32 to index
    %swap3A_61 = arith.constant 96 : index
    %swap3A_62 = tpu.vector_load %arg8[%swap3A_60, %swap3A_61] {strides = array<i32>} : memref<8x128xf32, #tpu.memory_space<vmem>>, vector<1x16xf32>,
    %swap3A_63 = vector.shape_cast %swap3A_62 : vector<1x16xf32> to vector<16xf32>
    %swap3A_64 = vector.shape_cast %broadcast_in_dim3A_58 : vector<16xf32> to vector<1x16xf32>
    tpu.vector_store %arg8[%swap3A_60, %swap3A_61], %swap3A_64 {strides = array<i32>} : memref<8x128xf32, #tpu.memory_space<vmem>>, vector<1x16xf32>,
    %broadcast_in_dim3A_65 = arith.constant 0.000000e+00 : f32
    %broadcast_in_dim3A_66 = vector.broadcast %broadcast_in_dim3A_65 : f32 to vector<16xf32>
    %swap3A_67 = arith.constant 0 : i32
    %swap3A_68 = arith.index_cast %swap3A_67 : i32 to index
    %swap3A_69 = arith.constant 112 : index
    %swap3A_70 = tpu.vector_load %arg8[%swap3A_68, %swap3A_69] {strides = array<i32>} : memref<8x128xf32, #tpu.memory_space<vmem>>, vector<1x16xf32>,
    %swap3A_71 = vector.shape_cast %swap3A_70 : vector<1x16xf32> to vector<16xf32>
    %swap3A_72 = vector.shape_cast %broadcast_in_dim3A_66 : vector<16xf32> to vector<1x16xf32>
    tpu.vector_store %arg8[%swap3A_68, %swap3A_69], %swap3A_72 {strides = array<i32>} : memref<8x128xf32, #tpu.memory_space<vmem>>, vector<1x16xf32>,
    %broadcast_in_dim3A_73 = arith.constant 1 : i32
    %broadcast_in_dim3A_74 = vector.broadcast %broadcast_in_dim3A_73 : i32 to vector<16xi32>
    %swap3A_75 = arith.constant 16 : index
    %swap3A_76 = tpu.vector_load %arg9[%swap3A_75] {strides = array<i32>} : memref<128xi32, #tpu.memory_space<vmem>>, vector<16xi32>,
    %swap3A_77 = vector.shape_cast %swap3A_76 : vector<16xi32> to vector<16xi32>
    %swap3A_78 = vector.shape_cast %broadcast_in_dim3A_74 : vector<16xi32> to vector<16xi32>
    tpu.vector_store %arg9[%swap3A_75], %swap3A_78 {strides = array<i32>} : memref<128xi32, #tpu.memory_space<vmem>>, vector<16xi32>,
    %broadcast_in_dim3A_79 = arith.constant 0.000000e+00 : f32
    %broadcast_in_dim3A_80 = vector.broadcast %broadcast_in_dim3A_79 : f32 to vector<16xf32>
    %swap3A_81 = arith.constant 1 : i32
    %swap3A_82 = arith.index_cast %swap3A_81 : i32 to index
    %swap3A_83 = arith.constant 0 : index
    %swap3A_84 = tpu.vector_load %arg8[%swap3A_82, %swap3A_83] {strides = array<i32>} : memref<8x128xf32, #tpu.memory_space<vmem>>, vector<1x16xf32>,
    %swap3A_85 = vector.shape_cast %swap3A_84 : vector<1x16xf32> to vector<16xf32>
    %swap3A_86 = vector.shape_cast %broadcast_in_dim3A_80 : vector<16xf32> to vector<1x16xf32>
    tpu.vector_store %arg8[%swap3A_82, %swap3A_83], %swap3A_86 {strides = array<i32>} : memref<8x128xf32, #tpu.memory_space<vmem>>, vector<1x16xf32>,
    %broadcast_in_dim3A_87 = arith.constant 0.000000e+00 : f32
    %broadcast_in_dim3A_88 = vector.broadcast %broadcast_in_dim3A_87 : f32 to vector<16xf32>
    %swap3A_89 = arith.constant 1 : i32
    %swap3A_90 = arith.index_cast %swap3A_89 : i32 to index
    %swap3A_91 = arith.constant 16 : index
    %swap3A_92 = tpu.vector_load %arg8[%swap3A_90, %swap3A_91] {strides = array<i32>} : memref<8x128xf32, #tpu.memory_space<vmem>>, vector<1x16xf32>,
    %swap3A_93 = vector.shape_cast %swap3A_92 : vector<1x16xf32> to vector<16xf32>
    %swap3A_94 = vector.shape_cast %broadcast_in_dim3A_88 : vector<16xf32> to vector<1x16xf32>
    tpu.vector_store %arg8[%swap3A_90, %swap3A_91], %swap3A_94 {strides = array<i32>} : memref<8x128xf32, #tpu.memory_space<vmem>>, vector<1x16xf32>,
    %broadcast_in_dim3A_95 = arith.constant 0.000000e+00 : f32
    %broadcast_in_dim3A_96 = vector.broadcast %broadcast_in_dim3A_95 : f32 to vector<16xf32>
    %swap3A_97 = arith.constant 1 : i32
    %swap3A_98 = arith.index_cast %swap3A_97 : i32 to index
    %swap3A_99 = arith.constant 32 : index
    %swap3A_100 = tpu.vector_load %arg8[%swap3A_98, %swap3A_99] {strides = array<i32>} : memref<8x128xf32, #tpu.memory_space<vmem>>, vector<1x16xf32>,
    %swap3A_101 = vector.shape_cast %swap3A_100 : vector<1x16xf32> to vector<16xf32>
    %swap3A_102 = vector.shape_cast %broadcast_in_dim3A_96 : vector<16xf32> to vector<1x16xf32>
    tpu.vector_store %arg8[%swap3A_98, %swap3A_99], %swap3A_102 {strides = array<i32>} : memref<8x128xf32, #tpu.memory_space<vmem>>, vector<1x16xf32>,
    %broadcast_in_dim3A_103 = arith.constant 0.000000e+00 : f32
    %broadcast_in_dim3A_104 = vector.broadcast %broadcast_in_dim3A_103 : f32 to vector<16xf32>
    %swap3A_105 = arith.constant 1 : i32
    %swap3A_106 = arith.index_cast %swap3A_105 : i32 to index
    %swap3A_107 = arith.constant 48 : index
    %swap3A_108 = tpu.vector_load %arg8[%swap3A_106, %swap3A_107] {strides = array<i32>} : memref<8x128xf32, #tpu.memory_space<vmem>>, vector<1x16xf32>,
    %swap3A_109 = vector.shape_cast %swap3A_108 : vector<1x16xf32> to vector<16xf32>
    %swap3A_110 = vector.shape_cast %broadcast_in_dim3A_104 : vector<16xf32> to vector<1x16xf32>
    tpu.vector_store %arg8[%swap3A_106, %swap3A_107], %swap3A_110 {strides = array<i32>} : memref<8x128xf32, #tpu.memory_space<vmem>>, vector<1x16xf32>,
    %broadcast_in_dim3A_111 = arith.constant 0.000000e+00 : f32
    %broadcast_in_dim3A_112 = vector.broadcast %broadcast_in_dim3A_111 : f32 to vector<16xf32>
    %swap3A_113 = arith.constant 1 : i32
    %swap3A_114 = arith.index_cast %swap3A_113 : i32 to index
    %swap3A_115 = arith.constant 64 : index
    %swap3A_116 = tpu.vector_load %arg8[%swap3A_114, %swap3A_115] {strides = array<i32>} : memref<8x128xf32, #tpu.memory_space<vmem>>, vector<1x16xf32>,
    %swap3A_117 = vector.shape_cast %swap3A_116 : vector<1x16xf32> to vector<16xf32>
    %swap3A_118 = vector.shape_cast %broadcast_in_dim3A_112 : vector<16xf32> to vector<1x16xf32>
    tpu.vector_store %arg8[%swap3A_114, %swap3A_115], %swap3A_118 {strides = array<i32>} : memref<8x128xf32, #tpu.memory_space<vmem>>, vector<1x16xf32>,
    %broadcast_in_dim3A_119 = arith.constant 0.000000e+00 : f32
    %broadcast_in_dim3A_120 = vector.broadcast %broadcast_in_dim3A_119 : f32 to vector<16xf32>
    %swap3A_121 = arith.constant 1 : i32
    %swap3A_122 = arith.index_cast %swap3A_121 : i32 to index
    %swap3A_123 = arith.constant 80 : index
    %swap3A_124 = tpu.vector_load %arg8[%swap3A_122, %swap3A_123] {strides = array<i32>} : memref<8x128xf32, #tpu.memory_space<vmem>>, vector<1x16xf32>,
    %swap3A_125 = vector.shape_cast %swap3A_124 : vector<1x16xf32> to vector<16xf32>
    %swap3A_126 = vector.shape_cast %broadcast_in_dim3A_120 : vector<16xf32> to vector<1x16xf32>
    tpu.vector_store %arg8[%swap3A_122, %swap3A_123], %swap3A_126 {strides = array<i32>} : memref<8x128xf32, #tpu.memory_space<vmem>>, vector<1x16xf32>,
    %broadcast_in_dim3A_127 = arith.constant 0.000000e+00 : f32
    %broadcast_in_dim3A_128 = vector.broadcast %broadcast_in_dim3A_127 : f32 to vector<16xf32>
    %swap3A_129 = arith.constant 1 : i32
    %swap3A_130 = arith.index_cast %swap3A_129 : i32 to index
    %swap3A_131 = arith.constant 96 : index
    %swap3A_132 = tpu.vector_load %arg8[%swap3A_130, %swap3A_131] {strides = array<i32>} : memref<8x128xf32, #tpu.memory_space<vmem>>, vector<1x16xf32>,
    %swap3A_133 = vector.shape_cast %swap3A_132 : vector<1x16xf32> to vector<16xf32>
    %swap3A_134 = vector.shape_cast %broadcast_in_dim3A_128 : vector<16xf32> to vector<1x16xf32>
    tpu.vector_store %arg8[%swap3A_130, %swap3A_131], %swap3A_134 {strides = array<i32>} : memref<8x128xf32, #tpu.memory_space<vmem>>, vector<1x16xf32>,
    %broadcast_in_dim3A_135 = arith.constant 0.000000e+00 : f32
    %broadcast_in_dim3A_136 = vector.broadcast %broadcast_in_dim3A_135 : f32 to vector<16xf32>
    %swap3A_137 = arith.constant 1 : i32
    %swap3A_138 = arith.index_cast %swap3A_137 : i32 to index
    %swap3A_139 = arith.constant 112 : index
    %swap3A_140 = tpu.vector_load %arg8[%swap3A_138, %swap3A_139] {strides = array<i32>} : memref<8x128xf32, #tpu.memory_space<vmem>>, vector<1x16xf32>,
    %swap3A_141 = vector.shape_cast %swap3A_140 : vector<1x16xf32> to vector<16xf32>
    %swap3A_142 = vector.shape_cast %broadcast_in_dim3A_136 : vector<16xf32> to vector<1x16xf32>
    tpu.vector_store %arg8[%swap3A_138, %swap3A_139], %swap3A_142 {strides = array<i32>} : memref<8x128xf32, #tpu.memory_space<vmem>>, vector<1x16xf32>,
    %broadcast_in_dim3A_143 = arith.constant 2 : i32
    %broadcast_in_dim3A_144 = vector.broadcast %broadcast_in_dim3A_143 : i32 to vector<16xi32>
    %swap3A_145 = arith.constant 32 : index
    %swap3A_146 = tpu.vector_load %arg9[%swap3A_145] {strides = array<i32>} : memref<128xi32, #tpu.memory_space<vmem>>, vector<16xi32>,
    %swap3A_147 = vector.shape_cast %swap3A_146 : vector<16xi32> to vector<16xi32>
    %swap3A_148 = vector.shape_cast %broadcast_in_dim3A_144 : vector<16xi32> to vector<16xi32>
    tpu.vector_store %arg9[%swap3A_145], %swap3A_148 {strides = array<i32>} : memref<128xi32, #tpu.memory_space<vmem>>, vector<16xi32>,
    %broadcast_in_dim3A_149 = arith.constant 0.000000e+00 : f32
    %broadcast_in_dim3A_150 = vector.broadcast %broadcast_in_dim3A_149 : f32 to vector<16xf32>
    %swap3A_151 = arith.constant 2 : i32
    %swap3A_152 = arith.index_cast %swap3A_151 : i32 to index
    %swap3A_153 = arith.constant 0 : index
    %swap3A_154 = tpu.vector_load %arg8[%swap3A_152, %swap3A_153] {strides = array<i32>} : memref<8x128xf32, #tpu.memory_space<vmem>>, vector<1x16xf32>,
    %swap3A_155 = vector.shape_cast %swap3A_154 : vector<1x16xf32> to vector<16xf32>
    %swap3A_156 = vector.shape_cast %broadcast_in_dim3A_150 : vector<16xf32> to vector<1x16xf32>
    tpu.vector_store %arg8[%swap3A_152, %swap3A_153], %swap3A_156 {strides = array<i32>} : memref<8x128xf32, #tpu.memory_space<vmem>>, vector<1x16xf32>,
    %broadcast_in_dim3A_157 = arith.constant 0.000000e+00 : f32
    %broadcast_in_dim3A_158 = vector.broadcast %broadcast_in_dim3A_157 : f32 to vector<16xf32>
    %swap3A_159 = arith.constant 2 : i32
    %swap3A_160 = arith.index_cast %swap3A_159 : i32 to index
    %swap3A_161 = arith.constant 16 : index
    %swap3A_162 = tpu.vector_load %arg8[%swap3A_160, %swap3A_161] {strides = array<i32>} : memref<8x128xf32, #tpu.memory_space<vmem>>, vector<1x16xf32>,
    %swap3A_163 = vector.shape_cast %swap3A_162 : vector<1x16xf32> to vector<16xf32>
    %swap3A_164 = vector.shape_cast %broadcast_in_dim3A_158 : vector<16xf32> to vector<1x16xf32>
    tpu.vector_store %arg8[%swap3A_160, %swap3A_161], %swap3A_164 {strides = array<i32>} : memref<8x128xf32, #tpu.memory_space<vmem>>, vector<1x16xf32>,
    %broadcast_in_dim3A_165 = arith.constant 0.000000e+00 : f32
    %broadcast_in_dim3A_166 = vector.broadcast %broadcast_in_dim3A_165 : f32 to vector<16xf32>
    %swap3A_167 = arith.constant 2 : i32
    %swap3A_168 = arith.index_cast %swap3A_167 : i32 to index
    %swap3A_169 = arith.constant 32 : index
    %swap3A_170 = tpu.vector_load %arg8[%swap3A_168, %swap3A_169] {strides = array<i32>} : memref<8x128xf32, #tpu.memory_space<vmem>>, vector<1x16xf32>,
    %swap3A_171 = vector.shape_cast %swap3A_170 : vector<1x16xf32> to vector<16xf32>
    %swap3A_172 = vector.shape_cast %broadcast_in_dim3A_166 : vector<16xf32> to vector<1x16xf32>
    tpu.vector_store %arg8[%swap3A_168, %swap3A_169], %swap3A_172 {strides = array<i32>} : memref<8x128xf32, #tpu.memory_space<vmem>>, vector<1x16xf32>,
    %broadcast_in_dim3A_173 = arith.constant 0.000000e+00 : f32
    %broadcast_in_dim3A_174 = vector.broadcast %broadcast_in_dim3A_173 : f32 to vector<16xf32>
    %swap3A_175 = arith.constant 2 : i32
    %swap3A_176 = arith.index_cast %swap3A_175 : i32 to index
    %swap3A_177 = arith.constant 48 : index
    %swap3A_178 = tpu.vector_load %arg8[%swap3A_176, %swap3A_177] {strides = array<i32>} : memref<8x128xf32, #tpu.memory_space<vmem>>, vector<1x16xf32>,
    %swap3A_179 = vector.shape_cast %swap3A_178 : vector<1x16xf32> to vector<16xf32>
    %swap3A_180 = vector.shape_cast %broadcast_in_dim3A_174 : vector<16xf32> to vector<1x16xf32>
    tpu.vector_store %arg8[%swap3A_176, %swap3A_177], %swap3A_180 {strides = array<i32>} : memref<8x128xf32, #tpu.memory_space<vmem>>, vector<1x16xf32>,
    %broadcast_in_dim3A_181 = arith.constant 0.000000e+00 : f32
    %broadcast_in_dim3A_182 = vector.broadcast %broadcast_in_dim3A_181 : f32 to vector<16xf32>
    %swap3A_183 = arith.constant 2 : i32
    %swap3A_184 = arith.index_cast %swap3A_183 : i32 to index
    %swap3A_185 = arith.constant 64 : index
    %swap3A_186 = tpu.vector_load %arg8[%swap3A_184, %swap3A_185] {strides = array<i32>} : memref<8x128xf32, #tpu.memory_space<vmem>>, vector<1x16xf32>,
    %swap3A_187 = vector.shape_cast %swap3A_186 : vector<1x16xf32> to vector<16xf32>
    %swap3A_188 = vector.shape_cast %broadcast_in_dim3A_182 : vector<16xf32> to vector<1x16xf32>
    tpu.vector_store %arg8[%swap3A_184, %swap3A_185], %swap3A_188 {strides = array<i32>} : memref<8x128xf32, #tpu.memory_space<vmem>>, vector<1x16xf32>,
    %broadcast_in_dim3A_189 = arith.constant 0.000000e+00 : f32
    %broadcast_in_dim3A_190 = vector.broadcast %broadcast_in_dim3A_189 : f32 to vector<16xf32>
    %swap3A_191 = arith.constant 2 : i32
    %swap3A_192 = arith.index_cast %swap3A_191 : i32 to index
    %swap3A_193 = arith.constant 80 : index
    %swap3A_194 = tpu.vector_load %arg8[%swap3A_192, %swap3A_193] {strides = array<i32>} : memref<8x128xf32, #tpu.memory_space<vmem>>, vector<1x16xf32>,
    %swap3A_195 = vector.shape_cast %swap3A_194 : vector<1x16xf32> to vector<16xf32>
    %swap3A_196 = vector.shape_cast %broadcast_in_dim3A_190 : vector<16xf32> to vector<1x16xf32>
    tpu.vector_store %arg8[%swap3A_192, %swap3A_193], %swap3A_196 {strides = array<i32>} : memref<8x128xf32, #tpu.memory_space<vmem>>, vector<1x16xf32>,
    %broadcast_in_dim3A_197 = arith.constant 0.000000e+00 : f32
    %broadcast_in_dim3A_198 = vector.broadcast %broadcast_in_dim3A_197 : f32 to vector<16xf32>
    %swap3A_199 = arith.constant 2 : i32
    %swap3A_200 = arith.index_cast %swap3A_199 : i32 to index
    %swap3A_201 = arith.constant 96 : index
    %swap3A_202 = tpu.vector_load %arg8[%swap3A_200, %swap3A_201] {strides = array<i32>} : memref<8x128xf32, #tpu.memory_space<vmem>>, vector<1x16xf32>,
    %swap3A_203 = vector.shape_cast %swap3A_202 : vector<1x16xf32> to vector<16xf32>
    %swap3A_204 = vector.shape_cast %broadcast_in_dim3A_198 : vector<16xf32> to vector<1x16xf32>
    tpu.vector_store %arg8[%swap3A_200, %swap3A_201], %swap3A_204 {strides = array<i32>} : memref<8x128xf32, #tpu.memory_space<vmem>>, vector<1x16xf32>,
    %broadcast_in_dim3A_205 = arith.constant 0.000000e+00 : f32
    %broadcast_in_dim3A_206 = vector.broadcast %broadcast_in_dim3A_205 : f32 to vector<16xf32>
    %swap3A_207 = arith.constant 2 : i32
    %swap3A_208 = arith.index_cast %swap3A_207 : i32 to index
    %swap3A_209 = arith.constant 112 : index
    %swap3A_210 = tpu.vector_load %arg8[%swap3A_208, %swap3A_209] {strides = array<i32>} : memref<8x128xf32, #tpu.memory_space<vmem>>, vector<1x16xf32>,
    %swap3A_211 = vector.shape_cast %swap3A_210 : vector<1x16xf32> to vector<16xf32>
    %swap3A_212 = vector.shape_cast %broadcast_in_dim3A_206 : vector<16xf32> to vector<1x16xf32>
    tpu.vector_store %arg8[%swap3A_208, %swap3A_209], %swap3A_212 {strides = array<i32>} : memref<8x128xf32, #tpu.memory_space<vmem>>, vector<1x16xf32>,
    %broadcast_in_dim3A_213 = arith.constant 3 : i32
    %broadcast_in_dim3A_214 = vector.broadcast %broadcast_in_dim3A_213 : i32 to vector<16xi32>
    %swap3A_215 = arith.constant 48 : index
    %swap3A_216 = tpu.vector_load %arg9[%swap3A_215] {strides = array<i32>} : memref<128xi32, #tpu.memory_space<vmem>>, vector<16xi32>,
    %swap3A_217 = vector.shape_cast %swap3A_216 : vector<16xi32> to vector<16xi32>
    %swap3A_218 = vector.shape_cast %broadcast_in_dim3A_214 : vector<16xi32> to vector<16xi32>
    tpu.vector_store %arg9[%swap3A_215], %swap3A_218 {strides = array<i32>} : memref<128xi32, #tpu.memory_space<vmem>>, vector<16xi32>,
    %broadcast_in_dim3A_219 = arith.constant 0.000000e+00 : f32
    %broadcast_in_dim3A_220 = vector.broadcast %broadcast_in_dim3A_219 : f32 to vector<16xf32>
    %swap3A_221 = arith.constant 3 : i32
    %swap3A_222 = arith.index_cast %swap3A_221 : i32 to index
    %swap3A_223 = arith.constant 0 : index
    %swap3A_224 = tpu.vector_load %arg8[%swap3A_222, %swap3A_223] {strides = array<i32>} : memref<8x128xf32, #tpu.memory_space<vmem>>, vector<1x16xf32>,
    %swap3A_225 = vector.shape_cast %swap3A_224 : vector<1x16xf32> to vector<16xf32>
    %swap3A_226 = vector.shape_cast %broadcast_in_dim3A_220 : vector<16xf32> to vector<1x16xf32>
    tpu.vector_store %arg8[%swap3A_222, %swap3A_223], %swap3A_226 {strides = array<i32>} : memref<8x128xf32, #tpu.memory_space<vmem>>, vector<1x16xf32>,
    %broadcast_in_dim3A_227 = arith.constant 0.000000e+00 : f32
    %broadcast_in_dim3A_228 = vector.broadcast %broadcast_in_dim3A_227 : f32 to vector<16xf32>
    %swap3A_229 = arith.constant 3 : i32
    %swap3A_230 = arith.index_cast %swap3A_229 : i32 to index
    %swap3A_231 = arith.constant 16 : index
    %swap3A_232 = tpu.vector_load %arg8[%swap3A_230, %swap3A_231] {strides = array<i32>} : memref<8x128xf32, #tpu.memory_space<vmem>>, vector<1x16xf32>,
    %swap3A_233 = vector.shape_cast %swap3A_232 : vector<1x16xf32> to vector<16xf32>
    %swap3A_234 = vector.shape_cast %broadcast_in_dim3A_228 : vector<16xf32> to vector<1x16xf32>
    tpu.vector_store %arg8[%swap3A_230, %swap3A_231], %swap3A_234 {strides = array<i32>} : memref<8x128xf32, #tpu.memory_space<vmem>>, vector<1x16xf32>,
    %broadcast_in_dim3A_235 = arith.constant 0.000000e+00 : f32
    %broadcast_in_dim3A_236 = vector.broadcast %broadcast_in_dim3A_235 : f32 to vector<16xf32>
    %swap3A_237 = arith.constant 3 : i32
    %swap3A_238 = arith.index_cast %swap3A_237 : i32 to index
    %swap3A_239 = arith.constant 32 : index
    %swap3A_240 = tpu.vector_load %arg8[%swap3A_238, %swap3A_239] {strides = array<i32>} : memref<8x128xf32, #tpu.memory_space<vmem>>, vector<1x16xf32>,
    %swap3A_241 = vector.shape_cast %swap3A_240 : vector<1x16xf32> to vector<16xf32>
    %swap3A_242 = vector.shape_cast %broadcast_in_dim3A_236 : vector<16xf32> to vector<1x16xf32>
    tpu.vector_store %arg8[%swap3A_238, %swap3A_239], %swap3A_242 {strides = array<i32>} : memref<8x128xf32, #tpu.memory_space<vmem>>, vector<1x16xf32>,
    %broadcast_in_dim3A_243 = arith.constant 0.000000e+00 : f32
    %broadcast_in_dim3A_244 = vector.broadcast %broadcast_in_dim3A_243 : f32 to vector<16xf32>
    %swap3A_245 = arith.constant 3 : i32
    %swap3A_246 = arith.index_cast %swap3A_245 : i32 to index
    %swap3A_247 = arith.constant 48 : index
    %swap3A_248 = tpu.vector_load %arg8[%swap3A_246, %swap3A_247] {strides = array<i32>} : memref<8x128xf32, #tpu.memory_space<vmem>>, vector<1x16xf32>,
    %swap3A_249 = vector.shape_cast %swap3A_248 : vector<1x16xf32> to vector<16xf32>
    %swap3A_250 = vector.shape_cast %broadcast_in_dim3A_244 : vector<16xf32> to vector<1x16xf32>
    tpu.vector_store %arg8[%swap3A_246, %swap3A_247], %swap3A_250 {strides = array<i32>} : memref<8x128xf32, #tpu.memory_space<vmem>>, vector<1x16xf32>,
    %broadcast_in_dim3A_251 = arith.constant 0.000000e+00 : f32
    %broadcast_in_dim3A_252 = vector.broadcast %broadcast_in_dim3A_251 : f32 to vector<16xf32>
    %swap3A_253 = arith.constant 3 : i32
    %swap3A_254 = arith.index_cast %swap3A_253 : i32 to index
    %swap3A_255 = arith.constant 64 : index
    %swap3A_256 = tpu.vector_load %arg8[%swap3A_254, %swap3A_255] {strides = array<i32>} : memref<8x128xf32, #tpu.memory_space<vmem>>, vector<1x16xf32>,
    %swap3A_257 = vector.shape_cast %swap3A_256 : vector<1x16xf32> to vector<16xf32>
    %swap3A_258 = vector.shape_cast %broadcast_in_dim3A_252 : vector<16xf32> to vector<1x16xf32>
    tpu.vector_store %arg8[%swap3A_254, %swap3A_255], %swap3A_258 {strides = array<i32>} : memref<8x128xf32, #tpu.memory_space<vmem>>, vector<1x16xf32>,
    %broadcast_in_dim3A_259 = arith.constant 0.000000e+00 : f32
    %broadcast_in_dim3A_260 = vector.broadcast %broadcast_in_dim3A_259 : f32 to vector<16xf32>
    %swap3A_261 = arith.constant 3 : i32
    %swap3A_262 = arith.index_cast %swap3A_261 : i32 to index
    %swap3A_263 = arith.constant 80 : index
    %swap3A_264 = tpu.vector_load %arg8[%swap3A_262, %swap3A_263] {strides = array<i32>} : memref<8x128xf32, #tpu.memory_space<vmem>>, vector<1x16xf32>,
    %swap3A_265 = vector.shape_cast %swap3A_264 : vector<1x16xf32> to vector<16xf32>
    %swap3A_266 = vector.shape_cast %broadcast_in_dim3A_260 : vector<16xf32> to vector<1x16xf32>
    tpu.vector_store %arg8[%swap3A_262, %swap3A_263], %swap3A_266 {strides = array<i32>} : memref<8x128xf32, #tpu.memory_space<vmem>>, vector<1x16xf32>,
    %broadcast_in_dim3A_267 = arith.constant 0.000000e+00 : f32
    %broadcast_in_dim3A_268 = vector.broadcast %broadcast_in_dim3A_267 : f32 to vector<16xf32>
    %swap3A_269 = arith.constant 3 : i32
    %swap3A_270 = arith.index_cast %swap3A_269 : i32 to index
    %swap3A_271 = arith.constant 96 : index
    %swap3A_272 = tpu.vector_load %arg8[%swap3A_270, %swap3A_271] {strides = array<i32>} : memref<8x128xf32, #tpu.memory_space<vmem>>, vector<1x16xf32>,
    %swap3A_273 = vector.shape_cast %swap3A_272 : vector<1x16xf32> to vector<16xf32>
    %swap3A_274 = vector.shape_cast %broadcast_in_dim3A_268 : vector<16xf32> to vector<1x16xf32>
    tpu.vector_store %arg8[%swap3A_270, %swap3A_271], %swap3A_274 {strides = array<i32>} : memref<8x128xf32, #tpu.memory_space<vmem>>, vector<1x16xf32>,
    %broadcast_in_dim3A_275 = arith.constant 0.000000e+00 : f32
    %broadcast_in_dim3A_276 = vector.broadcast %broadcast_in_dim3A_275 : f32 to vector<16xf32>
    %swap3A_277 = arith.constant 3 : i32
    %swap3A_278 = arith.index_cast %swap3A_277 : i32 to index
    %swap3A_279 = arith.constant 112 : index
    %swap3A_280 = tpu.vector_load %arg8[%swap3A_278, %swap3A_279] {strides = array<i32>} : memref<8x128xf32, #tpu.memory_space<vmem>>, vector<1x16xf32>,
    %swap3A_281 = vector.shape_cast %swap3A_280 : vector<1x16xf32> to vector<16xf32>
    %swap3A_282 = vector.shape_cast %broadcast_in_dim3A_276 : vector<16xf32> to vector<1x16xf32>
    tpu.vector_store %arg8[%swap3A_278, %swap3A_279], %swap3A_282 {strides = array<i32>} : memref<8x128xf32, #tpu.memory_space<vmem>>, vector<1x16xf32>,
    %broadcast_in_dim3A_283 = arith.constant 4 : i32
    %broadcast_in_dim3A_284 = vector.broadcast %broadcast_in_dim3A_283 : i32 to vector<16xi32>
    %swap3A_285 = arith.constant 64 : index
    %swap3A_286 = tpu.vector_load %arg9[%swap3A_285] {strides = array<i32>} : memref<128xi32, #tpu.memory_space<vmem>>, vector<16xi32>,
    %swap3A_287 = vector.shape_cast %swap3A_286 : vector<16xi32> to vector<16xi32>
    %swap3A_288 = vector.shape_cast %broadcast_in_dim3A_284 : vector<16xi32> to vector<16xi32>
    tpu.vector_store %arg9[%swap3A_285], %swap3A_288 {strides = array<i32>} : memref<128xi32, #tpu.memory_space<vmem>>, vector<16xi32>,
    %broadcast_in_dim3A_289 = arith.constant 0.000000e+00 : f32
    %broadcast_in_dim3A_290 = vector.broadcast %broadcast_in_dim3A_289 : f32 to vector<16xf32>
    %swap3A_291 = arith.constant 4 : i32
    %swap3A_292 = arith.index_cast %swap3A_291 : i32 to index
    %swap3A_293 = arith.constant 0 : index
    %swap3A_294 = tpu.vector_load %arg8[%swap3A_292, %swap3A_293] {strides = array<i32>} : memref<8x128xf32, #tpu.memory_space<vmem>>, vector<1x16xf32>,
    %swap3A_295 = vector.shape_cast %swap3A_294 : vector<1x16xf32> to vector<16xf32>
    %swap3A_296 = vector.shape_cast %broadcast_in_dim3A_290 : vector<16xf32> to vector<1x16xf32>
    tpu.vector_store %arg8[%swap3A_292, %swap3A_293], %swap3A_296 {strides = array<i32>} : memref<8x128xf32, #tpu.memory_space<vmem>>, vector<1x16xf32>,
    %broadcast_in_dim3A_297 = arith.constant 0.000000e+00 : f32
    %broadcast_in_dim3A_298 = vector.broadcast %broadcast_in_dim3A_297 : f32 to vector<16xf32>
    %swap3A_299 = arith.constant 4 : i32
    %swap3A_300 = arith.index_cast %swap3A_299 : i32 to index
    %swap3A_301 = arith.constant 16 : index
    %swap3A_302 = tpu.vector_load %arg8[%swap3A_300, %swap3A_301] {strides = array<i32>} : memref<8x128xf32, #tpu.memory_space<vmem>>, vector<1x16xf32>,
    %swap3A_303 = vector.shape_cast %swap3A_302 : vector<1x16xf32> to vector<16xf32>
    %swap3A_304 = vector.shape_cast %broadcast_in_dim3A_298 : vector<16xf32> to vector<1x16xf32>
    tpu.vector_store %arg8[%swap3A_300, %swap3A_301], %swap3A_304 {strides = array<i32>} : memref<8x128xf32, #tpu.memory_space<vmem>>, vector<1x16xf32>,
    %broadcast_in_dim3A_305 = arith.constant 0.000000e+00 : f32
    %broadcast_in_dim3A_306 = vector.broadcast %broadcast_in_dim3A_305 : f32 to vector<16xf32>
    %swap3A_307 = arith.constant 4 : i32
    %swap3A_308 = arith.index_cast %swap3A_307 : i32 to index
    %swap3A_309 = arith.constant 32 : index
    %swap3A_310 = tpu.vector_load %arg8[%swap3A_308, %swap3A_309] {strides = array<i32>} : memref<8x128xf32, #tpu.memory_space<vmem>>, vector<1x16xf32>,
    %swap3A_311 = vector.shape_cast %swap3A_310 : vector<1x16xf32> to vector<16xf32>
    %swap3A_312 = vector.shape_cast %broadcast_in_dim3A_306 : vector<16xf32> to vector<1x16xf32>
    tpu.vector_store %arg8[%swap3A_308, %swap3A_309], %swap3A_312 {strides = array<i32>} : memref<8x128xf32, #tpu.memory_space<vmem>>, vector<1x16xf32>,
    %broadcast_in_dim3A_313 = arith.constant 0.000000e+00 : f32
    %broadcast_in_dim3A_314 = vector.broadcast %broadcast_in_dim3A_313 : f32 to vector<16xf32>
    %swap3A_315 = arith.constant 4 : i32
    %swap3A_316 = arith.index_cast %swap3A_315 : i32 to index
    %swap3A_317 = arith.constant 48 : index
    %swap3A_318 = tpu.vector_load %arg8[%swap3A_316, %swap3A_317] {strides = array<i32>} : memref<8x128xf32, #tpu.memory_space<vmem>>, vector<1x16xf32>,
    %swap3A_319 = vector.shape_cast %swap3A_318 : vector<1x16xf32> to vector<16xf32>
    %swap3A_320 = vector.shape_cast %broadcast_in_dim3A_314 : vector<16xf32> to vector<1x16xf32>
    tpu.vector_store %arg8[%swap3A_316, %swap3A_317], %swap3A_320 {strides = array<i32>} : memref<8x128xf32, #tpu.memory_space<vmem>>, vector<1x16xf32>,
    %broadcast_in_dim3A_321 = arith.constant 0.000000e+00 : f32
    %broadcast_in_dim3A_322 = vector.broadcast %broadcast_in_dim3A_321 : f32 to vector<16xf32>
    %swap3A_323 = arith.constant 4 : i32
    %swap3A_324 = arith.index_cast %swap3A_323 : i32 to index
    %swap3A_325 = arith.constant 64 : index
    %swap3A_326 = tpu.vector_load %arg8[%swap3A_324, %swap3A_325] {strides = array<i32>} : memref<8x128xf32, #tpu.memory_space<vmem>>, vector<1x16xf32>,
    %swap3A_327 = vector.shape_cast %swap3A_326 : vector<1x16xf32> to vector<16xf32>
    %swap3A_328 = vector.shape_cast %broadcast_in_dim3A_322 : vector<16xf32> to vector<1x16xf32>
    tpu.vector_store %arg8[%swap3A_324, %swap3A_325], %swap3A_328 {strides = array<i32>} : memref<8x128xf32, #tpu.memory_space<vmem>>, vector<1x16xf32>,
    %broadcast_in_dim3A_329 = arith.constant 0.000000e+00 : f32
    %broadcast_in_dim3A_330 = vector.broadcast %broadcast_in_dim3A_329 : f32 to vector<16xf32>
    %swap3A_331 = arith.constant 4 : i32
    %swap3A_332 = arith.index_cast %swap3A_331 : i32 to index
    %swap3A_333 = arith.constant 80 : index
    %swap3A_334 = tpu.vector_load %arg8[%swap3A_332, %swap3A_333] {strides = array<i32>} : memref<8x128xf32, #tpu.memory_space<vmem>>, vector<1x16xf32>,
    %swap3A_335 = vector.shape_cast %swap3A_334 : vector<1x16xf32> to vector<16xf32>
    %swap3A_336 = vector.shape_cast %broadcast_in_dim3A_330 : vector<16xf32> to vector<1x16xf32>
    tpu.vector_store %arg8[%swap3A_332, %swap3A_333], %swap3A_336 {strides = array<i32>} : memref<8x128xf32, #tpu.memory_space<vmem>>, vector<1x16xf32>,
    %broadcast_in_dim3A_337 = arith.constant 0.000000e+00 : f32
    %broadcast_in_dim3A_338 = vector.broadcast %broadcast_in_dim3A_337 : f32 to vector<16xf32>
    %swap3A_339 = arith.constant 4 : i32
    %swap3A_340 = arith.index_cast %swap3A_339 : i32 to index
    %swap3A_341 = arith.constant 96 : index
    %swap3A_342 = tpu.vector_load %arg8[%swap3A_340, %swap3A_341] {strides = array<i32>} : memref<8x128xf32, #tpu.memory_space<vmem>>, vector<1x16xf32>,
    %swap3A_343 = vector.shape_cast %swap3A_342 : vector<1x16xf32> to vector<16xf32>
    %swap3A_344 = vector.shape_cast %broadcast_in_dim3A_338 : vector<16xf32> to vector<1x16xf32>
    tpu.vector_store %arg8[%swap3A_340, %swap3A_341], %swap3A_344 {strides = array<i32>} : memref<8x128xf32, #tpu.memory_space<vmem>>, vector<1x16xf32>,
    %broadcast_in_dim3A_345 = arith.constant 0.000000e+00 : f32
    %broadcast_in_dim3A_346 = vector.broadcast %broadcast_in_dim3A_345 : f32 to vector<16xf32>
    %swap3A_347 = arith.constant 4 : i32
    %swap3A_348 = arith.index_cast %swap3A_347 : i32 to index
    %swap3A_349 = arith.constant 112 : index
    %swap3A_350 = tpu.vector_load %arg8[%swap3A_348, %swap3A_349] {strides = array<i32>} : memref<8x128xf32, #tpu.memory_space<vmem>>, vector<1x16xf32>,
    %swap3A_351 = vector.shape_cast %swap3A_350 : vector<1x16xf32> to vector<16xf32>
    %swap3A_352 = vector.shape_cast %broadcast_in_dim3A_346 : vector<16xf32> to vector<1x16xf32>
    tpu.vector_store %arg8[%swap3A_348, %swap3A_349], %swap3A_352 {strides = array<i32>} : memref<8x128xf32, #tpu.memory_space<vmem>>, vector<1x16xf32>,
    %broadcast_in_dim3A_353 = arith.constant 5 : i32
    %broadcast_in_dim3A_354 = vector.broadcast %broadcast_in_dim3A_353 : i32 to vector<16xi32>
    %swap3A_355 = arith.constant 80 : index
    %swap3A_356 = tpu.vector_load %arg9[%swap3A_355] {strides = array<i32>} : memref<128xi32, #tpu.memory_space<vmem>>, vector<16xi32>,
    %swap3A_357 = vector.shape_cast %swap3A_356 : vector<16xi32> to vector<16xi32>
    %swap3A_358 = vector.shape_cast %broadcast_in_dim3A_354 : vector<16xi32> to vector<16xi32>
    tpu.vector_store %arg9[%swap3A_355], %swap3A_358 {strides = array<i32>} : memref<128xi32, #tpu.memory_space<vmem>>, vector<16xi32>,
    %broadcast_in_dim3A_359 = arith.constant 0.000000e+00 : f32
    %broadcast_in_dim3A_360 = vector.broadcast %broadcast_in_dim3A_359 : f32 to vector<16xf32>
    %swap3A_361 = arith.constant 5 : i32
    %swap3A_362 = arith.index_cast %swap3A_361 : i32 to index
    %swap3A_363 = arith.constant 0 : index
    %swap3A_364 = tpu.vector_load %arg8[%swap3A_362, %swap3A_363] {strides = array<i32>} : memref<8x128xf32, #tpu.memory_space<vmem>>, vector<1x16xf32>,
    %swap3A_365 = vector.shape_cast %swap3A_364 : vector<1x16xf32> to vector<16xf32>
    %swap3A_366 = vector.shape_cast %broadcast_in_dim3A_360 : vector<16xf32> to vector<1x16xf32>
    tpu.vector_store %arg8[%swap3A_362, %swap3A_363], %swap3A_366 {strides = array<i32>} : memref<8x128xf32, #tpu.memory_space<vmem>>, vector<1x16xf32>,
    %broadcast_in_dim3A_367 = arith.constant 0.000000e+00 : f32
    %broadcast_in_dim3A_368 = vector.broadcast %broadcast_in_dim3A_367 : f32 to vector<16xf32>
    %swap3A_369 = arith.constant 5 : i32
    %swap3A_370 = arith.index_cast %swap3A_369 : i32 to index
    %swap3A_371 = arith.constant 16 : index
    %swap3A_372 = tpu.vector_load %arg8[%swap3A_370, %swap3A_371] {strides = array<i32>} : memref<8x128xf32, #tpu.memory_space<vmem>>, vector<1x16xf32>,
    %swap3A_373 = vector.shape_cast %swap3A_372 : vector<1x16xf32> to vector<16xf32>
    %swap3A_374 = vector.shape_cast %broadcast_in_dim3A_368 : vector<16xf32> to vector<1x16xf32>
    tpu.vector_store %arg8[%swap3A_370, %swap3A_371], %swap3A_374 {strides = array<i32>} : memref<8x128xf32, #tpu.memory_space<vmem>>, vector<1x16xf32>,
    %broadcast_in_dim3A_375 = arith.constant 0.000000e+00 : f32
    %broadcast_in_dim3A_376 = vector.broadcast %broadcast_in_dim3A_375 : f32 to vector<16xf32>
    %swap3A_377 = arith.constant 5 : i32
    %swap3A_378 = arith.index_cast %swap3A_377 : i32 to index
    %swap3A_379 = arith.constant 32 : index
    %swap3A_380 = tpu.vector_load %arg8[%swap3A_378, %swap3A_379] {strides = array<i32>} : memref<8x128xf32, #tpu.memory_space<vmem>>, vector<1x16xf32>,
    %swap3A_381 = vector.shape_cast %swap3A_380 : vector<1x16xf32> to vector<16xf32>
    %swap3A_382 = vector.shape_cast %broadcast_in_dim3A_376 : vector<16xf32> to vector<1x16xf32>
    tpu.vector_store %arg8[%swap3A_378, %swap3A_379], %swap3A_382 {strides = array<i32>} : memref<8x128xf32, #tpu.memory_space<vmem>>, vector<1x16xf32>,
    %broadcast_in_dim3A_383 = arith.constant 0.000000e+00 : f32
    %broadcast_in_dim3A_384 = vector.broadcast %broadcast_in_dim3A_383 : f32 to vector<16xf32>
    %swap3A_385 = arith.constant 5 : i32
    %swap3A_386 = arith.index_cast %swap3A_385 : i32 to index
    %swap3A_387 = arith.constant 48 : index
    %swap3A_388 = tpu.vector_load %arg8[%swap3A_386, %swap3A_387] {strides = array<i32>} : memref<8x128xf32, #tpu.memory_space<vmem>>, vector<1x16xf32>,
    %swap3A_389 = vector.shape_cast %swap3A_388 : vector<1x16xf32> to vector<16xf32>
    %swap3A_390 = vector.shape_cast %broadcast_in_dim3A_384 : vector<16xf32> to vector<1x16xf32>
    tpu.vector_store %arg8[%swap3A_386, %swap3A_387], %swap3A_390 {strides = array<i32>} : memref<8x128xf32, #tpu.memory_space<vmem>>, vector<1x16xf32>,
    %broadcast_in_dim3A_391 = arith.constant 0.000000e+00 : f32
    %broadcast_in_dim3A_392 = vector.broadcast %broadcast_in_dim3A_391 : f32 to vector<16xf32>
    %swap3A_393 = arith.constant 5 : i32
    %swap3A_394 = arith.index_cast %swap3A_393 : i32 to index
    %swap3A_395 = arith.constant 64 : index
    %swap3A_396 = tpu.vector_load %arg8[%swap3A_394, %swap3A_395] {strides = array<i32>} : memref<8x128xf32, #tpu.memory_space<vmem>>, vector<1x16xf32>,
    %swap3A_397 = vector.shape_cast %swap3A_396 : vector<1x16xf32> to vector<16xf32>
    %swap3A_398 = vector.shape_cast %broadcast_in_dim3A_392 : vector<16xf32> to vector<1x16xf32>
    tpu.vector_store %arg8[%swap3A_394, %swap3A_395], %swap3A_398 {strides = array<i32>} : memref<8x128xf32, #tpu.memory_space<vmem>>, vector<1x16xf32>,
    %broadcast_in_dim3A_399 = arith.constant 0.000000e+00 : f32
    %broadcast_in_dim3A_400 = vector.broadcast %broadcast_in_dim3A_399 : f32 to vector<16xf32>
    %swap3A_401 = arith.constant 5 : i32
    %swap3A_402 = arith.index_cast %swap3A_401 : i32 to index
    %swap3A_403 = arith.constant 80 : index
    %swap3A_404 = tpu.vector_load %arg8[%swap3A_402, %swap3A_403] {strides = array<i32>} : memref<8x128xf32, #tpu.memory_space<vmem>>, vector<1x16xf32>,
    %swap3A_405 = vector.shape_cast %swap3A_404 : vector<1x16xf32> to vector<16xf32>
    %swap3A_406 = vector.shape_cast %broadcast_in_dim3A_400 : vector<16xf32> to vector<1x16xf32>
    tpu.vector_store %arg8[%swap3A_402, %swap3A_403], %swap3A_406 {strides = array<i32>} : memref<8x128xf32, #tpu.memory_space<vmem>>, vector<1x16xf32>,
    %broadcast_in_dim3A_407 = arith.constant 0.000000e+00 : f32
    %broadcast_in_dim3A_408 = vector.broadcast %broadcast_in_dim3A_407 : f32 to vector<16xf32>
    %swap3A_409 = arith.constant 5 : i32
    %swap3A_410 = arith.index_cast %swap3A_409 : i32 to index
    %swap3A_411 = arith.constant 96 : index
    %swap3A_412 = tpu.vector_load %arg8[%swap3A_410, %swap3A_411] {strides = array<i32>} : memref<8x128xf32, #tpu.memory_space<vmem>>, vector<1x16xf32>,
    %swap3A_413 = vector.shape_cast %swap3A_412 : vector<1x16xf32> to vector<16xf32>
    %swap3A_414 = vector.shape_cast %broadcast_in_dim3A_408 : vector<16xf32> to vector<1x16xf32>
    tpu.vector_store %arg8[%swap3A_410, %swap3A_411], %swap3A_414 {strides = array<i32>} : memref<8x128xf32, #tpu.memory_space<vmem>>, vector<1x16xf32>,
    %broadcast_in_dim3A_415 = arith.constant 0.000000e+00 : f32
    %broadcast_in_dim3A_416 = vector.broadcast %broadcast_in_dim3A_415 : f32 to vector<16xf32>
    %swap3A_417 = arith.constant 5 : i32
    %swap3A_418 = arith.index_cast %swap3A_417 : i32 to index
    %swap3A_419 = arith.constant 112 : index
    %swap3A_420 = tpu.vector_load %arg8[%swap3A_418, %swap3A_419] {strides = array<i32>} : memref<8x128xf32, #tpu.memory_space<vmem>>, vector<1x16xf32>,
    %swap3A_421 = vector.shape_cast %swap3A_420 : vector<1x16xf32> to vector<16xf32>
    %swap3A_422 = vector.shape_cast %broadcast_in_dim3A_416 : vector<16xf32> to vector<1x16xf32>
    tpu.vector_store %arg8[%swap3A_418, %swap3A_419], %swap3A_422 {strides = array<i32>} : memref<8x128xf32, #tpu.memory_space<vmem>>, vector<1x16xf32>,
    %broadcast_in_dim3A_423 = arith.constant 6 : i32
    %broadcast_in_dim3A_424 = vector.broadcast %broadcast_in_dim3A_423 : i32 to vector<16xi32>
    %swap3A_425 = arith.constant 96 : index
    %swap3A_426 = tpu.vector_load %arg9[%swap3A_425] {strides = array<i32>} : memref<128xi32, #tpu.memory_space<vmem>>, vector<16xi32>,
    %swap3A_427 = vector.shape_cast %swap3A_426 : vector<16xi32> to vector<16xi32>
    %swap3A_428 = vector.shape_cast %broadcast_in_dim3A_424 : vector<16xi32> to vector<16xi32>
    tpu.vector_store %arg9[%swap3A_425], %swap3A_428 {strides = array<i32>} : memref<128xi32, #tpu.memory_space<vmem>>, vector<16xi32>,
    %broadcast_in_dim3A_429 = arith.constant 0.000000e+00 : f32
    %broadcast_in_dim3A_430 = vector.broadcast %broadcast_in_dim3A_429 : f32 to vector<16xf32>
    %swap3A_431 = arith.constant 6 : i32
    %swap3A_432 = arith.index_cast %swap3A_431 : i32 to index
    %swap3A_433 = arith.constant 0 : index
    %swap3A_434 = tpu.vector_load %arg8[%swap3A_432, %swap3A_433] {strides = array<i32>} : memref<8x128xf32, #tpu.memory_space<vmem>>, vector<1x16xf32>,
    %swap3A_435 = vector.shape_cast %swap3A_434 : vector<1x16xf32> to vector<16xf32>
    %swap3A_436 = vector.shape_cast %broadcast_in_dim3A_430 : vector<16xf32> to vector<1x16xf32>
    tpu.vector_store %arg8[%swap3A_432, %swap3A_433], %swap3A_436 {strides = array<i32>} : memref<8x128xf32, #tpu.memory_space<vmem>>, vector<1x16xf32>,
    %broadcast_in_dim3A_437 = arith.constant 0.000000e+00 : f32
    %broadcast_in_dim3A_438 = vector.broadcast %broadcast_in_dim3A_437 : f32 to vector<16xf32>
    %swap3A_439 = arith.constant 6 : i32
    %swap3A_440 = arith.index_cast %swap3A_439 : i32 to index
    %swap3A_441 = arith.constant 16 : index
    %swap3A_442 = tpu.vector_load %arg8[%swap3A_440, %swap3A_441] {strides = array<i32>} : memref<8x128xf32, #tpu.memory_space<vmem>>, vector<1x16xf32>,
    %swap3A_443 = vector.shape_cast %swap3A_442 : vector<1x16xf32> to vector<16xf32>
    %swap3A_444 = vector.shape_cast %broadcast_in_dim3A_438 : vector<16xf32> to vector<1x16xf32>
    tpu.vector_store %arg8[%swap3A_440, %swap3A_441], %swap3A_444 {strides = array<i32>} : memref<8x128xf32, #tpu.memory_space<vmem>>, vector<1x16xf32>,
    %broadcast_in_dim3A_445 = arith.constant 0.000000e+00 : f32
    %broadcast_in_dim3A_446 = vector.broadcast %broadcast_in_dim3A_445 : f32 to vector<16xf32>
    %swap3A_447 = arith.constant 6 : i32
    %swap3A_448 = arith.index_cast %swap3A_447 : i32 to index
    %swap3A_449 = arith.constant 32 : index
    %swap3A_450 = tpu.vector_load %arg8[%swap3A_448, %swap3A_449] {strides = array<i32>} : memref<8x128xf32, #tpu.memory_space<vmem>>, vector<1x16xf32>,
    %swap3A_451 = vector.shape_cast %swap3A_450 : vector<1x16xf32> to vector<16xf32>
    %swap3A_452 = vector.shape_cast %broadcast_in_dim3A_446 : vector<16xf32> to vector<1x16xf32>
    tpu.vector_store %arg8[%swap3A_448, %swap3A_449], %swap3A_452 {strides = array<i32>} : memref<8x128xf32, #tpu.memory_space<vmem>>, vector<1x16xf32>,
    %broadcast_in_dim3A_453 = arith.constant 0.000000e+00 : f32
    %broadcast_in_dim3A_454 = vector.broadcast %broadcast_in_dim3A_453 : f32 to vector<16xf32>
    %swap3A_455 = arith.constant 6 : i32
    %swap3A_456 = arith.index_cast %swap3A_455 : i32 to index
    %swap3A_457 = arith.constant 48 : index
    %swap3A_458 = tpu.vector_load %arg8[%swap3A_456, %swap3A_457] {strides = array<i32>} : memref<8x128xf32, #tpu.memory_space<vmem>>, vector<1x16xf32>,
    %swap3A_459 = vector.shape_cast %swap3A_458 : vector<1x16xf32> to vector<16xf32>
    %swap3A_460 = vector.shape_cast %broadcast_in_dim3A_454 : vector<16xf32> to vector<1x16xf32>
    tpu.vector_store %arg8[%swap3A_456, %swap3A_457], %swap3A_460 {strides = array<i32>} : memref<8x128xf32, #tpu.memory_space<vmem>>, vector<1x16xf32>,
    %broadcast_in_dim3A_461 = arith.constant 0.000000e+00 : f32
    %broadcast_in_dim3A_462 = vector.broadcast %broadcast_in_dim3A_461 : f32 to vector<16xf32>
    %swap3A_463 = arith.constant 6 : i32
    %swap3A_464 = arith.index_cast %swap3A_463 : i32 to index
    %swap3A_465 = arith.constant 64 : index
    %swap3A_466 = tpu.vector_load %arg8[%swap3A_464, %swap3A_465] {strides = array<i32>} : memref<8x128xf32, #tpu.memory_space<vmem>>, vector<1x16xf32>,
    %swap3A_467 = vector.shape_cast %swap3A_466 : vector<1x16xf32> to vector<16xf32>
    %swap3A_468 = vector.shape_cast %broadcast_in_dim3A_462 : vector<16xf32> to vector<1x16xf32>
    tpu.vector_store %arg8[%swap3A_464, %swap3A_465], %swap3A_468 {strides = array<i32>} : memref<8x128xf32, #tpu.memory_space<vmem>>, vector<1x16xf32>,
    %broadcast_in_dim3A_469 = arith.constant 0.000000e+00 : f32
    %broadcast_in_dim3A_470 = vector.broadcast %broadcast_in_dim3A_469 : f32 to vector<16xf32>
    %swap3A_471 = arith.constant 6 : i32
    %swap3A_472 = arith.index_cast %swap3A_471 : i32 to index
    %swap3A_473 = arith.constant 80 : index
    %swap3A_474 = tpu.vector_load %arg8[%swap3A_472, %swap3A_473] {strides = array<i32>} : memref<8x128xf32, #tpu.memory_space<vmem>>, vector<1x16xf32>,
    %swap3A_475 = vector.shape_cast %swap3A_474 : vector<1x16xf32> to vector<16xf32>
    %swap3A_476 = vector.shape_cast %broadcast_in_dim3A_470 : vector<16xf32> to vector<1x16xf32>
    tpu.vector_store %arg8[%swap3A_472, %swap3A_473], %swap3A_476 {strides = array<i32>} : memref<8x128xf32, #tpu.memory_space<vmem>>, vector<1x16xf32>,
    %broadcast_in_dim3A_477 = arith.constant 0.000000e+00 : f32
    %broadcast_in_dim3A_478 = vector.broadcast %broadcast_in_dim3A_477 : f32 to vector<16xf32>
    %swap3A_479 = arith.constant 6 : i32
    %swap3A_480 = arith.index_cast %swap3A_479 : i32 to index
    %swap3A_481 = arith.constant 96 : index
    %swap3A_482 = tpu.vector_load %arg8[%swap3A_480, %swap3A_481] {strides = array<i32>} : memref<8x128xf32, #tpu.memory_space<vmem>>, vector<1x16xf32>,
    %swap3A_483 = vector.shape_cast %swap3A_482 : vector<1x16xf32> to vector<16xf32>
    %swap3A_484 = vector.shape_cast %broadcast_in_dim3A_478 : vector<16xf32> to vector<1x16xf32>
    tpu.vector_store %arg8[%swap3A_480, %swap3A_481], %swap3A_484 {strides = array<i32>} : memref<8x128xf32, #tpu.memory_space<vmem>>, vector<1x16xf32>,
    %broadcast_in_dim3A_485 = arith.constant 0.000000e+00 : f32
    %broadcast_in_dim3A_486 = vector.broadcast %broadcast_in_dim3A_485 : f32 to vector<16xf32>
    %swap3A_487 = arith.constant 6 : i32
    %swap3A_488 = arith.index_cast %swap3A_487 : i32 to index
    %swap3A_489 = arith.constant 112 : index
    %swap3A_490 = tpu.vector_load %arg8[%swap3A_488, %swap3A_489] {strides = array<i32>} : memref<8x128xf32, #tpu.memory_space<vmem>>, vector<1x16xf32>,
    %swap3A_491 = vector.shape_cast %swap3A_490 : vector<1x16xf32> to vector<16xf32>
    %swap3A_492 = vector.shape_cast %broadcast_in_dim3A_486 : vector<16xf32> to vector<1x16xf32>
    tpu.vector_store %arg8[%swap3A_488, %swap3A_489], %swap3A_492 {strides = array<i32>} : memref<8x128xf32, #tpu.memory_space<vmem>>, vector<1x16xf32>,
    %broadcast_in_dim3A_493 = arith.constant 7 : i32
    %broadcast_in_dim3A_494 = vector.broadcast %broadcast_in_dim3A_493 : i32 to vector<16xi32>
    %swap3A_495 = arith.constant 112 : index
    %swap3A_496 = tpu.vector_load %arg9[%swap3A_495] {strides = array<i32>} : memref<128xi32, #tpu.memory_space<vmem>>, vector<16xi32>,
    %swap3A_497 = vector.shape_cast %swap3A_496 : vector<16xi32> to vector<16xi32>
    %swap3A_498 = vector.shape_cast %broadcast_in_dim3A_494 : vector<16xi32> to vector<16xi32>
    tpu.vector_store %arg9[%swap3A_495], %swap3A_498 {strides = array<i32>} : memref<128xi32, #tpu.memory_space<vmem>>, vector<16xi32>,
    %broadcast_in_dim3A_499 = arith.constant 0.000000e+00 : f32
    %broadcast_in_dim3A_500 = vector.broadcast %broadcast_in_dim3A_499 : f32 to vector<16xf32>
    %swap3A_501 = arith.constant 7 : i32
    %swap3A_502 = arith.index_cast %swap3A_501 : i32 to index
    %swap3A_503 = arith.constant 0 : index
    %swap3A_504 = tpu.vector_load %arg8[%swap3A_502, %swap3A_503] {strides = array<i32>} : memref<8x128xf32, #tpu.memory_space<vmem>>, vector<1x16xf32>,
    %swap3A_505 = vector.shape_cast %swap3A_504 : vector<1x16xf32> to vector<16xf32>
    %swap3A_506 = vector.shape_cast %broadcast_in_dim3A_500 : vector<16xf32> to vector<1x16xf32>
    tpu.vector_store %arg8[%swap3A_502, %swap3A_503], %swap3A_506 {strides = array<i32>} : memref<8x128xf32, #tpu.memory_space<vmem>>, vector<1x16xf32>,
    %broadcast_in_dim3A_507 = arith.constant 0.000000e+00 : f32
    %broadcast_in_dim3A_508 = vector.broadcast %broadcast_in_dim3A_507 : f32 to vector<16xf32>
    %swap3A_509 = arith.constant 7 : i32
    %swap3A_510 = arith.index_cast %swap3A_509 : i32 to index
    %swap3A_511 = arith.constant 16 : index
    %swap3A_512 = tpu.vector_load %arg8[%swap3A_510, %swap3A_511] {strides = array<i32>} : memref<8x128xf32, #tpu.memory_space<vmem>>, vector<1x16xf32>,
    %swap3A_513 = vector.shape_cast %swap3A_512 : vector<1x16xf32> to vector<16xf32>
    %swap3A_514 = vector.shape_cast %broadcast_in_dim3A_508 : vector<16xf32> to vector<1x16xf32>
    tpu.vector_store %arg8[%swap3A_510, %swap3A_511], %swap3A_514 {strides = array<i32>} : memref<8x128xf32, #tpu.memory_space<vmem>>, vector<1x16xf32>,
    %broadcast_in_dim3A_515 = arith.constant 0.000000e+00 : f32
    %broadcast_in_dim3A_516 = vector.broadcast %broadcast_in_dim3A_515 : f32 to vector<16xf32>
    %swap3A_517 = arith.constant 7 : i32
    %swap3A_518 = arith.index_cast %swap3A_517 : i32 to index
    %swap3A_519 = arith.constant 32 : index
    %swap3A_520 = tpu.vector_load %arg8[%swap3A_518, %swap3A_519] {strides = array<i32>} : memref<8x128xf32, #tpu.memory_space<vmem>>, vector<1x16xf32>,
    %swap3A_521 = vector.shape_cast %swap3A_520 : vector<1x16xf32> to vector<16xf32>
    %swap3A_522 = vector.shape_cast %broadcast_in_dim3A_516 : vector<16xf32> to vector<1x16xf32>
    tpu.vector_store %arg8[%swap3A_518, %swap3A_519], %swap3A_522 {strides = array<i32>} : memref<8x128xf32, #tpu.memory_space<vmem>>, vector<1x16xf32>,
    %broadcast_in_dim3A_523 = arith.constant 0.000000e+00 : f32
    %broadcast_in_dim3A_524 = vector.broadcast %broadcast_in_dim3A_523 : f32 to vector<16xf32>
    %swap3A_525 = arith.constant 7 : i32
    %swap3A_526 = arith.index_cast %swap3A_525 : i32 to index
    %swap3A_527 = arith.constant 48 : index
    %swap3A_528 = tpu.vector_load %arg8[%swap3A_526, %swap3A_527] {strides = array<i32>} : memref<8x128xf32, #tpu.memory_space<vmem>>, vector<1x16xf32>,
    %swap3A_529 = vector.shape_cast %swap3A_528 : vector<1x16xf32> to vector<16xf32>
    %swap3A_530 = vector.shape_cast %broadcast_in_dim3A_524 : vector<16xf32> to vector<1x16xf32>
    tpu.vector_store %arg8[%swap3A_526, %swap3A_527], %swap3A_530 {strides = array<i32>} : memref<8x128xf32, #tpu.memory_space<vmem>>, vector<1x16xf32>,
    %broadcast_in_dim3A_531 = arith.constant 0.000000e+00 : f32
    %broadcast_in_dim3A_532 = vector.broadcast %broadcast_in_dim3A_531 : f32 to vector<16xf32>
    %swap3A_533 = arith.constant 7 : i32
    %swap3A_534 = arith.index_cast %swap3A_533 : i32 to index
    %swap3A_535 = arith.constant 64 : index
    %swap3A_536 = tpu.vector_load %arg8[%swap3A_534, %swap3A_535] {strides = array<i32>} : memref<8x128xf32, #tpu.memory_space<vmem>>, vector<1x16xf32>,
    %swap3A_537 = vector.shape_cast %swap3A_536 : vector<1x16xf32> to vector<16xf32>
    %swap3A_538 = vector.shape_cast %broadcast_in_dim3A_532 : vector<16xf32> to vector<1x16xf32>
    tpu.vector_store %arg8[%swap3A_534, %swap3A_535], %swap3A_538 {strides = array<i32>} : memref<8x128xf32, #tpu.memory_space<vmem>>, vector<1x16xf32>,
    %broadcast_in_dim3A_539 = arith.constant 0.000000e+00 : f32
    %broadcast_in_dim3A_540 = vector.broadcast %broadcast_in_dim3A_539 : f32 to vector<16xf32>
    %swap3A_541 = arith.constant 7 : i32
    %swap3A_542 = arith.index_cast %swap3A_541 : i32 to index
    %swap3A_543 = arith.constant 80 : index
    %swap3A_544 = tpu.vector_load %arg8[%swap3A_542, %swap3A_543] {strides = array<i32>} : memref<8x128xf32, #tpu.memory_space<vmem>>, vector<1x16xf32>,
    %swap3A_545 = vector.shape_cast %swap3A_544 : vector<1x16xf32> to vector<16xf32>
    %swap3A_546 = vector.shape_cast %broadcast_in_dim3A_540 : vector<16xf32> to vector<1x16xf32>
    tpu.vector_store %arg8[%swap3A_542, %swap3A_543], %swap3A_546 {strides = array<i32>} : memref<8x128xf32, #tpu.memory_space<vmem>>, vector<1x16xf32>,
    %broadcast_in_dim3A_547 = arith.constant 0.000000e+00 : f32
    %broadcast_in_dim3A_548 = vector.broadcast %broadcast_in_dim3A_547 : f32 to vector<16xf32>
    %swap3A_549 = arith.constant 7 : i32
    %swap3A_550 = arith.index_cast %swap3A_549 : i32 to index
    %swap3A_551 = arith.constant 96 : index
    %swap3A_552 = tpu.vector_load %arg8[%swap3A_550, %swap3A_551] {strides = array<i32>} : memref<8x128xf32, #tpu.memory_space<vmem>>, vector<1x16xf32>,
    %swap3A_553 = vector.shape_cast %swap3A_552 : vector<1x16xf32> to vector<16xf32>
    %swap3A_554 = vector.shape_cast %broadcast_in_dim3A_548 : vector<16xf32> to vector<1x16xf32>
    tpu.vector_store %arg8[%swap3A_550, %swap3A_551], %swap3A_554 {strides = array<i32>} : memref<8x128xf32, #tpu.memory_space<vmem>>, vector<1x16xf32>,
    %broadcast_in_dim3A_555 = arith.constant 0.000000e+00 : f32
    %broadcast_in_dim3A_556 = vector.broadcast %broadcast_in_dim3A_555 : f32 to vector<16xf32>
    %swap3A_557 = arith.constant 7 : i32
    %swap3A_558 = arith.index_cast %swap3A_557 : i32 to index
    %swap3A_559 = arith.constant 112 : index
    %swap3A_560 = tpu.vector_load %arg8[%swap3A_558, %swap3A_559] {strides = array<i32>} : memref<8x128xf32, #tpu.memory_space<vmem>>, vector<1x16xf32>,
    %swap3A_561 = vector.shape_cast %swap3A_560 : vector<1x16xf32> to vector<16xf32>
    %swap3A_562 = vector.shape_cast %broadcast_in_dim3A_556 : vector<16xf32> to vector<1x16xf32>
    tpu.vector_store %arg8[%swap3A_558, %swap3A_559], %swap3A_562 {strides = array<i32>} : memref<8x128xf32, #tpu.memory_space<vmem>>, vector<1x16xf32>,
    %add3A_563 = arith.constant 0 : i32
    %add3A_564 = arith.addi %mul3A_2, %add3A_563 : i32
    %run_scoped3A = arith.constant 0 : i32
    "tpu.region"() ({
      %run_scoped3A_652 = tpu.sem_alloc : memref<!tpu.dma_semaphore, #tpu.memory_space<semaphore_mem>>
      %dma_start3A_653 = arith.constant 0 : i32
      %dma_start3A_654 = tpu.memref_slice %arg5[%run_scoped3A, %dma_start3A_653] : memref<4x128xi32, #tpu.memory_space<vmem>> -> memref<1x128xi32, #tpu.memory_space<vmem>>
      %dma_start3A_655 = tpu.memref_squeeze %dma_start3A_654 : memref<1x128xi32, #tpu.memory_space<vmem>> -> memref<128xi32, #tpu.memory_space<vmem>>
      %dma_start3A_656 = tpu.memref_slice %arg3[%add3A_564] : memref<131072xi32, #tpu.memory_space<hbm>> -> memref<128xi32, #tpu.memory_space<hbm>>
      %dma_start3A_657 = arith.constant 0 : i32
      %dma_start3A_658 = tpu.memref_slice %arg5[%run_scoped3A, %dma_start3A_657] : memref<4x128xi32, #tpu.memory_space<vmem>> -> memref<1x128xi32, #tpu.memory_space<vmem>>
      %dma_start3A_659 = tpu.memref_squeeze %dma_start3A_658 : memref<1x128xi32, #tpu.memory_space<vmem>> -> memref<128xi32, #tpu.memory_space<vmem>>
      %dma_start3A_660 = tpu.memref_slice %arg3[%add3A_564] : memref<131072xi32, #tpu.memory_space<hbm>> -> memref<128xi32, #tpu.memory_space<hbm>>
      tpu.enqueue_dma source(%dma_start3A_660 : memref<128xi32, #tpu.memory_space<hbm>>) target(%dma_start3A_659 : memref<128xi32, #tpu.memory_space<vmem>>) target_semaphore(%run_scoped3A_652 : memref<!tpu.dma_semaphore, #tpu.memory_space<semaphore_mem>>)
      %dma_wait3A_661 = arith.constant 0 : i32
      %dma_wait3A_662 = tpu.memref_slice %arg5[%run_scoped3A, %dma_wait3A_661] : memref<4x128xi32, #tpu.memory_space<vmem>> -> memref<1x128xi32, #tpu.memory_space<vmem>>
      %dma_wait3A_663 = tpu.memref_squeeze %dma_wait3A_662 : memref<1x128xi32, #tpu.memory_space<vmem>> -> memref<128xi32, #tpu.memory_space<vmem>>
      %dma_wait3A_664 = tpu.memref_slice %arg3[%add3A_564] : memref<131072xi32, #tpu.memory_space<hbm>> -> memref<128xi32, #tpu.memory_space<hbm>>
      %dma_wait3A_665 = arith.constant 0 : i32
      %dma_wait3A_666 = tpu.memref_slice %arg5[%run_scoped3A, %dma_wait3A_665] : memref<4x128xi32, #tpu.memory_space<vmem>> -> memref<1x128xi32, #tpu.memory_space<vmem>>
      %dma_wait3A_667 = tpu.memref_squeeze %dma_wait3A_666 : memref<1x128xi32, #tpu.memory_space<vmem>> -> memref<128xi32, #tpu.memory_space<vmem>>
      %dma_wait3A_668 = tpu.memref_slice %arg3[%add3A_564] : memref<131072xi32, #tpu.memory_space<hbm>> -> memref<128xi32, #tpu.memory_space<hbm>>
      tpu.wait_dma2 semaphore(%run_scoped3A_652 : memref<!tpu.dma_semaphore, #tpu.memory_space<semaphore_mem>>) src(%dma_wait3A_668 : memref<128xi32, #tpu.memory_space<hbm>>) dst(%dma_wait3A_667 : memref<128xi32, #tpu.memory_space<vmem>>)
      tpu.yield
    }) : () -> ()
    %dma_start3A = arith.constant 0 : i32
    %dma_start3A_565 = arith.constant 0 : i32
    %dma_start3A_566 = arith.constant 0 : i32
    %dma_start3A_567 = arith.constant 0 : i32
    %dma_start3A_568 = tpu.memref_slice %arg6[%dma_start3A_565, %dma_start3A_566, %dma_start3A_567] : memref<4x128x128xf32, #tpu.memory_space<vmem>> -> memref<1x128x128xf32, #tpu.memory_space<vmem>>
    %dma_start3A_569 = tpu.memref_squeeze %dma_start3A_568 : memref<1x128x128xf32, #tpu.memory_space<vmem>> -> memref<128x128xf32, #tpu.memory_space<vmem>>
    %dma_start3A_570 = arith.constant 0 : i32
    %dma_start3A_571 = tpu.memref_slice %arg5[%dma_start3A, %dma_start3A_570] : memref<4x128xi32, #tpu.memory_space<vmem>> -> memref<1x128xi32, #tpu.memory_space<vmem>>
    %dma_start3A_572 = tpu.memref_squeeze %dma_start3A_571 : memref<1x128xi32, #tpu.memory_space<vmem>> -> memref<128xi32, #tpu.memory_space<vmem>>
    %dma_start3A_573 = arith.constant 0 : i32
    %dma_start3A_574 = arith.constant 0 : i32
    %dma_start3A_575 = tpu.memref_slice %arg2[%dma_start3A_573, %dma_start3A_574] : memref<8192x128xf32, #tpu.memory_space<hbm>> -> memref<8192x128xf32, #tpu.memory_space<hbm>>
    tpu.enqueue_indirect_dma source(%dma_start3A_575 : memref<8192x128xf32, #tpu.memory_space<hbm>>) target(%dma_start3A_569 : memref<128x128xf32, #tpu.memory_space<vmem>>) offsets(%dma_start3A_572 : memref<128xi32, #tpu.memory_space<vmem>>) semaphore(%arg10 : memref<!tpu.dma_semaphore, #tpu.memory_space<semaphore_mem>>)
    %add3A_576 = arith.constant 128 : i32
    %add3A_577 = arith.addi %mul3A_2, %add3A_576 : i32
    %run_scoped3A_578 = arith.constant 1 : i32
    "tpu.region"() ({
      %run_scoped3A_652 = tpu.sem_alloc : memref<!tpu.dma_semaphore, #tpu.memory_space<semaphore_mem>>
      %dma_start3A_653 = arith.constant 0 : i32
      %dma_start3A_654 = tpu.memref_slice %arg5[%run_scoped3A_578, %dma_start3A_653] : memref<4x128xi32, #tpu.memory_space<vmem>> -> memref<1x128xi32, #tpu.memory_space<vmem>>
      %dma_start3A_655 = tpu.memref_squeeze %dma_start3A_654 : memref<1x128xi32, #tpu.memory_space<vmem>> -> memref<128xi32, #tpu.memory_space<vmem>>
      %dma_start3A_656 = tpu.memref_slice %arg3[%add3A_577] : memref<131072xi32, #tpu.memory_space<hbm>> -> memref<128xi32, #tpu.memory_space<hbm>>
      %dma_start3A_657 = arith.constant 0 : i32
      %dma_start3A_658 = tpu.memref_slice %arg5[%run_scoped3A_578, %dma_start3A_657] : memref<4x128xi32, #tpu.memory_space<vmem>> -> memref<1x128xi32, #tpu.memory_space<vmem>>
      %dma_start3A_659 = tpu.memref_squeeze %dma_start3A_658 : memref<1x128xi32, #tpu.memory_space<vmem>> -> memref<128xi32, #tpu.memory_space<vmem>>
      %dma_start3A_660 = tpu.memref_slice %arg3[%add3A_577] : memref<131072xi32, #tpu.memory_space<hbm>> -> memref<128xi32, #tpu.memory_space<hbm>>
      tpu.enqueue_dma source(%dma_start3A_660 : memref<128xi32, #tpu.memory_space<hbm>>) target(%dma_start3A_659 : memref<128xi32, #tpu.memory_space<vmem>>) target_semaphore(%run_scoped3A_652 : memref<!tpu.dma_semaphore, #tpu.memory_space<semaphore_mem>>)
      %dma_wait3A_661 = arith.constant 0 : i32
      %dma_wait3A_662 = tpu.memref_slice %arg5[%run_scoped3A_578, %dma_wait3A_661] : memref<4x128xi32, #tpu.memory_space<vmem>> -> memref<1x128xi32, #tpu.memory_space<vmem>>
      %dma_wait3A_663 = tpu.memref_squeeze %dma_wait3A_662 : memref<1x128xi32, #tpu.memory_space<vmem>> -> memref<128xi32, #tpu.memory_space<vmem>>
      %dma_wait3A_664 = tpu.memref_slice %arg3[%add3A_577] : memref<131072xi32, #tpu.memory_space<hbm>> -> memref<128xi32, #tpu.memory_space<hbm>>
      %dma_wait3A_665 = arith.constant 0 : i32
      %dma_wait3A_666 = tpu.memref_slice %arg5[%run_scoped3A_578, %dma_wait3A_665] : memref<4x128xi32, #tpu.memory_space<vmem>> -> memref<1x128xi32, #tpu.memory_space<vmem>>
      %dma_wait3A_667 = tpu.memref_squeeze %dma_wait3A_666 : memref<1x128xi32, #tpu.memory_space<vmem>> -> memref<128xi32, #tpu.memory_space<vmem>>
      %dma_wait3A_668 = tpu.memref_slice %arg3[%add3A_577] : memref<131072xi32, #tpu.memory_space<hbm>> -> memref<128xi32, #tpu.memory_space<hbm>>
      tpu.wait_dma2 semaphore(%run_scoped3A_652 : memref<!tpu.dma_semaphore, #tpu.memory_space<semaphore_mem>>) src(%dma_wait3A_668 : memref<128xi32, #tpu.memory_space<hbm>>) dst(%dma_wait3A_667 : memref<128xi32, #tpu.memory_space<vmem>>)
      tpu.yield
    }) : () -> ()
    %dma_start3A_579 = arith.constant 1 : i32
    %dma_start3A_580 = arith.constant 1 : i32
    %dma_start3A_581 = arith.constant 0 : i32
    %dma_start3A_582 = arith.constant 0 : i32
    %dma_start3A_583 = tpu.memref_slice %arg6[%dma_start3A_580, %dma_start3A_581, %dma_start3A_582] : memref<4x128x128xf32, #tpu.memory_space<vmem>> -> memref<1x128x128xf32, #tpu.memory_space<vmem>>
    %dma_start3A_584 = tpu.memref_squeeze %dma_start3A_583 : memref<1x128x128xf32, #tpu.memory_space<vmem>> -> memref<128x128xf32, #tpu.memory_space<vmem>>
    %dma_start3A_585 = arith.constant 0 : i32
    %dma_start3A_586 = tpu.memref_slice %arg5[%dma_start3A_579, %dma_start3A_585] : memref<4x128xi32, #tpu.memory_space<vmem>> -> memref<1x128xi32, #tpu.memory_space<vmem>>
    %dma_start3A_587 = tpu.memref_squeeze %dma_start3A_586 : memref<1x128xi32, #tpu.memory_space<vmem>> -> memref<128xi32, #tpu.memory_space<vmem>>
    %dma_start3A_588 = arith.constant 0 : i32
    %dma_start3A_589 = arith.constant 0 : i32
    %dma_start3A_590 = tpu.memref_slice %arg2[%dma_start3A_588, %dma_start3A_589] : memref<8192x128xf32, #tpu.memory_space<hbm>> -> memref<8192x128xf32, #tpu.memory_space<hbm>>
    tpu.enqueue_indirect_dma source(%dma_start3A_590 : memref<8192x128xf32, #tpu.memory_space<hbm>>) target(%dma_start3A_584 : memref<128x128xf32, #tpu.memory_space<vmem>>) offsets(%dma_start3A_587 : memref<128xi32, #tpu.memory_space<vmem>>) semaphore(%arg11 : memref<!tpu.dma_semaphore, #tpu.memory_space<semaphore_mem>>)
    %add3A_591 = arith.constant 256 : i32
    %add3A_592 = arith.addi %mul3A_2, %add3A_591 : i32
    %run_scoped3A_593 = arith.constant 2 : i32
    "tpu.region"() ({
      %run_scoped3A_652 = tpu.sem_alloc : memref<!tpu.dma_semaphore, #tpu.memory_space<semaphore_mem>>
      %dma_start3A_653 = arith.constant 0 : i32
      %dma_start3A_654 = tpu.memref_slice %arg5[%run_scoped3A_593, %dma_start3A_653] : memref<4x128xi32, #tpu.memory_space<vmem>> -> memref<1x128xi32, #tpu.memory_space<vmem>>
      %dma_start3A_655 = tpu.memref_squeeze %dma_start3A_654 : memref<1x128xi32, #tpu.memory_space<vmem>> -> memref<128xi32, #tpu.memory_space<vmem>>
      %dma_start3A_656 = tpu.memref_slice %arg3[%add3A_592] : memref<131072xi32, #tpu.memory_space<hbm>> -> memref<128xi32, #tpu.memory_space<hbm>>
      %dma_start3A_657 = arith.constant 0 : i32
      %dma_start3A_658 = tpu.memref_slice %arg5[%run_scoped3A_593, %dma_start3A_657] : memref<4x128xi32, #tpu.memory_space<vmem>> -> memref<1x128xi32, #tpu.memory_space<vmem>>
      %dma_start3A_659 = tpu.memref_squeeze %dma_start3A_658 : memref<1x128xi32, #tpu.memory_space<vmem>> -> memref<128xi32, #tpu.memory_space<vmem>>
      %dma_start3A_660 = tpu.memref_slice %arg3[%add3A_592] : memref<131072xi32, #tpu.memory_space<hbm>> -> memref<128xi32, #tpu.memory_space<hbm>>
      tpu.enqueue_dma source(%dma_start3A_660 : memref<128xi32, #tpu.memory_space<hbm>>) target(%dma_start3A_659 : memref<128xi32, #tpu.memory_space<vmem>>) target_semaphore(%run_scoped3A_652 : memref<!tpu.dma_semaphore, #tpu.memory_space<semaphore_mem>>)
      %dma_wait3A_661 = arith.constant 0 : i32
      %dma_wait3A_662 = tpu.memref_slice %arg5[%run_scoped3A_593, %dma_wait3A_661] : memref<4x128xi32, #tpu.memory_space<vmem>> -> memref<1x128xi32, #tpu.memory_space<vmem>>
      %dma_wait3A_663 = tpu.memref_squeeze %dma_wait3A_662 : memref<1x128xi32, #tpu.memory_space<vmem>> -> memref<128xi32, #tpu.memory_space<vmem>>
      %dma_wait3A_664 = tpu.memref_slice %arg3[%add3A_592] : memref<131072xi32, #tpu.memory_space<hbm>> -> memref<128xi32, #tpu.memory_space<hbm>>
      %dma_wait3A_665 = arith.constant 0 : i32
      %dma_wait3A_666 = tpu.memref_slice %arg5[%run_scoped3A_593, %dma_wait3A_665] : memref<4x128xi32, #tpu.memory_space<vmem>> -> memref<1x128xi32, #tpu.memory_space<vmem>>
      %dma_wait3A_667 = tpu.memref_squeeze %dma_wait3A_666 : memref<1x128xi32, #tpu.memory_space<vmem>> -> memref<128xi32, #tpu.memory_space<vmem>>
      %dma_wait3A_668 = tpu.memref_slice %arg3[%add3A_592] : memref<131072xi32, #tpu.memory_space<hbm>> -> memref<128xi32, #tpu.memory_space<hbm>>
      tpu.wait_dma2 semaphore(%run_scoped3A_652 : memref<!tpu.dma_semaphore, #tpu.memory_space<semaphore_mem>>) src(%dma_wait3A_668 : memref<128xi32, #tpu.memory_space<hbm>>) dst(%dma_wait3A_667 : memref<128xi32, #tpu.memory_space<vmem>>)
      tpu.yield
    }) : () -> ()
    %dma_start3A_594 = arith.constant 2 : i32
    %dma_start3A_595 = arith.constant 2 : i32
    %dma_start3A_596 = arith.constant 0 : i32
    %dma_start3A_597 = arith.constant 0 : i32
    %dma_start3A_598 = tpu.memref_slice %arg6[%dma_start3A_595, %dma_start3A_596, %dma_start3A_597] : memref<4x128x128xf32, #tpu.memory_space<vmem>> -> memref<1x128x128xf32, #tpu.memory_space<vmem>>
    %dma_start3A_599 = tpu.memref_squeeze %dma_start3A_598 : memref<1x128x128xf32, #tpu.memory_space<vmem>> -> memref<128x128xf32, #tpu.memory_space<vmem>>
    %dma_start3A_600 = arith.constant 0 : i32
    %dma_start3A_601 = tpu.memref_slice %arg5[%dma_start3A_594, %dma_start3A_600] : memref<4x128xi32, #tpu.memory_space<vmem>> -> memref<1x128xi32, #tpu.memory_space<vmem>>
    %dma_start3A_602 = tpu.memref_squeeze %dma_start3A_601 : memref<1x128xi32, #tpu.memory_space<vmem>> -> memref<128xi32, #tpu.memory_space<vmem>>
    %dma_start3A_603 = arith.constant 0 : i32
    %dma_start3A_604 = arith.constant 0 : i32
    %dma_start3A_605 = tpu.memref_slice %arg2[%dma_start3A_603, %dma_start3A_604] : memref<8192x128xf32, #tpu.memory_space<hbm>> -> memref<8192x128xf32, #tpu.memory_space<hbm>>
    tpu.enqueue_indirect_dma source(%dma_start3A_605 : memref<8192x128xf32, #tpu.memory_space<hbm>>) target(%dma_start3A_599 : memref<128x128xf32, #tpu.memory_space<vmem>>) offsets(%dma_start3A_602 : memref<128xi32, #tpu.memory_space<vmem>>) semaphore(%arg12 : memref<!tpu.dma_semaphore, #tpu.memory_space<semaphore_mem>>)
    %add3A_606 = arith.constant 384 : i32
    %add3A_607 = arith.addi %mul3A_2, %add3A_606 : i32
    %run_scoped3A_608 = arith.constant 3 : i32
    "tpu.region"() ({
      %run_scoped3A_652 = tpu.sem_alloc : memref<!tpu.dma_semaphore, #tpu.memory_space<semaphore_mem>>
      %dma_start3A_653 = arith.constant 0 : i32
      %dma_start3A_654 = tpu.memref_slice %arg5[%run_scoped3A_608, %dma_start3A_653] : memref<4x128xi32, #tpu.memory_space<vmem>> -> memref<1x128xi32, #tpu.memory_space<vmem>>
      %dma_start3A_655 = tpu.memref_squeeze %dma_start3A_654 : memref<1x128xi32, #tpu.memory_space<vmem>> -> memref<128xi32, #tpu.memory_space<vmem>>
      %dma_start3A_656 = tpu.memref_slice %arg3[%add3A_607] : memref<131072xi32, #tpu.memory_space<hbm>> -> memref<128xi32, #tpu.memory_space<hbm>>
      %dma_start3A_657 = arith.constant 0 : i32
      %dma_start3A_658 = tpu.memref_slice %arg5[%run_scoped3A_608, %dma_start3A_657] : memref<4x128xi32, #tpu.memory_space<vmem>> -> memref<1x128xi32, #tpu.memory_space<vmem>>
      %dma_start3A_659 = tpu.memref_squeeze %dma_start3A_658 : memref<1x128xi32, #tpu.memory_space<vmem>> -> memref<128xi32, #tpu.memory_space<vmem>>
      %dma_start3A_660 = tpu.memref_slice %arg3[%add3A_607] : memref<131072xi32, #tpu.memory_space<hbm>> -> memref<128xi32, #tpu.memory_space<hbm>>
      tpu.enqueue_dma source(%dma_start3A_660 : memref<128xi32, #tpu.memory_space<hbm>>) target(%dma_start3A_659 : memref<128xi32, #tpu.memory_space<vmem>>) target_semaphore(%run_scoped3A_652 : memref<!tpu.dma_semaphore, #tpu.memory_space<semaphore_mem>>)
      %dma_wait3A_661 = arith.constant 0 : i32
      %dma_wait3A_662 = tpu.memref_slice %arg5[%run_scoped3A_608, %dma_wait3A_661] : memref<4x128xi32, #tpu.memory_space<vmem>> -> memref<1x128xi32, #tpu.memory_space<vmem>>
      %dma_wait3A_663 = tpu.memref_squeeze %dma_wait3A_662 : memref<1x128xi32, #tpu.memory_space<vmem>> -> memref<128xi32, #tpu.memory_space<vmem>>
      %dma_wait3A_664 = tpu.memref_slice %arg3[%add3A_607] : memref<131072xi32, #tpu.memory_space<hbm>> -> memref<128xi32, #tpu.memory_space<hbm>>
      %dma_wait3A_665 = arith.constant 0 : i32
      %dma_wait3A_666 = tpu.memref_slice %arg5[%run_scoped3A_608, %dma_wait3A_665] : memref<4x128xi32, #tpu.memory_space<vmem>> -> memref<1x128xi32, #tpu.memory_space<vmem>>
      %dma_wait3A_667 = tpu.memref_squeeze %dma_wait3A_666 : memref<1x128xi32, #tpu.memory_space<vmem>> -> memref<128xi32, #tpu.memory_space<vmem>>
      %dma_wait3A_668 = tpu.memref_slice %arg3[%add3A_607] : memref<131072xi32, #tpu.memory_space<hbm>> -> memref<128xi32, #tpu.memory_space<hbm>>
      tpu.wait_dma2 semaphore(%run_scoped3A_652 : memref<!tpu.dma_semaphore, #tpu.memory_space<semaphore_mem>>) src(%dma_wait3A_668 : memref<128xi32, #tpu.memory_space<hbm>>) dst(%dma_wait3A_667 : memref<128xi32, #tpu.memory_space<vmem>>)
      tpu.yield
    }) : () -> ()
    %dma_start3A_609 = arith.constant 3 : i32
    %dma_start3A_610 = arith.constant 3 : i32
    %dma_start3A_611 = arith.constant 0 : i32
    %dma_start3A_612 = arith.constant 0 : i32
    %dma_start3A_613 = tpu.memref_slice %arg6[%dma_start3A_610, %dma_start3A_611, %dma_start3A_612] : memref<4x128x128xf32, #tpu.memory_space<vmem>> -> memref<1x128x128xf32, #tpu.memory_space<vmem>>
    %dma_start3A_614 = tpu.memref_squeeze %dma_start3A_613 : memref<1x128x128xf32, #tpu.memory_space<vmem>> -> memref<128x128xf32, #tpu.memory_space<vmem>>
    %dma_start3A_615 = arith.constant 0 : i32
    %dma_start3A_616 = tpu.memref_slice %arg5[%dma_start3A_609, %dma_start3A_615] : memref<4x128xi32, #tpu.memory_space<vmem>> -> memref<1x128xi32, #tpu.memory_space<vmem>>
    %dma_start3A_617 = tpu.memref_squeeze %dma_start3A_616 : memref<1x128xi32, #tpu.memory_space<vmem>> -> memref<128xi32, #tpu.memory_space<vmem>>
    %dma_start3A_618 = arith.constant 0 : i32
    %dma_start3A_619 = arith.constant 0 : i32
    %dma_start3A_620 = tpu.memref_slice %arg2[%dma_start3A_618, %dma_start3A_619] : memref<8192x128xf32, #tpu.memory_space<hbm>> -> memref<8192x128xf32, #tpu.memory_space<hbm>>
    tpu.enqueue_indirect_dma source(%dma_start3A_620 : memref<8192x128xf32, #tpu.memory_space<hbm>>) target(%dma_start3A_614 : memref<128x128xf32, #tpu.memory_space<vmem>>) offsets(%dma_start3A_617 : memref<128xi32, #tpu.memory_space<vmem>>) semaphore(%arg13 : memref<!tpu.dma_semaphore, #tpu.memory_space<semaphore_mem>>)
    %scan3A = arith.constant 0 : i32
    %scan3A_621 = arith.constant 8 : i32
    %scan3A_622 = arith.addi %scan3A, %scan3A_621 : i32
    %scan3A_623 = arith.constant 1 : i32
    scf.for %scan3A_652 = %scan3A to %scan3A_622 step %scan3A_623  : i32 {
      %mul3A_653 = arith.constant 4 : i32
      %mul3A_654 = arith.muli %scan3A_652, %mul3A_653 : i32
      %add3A_655 = arith.constant 0 : i32
      %add3A_656 = arith.addi %add3A_655, %mul3A_654 : i32
      %add3A_657 = arith.constant 0 : i32
      %add3A_658 = arith.addi %add3A_656, %add3A_657 : i32
      %ge3A = arith.constant 4 : i32
      %ge3A_659 = arith.cmpi sge, %add3A_658, %ge3A : i32
      %convert_element_type3A = arith.extui %ge3A_659 : i1 to i32
      %cond3A = arith.constant 0 : i32
      %cond3A_660 = arith.constant 0 : i32
      %cond3A_661 = arith.cmpi ne, %convert_element_type3A, %cond3A_660 : i32
      scf.if %cond3A_661 {
        %dma_wait3A_825 = arith.constant 0 : i32
        %dma_wait3A_826 = tpu.memref_slice %arg4[%mul3A_4, %dma_wait3A_825] : memref<8192x128xf32, #tpu.memory_space<hbm>> -> memref<8x128xf32, #tpu.memory_space<hbm>>
        %dma_wait3A_827 = arith.constant 0 : i32
        %dma_wait3A_828 = arith.constant 0 : i32
        %dma_wait3A_829 = tpu.memref_slice %arg7[%arg1, %cond3A, %dma_wait3A_827, %dma_wait3A_828] : memref<16x4x8x128xf32, #tpu.memory_space<vmem_shared>> -> memref<1x1x8x128xf32, #tpu.memory_space<vmem_shared>>
        %dma_wait3A_830 = tpu.memref_squeeze %dma_wait3A_829 : memref<1x1x8x128xf32, #tpu.memory_space<vmem_shared>> -> memref<8x128xf32, #tpu.memory_space<vmem_shared>>
        tpu.wait_dma2 semaphore(%arg14 : memref<!tpu.dma_semaphore, #tpu.memory_space<semaphore_mem>>) src(%dma_wait3A_830 : memref<8x128xf32, #tpu.memory_space<vmem_shared>>) dst(%dma_wait3A_826 : memref<8x128xf32, #tpu.memory_space<hbm>>)
      } else {
      }
      %run_scoped3A_662 = arith.constant 0 : i32
      "tpu.region"() ({
        %run_scoped3A_825 = tpu.sem_alloc : memref<!tpu.dma_semaphore, #tpu.memory_space<semaphore_mem>>
        %dma_start3A_826 = arith.constant 0 : i32
        %dma_start3A_827 = arith.constant 0 : i32
        %dma_start3A_828 = tpu.memref_slice %arg7[%arg1, %run_scoped3A_662, %dma_start3A_826, %dma_start3A_827] : memref<16x4x8x128xf32, #tpu.memory_space<vmem_shared>> -> memref<1x1x8x128xf32, #tpu.memory_space<vmem_shared>>
        %dma_start3A_829 = tpu.memref_squeeze %dma_start3A_828 : memref<1x1x8x128xf32, #tpu.memory_space<vmem_shared>> -> memref<8x128xf32, #tpu.memory_space<vmem_shared>>
        %dma_start3A_830 = arith.constant 0 : i32
        %dma_start3A_831 = arith.constant 0 : i32
        %dma_start3A_832 = tpu.memref_slice %arg7[%arg1, %run_scoped3A_662, %dma_start3A_830, %dma_start3A_831] : memref<16x4x8x128xf32, #tpu.memory_space<vmem_shared>> -> memref<1x1x8x128xf32, #tpu.memory_space<vmem_shared>>
        %dma_start3A_833 = tpu.memref_squeeze %dma_start3A_832 : memref<1x1x8x128xf32, #tpu.memory_space<vmem_shared>> -> memref<8x128xf32, #tpu.memory_space<vmem_shared>>
        tpu.enqueue_dma source(%arg8 : memref<8x128xf32, #tpu.memory_space<vmem>>) target(%dma_start3A_833 : memref<8x128xf32, #tpu.memory_space<vmem_shared>>) target_semaphore(%run_scoped3A_825 : memref<!tpu.dma_semaphore, #tpu.memory_space<semaphore_mem>>)
        %dma_wait3A_834 = arith.constant 0 : i32
        %dma_wait3A_835 = arith.constant 0 : i32
        %dma_wait3A_836 = tpu.memref_slice %arg7[%arg1, %run_scoped3A_662, %dma_wait3A_834, %dma_wait3A_835] : memref<16x4x8x128xf32, #tpu.memory_space<vmem_shared>> -> memref<1x1x8x128xf32, #tpu.memory_space<vmem_shared>>
        %dma_wait3A_837 = tpu.memref_squeeze %dma_wait3A_836 : memref<1x1x8x128xf32, #tpu.memory_space<vmem_shared>> -> memref<8x128xf32, #tpu.memory_space<vmem_shared>>
        %dma_wait3A_838 = arith.constant 0 : i32
        %dma_wait3A_839 = arith.constant 0 : i32
        %dma_wait3A_840 = tpu.memref_slice %arg7[%arg1, %run_scoped3A_662, %dma_wait3A_838, %dma_wait3A_839] : memref<16x4x8x128xf32, #tpu.memory_space<vmem_shared>> -> memref<1x1x8x128xf32, #tpu.memory_space<vmem_shared>>
        %dma_wait3A_841 = tpu.memref_squeeze %dma_wait3A_840 : memref<1x1x8x128xf32, #tpu.memory_space<vmem_shared>> -> memref<8x128xf32, #tpu.memory_space<vmem_shared>>
        tpu.wait_dma2 semaphore(%run_scoped3A_825 : memref<!tpu.dma_semaphore, #tpu.memory_space<semaphore_mem>>) src(%arg8 : memref<8x128xf32, #tpu.memory_space<vmem>>) dst(%dma_wait3A_841 : memref<8x128xf32, #tpu.memory_space<vmem_shared>>)
        tpu.yield
      }) : () -> ()
      %dma_wait3A_663 = arith.constant 0 : i32
      %dma_wait3A_664 = arith.constant 0 : i32
      %dma_wait3A_665 = arith.constant 0 : i32
      %dma_wait3A_666 = tpu.memref_slice %arg6[%dma_wait3A_663, %dma_wait3A_664, %dma_wait3A_665] : memref<4x128x128xf32, #tpu.memory_space<vmem>> -> memref<1x128x128xf32, #tpu.memory_space<vmem>>
      %dma_wait3A_667 = tpu.memref_squeeze %dma_wait3A_666 : memref<1x128x128xf32, #tpu.memory_space<vmem>> -> memref<128x128xf32, #tpu.memory_space<vmem>>
      %dma_wait3A_668 = arith.constant 0 : i32
      %dma_wait3A_669 = arith.constant 0 : i32
      %dma_wait3A_670 = tpu.memref_slice %arg2[%dma_wait3A_668, %dma_wait3A_669] : memref<8192x128xf32, #tpu.memory_space<hbm>> -> memref<128x128xf32, #tpu.memory_space<hbm>>
      %dma_wait3A_671 = arith.constant 0 : i32
      %dma_wait3A_672 = arith.constant 0 : i32
      %dma_wait3A_673 = tpu.memref_slice %arg6[%dma_wait3A_663, %dma_wait3A_671, %dma_wait3A_672] : memref<4x128x128xf32, #tpu.memory_space<vmem>> -> memref<1x128x128xf32, #tpu.memory_space<vmem>>
      %dma_wait3A_674 = tpu.memref_squeeze %dma_wait3A_673 : memref<1x128x128xf32, #tpu.memory_space<vmem>> -> memref<128x128xf32, #tpu.memory_space<vmem>>
      %dma_wait3A_675 = arith.constant 0 : i32
      %dma_wait3A_676 = arith.constant 0 : i32
      %dma_wait3A_677 = tpu.memref_slice %arg2[%dma_wait3A_675, %dma_wait3A_676] : memref<8192x128xf32, #tpu.memory_space<hbm>> -> memref<128x128xf32, #tpu.memory_space<hbm>>
      tpu.wait_dma2 semaphore(%arg10 : memref<!tpu.dma_semaphore, #tpu.memory_space<semaphore_mem>>) src(%dma_wait3A_677 : memref<128x128xf32, #tpu.memory_space<hbm>>) dst(%dma_wait3A_674 : memref<128x128xf32, #tpu.memory_space<vmem>>)
      %run_scoped3A_678 = arith.constant 0 : i32
      %run_scoped3A_679 = arith.constant 0 : i32
      "tpu.region"() ({
        %run_scoped3A_825 = tpu.sem_alloc : memref<!tpu.dma_semaphore, #tpu.memory_space<semaphore_mem>>
        %dma_start3A_826 = arith.constant 0 : i32
        %dma_start3A_827 = arith.constant 0 : i32
        %dma_start3A_828 = tpu.memref_slice %arg6[%run_scoped3A_678, %dma_start3A_826, %dma_start3A_827] : memref<4x128x128xf32, #tpu.memory_space<vmem>> -> memref<1x128x128xf32, #tpu.memory_space<vmem>>
        %dma_start3A_829 = tpu.memref_squeeze %dma_start3A_828 : memref<1x128x128xf32, #tpu.memory_space<vmem>> -> memref<128x128xf32, #tpu.memory_space<vmem>>
        %dma_start3A_830 = arith.constant 0 : i32
        %dma_start3A_831 = arith.constant 0 : i32
        %dma_start3A_832 = tpu.memref_slice %arg7[%arg1, %run_scoped3A_679, %dma_start3A_830, %dma_start3A_831] : memref<16x4x8x128xf32, #tpu.memory_space<vmem_shared>> -> memref<1x1x8x128xf32, #tpu.memory_space<vmem_shared>>
        %dma_start3A_833 = tpu.memref_squeeze %dma_start3A_832 : memref<1x1x8x128xf32, #tpu.memory_space<vmem_shared>> -> memref<8x128xf32, #tpu.memory_space<vmem_shared>>
        %dma_start3A_834 = arith.constant 0 : i32
        %dma_start3A_835 = arith.constant 0 : i32
        %dma_start3A_836 = tpu.memref_slice %dma_start3A_833[%dma_start3A_834, %dma_start3A_835] : memref<8x128xf32, #tpu.memory_space<vmem_shared>> -> memref<8x128xf32, #tpu.memory_space<vmem_shared>>
        tpu.enqueue_indirect_dma source(%dma_start3A_829 : memref<128x128xf32, #tpu.memory_space<vmem>>) target(%dma_start3A_836 : memref<8x128xf32, #tpu.memory_space<vmem_shared>>) offsets(%arg9 : memref<128xi32, #tpu.memory_space<vmem>>) semaphore(%run_scoped3A_825 : memref<!tpu.dma_semaphore, #tpu.memory_space<semaphore_mem>>) {add = true}
        %dma_wait3A_837 = arith.constant 0 : i32
        %dma_wait3A_838 = arith.constant 0 : i32
        %dma_wait3A_839 = tpu.memref_slice %arg6[%run_scoped3A_678, %dma_wait3A_837, %dma_wait3A_838] : memref<4x128x128xf32, #tpu.memory_space<vmem>> -> memref<1x128x128xf32, #tpu.memory_space<vmem>>
        %dma_wait3A_840 = tpu.memref_squeeze %dma_wait3A_839 : memref<1x128x128xf32, #tpu.memory_space<vmem>> -> memref<128x128xf32, #tpu.memory_space<vmem>>
        %dma_wait3A_841 = arith.constant 0 : i32
        %dma_wait3A_842 = arith.constant 0 : i32
        %dma_wait3A_843 = tpu.memref_slice %arg7[%arg1, %run_scoped3A_679, %dma_wait3A_841, %dma_wait3A_842] : memref<16x4x8x128xf32, #tpu.memory_space<vmem_shared>> -> memref<1x1x8x128xf32, #tpu.memory_space<vmem_shared>>
        %dma_wait3A_844 = tpu.memref_squeeze %dma_wait3A_843 : memref<1x1x8x128xf32, #tpu.memory_space<vmem_shared>> -> memref<8x128xf32, #tpu.memory_space<vmem_shared>>
        %dma_wait3A_845 = arith.constant 0 : i32
        %dma_wait3A_846 = arith.constant 0 : i32
        %dma_wait3A_847 = tpu.memref_slice %dma_wait3A_844[%dma_wait3A_845, %dma_wait3A_846] : memref<8x128xf32, #tpu.memory_space<vmem_shared>> -> memref<8x128xf32, #tpu.memory_space<vmem_shared>>
        tpu.wait_indirect_dma semaphore(%run_scoped3A_825 : memref<!tpu.dma_semaphore, #tpu.memory_space<semaphore_mem>>) src(%dma_wait3A_840 : memref<128x128xf32, #tpu.memory_space<vmem>>) dst(%dma_wait3A_847 : memref<8x128xf32, #tpu.memory_space<vmem_shared>>)
        tpu.yield
      }) : () -> ()
      %mul3A_680 = arith.constant 8 : i32
      %mul3A_681 = arith.muli %add3A_658, %mul3A_680 : i32
      %add3A_682 = arith.addi %mul3A_4, %mul3A_681 : i32
      %dma_start3A_683 = arith.constant 0 : i32
      %dma_start3A_684 = arith.constant 0 : i32
      %dma_start3A_685 = tpu.memref_slice %arg4[%add3A_682, %dma_start3A_684] : memref<8192x128xf32, #tpu.memory_space<hbm>> -> memref<8x128xf32, #tpu.memory_space<hbm>>
      %dma_start3A_686 = arith.constant 0 : i32
      %dma_start3A_687 = arith.constant 0 : i32
      %dma_start3A_688 = tpu.memref_slice %arg7[%arg1, %dma_start3A_683, %dma_start3A_686, %dma_start3A_687] : memref<16x4x8x128xf32, #tpu.memory_space<vmem_shared>> -> memref<1x1x8x128xf32, #tpu.memory_space<vmem_shared>>
      %dma_start3A_689 = tpu.memref_squeeze %dma_start3A_688 : memref<1x1x8x128xf32, #tpu.memory_space<vmem_shared>> -> memref<8x128xf32, #tpu.memory_space<vmem_shared>>
      tpu.enqueue_dma source(%dma_start3A_689 : memref<8x128xf32, #tpu.memory_space<vmem_shared>>) target(%dma_start3A_685 : memref<8x128xf32, #tpu.memory_space<hbm>>) target_semaphore(%arg14 : memref<!tpu.dma_semaphore, #tpu.memory_space<semaphore_mem>>)
      %add3A_690 = arith.constant 4 : i32
      %add3A_691 = arith.addi %add3A_658, %add3A_690 : i32
      %lt3A = arith.constant 32 : i32
      %lt3A_692 = arith.cmpi slt, %add3A_691, %lt3A : i32
      %convert_element_type3A_693 = arith.extui %lt3A_692 : i1 to i32
      %cond3A_694 = arith.constant 0 : i32
      %cond3A_695 = arith.cmpi ne, %convert_element_type3A_693, %cond3A_694 : i32
      scf.if %cond3A_695 {
        %add3A_825 = arith.constant 4 : i32
        %add3A_826 = arith.addi %add3A_658, %add3A_825 : i32
        %mul3A_827 = arith.constant 128 : i32
        %mul3A_828 = arith.muli %add3A_826, %mul3A_827 : i32
        %add3A_829 = arith.addi %mul3A_2, %mul3A_828 : i32
        %run_scoped3A_830 = arith.constant 0 : i32
        "tpu.region"() ({
          %run_scoped3A_843 = tpu.sem_alloc : memref<!tpu.dma_semaphore, #tpu.memory_space<semaphore_mem>>
          %dma_start3A_844 = arith.constant 0 : i32
          %dma_start3A_845 = tpu.memref_slice %arg5[%run_scoped3A_830, %dma_start3A_844] : memref<4x128xi32, #tpu.memory_space<vmem>> -> memref<1x128xi32, #tpu.memory_space<vmem>>
          %dma_start3A_846 = tpu.memref_squeeze %dma_start3A_845 : memref<1x128xi32, #tpu.memory_space<vmem>> -> memref<128xi32, #tpu.memory_space<vmem>>
          %dma_start3A_847 = tpu.memref_slice %arg3[%add3A_829] : memref<131072xi32, #tpu.memory_space<hbm>> -> memref<128xi32, #tpu.memory_space<hbm>>
          %dma_start3A_848 = arith.constant 0 : i32
          %dma_start3A_849 = tpu.memref_slice %arg5[%run_scoped3A_830, %dma_start3A_848] : memref<4x128xi32, #tpu.memory_space<vmem>> -> memref<1x128xi32, #tpu.memory_space<vmem>>
          %dma_start3A_850 = tpu.memref_squeeze %dma_start3A_849 : memref<1x128xi32, #tpu.memory_space<vmem>> -> memref<128xi32, #tpu.memory_space<vmem>>
          %dma_start3A_851 = tpu.memref_slice %arg3[%add3A_829] : memref<131072xi32, #tpu.memory_space<hbm>> -> memref<128xi32, #tpu.memory_space<hbm>>
          tpu.enqueue_dma source(%dma_start3A_851 : memref<128xi32, #tpu.memory_space<hbm>>) target(%dma_start3A_850 : memref<128xi32, #tpu.memory_space<vmem>>) target_semaphore(%run_scoped3A_843 : memref<!tpu.dma_semaphore, #tpu.memory_space<semaphore_mem>>)
          %dma_wait3A_852 = arith.constant 0 : i32
          %dma_wait3A_853 = tpu.memref_slice %arg5[%run_scoped3A_830, %dma_wait3A_852] : memref<4x128xi32, #tpu.memory_space<vmem>> -> memref<1x128xi32, #tpu.memory_space<vmem>>
          %dma_wait3A_854 = tpu.memref_squeeze %dma_wait3A_853 : memref<1x128xi32, #tpu.memory_space<vmem>> -> memref<128xi32, #tpu.memory_space<vmem>>
          %dma_wait3A_855 = tpu.memref_slice %arg3[%add3A_829] : memref<131072xi32, #tpu.memory_space<hbm>> -> memref<128xi32, #tpu.memory_space<hbm>>
          %dma_wait3A_856 = arith.constant 0 : i32
          %dma_wait3A_857 = tpu.memref_slice %arg5[%run_scoped3A_830, %dma_wait3A_856] : memref<4x128xi32, #tpu.memory_space<vmem>> -> memref<1x128xi32, #tpu.memory_space<vmem>>
          %dma_wait3A_858 = tpu.memref_squeeze %dma_wait3A_857 : memref<1x128xi32, #tpu.memory_space<vmem>> -> memref<128xi32, #tpu.memory_space<vmem>>
          %dma_wait3A_859 = tpu.memref_slice %arg3[%add3A_829] : memref<131072xi32, #tpu.memory_space<hbm>> -> memref<128xi32, #tpu.memory_space<hbm>>
          tpu.wait_dma2 semaphore(%run_scoped3A_843 : memref<!tpu.dma_semaphore, #tpu.memory_space<semaphore_mem>>) src(%dma_wait3A_859 : memref<128xi32, #tpu.memory_space<hbm>>) dst(%dma_wait3A_858 : memref<128xi32, #tpu.memory_space<vmem>>)
          tpu.yield
        }) : () -> ()
        %dma_start3A_831 = arith.constant 0 : i32
        %dma_start3A_832 = arith.constant 0 : i32
        %dma_start3A_833 = arith.constant 0 : i32
        %dma_start3A_834 = arith.constant 0 : i32
        %dma_start3A_835 = tpu.memref_slice %arg6[%dma_start3A_832, %dma_start3A_833, %dma_start3A_834] : memref<4x128x128xf32, #tpu.memory_space<vmem>> -> memref<1x128x128xf32, #tpu.memory_space<vmem>>
        %dma_start3A_836 = tpu.memref_squeeze %dma_start3A_835 : memref<1x128x128xf32, #tpu.memory_space<vmem>> -> memref<128x128xf32, #tpu.memory_space<vmem>>
        %dma_start3A_837 = arith.constant 0 : i32
        %dma_start3A_838 = tpu.memref_slice %arg5[%dma_start3A_831, %dma_start3A_837] : memref<4x128xi32, #tpu.memory_space<vmem>> -> memref<1x128xi32, #tpu.memory_space<vmem>>
        %dma_start3A_839 = tpu.memref_squeeze %dma_start3A_838 : memref<1x128xi32, #tpu.memory_space<vmem>> -> memref<128xi32, #tpu.memory_space<vmem>>
        %dma_start3A_840 = arith.constant 0 : i32
        %dma_start3A_841 = arith.constant 0 : i32
        %dma_start3A_842 = tpu.memref_slice %arg2[%dma_start3A_840, %dma_start3A_841] : memref<8192x128xf32, #tpu.memory_space<hbm>> -> memref<8192x128xf32, #tpu.memory_space<hbm>>
        tpu.enqueue_indirect_dma source(%dma_start3A_842 : memref<8192x128xf32, #tpu.memory_space<hbm>>) target(%dma_start3A_836 : memref<128x128xf32, #tpu.memory_space<vmem>>) offsets(%dma_start3A_839 : memref<128xi32, #tpu.memory_space<vmem>>) semaphore(%arg10 : memref<!tpu.dma_semaphore, #tpu.memory_space<semaphore_mem>>)
      } else {
      }
      %add3A_696 = arith.constant 1 : i32
      %add3A_697 = arith.addi %add3A_656, %add3A_696 : i32
      %ge3A_698 = arith.constant 4 : i32
      %ge3A_699 = arith.cmpi sge, %add3A_697, %ge3A_698 : i32
      %convert_element_type3A_700 = arith.extui %ge3A_699 : i1 to i32
      %cond3A_701 = arith.constant 1 : i32
      %cond3A_702 = arith.constant 0 : i32
      %cond3A_703 = arith.cmpi ne, %convert_element_type3A_700, %cond3A_702 : i32
      scf.if %cond3A_703 {
        %dma_wait3A_825 = arith.constant 0 : i32
        %dma_wait3A_826 = tpu.memref_slice %arg4[%mul3A_4, %dma_wait3A_825] : memref<8192x128xf32, #tpu.memory_space<hbm>> -> memref<8x128xf32, #tpu.memory_space<hbm>>
        %dma_wait3A_827 = arith.constant 0 : i32
        %dma_wait3A_828 = arith.constant 0 : i32
        %dma_wait3A_829 = tpu.memref_slice %arg7[%arg1, %cond3A_701, %dma_wait3A_827, %dma_wait3A_828] : memref<16x4x8x128xf32, #tpu.memory_space<vmem_shared>> -> memref<1x1x8x128xf32, #tpu.memory_space<vmem_shared>>
        %dma_wait3A_830 = tpu.memref_squeeze %dma_wait3A_829 : memref<1x1x8x128xf32, #tpu.memory_space<vmem_shared>> -> memref<8x128xf32, #tpu.memory_space<vmem_shared>>
        tpu.wait_dma2 semaphore(%arg15 : memref<!tpu.dma_semaphore, #tpu.memory_space<semaphore_mem>>) src(%dma_wait3A_830 : memref<8x128xf32, #tpu.memory_space<vmem_shared>>) dst(%dma_wait3A_826 : memref<8x128xf32, #tpu.memory_space<hbm>>)
      } else {
      }
      %run_scoped3A_704 = arith.constant 1 : i32
      "tpu.region"() ({
        %run_scoped3A_825 = tpu.sem_alloc : memref<!tpu.dma_semaphore, #tpu.memory_space<semaphore_mem>>
        %dma_start3A_826 = arith.constant 0 : i32
        %dma_start3A_827 = arith.constant 0 : i32
        %dma_start3A_828 = tpu.memref_slice %arg7[%arg1, %run_scoped3A_704, %dma_start3A_826, %dma_start3A_827] : memref<16x4x8x128xf32, #tpu.memory_space<vmem_shared>> -> memref<1x1x8x128xf32, #tpu.memory_space<vmem_shared>>
        %dma_start3A_829 = tpu.memref_squeeze %dma_start3A_828 : memref<1x1x8x128xf32, #tpu.memory_space<vmem_shared>> -> memref<8x128xf32, #tpu.memory_space<vmem_shared>>
        %dma_start3A_830 = arith.constant 0 : i32
        %dma_start3A_831 = arith.constant 0 : i32
        %dma_start3A_832 = tpu.memref_slice %arg7[%arg1, %run_scoped3A_704, %dma_start3A_830, %dma_start3A_831] : memref<16x4x8x128xf32, #tpu.memory_space<vmem_shared>> -> memref<1x1x8x128xf32, #tpu.memory_space<vmem_shared>>
        %dma_start3A_833 = tpu.memref_squeeze %dma_start3A_832 : memref<1x1x8x128xf32, #tpu.memory_space<vmem_shared>> -> memref<8x128xf32, #tpu.memory_space<vmem_shared>>
        tpu.enqueue_dma source(%arg8 : memref<8x128xf32, #tpu.memory_space<vmem>>) target(%dma_start3A_833 : memref<8x128xf32, #tpu.memory_space<vmem_shared>>) target_semaphore(%run_scoped3A_825 : memref<!tpu.dma_semaphore, #tpu.memory_space<semaphore_mem>>)
        %dma_wait3A_834 = arith.constant 0 : i32
        %dma_wait3A_835 = arith.constant 0 : i32
        %dma_wait3A_836 = tpu.memref_slice %arg7[%arg1, %run_scoped3A_704, %dma_wait3A_834, %dma_wait3A_835] : memref<16x4x8x128xf32, #tpu.memory_space<vmem_shared>> -> memref<1x1x8x128xf32, #tpu.memory_space<vmem_shared>>
        %dma_wait3A_837 = tpu.memref_squeeze %dma_wait3A_836 : memref<1x1x8x128xf32, #tpu.memory_space<vmem_shared>> -> memref<8x128xf32, #tpu.memory_space<vmem_shared>>
        %dma_wait3A_838 = arith.constant 0 : i32
        %dma_wait3A_839 = arith.constant 0 : i32
        %dma_wait3A_840 = tpu.memref_slice %arg7[%arg1, %run_scoped3A_704, %dma_wait3A_838, %dma_wait3A_839] : memref<16x4x8x128xf32, #tpu.memory_space<vmem_shared>> -> memref<1x1x8x128xf32, #tpu.memory_space<vmem_shared>>
        %dma_wait3A_841 = tpu.memref_squeeze %dma_wait3A_840 : memref<1x1x8x128xf32, #tpu.memory_space<vmem_shared>> -> memref<8x128xf32, #tpu.memory_space<vmem_shared>>
        tpu.wait_dma2 semaphore(%run_scoped3A_825 : memref<!tpu.dma_semaphore, #tpu.memory_space<semaphore_mem>>) src(%arg8 : memref<8x128xf32, #tpu.memory_space<vmem>>) dst(%dma_wait3A_841 : memref<8x128xf32, #tpu.memory_space<vmem_shared>>)
        tpu.yield
      }) : () -> ()
      %dma_wait3A_705 = arith.constant 1 : i32
      %dma_wait3A_706 = arith.constant 0 : i32
      %dma_wait3A_707 = arith.constant 0 : i32
      %dma_wait3A_708 = tpu.memref_slice %arg6[%dma_wait3A_705, %dma_wait3A_706, %dma_wait3A_707] : memref<4x128x128xf32, #tpu.memory_space<vmem>> -> memref<1x128x128xf32, #tpu.memory_space<vmem>>
      %dma_wait3A_709 = tpu.memref_squeeze %dma_wait3A_708 : memref<1x128x128xf32, #tpu.memory_space<vmem>> -> memref<128x128xf32, #tpu.memory_space<vmem>>
      %dma_wait3A_710 = arith.constant 0 : i32
      %dma_wait3A_711 = arith.constant 0 : i32
      %dma_wait3A_712 = tpu.memref_slice %arg2[%dma_wait3A_710, %dma_wait3A_711] : memref<8192x128xf32, #tpu.memory_space<hbm>> -> memref<128x128xf32, #tpu.memory_space<hbm>>
      %dma_wait3A_713 = arith.constant 0 : i32
      %dma_wait3A_714 = arith.constant 0 : i32
      %dma_wait3A_715 = tpu.memref_slice %arg6[%dma_wait3A_705, %dma_wait3A_713, %dma_wait3A_714] : memref<4x128x128xf32, #tpu.memory_space<vmem>> -> memref<1x128x128xf32, #tpu.memory_space<vmem>>
      %dma_wait3A_716 = tpu.memref_squeeze %dma_wait3A_715 : memref<1x128x128xf32, #tpu.memory_space<vmem>> -> memref<128x128xf32, #tpu.memory_space<vmem>>
      %dma_wait3A_717 = arith.constant 0 : i32
      %dma_wait3A_718 = arith.constant 0 : i32
      %dma_wait3A_719 = tpu.memref_slice %arg2[%dma_wait3A_717, %dma_wait3A_718] : memref<8192x128xf32, #tpu.memory_space<hbm>> -> memref<128x128xf32, #tpu.memory_space<hbm>>
      tpu.wait_dma2 semaphore(%arg11 : memref<!tpu.dma_semaphore, #tpu.memory_space<semaphore_mem>>) src(%dma_wait3A_719 : memref<128x128xf32, #tpu.memory_space<hbm>>) dst(%dma_wait3A_716 : memref<128x128xf32, #tpu.memory_space<vmem>>)
      %run_scoped3A_720 = arith.constant 1 : i32
      %run_scoped3A_721 = arith.constant 1 : i32
      "tpu.region"() ({
        %run_scoped3A_825 = tpu.sem_alloc : memref<!tpu.dma_semaphore, #tpu.memory_space<semaphore_mem>>
        %dma_start3A_826 = arith.constant 0 : i32
        %dma_start3A_827 = arith.constant 0 : i32
        %dma_start3A_828 = tpu.memref_slice %arg6[%run_scoped3A_720, %dma_start3A_826, %dma_start3A_827] : memref<4x128x128xf32, #tpu.memory_space<vmem>> -> memref<1x128x128xf32, #tpu.memory_space<vmem>>
        %dma_start3A_829 = tpu.memref_squeeze %dma_start3A_828 : memref<1x128x128xf32, #tpu.memory_space<vmem>> -> memref<128x128xf32, #tpu.memory_space<vmem>>
        %dma_start3A_830 = arith.constant 0 : i32
        %dma_start3A_831 = arith.constant 0 : i32
        %dma_start3A_832 = tpu.memref_slice %arg7[%arg1, %run_scoped3A_721, %dma_start3A_830, %dma_start3A_831] : memref<16x4x8x128xf32, #tpu.memory_space<vmem_shared>> -> memref<1x1x8x128xf32, #tpu.memory_space<vmem_shared>>
        %dma_start3A_833 = tpu.memref_squeeze %dma_start3A_832 : memref<1x1x8x128xf32, #tpu.memory_space<vmem_shared>> -> memref<8x128xf32, #tpu.memory_space<vmem_shared>>
        %dma_start3A_834 = arith.constant 0 : i32
        %dma_start3A_835 = arith.constant 0 : i32
        %dma_start3A_836 = tpu.memref_slice %dma_start3A_833[%dma_start3A_834, %dma_start3A_835] : memref<8x128xf32, #tpu.memory_space<vmem_shared>> -> memref<8x128xf32, #tpu.memory_space<vmem_shared>>
        tpu.enqueue_indirect_dma source(%dma_start3A_829 : memref<128x128xf32, #tpu.memory_space<vmem>>) target(%dma_start3A_836 : memref<8x128xf32, #tpu.memory_space<vmem_shared>>) offsets(%arg9 : memref<128xi32, #tpu.memory_space<vmem>>) semaphore(%run_scoped3A_825 : memref<!tpu.dma_semaphore, #tpu.memory_space<semaphore_mem>>) {add = true}
        %dma_wait3A_837 = arith.constant 0 : i32
        %dma_wait3A_838 = arith.constant 0 : i32
        %dma_wait3A_839 = tpu.memref_slice %arg6[%run_scoped3A_720, %dma_wait3A_837, %dma_wait3A_838] : memref<4x128x128xf32, #tpu.memory_space<vmem>> -> memref<1x128x128xf32, #tpu.memory_space<vmem>>
        %dma_wait3A_840 = tpu.memref_squeeze %dma_wait3A_839 : memref<1x128x128xf32, #tpu.memory_space<vmem>> -> memref<128x128xf32, #tpu.memory_space<vmem>>
        %dma_wait3A_841 = arith.constant 0 : i32
        %dma_wait3A_842 = arith.constant 0 : i32
        %dma_wait3A_843 = tpu.memref_slice %arg7[%arg1, %run_scoped3A_721, %dma_wait3A_841, %dma_wait3A_842] : memref<16x4x8x128xf32, #tpu.memory_space<vmem_shared>> -> memref<1x1x8x128xf32, #tpu.memory_space<vmem_shared>>
        %dma_wait3A_844 = tpu.memref_squeeze %dma_wait3A_843 : memref<1x1x8x128xf32, #tpu.memory_space<vmem_shared>> -> memref<8x128xf32, #tpu.memory_space<vmem_shared>>
        %dma_wait3A_845 = arith.constant 0 : i32
        %dma_wait3A_846 = arith.constant 0 : i32
        %dma_wait3A_847 = tpu.memref_slice %dma_wait3A_844[%dma_wait3A_845, %dma_wait3A_846] : memref<8x128xf32, #tpu.memory_space<vmem_shared>> -> memref<8x128xf32, #tpu.memory_space<vmem_shared>>
        tpu.wait_indirect_dma semaphore(%run_scoped3A_825 : memref<!tpu.dma_semaphore, #tpu.memory_space<semaphore_mem>>) src(%dma_wait3A_840 : memref<128x128xf32, #tpu.memory_space<vmem>>) dst(%dma_wait3A_847 : memref<8x128xf32, #tpu.memory_space<vmem_shared>>)
        tpu.yield
      }) : () -> ()
      %mul3A_722 = arith.constant 8 : i32
      %mul3A_723 = arith.muli %add3A_697, %mul3A_722 : i32
      %add3A_724 = arith.addi %mul3A_4, %mul3A_723 : i32
      %dma_start3A_725 = arith.constant 1 : i32
      %dma_start3A_726 = arith.constant 0 : i32
      %dma_start3A_727 = tpu.memref_slice %arg4[%add3A_724, %dma_start3A_726] : memref<8192x128xf32, #tpu.memory_space<hbm>> -> memref<8x128xf32, #tpu.memory_space<hbm>>
      %dma_start3A_728 = arith.constant 0 : i32
      %dma_start3A_729 = arith.constant 0 : i32
      %dma_start3A_730 = tpu.memref_slice %arg7[%arg1, %dma_start3A_725, %dma_start3A_728, %dma_start3A_729] : memref<16x4x8x128xf32, #tpu.memory_space<vmem_shared>> -> memref<1x1x8x128xf32, #tpu.memory_space<vmem_shared>>
      %dma_start3A_731 = tpu.memref_squeeze %dma_start3A_730 : memref<1x1x8x128xf32, #tpu.memory_space<vmem_shared>> -> memref<8x128xf32, #tpu.memory_space<vmem_shared>>
      tpu.enqueue_dma source(%dma_start3A_731 : memref<8x128xf32, #tpu.memory_space<vmem_shared>>) target(%dma_start3A_727 : memref<8x128xf32, #tpu.memory_space<hbm>>) target_semaphore(%arg15 : memref<!tpu.dma_semaphore, #tpu.memory_space<semaphore_mem>>)
      %add3A_732 = arith.constant 4 : i32
      %add3A_733 = arith.addi %add3A_697, %add3A_732 : i32
      %lt3A_734 = arith.constant 32 : i32
      %lt3A_735 = arith.cmpi slt, %add3A_733, %lt3A_734 : i32
      %convert_element_type3A_736 = arith.extui %lt3A_735 : i1 to i32
      %cond3A_737 = arith.constant 0 : i32
      %cond3A_738 = arith.cmpi ne, %convert_element_type3A_736, %cond3A_737 : i32
      scf.if %cond3A_738 {
        %add3A_825 = arith.constant 4 : i32
        %add3A_826 = arith.addi %add3A_697, %add3A_825 : i32
        %mul3A_827 = arith.constant 128 : i32
        %mul3A_828 = arith.muli %add3A_826, %mul3A_827 : i32
        %add3A_829 = arith.addi %mul3A_2, %mul3A_828 : i32
        %run_scoped3A_830 = arith.constant 1 : i32
        "tpu.region"() ({
          %run_scoped3A_843 = tpu.sem_alloc : memref<!tpu.dma_semaphore, #tpu.memory_space<semaphore_mem>>
          %dma_start3A_844 = arith.constant 0 : i32
          %dma_start3A_845 = tpu.memref_slice %arg5[%run_scoped3A_830, %dma_start3A_844] : memref<4x128xi32, #tpu.memory_space<vmem>> -> memref<1x128xi32, #tpu.memory_space<vmem>>
          %dma_start3A_846 = tpu.memref_squeeze %dma_start3A_845 : memref<1x128xi32, #tpu.memory_space<vmem>> -> memref<128xi32, #tpu.memory_space<vmem>>
          %dma_start3A_847 = tpu.memref_slice %arg3[%add3A_829] : memref<131072xi32, #tpu.memory_space<hbm>> -> memref<128xi32, #tpu.memory_space<hbm>>
          %dma_start3A_848 = arith.constant 0 : i32
          %dma_start3A_849 = tpu.memref_slice %arg5[%run_scoped3A_830, %dma_start3A_848] : memref<4x128xi32, #tpu.memory_space<vmem>> -> memref<1x128xi32, #tpu.memory_space<vmem>>
          %dma_start3A_850 = tpu.memref_squeeze %dma_start3A_849 : memref<1x128xi32, #tpu.memory_space<vmem>> -> memref<128xi32, #tpu.memory_space<vmem>>
          %dma_start3A_851 = tpu.memref_slice %arg3[%add3A_829] : memref<131072xi32, #tpu.memory_space<hbm>> -> memref<128xi32, #tpu.memory_space<hbm>>
          tpu.enqueue_dma source(%dma_start3A_851 : memref<128xi32, #tpu.memory_space<hbm>>) target(%dma_start3A_850 : memref<128xi32, #tpu.memory_space<vmem>>) target_semaphore(%run_scoped3A_843 : memref<!tpu.dma_semaphore, #tpu.memory_space<semaphore_mem>>)
          %dma_wait3A_852 = arith.constant 0 : i32
          %dma_wait3A_853 = tpu.memref_slice %arg5[%run_scoped3A_830, %dma_wait3A_852] : memref<4x128xi32, #tpu.memory_space<vmem>> -> memref<1x128xi32, #tpu.memory_space<vmem>>
          %dma_wait3A_854 = tpu.memref_squeeze %dma_wait3A_853 : memref<1x128xi32, #tpu.memory_space<vmem>> -> memref<128xi32, #tpu.memory_space<vmem>>
          %dma_wait3A_855 = tpu.memref_slice %arg3[%add3A_829] : memref<131072xi32, #tpu.memory_space<hbm>> -> memref<128xi32, #tpu.memory_space<hbm>>
          %dma_wait3A_856 = arith.constant 0 : i32
          %dma_wait3A_857 = tpu.memref_slice %arg5[%run_scoped3A_830, %dma_wait3A_856] : memref<4x128xi32, #tpu.memory_space<vmem>> -> memref<1x128xi32, #tpu.memory_space<vmem>>
          %dma_wait3A_858 = tpu.memref_squeeze %dma_wait3A_857 : memref<1x128xi32, #tpu.memory_space<vmem>> -> memref<128xi32, #tpu.memory_space<vmem>>
          %dma_wait3A_859 = tpu.memref_slice %arg3[%add3A_829] : memref<131072xi32, #tpu.memory_space<hbm>> -> memref<128xi32, #tpu.memory_space<hbm>>
          tpu.wait_dma2 semaphore(%run_scoped3A_843 : memref<!tpu.dma_semaphore, #tpu.memory_space<semaphore_mem>>) src(%dma_wait3A_859 : memref<128xi32, #tpu.memory_space<hbm>>) dst(%dma_wait3A_858 : memref<128xi32, #tpu.memory_space<vmem>>)
          tpu.yield
        }) : () -> ()
        %dma_start3A_831 = arith.constant 1 : i32
        %dma_start3A_832 = arith.constant 1 : i32
        %dma_start3A_833 = arith.constant 0 : i32
        %dma_start3A_834 = arith.constant 0 : i32
        %dma_start3A_835 = tpu.memref_slice %arg6[%dma_start3A_832, %dma_start3A_833, %dma_start3A_834] : memref<4x128x128xf32, #tpu.memory_space<vmem>> -> memref<1x128x128xf32, #tpu.memory_space<vmem>>
        %dma_start3A_836 = tpu.memref_squeeze %dma_start3A_835 : memref<1x128x128xf32, #tpu.memory_space<vmem>> -> memref<128x128xf32, #tpu.memory_space<vmem>>
        %dma_start3A_837 = arith.constant 0 : i32
        %dma_start3A_838 = tpu.memref_slice %arg5[%dma_start3A_831, %dma_start3A_837] : memref<4x128xi32, #tpu.memory_space<vmem>> -> memref<1x128xi32, #tpu.memory_space<vmem>>
        %dma_start3A_839 = tpu.memref_squeeze %dma_start3A_838 : memref<1x128xi32, #tpu.memory_space<vmem>> -> memref<128xi32, #tpu.memory_space<vmem>>
        %dma_start3A_840 = arith.constant 0 : i32
        %dma_start3A_841 = arith.constant 0 : i32
        %dma_start3A_842 = tpu.memref_slice %arg2[%dma_start3A_840, %dma_start3A_841] : memref<8192x128xf32, #tpu.memory_space<hbm>> -> memref<8192x128xf32, #tpu.memory_space<hbm>>
        tpu.enqueue_indirect_dma source(%dma_start3A_842 : memref<8192x128xf32, #tpu.memory_space<hbm>>) target(%dma_start3A_836 : memref<128x128xf32, #tpu.memory_space<vmem>>) offsets(%dma_start3A_839 : memref<128xi32, #tpu.memory_space<vmem>>) semaphore(%arg11 : memref<!tpu.dma_semaphore, #tpu.memory_space<semaphore_mem>>)
      } else {
      }
      %add3A_739 = arith.constant 2 : i32
      %add3A_740 = arith.addi %add3A_656, %add3A_739 : i32
      %ge3A_741 = arith.constant 4 : i32
      %ge3A_742 = arith.cmpi sge, %add3A_740, %ge3A_741 : i32
      %convert_element_type3A_743 = arith.extui %ge3A_742 : i1 to i32
      %cond3A_744 = arith.constant 2 : i32
      %cond3A_745 = arith.constant 0 : i32
      %cond3A_746 = arith.cmpi ne, %convert_element_type3A_743, %cond3A_745 : i32
      scf.if %cond3A_746 {
        %dma_wait3A_825 = arith.constant 0 : i32
        %dma_wait3A_826 = tpu.memref_slice %arg4[%mul3A_4, %dma_wait3A_825] : memref<8192x128xf32, #tpu.memory_space<hbm>> -> memref<8x128xf32, #tpu.memory_space<hbm>>
        %dma_wait3A_827 = arith.constant 0 : i32
        %dma_wait3A_828 = arith.constant 0 : i32
        %dma_wait3A_829 = tpu.memref_slice %arg7[%arg1, %cond3A_744, %dma_wait3A_827, %dma_wait3A_828] : memref<16x4x8x128xf32, #tpu.memory_space<vmem_shared>> -> memref<1x1x8x128xf32, #tpu.memory_space<vmem_shared>>
        %dma_wait3A_830 = tpu.memref_squeeze %dma_wait3A_829 : memref<1x1x8x128xf32, #tpu.memory_space<vmem_shared>> -> memref<8x128xf32, #tpu.memory_space<vmem_shared>>
        tpu.wait_dma2 semaphore(%arg16 : memref<!tpu.dma_semaphore, #tpu.memory_space<semaphore_mem>>) src(%dma_wait3A_830 : memref<8x128xf32, #tpu.memory_space<vmem_shared>>) dst(%dma_wait3A_826 : memref<8x128xf32, #tpu.memory_space<hbm>>)
      } else {
      }
      %run_scoped3A_747 = arith.constant 2 : i32
      "tpu.region"() ({
        %run_scoped3A_825 = tpu.sem_alloc : memref<!tpu.dma_semaphore, #tpu.memory_space<semaphore_mem>>
        %dma_start3A_826 = arith.constant 0 : i32
        %dma_start3A_827 = arith.constant 0 : i32
        %dma_start3A_828 = tpu.memref_slice %arg7[%arg1, %run_scoped3A_747, %dma_start3A_826, %dma_start3A_827] : memref<16x4x8x128xf32, #tpu.memory_space<vmem_shared>> -> memref<1x1x8x128xf32, #tpu.memory_space<vmem_shared>>
        %dma_start3A_829 = tpu.memref_squeeze %dma_start3A_828 : memref<1x1x8x128xf32, #tpu.memory_space<vmem_shared>> -> memref<8x128xf32, #tpu.memory_space<vmem_shared>>
        %dma_start3A_830 = arith.constant 0 : i32
        %dma_start3A_831 = arith.constant 0 : i32
        %dma_start3A_832 = tpu.memref_slice %arg7[%arg1, %run_scoped3A_747, %dma_start3A_830, %dma_start3A_831] : memref<16x4x8x128xf32, #tpu.memory_space<vmem_shared>> -> memref<1x1x8x128xf32, #tpu.memory_space<vmem_shared>>
        %dma_start3A_833 = tpu.memref_squeeze %dma_start3A_832 : memref<1x1x8x128xf32, #tpu.memory_space<vmem_shared>> -> memref<8x128xf32, #tpu.memory_space<vmem_shared>>
        tpu.enqueue_dma source(%arg8 : memref<8x128xf32, #tpu.memory_space<vmem>>) target(%dma_start3A_833 : memref<8x128xf32, #tpu.memory_space<vmem_shared>>) target_semaphore(%run_scoped3A_825 : memref<!tpu.dma_semaphore, #tpu.memory_space<semaphore_mem>>)
        %dma_wait3A_834 = arith.constant 0 : i32
        %dma_wait3A_835 = arith.constant 0 : i32
        %dma_wait3A_836 = tpu.memref_slice %arg7[%arg1, %run_scoped3A_747, %dma_wait3A_834, %dma_wait3A_835] : memref<16x4x8x128xf32, #tpu.memory_space<vmem_shared>> -> memref<1x1x8x128xf32, #tpu.memory_space<vmem_shared>>
        %dma_wait3A_837 = tpu.memref_squeeze %dma_wait3A_836 : memref<1x1x8x128xf32, #tpu.memory_space<vmem_shared>> -> memref<8x128xf32, #tpu.memory_space<vmem_shared>>
        %dma_wait3A_838 = arith.constant 0 : i32
        %dma_wait3A_839 = arith.constant 0 : i32
        %dma_wait3A_840 = tpu.memref_slice %arg7[%arg1, %run_scoped3A_747, %dma_wait3A_838, %dma_wait3A_839] : memref<16x4x8x128xf32, #tpu.memory_space<vmem_shared>> -> memref<1x1x8x128xf32, #tpu.memory_space<vmem_shared>>
        %dma_wait3A_841 = tpu.memref_squeeze %dma_wait3A_840 : memref<1x1x8x128xf32, #tpu.memory_space<vmem_shared>> -> memref<8x128xf32, #tpu.memory_space<vmem_shared>>
        tpu.wait_dma2 semaphore(%run_scoped3A_825 : memref<!tpu.dma_semaphore, #tpu.memory_space<semaphore_mem>>) src(%arg8 : memref<8x128xf32, #tpu.memory_space<vmem>>) dst(%dma_wait3A_841 : memref<8x128xf32, #tpu.memory_space<vmem_shared>>)
        tpu.yield
      }) : () -> ()
      %dma_wait3A_748 = arith.constant 2 : i32
      %dma_wait3A_749 = arith.constant 0 : i32
      %dma_wait3A_750 = arith.constant 0 : i32
      %dma_wait3A_751 = tpu.memref_slice %arg6[%dma_wait3A_748, %dma_wait3A_749, %dma_wait3A_750] : memref<4x128x128xf32, #tpu.memory_space<vmem>> -> memref<1x128x128xf32, #tpu.memory_space<vmem>>
      %dma_wait3A_752 = tpu.memref_squeeze %dma_wait3A_751 : memref<1x128x128xf32, #tpu.memory_space<vmem>> -> memref<128x128xf32, #tpu.memory_space<vmem>>
      %dma_wait3A_753 = arith.constant 0 : i32
      %dma_wait3A_754 = arith.constant 0 : i32
      %dma_wait3A_755 = tpu.memref_slice %arg2[%dma_wait3A_753, %dma_wait3A_754] : memref<8192x128xf32, #tpu.memory_space<hbm>> -> memref<128x128xf32, #tpu.memory_space<hbm>>
      %dma_wait3A_756 = arith.constant 0 : i32
      %dma_wait3A_757 = arith.constant 0 : i32
      %dma_wait3A_758 = tpu.memref_slice %arg6[%dma_wait3A_748, %dma_wait3A_756, %dma_wait3A_757] : memref<4x128x128xf32, #tpu.memory_space<vmem>> -> memref<1x128x128xf32, #tpu.memory_space<vmem>>
      %dma_wait3A_759 = tpu.memref_squeeze %dma_wait3A_758 : memref<1x128x128xf32, #tpu.memory_space<vmem>> -> memref<128x128xf32, #tpu.memory_space<vmem>>
      %dma_wait3A_760 = arith.constant 0 : i32
      %dma_wait3A_761 = arith.constant 0 : i32
      %dma_wait3A_762 = tpu.memref_slice %arg2[%dma_wait3A_760, %dma_wait3A_761] : memref<8192x128xf32, #tpu.memory_space<hbm>> -> memref<128x128xf32, #tpu.memory_space<hbm>>
      tpu.wait_dma2 semaphore(%arg12 : memref<!tpu.dma_semaphore, #tpu.memory_space<semaphore_mem>>) src(%dma_wait3A_762 : memref<128x128xf32, #tpu.memory_space<hbm>>) dst(%dma_wait3A_759 : memref<128x128xf32, #tpu.memory_space<vmem>>)
      %run_scoped3A_763 = arith.constant 2 : i32
      %run_scoped3A_764 = arith.constant 2 : i32
      "tpu.region"() ({
        %run_scoped3A_825 = tpu.sem_alloc : memref<!tpu.dma_semaphore, #tpu.memory_space<semaphore_mem>>
        %dma_start3A_826 = arith.constant 0 : i32
        %dma_start3A_827 = arith.constant 0 : i32
        %dma_start3A_828 = tpu.memref_slice %arg6[%run_scoped3A_763, %dma_start3A_826, %dma_start3A_827] : memref<4x128x128xf32, #tpu.memory_space<vmem>> -> memref<1x128x128xf32, #tpu.memory_space<vmem>>
        %dma_start3A_829 = tpu.memref_squeeze %dma_start3A_828 : memref<1x128x128xf32, #tpu.memory_space<vmem>> -> memref<128x128xf32, #tpu.memory_space<vmem>>
        %dma_start3A_830 = arith.constant 0 : i32
        %dma_start3A_831 = arith.constant 0 : i32
        %dma_start3A_832 = tpu.memref_slice %arg7[%arg1, %run_scoped3A_764, %dma_start3A_830, %dma_start3A_831] : memref<16x4x8x128xf32, #tpu.memory_space<vmem_shared>> -> memref<1x1x8x128xf32, #tpu.memory_space<vmem_shared>>
        %dma_start3A_833 = tpu.memref_squeeze %dma_start3A_832 : memref<1x1x8x128xf32, #tpu.memory_space<vmem_shared>> -> memref<8x128xf32, #tpu.memory_space<vmem_shared>>
        %dma_start3A_834 = arith.constant 0 : i32
        %dma_start3A_835 = arith.constant 0 : i32
        %dma_start3A_836 = tpu.memref_slice %dma_start3A_833[%dma_start3A_834, %dma_start3A_835] : memref<8x128xf32, #tpu.memory_space<vmem_shared>> -> memref<8x128xf32, #tpu.memory_space<vmem_shared>>
        tpu.enqueue_indirect_dma source(%dma_start3A_829 : memref<128x128xf32, #tpu.memory_space<vmem>>) target(%dma_start3A_836 : memref<8x128xf32, #tpu.memory_space<vmem_shared>>) offsets(%arg9 : memref<128xi32, #tpu.memory_space<vmem>>) semaphore(%run_scoped3A_825 : memref<!tpu.dma_semaphore, #tpu.memory_space<semaphore_mem>>) {add = true}
        %dma_wait3A_837 = arith.constant 0 : i32
        %dma_wait3A_838 = arith.constant 0 : i32
        %dma_wait3A_839 = tpu.memref_slice %arg6[%run_scoped3A_763, %dma_wait3A_837, %dma_wait3A_838] : memref<4x128x128xf32, #tpu.memory_space<vmem>> -> memref<1x128x128xf32, #tpu.memory_space<vmem>>
        %dma_wait3A_840 = tpu.memref_squeeze %dma_wait3A_839 : memref<1x128x128xf32, #tpu.memory_space<vmem>> -> memref<128x128xf32, #tpu.memory_space<vmem>>
        %dma_wait3A_841 = arith.constant 0 : i32
        %dma_wait3A_842 = arith.constant 0 : i32
        %dma_wait3A_843 = tpu.memref_slice %arg7[%arg1, %run_scoped3A_764, %dma_wait3A_841, %dma_wait3A_842] : memref<16x4x8x128xf32, #tpu.memory_space<vmem_shared>> -> memref<1x1x8x128xf32, #tpu.memory_space<vmem_shared>>
        %dma_wait3A_844 = tpu.memref_squeeze %dma_wait3A_843 : memref<1x1x8x128xf32, #tpu.memory_space<vmem_shared>> -> memref<8x128xf32, #tpu.memory_space<vmem_shared>>
        %dma_wait3A_845 = arith.constant 0 : i32
        %dma_wait3A_846 = arith.constant 0 : i32
        %dma_wait3A_847 = tpu.memref_slice %dma_wait3A_844[%dma_wait3A_845, %dma_wait3A_846] : memref<8x128xf32, #tpu.memory_space<vmem_shared>> -> memref<8x128xf32, #tpu.memory_space<vmem_shared>>
        tpu.wait_indirect_dma semaphore(%run_scoped3A_825 : memref<!tpu.dma_semaphore, #tpu.memory_space<semaphore_mem>>) src(%dma_wait3A_840 : memref<128x128xf32, #tpu.memory_space<vmem>>) dst(%dma_wait3A_847 : memref<8x128xf32, #tpu.memory_space<vmem_shared>>)
        tpu.yield
      }) : () -> ()
      %mul3A_765 = arith.constant 8 : i32
      %mul3A_766 = arith.muli %add3A_740, %mul3A_765 : i32
      %add3A_767 = arith.addi %mul3A_4, %mul3A_766 : i32
      %dma_start3A_768 = arith.constant 2 : i32
      %dma_start3A_769 = arith.constant 0 : i32
      %dma_start3A_770 = tpu.memref_slice %arg4[%add3A_767, %dma_start3A_769] : memref<8192x128xf32, #tpu.memory_space<hbm>> -> memref<8x128xf32, #tpu.memory_space<hbm>>
      %dma_start3A_771 = arith.constant 0 : i32
      %dma_start3A_772 = arith.constant 0 : i32
      %dma_start3A_773 = tpu.memref_slice %arg7[%arg1, %dma_start3A_768, %dma_start3A_771, %dma_start3A_772] : memref<16x4x8x128xf32, #tpu.memory_space<vmem_shared>> -> memref<1x1x8x128xf32, #tpu.memory_space<vmem_shared>>
      %dma_start3A_774 = tpu.memref_squeeze %dma_start3A_773 : memref<1x1x8x128xf32, #tpu.memory_space<vmem_shared>> -> memref<8x128xf32, #tpu.memory_space<vmem_shared>>
      tpu.enqueue_dma source(%dma_start3A_774 : memref<8x128xf32, #tpu.memory_space<vmem_shared>>) target(%dma_start3A_770 : memref<8x128xf32, #tpu.memory_space<hbm>>) target_semaphore(%arg16 : memref<!tpu.dma_semaphore, #tpu.memory_space<semaphore_mem>>)
      %add3A_775 = arith.constant 4 : i32
      %add3A_776 = arith.addi %add3A_740, %add3A_775 : i32
      %lt3A_777 = arith.constant 32 : i32
      %lt3A_778 = arith.cmpi slt, %add3A_776, %lt3A_777 : i32
      %convert_element_type3A_779 = arith.extui %lt3A_778 : i1 to i32
      %cond3A_780 = arith.constant 0 : i32
      %cond3A_781 = arith.cmpi ne, %convert_element_type3A_779, %cond3A_780 : i32
      scf.if %cond3A_781 {
        %add3A_825 = arith.constant 4 : i32
        %add3A_826 = arith.addi %add3A_740, %add3A_825 : i32
        %mul3A_827 = arith.constant 128 : i32
        %mul3A_828 = arith.muli %add3A_826, %mul3A_827 : i32
        %add3A_829 = arith.addi %mul3A_2, %mul3A_828 : i32
        %run_scoped3A_830 = arith.constant 2 : i32
        "tpu.region"() ({
          %run_scoped3A_843 = tpu.sem_alloc : memref<!tpu.dma_semaphore, #tpu.memory_space<semaphore_mem>>
          %dma_start3A_844 = arith.constant 0 : i32
          %dma_start3A_845 = tpu.memref_slice %arg5[%run_scoped3A_830, %dma_start3A_844] : memref<4x128xi32, #tpu.memory_space<vmem>> -> memref<1x128xi32, #tpu.memory_space<vmem>>
          %dma_start3A_846 = tpu.memref_squeeze %dma_start3A_845 : memref<1x128xi32, #tpu.memory_space<vmem>> -> memref<128xi32, #tpu.memory_space<vmem>>
          %dma_start3A_847 = tpu.memref_slice %arg3[%add3A_829] : memref<131072xi32, #tpu.memory_space<hbm>> -> memref<128xi32, #tpu.memory_space<hbm>>
          %dma_start3A_848 = arith.constant 0 : i32
          %dma_start3A_849 = tpu.memref_slice %arg5[%run_scoped3A_830, %dma_start3A_848] : memref<4x128xi32, #tpu.memory_space<vmem>> -> memref<1x128xi32, #tpu.memory_space<vmem>>
          %dma_start3A_850 = tpu.memref_squeeze %dma_start3A_849 : memref<1x128xi32, #tpu.memory_space<vmem>> -> memref<128xi32, #tpu.memory_space<vmem>>
          %dma_start3A_851 = tpu.memref_slice %arg3[%add3A_829] : memref<131072xi32, #tpu.memory_space<hbm>> -> memref<128xi32, #tpu.memory_space<hbm>>
          tpu.enqueue_dma source(%dma_start3A_851 : memref<128xi32, #tpu.memory_space<hbm>>) target(%dma_start3A_850 : memref<128xi32, #tpu.memory_space<vmem>>) target_semaphore(%run_scoped3A_843 : memref<!tpu.dma_semaphore, #tpu.memory_space<semaphore_mem>>)
          %dma_wait3A_852 = arith.constant 0 : i32
          %dma_wait3A_853 = tpu.memref_slice %arg5[%run_scoped3A_830, %dma_wait3A_852] : memref<4x128xi32, #tpu.memory_space<vmem>> -> memref<1x128xi32, #tpu.memory_space<vmem>>
          %dma_wait3A_854 = tpu.memref_squeeze %dma_wait3A_853 : memref<1x128xi32, #tpu.memory_space<vmem>> -> memref<128xi32, #tpu.memory_space<vmem>>
          %dma_wait3A_855 = tpu.memref_slice %arg3[%add3A_829] : memref<131072xi32, #tpu.memory_space<hbm>> -> memref<128xi32, #tpu.memory_space<hbm>>
          %dma_wait3A_856 = arith.constant 0 : i32
          %dma_wait3A_857 = tpu.memref_slice %arg5[%run_scoped3A_830, %dma_wait3A_856] : memref<4x128xi32, #tpu.memory_space<vmem>> -> memref<1x128xi32, #tpu.memory_space<vmem>>
          %dma_wait3A_858 = tpu.memref_squeeze %dma_wait3A_857 : memref<1x128xi32, #tpu.memory_space<vmem>> -> memref<128xi32, #tpu.memory_space<vmem>>
          %dma_wait3A_859 = tpu.memref_slice %arg3[%add3A_829] : memref<131072xi32, #tpu.memory_space<hbm>> -> memref<128xi32, #tpu.memory_space<hbm>>
          tpu.wait_dma2 semaphore(%run_scoped3A_843 : memref<!tpu.dma_semaphore, #tpu.memory_space<semaphore_mem>>) src(%dma_wait3A_859 : memref<128xi32, #tpu.memory_space<hbm>>) dst(%dma_wait3A_858 : memref<128xi32, #tpu.memory_space<vmem>>)
          tpu.yield
        }) : () -> ()
        %dma_start3A_831 = arith.constant 2 : i32
        %dma_start3A_832 = arith.constant 2 : i32
        %dma_start3A_833 = arith.constant 0 : i32
        %dma_start3A_834 = arith.constant 0 : i32
        %dma_start3A_835 = tpu.memref_slice %arg6[%dma_start3A_832, %dma_start3A_833, %dma_start3A_834] : memref<4x128x128xf32, #tpu.memory_space<vmem>> -> memref<1x128x128xf32, #tpu.memory_space<vmem>>
        %dma_start3A_836 = tpu.memref_squeeze %dma_start3A_835 : memref<1x128x128xf32, #tpu.memory_space<vmem>> -> memref<128x128xf32, #tpu.memory_space<vmem>>
        %dma_start3A_837 = arith.constant 0 : i32
        %dma_start3A_838 = tpu.memref_slice %arg5[%dma_start3A_831, %dma_start3A_837] : memref<4x128xi32, #tpu.memory_space<vmem>> -> memref<1x128xi32, #tpu.memory_space<vmem>>
        %dma_start3A_839 = tpu.memref_squeeze %dma_start3A_838 : memref<1x128xi32, #tpu.memory_space<vmem>> -> memref<128xi32, #tpu.memory_space<vmem>>
        %dma_start3A_840 = arith.constant 0 : i32
        %dma_start3A_841 = arith.constant 0 : i32
        %dma_start3A_842 = tpu.memref_slice %arg2[%dma_start3A_840, %dma_start3A_841] : memref<8192x128xf32, #tpu.memory_space<hbm>> -> memref<8192x128xf32, #tpu.memory_space<hbm>>
        tpu.enqueue_indirect_dma source(%dma_start3A_842 : memref<8192x128xf32, #tpu.memory_space<hbm>>) target(%dma_start3A_836 : memref<128x128xf32, #tpu.memory_space<vmem>>) offsets(%dma_start3A_839 : memref<128xi32, #tpu.memory_space<vmem>>) semaphore(%arg12 : memref<!tpu.dma_semaphore, #tpu.memory_space<semaphore_mem>>)
      } else {
      }
      %add3A_782 = arith.constant 3 : i32
      %add3A_783 = arith.addi %add3A_656, %add3A_782 : i32
      %ge3A_784 = arith.constant 4 : i32
      %ge3A_785 = arith.cmpi sge, %add3A_783, %ge3A_784 : i32
      %convert_element_type3A_786 = arith.extui %ge3A_785 : i1 to i32
      %cond3A_787 = arith.constant 3 : i32
      %cond3A_788 = arith.constant 0 : i32
      %cond3A_789 = arith.cmpi ne, %convert_element_type3A_786, %cond3A_788 : i32
      scf.if %cond3A_789 {
        %dma_wait3A_825 = arith.constant 0 : i32
        %dma_wait3A_826 = tpu.memref_slice %arg4[%mul3A_4, %dma_wait3A_825] : memref<8192x128xf32, #tpu.memory_space<hbm>> -> memref<8x128xf32, #tpu.memory_space<hbm>>
        %dma_wait3A_827 = arith.constant 0 : i32
        %dma_wait3A_828 = arith.constant 0 : i32
        %dma_wait3A_829 = tpu.memref_slice %arg7[%arg1, %cond3A_787, %dma_wait3A_827, %dma_wait3A_828] : memref<16x4x8x128xf32, #tpu.memory_space<vmem_shared>> -> memref<1x1x8x128xf32, #tpu.memory_space<vmem_shared>>
        %dma_wait3A_830 = tpu.memref_squeeze %dma_wait3A_829 : memref<1x1x8x128xf32, #tpu.memory_space<vmem_shared>> -> memref<8x128xf32, #tpu.memory_space<vmem_shared>>
        tpu.wait_dma2 semaphore(%arg17 : memref<!tpu.dma_semaphore, #tpu.memory_space<semaphore_mem>>) src(%dma_wait3A_830 : memref<8x128xf32, #tpu.memory_space<vmem_shared>>) dst(%dma_wait3A_826 : memref<8x128xf32, #tpu.memory_space<hbm>>)
      } else {
      }
      %run_scoped3A_790 = arith.constant 3 : i32
      "tpu.region"() ({
        %run_scoped3A_825 = tpu.sem_alloc : memref<!tpu.dma_semaphore, #tpu.memory_space<semaphore_mem>>
        %dma_start3A_826 = arith.constant 0 : i32
        %dma_start3A_827 = arith.constant 0 : i32
        %dma_start3A_828 = tpu.memref_slice %arg7[%arg1, %run_scoped3A_790, %dma_start3A_826, %dma_start3A_827] : memref<16x4x8x128xf32, #tpu.memory_space<vmem_shared>> -> memref<1x1x8x128xf32, #tpu.memory_space<vmem_shared>>
        %dma_start3A_829 = tpu.memref_squeeze %dma_start3A_828 : memref<1x1x8x128xf32, #tpu.memory_space<vmem_shared>> -> memref<8x128xf32, #tpu.memory_space<vmem_shared>>
        %dma_start3A_830 = arith.constant 0 : i32
        %dma_start3A_831 = arith.constant 0 : i32
        %dma_start3A_832 = tpu.memref_slice %arg7[%arg1, %run_scoped3A_790, %dma_start3A_830, %dma_start3A_831] : memref<16x4x8x128xf32, #tpu.memory_space<vmem_shared>> -> memref<1x1x8x128xf32, #tpu.memory_space<vmem_shared>>
        %dma_start3A_833 = tpu.memref_squeeze %dma_start3A_832 : memref<1x1x8x128xf32, #tpu.memory_space<vmem_shared>> -> memref<8x128xf32, #tpu.memory_space<vmem_shared>>
        tpu.enqueue_dma source(%arg8 : memref<8x128xf32, #tpu.memory_space<vmem>>) target(%dma_start3A_833 : memref<8x128xf32, #tpu.memory_space<vmem_shared>>) target_semaphore(%run_scoped3A_825 : memref<!tpu.dma_semaphore, #tpu.memory_space<semaphore_mem>>)
        %dma_wait3A_834 = arith.constant 0 : i32
        %dma_wait3A_835 = arith.constant 0 : i32
        %dma_wait3A_836 = tpu.memref_slice %arg7[%arg1, %run_scoped3A_790, %dma_wait3A_834, %dma_wait3A_835] : memref<16x4x8x128xf32, #tpu.memory_space<vmem_shared>> -> memref<1x1x8x128xf32, #tpu.memory_space<vmem_shared>>
        %dma_wait3A_837 = tpu.memref_squeeze %dma_wait3A_836 : memref<1x1x8x128xf32, #tpu.memory_space<vmem_shared>> -> memref<8x128xf32, #tpu.memory_space<vmem_shared>>
        %dma_wait3A_838 = arith.constant 0 : i32
        %dma_wait3A_839 = arith.constant 0 : i32
        %dma_wait3A_840 = tpu.memref_slice %arg7[%arg1, %run_scoped3A_790, %dma_wait3A_838, %dma_wait3A_839] : memref<16x4x8x128xf32, #tpu.memory_space<vmem_shared>> -> memref<1x1x8x128xf32, #tpu.memory_space<vmem_shared>>
        %dma_wait3A_841 = tpu.memref_squeeze %dma_wait3A_840 : memref<1x1x8x128xf32, #tpu.memory_space<vmem_shared>> -> memref<8x128xf32, #tpu.memory_space<vmem_shared>>
        tpu.wait_dma2 semaphore(%run_scoped3A_825 : memref<!tpu.dma_semaphore, #tpu.memory_space<semaphore_mem>>) src(%arg8 : memref<8x128xf32, #tpu.memory_space<vmem>>) dst(%dma_wait3A_841 : memref<8x128xf32, #tpu.memory_space<vmem_shared>>)
        tpu.yield
      }) : () -> ()
      %dma_wait3A_791 = arith.constant 3 : i32
      %dma_wait3A_792 = arith.constant 0 : i32
      %dma_wait3A_793 = arith.constant 0 : i32
      %dma_wait3A_794 = tpu.memref_slice %arg6[%dma_wait3A_791, %dma_wait3A_792, %dma_wait3A_793] : memref<4x128x128xf32, #tpu.memory_space<vmem>> -> memref<1x128x128xf32, #tpu.memory_space<vmem>>
      %dma_wait3A_795 = tpu.memref_squeeze %dma_wait3A_794 : memref<1x128x128xf32, #tpu.memory_space<vmem>> -> memref<128x128xf32, #tpu.memory_space<vmem>>
      %dma_wait3A_796 = arith.constant 0 : i32
      %dma_wait3A_797 = arith.constant 0 : i32
      %dma_wait3A_798 = tpu.memref_slice %arg2[%dma_wait3A_796, %dma_wait3A_797] : memref<8192x128xf32, #tpu.memory_space<hbm>> -> memref<128x128xf32, #tpu.memory_space<hbm>>
      %dma_wait3A_799 = arith.constant 0 : i32
      %dma_wait3A_800 = arith.constant 0 : i32
      %dma_wait3A_801 = tpu.memref_slice %arg6[%dma_wait3A_791, %dma_wait3A_799, %dma_wait3A_800] : memref<4x128x128xf32, #tpu.memory_space<vmem>> -> memref<1x128x128xf32, #tpu.memory_space<vmem>>
      %dma_wait3A_802 = tpu.memref_squeeze %dma_wait3A_801 : memref<1x128x128xf32, #tpu.memory_space<vmem>> -> memref<128x128xf32, #tpu.memory_space<vmem>>
      %dma_wait3A_803 = arith.constant 0 : i32
      %dma_wait3A_804 = arith.constant 0 : i32
      %dma_wait3A_805 = tpu.memref_slice %arg2[%dma_wait3A_803, %dma_wait3A_804] : memref<8192x128xf32, #tpu.memory_space<hbm>> -> memref<128x128xf32, #tpu.memory_space<hbm>>
      tpu.wait_dma2 semaphore(%arg13 : memref<!tpu.dma_semaphore, #tpu.memory_space<semaphore_mem>>) src(%dma_wait3A_805 : memref<128x128xf32, #tpu.memory_space<hbm>>) dst(%dma_wait3A_802 : memref<128x128xf32, #tpu.memory_space<vmem>>)
      %run_scoped3A_806 = arith.constant 3 : i32
      %run_scoped3A_807 = arith.constant 3 : i32
      "tpu.region"() ({
        %run_scoped3A_825 = tpu.sem_alloc : memref<!tpu.dma_semaphore, #tpu.memory_space<semaphore_mem>>
        %dma_start3A_826 = arith.constant 0 : i32
        %dma_start3A_827 = arith.constant 0 : i32
        %dma_start3A_828 = tpu.memref_slice %arg6[%run_scoped3A_806, %dma_start3A_826, %dma_start3A_827] : memref<4x128x128xf32, #tpu.memory_space<vmem>> -> memref<1x128x128xf32, #tpu.memory_space<vmem>>
        %dma_start3A_829 = tpu.memref_squeeze %dma_start3A_828 : memref<1x128x128xf32, #tpu.memory_space<vmem>> -> memref<128x128xf32, #tpu.memory_space<vmem>>
        %dma_start3A_830 = arith.constant 0 : i32
        %dma_start3A_831 = arith.constant 0 : i32
        %dma_start3A_832 = tpu.memref_slice %arg7[%arg1, %run_scoped3A_807, %dma_start3A_830, %dma_start3A_831] : memref<16x4x8x128xf32, #tpu.memory_space<vmem_shared>> -> memref<1x1x8x128xf32, #tpu.memory_space<vmem_shared>>
        %dma_start3A_833 = tpu.memref_squeeze %dma_start3A_832 : memref<1x1x8x128xf32, #tpu.memory_space<vmem_shared>> -> memref<8x128xf32, #tpu.memory_space<vmem_shared>>
        %dma_start3A_834 = arith.constant 0 : i32
        %dma_start3A_835 = arith.constant 0 : i32
        %dma_start3A_836 = tpu.memref_slice %dma_start3A_833[%dma_start3A_834, %dma_start3A_835] : memref<8x128xf32, #tpu.memory_space<vmem_shared>> -> memref<8x128xf32, #tpu.memory_space<vmem_shared>>
        tpu.enqueue_indirect_dma source(%dma_start3A_829 : memref<128x128xf32, #tpu.memory_space<vmem>>) target(%dma_start3A_836 : memref<8x128xf32, #tpu.memory_space<vmem_shared>>) offsets(%arg9 : memref<128xi32, #tpu.memory_space<vmem>>) semaphore(%run_scoped3A_825 : memref<!tpu.dma_semaphore, #tpu.memory_space<semaphore_mem>>) {add = true}
        %dma_wait3A_837 = arith.constant 0 : i32
        %dma_wait3A_838 = arith.constant 0 : i32
        %dma_wait3A_839 = tpu.memref_slice %arg6[%run_scoped3A_806, %dma_wait3A_837, %dma_wait3A_838] : memref<4x128x128xf32, #tpu.memory_space<vmem>> -> memref<1x128x128xf32, #tpu.memory_space<vmem>>
        %dma_wait3A_840 = tpu.memref_squeeze %dma_wait3A_839 : memref<1x128x128xf32, #tpu.memory_space<vmem>> -> memref<128x128xf32, #tpu.memory_space<vmem>>
        %dma_wait3A_841 = arith.constant 0 : i32
        %dma_wait3A_842 = arith.constant 0 : i32
        %dma_wait3A_843 = tpu.memref_slice %arg7[%arg1, %run_scoped3A_807, %dma_wait3A_841, %dma_wait3A_842] : memref<16x4x8x128xf32, #tpu.memory_space<vmem_shared>> -> memref<1x1x8x128xf32, #tpu.memory_space<vmem_shared>>
        %dma_wait3A_844 = tpu.memref_squeeze %dma_wait3A_843 : memref<1x1x8x128xf32, #tpu.memory_space<vmem_shared>> -> memref<8x128xf32, #tpu.memory_space<vmem_shared>>
        %dma_wait3A_845 = arith.constant 0 : i32
        %dma_wait3A_846 = arith.constant 0 : i32
        %dma_wait3A_847 = tpu.memref_slice %dma_wait3A_844[%dma_wait3A_845, %dma_wait3A_846] : memref<8x128xf32, #tpu.memory_space<vmem_shared>> -> memref<8x128xf32, #tpu.memory_space<vmem_shared>>
        tpu.wait_indirect_dma semaphore(%run_scoped3A_825 : memref<!tpu.dma_semaphore, #tpu.memory_space<semaphore_mem>>) src(%dma_wait3A_840 : memref<128x128xf32, #tpu.memory_space<vmem>>) dst(%dma_wait3A_847 : memref<8x128xf32, #tpu.memory_space<vmem_shared>>)
        tpu.yield
      }) : () -> ()
      %mul3A_808 = arith.constant 8 : i32
      %mul3A_809 = arith.muli %add3A_783, %mul3A_808 : i32
      %add3A_810 = arith.addi %mul3A_4, %mul3A_809 : i32
      %dma_start3A_811 = arith.constant 3 : i32
      %dma_start3A_812 = arith.constant 0 : i32
      %dma_start3A_813 = tpu.memref_slice %arg4[%add3A_810, %dma_start3A_812] : memref<8192x128xf32, #tpu.memory_space<hbm>> -> memref<8x128xf32, #tpu.memory_space<hbm>>
      %dma_start3A_814 = arith.constant 0 : i32
      %dma_start3A_815 = arith.constant 0 : i32
      %dma_start3A_816 = tpu.memref_slice %arg7[%arg1, %dma_start3A_811, %dma_start3A_814, %dma_start3A_815] : memref<16x4x8x128xf32, #tpu.memory_space<vmem_shared>> -> memref<1x1x8x128xf32, #tpu.memory_space<vmem_shared>>
      %dma_start3A_817 = tpu.memref_squeeze %dma_start3A_816 : memref<1x1x8x128xf32, #tpu.memory_space<vmem_shared>> -> memref<8x128xf32, #tpu.memory_space<vmem_shared>>
      tpu.enqueue_dma source(%dma_start3A_817 : memref<8x128xf32, #tpu.memory_space<vmem_shared>>) target(%dma_start3A_813 : memref<8x128xf32, #tpu.memory_space<hbm>>) target_semaphore(%arg17 : memref<!tpu.dma_semaphore, #tpu.memory_space<semaphore_mem>>)
      %add3A_818 = arith.constant 4 : i32
      %add3A_819 = arith.addi %add3A_783, %add3A_818 : i32
      %lt3A_820 = arith.constant 32 : i32
      %lt3A_821 = arith.cmpi slt, %add3A_819, %lt3A_820 : i32
      %convert_element_type3A_822 = arith.extui %lt3A_821 : i1 to i32
      %cond3A_823 = arith.constant 0 : i32
      %cond3A_824 = arith.cmpi ne, %convert_element_type3A_822, %cond3A_823 : i32
      scf.if %cond3A_824 {
        %add3A_825 = arith.constant 4 : i32
        %add3A_826 = arith.addi %add3A_783, %add3A_825 : i32
        %mul3A_827 = arith.constant 128 : i32
        %mul3A_828 = arith.muli %add3A_826, %mul3A_827 : i32
        %add3A_829 = arith.addi %mul3A_2, %mul3A_828 : i32
        %run_scoped3A_830 = arith.constant 3 : i32
        "tpu.region"() ({
          %run_scoped3A_843 = tpu.sem_alloc : memref<!tpu.dma_semaphore, #tpu.memory_space<semaphore_mem>>
          %dma_start3A_844 = arith.constant 0 : i32
          %dma_start3A_845 = tpu.memref_slice %arg5[%run_scoped3A_830, %dma_start3A_844] : memref<4x128xi32, #tpu.memory_space<vmem>> -> memref<1x128xi32, #tpu.memory_space<vmem>>
          %dma_start3A_846 = tpu.memref_squeeze %dma_start3A_845 : memref<1x128xi32, #tpu.memory_space<vmem>> -> memref<128xi32, #tpu.memory_space<vmem>>
          %dma_start3A_847 = tpu.memref_slice %arg3[%add3A_829] : memref<131072xi32, #tpu.memory_space<hbm>> -> memref<128xi32, #tpu.memory_space<hbm>>
          %dma_start3A_848 = arith.constant 0 : i32
          %dma_start3A_849 = tpu.memref_slice %arg5[%run_scoped3A_830, %dma_start3A_848] : memref<4x128xi32, #tpu.memory_space<vmem>> -> memref<1x128xi32, #tpu.memory_space<vmem>>
          %dma_start3A_850 = tpu.memref_squeeze %dma_start3A_849 : memref<1x128xi32, #tpu.memory_space<vmem>> -> memref<128xi32, #tpu.memory_space<vmem>>
          %dma_start3A_851 = tpu.memref_slice %arg3[%add3A_829] : memref<131072xi32, #tpu.memory_space<hbm>> -> memref<128xi32, #tpu.memory_space<hbm>>
          tpu.enqueue_dma source(%dma_start3A_851 : memref<128xi32, #tpu.memory_space<hbm>>) target(%dma_start3A_850 : memref<128xi32, #tpu.memory_space<vmem>>) target_semaphore(%run_scoped3A_843 : memref<!tpu.dma_semaphore, #tpu.memory_space<semaphore_mem>>)
          %dma_wait3A_852 = arith.constant 0 : i32
          %dma_wait3A_853 = tpu.memref_slice %arg5[%run_scoped3A_830, %dma_wait3A_852] : memref<4x128xi32, #tpu.memory_space<vmem>> -> memref<1x128xi32, #tpu.memory_space<vmem>>
          %dma_wait3A_854 = tpu.memref_squeeze %dma_wait3A_853 : memref<1x128xi32, #tpu.memory_space<vmem>> -> memref<128xi32, #tpu.memory_space<vmem>>
          %dma_wait3A_855 = tpu.memref_slice %arg3[%add3A_829] : memref<131072xi32, #tpu.memory_space<hbm>> -> memref<128xi32, #tpu.memory_space<hbm>>
          %dma_wait3A_856 = arith.constant 0 : i32
          %dma_wait3A_857 = tpu.memref_slice %arg5[%run_scoped3A_830, %dma_wait3A_856] : memref<4x128xi32, #tpu.memory_space<vmem>> -> memref<1x128xi32, #tpu.memory_space<vmem>>
          %dma_wait3A_858 = tpu.memref_squeeze %dma_wait3A_857 : memref<1x128xi32, #tpu.memory_space<vmem>> -> memref<128xi32, #tpu.memory_space<vmem>>
          %dma_wait3A_859 = tpu.memref_slice %arg3[%add3A_829] : memref<131072xi32, #tpu.memory_space<hbm>> -> memref<128xi32, #tpu.memory_space<hbm>>
          tpu.wait_dma2 semaphore(%run_scoped3A_843 : memref<!tpu.dma_semaphore, #tpu.memory_space<semaphore_mem>>) src(%dma_wait3A_859 : memref<128xi32, #tpu.memory_space<hbm>>) dst(%dma_wait3A_858 : memref<128xi32, #tpu.memory_space<vmem>>)
          tpu.yield
        }) : () -> ()
        %dma_start3A_831 = arith.constant 3 : i32
        %dma_start3A_832 = arith.constant 3 : i32
        %dma_start3A_833 = arith.constant 0 : i32
        %dma_start3A_834 = arith.constant 0 : i32
        %dma_start3A_835 = tpu.memref_slice %arg6[%dma_start3A_832, %dma_start3A_833, %dma_start3A_834] : memref<4x128x128xf32, #tpu.memory_space<vmem>> -> memref<1x128x128xf32, #tpu.memory_space<vmem>>
        %dma_start3A_836 = tpu.memref_squeeze %dma_start3A_835 : memref<1x128x128xf32, #tpu.memory_space<vmem>> -> memref<128x128xf32, #tpu.memory_space<vmem>>
        %dma_start3A_837 = arith.constant 0 : i32
        %dma_start3A_838 = tpu.memref_slice %arg5[%dma_start3A_831, %dma_start3A_837] : memref<4x128xi32, #tpu.memory_space<vmem>> -> memref<1x128xi32, #tpu.memory_space<vmem>>
        %dma_start3A_839 = tpu.memref_squeeze %dma_start3A_838 : memref<1x128xi32, #tpu.memory_space<vmem>> -> memref<128xi32, #tpu.memory_space<vmem>>
        %dma_start3A_840 = arith.constant 0 : i32
        %dma_start3A_841 = arith.constant 0 : i32
        %dma_start3A_842 = tpu.memref_slice %arg2[%dma_start3A_840, %dma_start3A_841] : memref<8192x128xf32, #tpu.memory_space<hbm>> -> memref<8192x128xf32, #tpu.memory_space<hbm>>
        tpu.enqueue_indirect_dma source(%dma_start3A_842 : memref<8192x128xf32, #tpu.memory_space<hbm>>) target(%dma_start3A_836 : memref<128x128xf32, #tpu.memory_space<vmem>>) offsets(%dma_start3A_839 : memref<128xi32, #tpu.memory_space<vmem>>) semaphore(%arg13 : memref<!tpu.dma_semaphore, #tpu.memory_space<semaphore_mem>>)
      } else {
      }
    }
    %scan3A_624 = arith.constant 8 : i32
    %dma_wait3A = arith.constant 0 : i32
    %dma_wait3A_625 = arith.constant 0 : i32
    %dma_wait3A_626 = tpu.memref_slice %arg4[%mul3A_4, %dma_wait3A_625] : memref<8192x128xf32, #tpu.memory_space<hbm>> -> memref<8x128xf32, #tpu.memory_space<hbm>>
    %dma_wait3A_627 = arith.constant 0 : i32
    %dma_wait3A_628 = arith.constant 0 : i32
    %dma_wait3A_629 = tpu.memref_slice %arg7[%arg1, %dma_wait3A, %dma_wait3A_627, %dma_wait3A_628] : memref<16x4x8x128xf32, #tpu.memory_space<vmem_shared>> -> memref<1x1x8x128xf32, #tpu.memory_space<vmem_shared>>
    %dma_wait3A_630 = tpu.memref_squeeze %dma_wait3A_629 : memref<1x1x8x128xf32, #tpu.memory_space<vmem_shared>> -> memref<8x128xf32, #tpu.memory_space<vmem_shared>>
    tpu.wait_dma2 semaphore(%arg14 : memref<!tpu.dma_semaphore, #tpu.memory_space<semaphore_mem>>) src(%dma_wait3A_630 : memref<8x128xf32, #tpu.memory_space<vmem_shared>>) dst(%dma_wait3A_626 : memref<8x128xf32, #tpu.memory_space<hbm>>)
    %dma_wait3A_631 = arith.constant 1 : i32
    %dma_wait3A_632 = arith.constant 0 : i32
    %dma_wait3A_633 = tpu.memref_slice %arg4[%mul3A_4, %dma_wait3A_632] : memref<8192x128xf32, #tpu.memory_space<hbm>> -> memref<8x128xf32, #tpu.memory_space<hbm>>
    %dma_wait3A_634 = arith.constant 0 : i32
    %dma_wait3A_635 = arith.constant 0 : i32
    %dma_wait3A_636 = tpu.memref_slice %arg7[%arg1, %dma_wait3A_631, %dma_wait3A_634, %dma_wait3A_635] : memref<16x4x8x128xf32, #tpu.memory_space<vmem_shared>> -> memref<1x1x8x128xf32, #tpu.memory_space<vmem_shared>>
    %dma_wait3A_637 = tpu.memref_squeeze %dma_wait3A_636 : memref<1x1x8x128xf32, #tpu.memory_space<vmem_shared>> -> memref<8x128xf32, #tpu.memory_space<vmem_shared>>
    tpu.wait_dma2 semaphore(%arg15 : memref<!tpu.dma_semaphore, #tpu.memory_space<semaphore_mem>>) src(%dma_wait3A_637 : memref<8x128xf32, #tpu.memory_space<vmem_shared>>) dst(%dma_wait3A_633 : memref<8x128xf32, #tpu.memory_space<hbm>>)
    %dma_wait3A_638 = arith.constant 2 : i32
    %dma_wait3A_639 = arith.constant 0 : i32
    %dma_wait3A_640 = tpu.memref_slice %arg4[%mul3A_4, %dma_wait3A_639] : memref<8192x128xf32, #tpu.memory_space<hbm>> -> memref<8x128xf32, #tpu.memory_space<hbm>>
    %dma_wait3A_641 = arith.constant 0 : i32
    %dma_wait3A_642 = arith.constant 0 : i32
    %dma_wait3A_643 = tpu.memref_slice %arg7[%arg1, %dma_wait3A_638, %dma_wait3A_641, %dma_wait3A_642] : memref<16x4x8x128xf32, #tpu.memory_space<vmem_shared>> -> memref<1x1x8x128xf32, #tpu.memory_space<vmem_shared>>
    %dma_wait3A_644 = tpu.memref_squeeze %dma_wait3A_643 : memref<1x1x8x128xf32, #tpu.memory_space<vmem_shared>> -> memref<8x128xf32, #tpu.memory_space<vmem_shared>>
    tpu.wait_dma2 semaphore(%arg16 : memref<!tpu.dma_semaphore, #tpu.memory_space<semaphore_mem>>) src(%dma_wait3A_644 : memref<8x128xf32, #tpu.memory_space<vmem_shared>>) dst(%dma_wait3A_640 : memref<8x128xf32, #tpu.memory_space<hbm>>)
    %dma_wait3A_645 = arith.constant 3 : i32
    %dma_wait3A_646 = arith.constant 0 : i32
    %dma_wait3A_647 = tpu.memref_slice %arg4[%mul3A_4, %dma_wait3A_646] : memref<8192x128xf32, #tpu.memory_space<hbm>> -> memref<8x128xf32, #tpu.memory_space<hbm>>
    %dma_wait3A_648 = arith.constant 0 : i32
    %dma_wait3A_649 = arith.constant 0 : i32
    %dma_wait3A_650 = tpu.memref_slice %arg7[%arg1, %dma_wait3A_645, %dma_wait3A_648, %dma_wait3A_649] : memref<16x4x8x128xf32, #tpu.memory_space<vmem_shared>> -> memref<1x1x8x128xf32, #tpu.memory_space<vmem_shared>>
    %dma_wait3A_651 = tpu.memref_squeeze %dma_wait3A_650 : memref<1x1x8x128xf32, #tpu.memory_space<vmem_shared>> -> memref<8x128xf32, #tpu.memory_space<vmem_shared>>
    tpu.wait_dma2 semaphore(%arg17 : memref<!tpu.dma_semaphore, #tpu.memory_space<semaphore_mem>>) src(%dma_wait3A_651 : memref<8x128xf32, #tpu.memory_space<vmem_shared>>) dst(%dma_wait3A_647 : memref<8x128xf32, #tpu.memory_space<hbm>>)
    return
  }
}

module attributes {stable_mosaic.version = 14 : i64} {
  func.func @_knn_body(%arg0: i32, %arg1: i32, %arg2: memref<1x2048x8xf32, #tpu.memory_space<vmem>>, %arg3: memref<1x8x128xf32, #tpu.memory_space<vmem>>, %arg4: memref<128x128xf32, #tpu.memory_space<vmem>>, %arg5: memref<128x16xi32, #tpu.memory_space<vmem>>, %arg6: memref<128x128xf32, #tpu.memory_space<vmem>>, %arg7: memref<2048x128xf32, #tpu.memory_space<vmem>>) attributes {dimension_semantics = [#tpu.dimension_semantics<arbitrary>, #tpu.dimension_semantics<arbitrary>], iteration_bounds = array<i64: 4, 16>, scalar_prefetch = 0 : i64, scratch_operands = 1 : i64, tpu.core_type = #tpu.core_type<tc>, window_params = [{transform_indices = @transform_0, window_bounds = array<i64: 1, 2048, 8>}, {transform_indices = @transform_1, window_bounds = array<i64: 1, 8, 128>}, {transform_indices = @transform_2, window_bounds = array<i64: 128, 128>}, {transform_indices = @transform_3, window_bounds = array<i64: 128, 16>}, {transform_indices = @transform_4, window_bounds = array<i64: 128, 128>}]} {
    %get3A = arith.constant 0 : index
    %get3A_0 = arith.constant 0 : index
    %get3A_1 = arith.constant 0 : index
    %get3A_2 = vector.load %arg2[%get3A, %get3A_0, %get3A_1] : memref<1x2048x8xf32, #tpu.memory_space<vmem>>, vector<1x2048x8xf32>
    %get3A_3 = vector.shape_cast %get3A_2 : vector<1x2048x8xf32> to vector<2048x8xf32>
    %get3A_4 = arith.constant 0 : index
    %get3A_5 = arith.constant 0 : index
    %get3A_6 = arith.constant 0 : index
    %get3A_7 = vector.load %arg3[%get3A_4, %get3A_5, %get3A_6] : memref<1x8x128xf32, #tpu.memory_space<vmem>>, vector<1x8x128xf32>
    %get3A_8 = vector.shape_cast %get3A_7 : vector<1x8x128xf32> to vector<8x128xf32>
    %dot_general3A = arith.constant dense<0.000000e+00> : vector<2048x128xf32>
    %dot_general3A_9 = tpu.matmul %get3A_3, %get3A_8, %dot_general3A {dimension_numbers = #tpu.dot_dimension_numbers<[1], [0], [0], [1], [0, 0, 1, 1], [], []>, precision = #tpu.contract_precision<fp32>, transpose_lhs_hint = false} : vector<2048x8xf32>, vector<8x128xf32>, vector<2048x128xf32> -> vector<2048x128xf32>
    %swap3A = arith.constant 0 : index
    %swap3A_10 = arith.constant 0 : index
    %swap3A_11 = vector.load %arg7[%swap3A, %swap3A_10] : memref<2048x128xf32, #tpu.memory_space<vmem>>, vector<2048x128xf32>
    tpu.vector_store %arg7[%swap3A, %swap3A_10], %dot_general3A_9 {strides = array<i32>} : memref<2048x128xf32, #tpu.memory_space<vmem>>, vector<2048x128xf32>,
    %get3A_12 = arith.constant 0 : index
    %get3A_13 = arith.constant 0 : index
    %get3A_14 = vector.load %arg7[%get3A_12, %get3A_13] : memref<2048x128xf32, #tpu.memory_space<vmem>>, vector<2048x128xf32>
    %reshape3A = vector.shape_cast %get3A_14 : vector<2048x128xf32> to vector<2x128x8x128xf32>
    %reduce_max3A = arith.constant dense<0xFF800000> : vector<2x8x128xf32>
    %reduce_max3A_15 = vector.multi_reduction <maximumf>, %reshape3A, %reduce_max3A [1] : vector<2x128x8x128xf32> to vector<2x8x128xf32>
    %get3A_16 = arith.constant 0 : index
    %get3A_17 = arith.constant 0 : index
    %get3A_18 = vector.load %arg4[%get3A_16, %get3A_17] : memref<128x128xf32, #tpu.memory_space<vmem>>, vector<128x128xf32>
    %ge3A = arith.constant 0.000000e+00 : f32
    %ge3A_19 = vector.broadcast %ge3A : f32 to vector<128x128xf32>
    %ge3A_20 = arith.cmpf oge, %get3A_18, %ge3A_19 : vector<128x128xf32>
    %mul3A = arith.constant 0.00999999977 : f32
    %mul3A_21 = vector.broadcast %mul3A : f32 to vector<128x128xf32>
    %mul3A_22 = arith.mulf %mul3A_21, %get3A_18 : vector<128x128xf32>
    %select_n3A = arith.select %ge3A_20, %get3A_18, %mul3A_22 : vector<128x128xi1>, vector<128x128xf32>
    %swap3A_23 = arith.constant 0 : index
    %swap3A_24 = arith.constant 0 : index
    %swap3A_25 = vector.load %arg6[%swap3A_23, %swap3A_24] : memref<128x128xf32, #tpu.memory_space<vmem>>, vector<128x128xf32>
    tpu.vector_store %arg6[%swap3A_23, %swap3A_24], %select_n3A {strides = array<i32>} : memref<128x128xf32, #tpu.memory_space<vmem>>, vector<128x128xf32>,
    %iota3A = tpu.iota {dimensions = array<i32: 1>} : vector<2x128x8x1xi32>
    %get3A_26 = arith.constant 0 : index
    %get3A_27 = arith.constant 0 : index
    %get3A_28 = vector.load %arg7[%get3A_26, %get3A_27] : memref<2048x128xf32, #tpu.memory_space<vmem>>, vector<2048x128xf32>
    %reshape3A_29 = vector.shape_cast %get3A_28 : vector<2048x128xf32> to vector<2x128x8x128xf32>
    %broadcast_in_dim3A = vector.shape_cast %reduce_max3A_15 : vector<2x8x128xf32> to vector<2x1x8x128xf32>
    %eq3A = vector.broadcast %broadcast_in_dim3A : vector<2x1x8x128xf32> to vector<2x128x8x128xf32>
    %eq3A_30 = arith.cmpf oeq, %reshape3A_29, %eq3A : vector<2x128x8x128xf32>
    %jit3A = arith.constant 127 : i32
    %broadcast_in_dim3A_31 = vector.shape_cast %iota3A : vector<2x128x8x1xi32> to vector<2x128x8x1xi32>
    %broadcast_in_dim3A_32 = vector.broadcast %broadcast_in_dim3A_31 : vector<2x128x8x1xi32> to vector<2x128x8x128xi32>
    %broadcast_in_dim3A_33 = vector.broadcast %jit3A : i32 to vector<2x128x8x128xi32>
    %select_n3A_34 = arith.select %eq3A_30, %broadcast_in_dim3A_32, %broadcast_in_dim3A_33 : vector<2x128x8x128xi1>, vector<2x128x8x128xi32>
    %reduce_min3A = arith.constant dense<2147483647> : vector<2x8x128xi32>
    %reduce_min3A_35 = vector.multi_reduction <minsi>, %select_n3A_34, %reduce_min3A [1] : vector<2x128x8x128xi32> to vector<2x8x128xi32>
    %lt3A = vector.broadcast %broadcast_in_dim3A : vector<2x1x8x128xf32> to vector<2x128x8x128xf32>
    %lt3A_36 = arith.cmpf olt, %reshape3A_29, %lt3A : vector<2x128x8x128xf32>
    %jit3A_37 = arith.constant 0xFF800000 : f32
    %broadcast_in_dim3A_38 = vector.broadcast %jit3A_37 : f32 to vector<2x128x8x128xf32>
    %select_n3A_39 = arith.select %lt3A_36, %reshape3A_29, %broadcast_in_dim3A_38 : vector<2x128x8x128xi1>, vector<2x128x8x128xf32>
    %reduce_max3A_40 = arith.constant dense<0xFF800000> : vector<2x8x128xf32>
    %reduce_max3A_41 = vector.multi_reduction <maximumf>, %select_n3A_39, %reduce_max3A_40 [1] : vector<2x128x8x128xf32> to vector<2x8x128xf32>
    %get3A_42 = arith.constant 0 : index
    %get3A_43 = arith.constant 0 : index
    %get3A_44 = vector.load %arg7[%get3A_42, %get3A_43] : memref<2048x128xf32, #tpu.memory_space<vmem>>, vector<2048x128xf32>
    %reshape3A_45 = vector.shape_cast %get3A_44 : vector<2048x128xf32> to vector<2x128x8x128xf32>
    %broadcast_in_dim3A_46 = vector.shape_cast %reduce_max3A_41 : vector<2x8x128xf32> to vector<2x1x8x128xf32>
    %eq3A_47 = vector.broadcast %broadcast_in_dim3A_46 : vector<2x1x8x128xf32> to vector<2x128x8x128xf32>
    %eq3A_48 = arith.cmpf oeq, %reshape3A_45, %eq3A_47 : vector<2x128x8x128xf32>
    %jit3A_49 = arith.constant 127 : i32
    %broadcast_in_dim3A_50 = vector.shape_cast %iota3A : vector<2x128x8x1xi32> to vector<2x128x8x1xi32>
    %broadcast_in_dim3A_51 = vector.broadcast %broadcast_in_dim3A_50 : vector<2x128x8x1xi32> to vector<2x128x8x128xi32>
    %broadcast_in_dim3A_52 = vector.broadcast %jit3A_49 : i32 to vector<2x128x8x128xi32>
    %select_n3A_53 = arith.select %eq3A_48, %broadcast_in_dim3A_51, %broadcast_in_dim3A_52 : vector<2x128x8x128xi1>, vector<2x128x8x128xi32>
    %reduce_min3A_54 = arith.constant dense<2147483647> : vector<2x8x128xi32>
    %reduce_min3A_55 = vector.multi_reduction <minsi>, %select_n3A_53, %reduce_min3A_54 [1] : vector<2x128x8x128xi32> to vector<2x8x128xi32>
    %lt3A_56 = vector.broadcast %broadcast_in_dim3A_46 : vector<2x1x8x128xf32> to vector<2x128x8x128xf32>
    %lt3A_57 = arith.cmpf olt, %reshape3A_45, %lt3A_56 : vector<2x128x8x128xf32>
    %jit3A_58 = arith.constant 0xFF800000 : f32
    %broadcast_in_dim3A_59 = vector.broadcast %jit3A_58 : f32 to vector<2x128x8x128xf32>
    %select_n3A_60 = arith.select %lt3A_57, %reshape3A_45, %broadcast_in_dim3A_59 : vector<2x128x8x128xi1>, vector<2x128x8x128xf32>
    %reduce_max3A_61 = arith.constant dense<0xFF800000> : vector<2x8x128xf32>
    %reduce_max3A_62 = vector.multi_reduction <maximumf>, %select_n3A_60, %reduce_max3A_61 [1] : vector<2x128x8x128xf32> to vector<2x8x128xf32>
    %get3A_63 = arith.constant 0 : index
    %get3A_64 = arith.constant 0 : index
    %get3A_65 = vector.load %arg7[%get3A_63, %get3A_64] : memref<2048x128xf32, #tpu.memory_space<vmem>>, vector<2048x128xf32>
    %reshape3A_66 = vector.shape_cast %get3A_65 : vector<2048x128xf32> to vector<2x128x8x128xf32>
    %broadcast_in_dim3A_67 = vector.shape_cast %reduce_max3A_62 : vector<2x8x128xf32> to vector<2x1x8x128xf32>
    %eq3A_68 = vector.broadcast %broadcast_in_dim3A_67 : vector<2x1x8x128xf32> to vector<2x128x8x128xf32>
    %eq3A_69 = arith.cmpf oeq, %reshape3A_66, %eq3A_68 : vector<2x128x8x128xf32>
    %jit3A_70 = arith.constant 127 : i32
    %broadcast_in_dim3A_71 = vector.shape_cast %iota3A : vector<2x128x8x1xi32> to vector<2x128x8x1xi32>
    %broadcast_in_dim3A_72 = vector.broadcast %broadcast_in_dim3A_71 : vector<2x128x8x1xi32> to vector<2x128x8x128xi32>
    %broadcast_in_dim3A_73 = vector.broadcast %jit3A_70 : i32 to vector<2x128x8x128xi32>
    %select_n3A_74 = arith.select %eq3A_69, %broadcast_in_dim3A_72, %broadcast_in_dim3A_73 : vector<2x128x8x128xi1>, vector<2x128x8x128xi32>
    %reduce_min3A_75 = arith.constant dense<2147483647> : vector<2x8x128xi32>
    %reduce_min3A_76 = vector.multi_reduction <minsi>, %select_n3A_74, %reduce_min3A_75 [1] : vector<2x128x8x128xi32> to vector<2x8x128xi32>
    %lt3A_77 = vector.broadcast %broadcast_in_dim3A_67 : vector<2x1x8x128xf32> to vector<2x128x8x128xf32>
    %lt3A_78 = arith.cmpf olt, %reshape3A_66, %lt3A_77 : vector<2x128x8x128xf32>
    %jit3A_79 = arith.constant 0xFF800000 : f32
    %broadcast_in_dim3A_80 = vector.broadcast %jit3A_79 : f32 to vector<2x128x8x128xf32>
    %select_n3A_81 = arith.select %lt3A_78, %reshape3A_66, %broadcast_in_dim3A_80 : vector<2x128x8x128xi1>, vector<2x128x8x128xf32>
    %reduce_max3A_82 = arith.constant dense<0xFF800000> : vector<2x8x128xf32>
    %reduce_max3A_83 = vector.multi_reduction <maximumf>, %select_n3A_81, %reduce_max3A_82 [1] : vector<2x128x8x128xf32> to vector<2x8x128xf32>
    %get3A_84 = arith.constant 0 : index
    %get3A_85 = arith.constant 0 : index
    %get3A_86 = vector.load %arg7[%get3A_84, %get3A_85] : memref<2048x128xf32, #tpu.memory_space<vmem>>, vector<2048x128xf32>
    %reshape3A_87 = vector.shape_cast %get3A_86 : vector<2048x128xf32> to vector<2x128x8x128xf32>
    %broadcast_in_dim3A_88 = vector.shape_cast %reduce_max3A_83 : vector<2x8x128xf32> to vector<2x1x8x128xf32>
    %eq3A_89 = vector.broadcast %broadcast_in_dim3A_88 : vector<2x1x8x128xf32> to vector<2x128x8x128xf32>
    %eq3A_90 = arith.cmpf oeq, %reshape3A_87, %eq3A_89 : vector<2x128x8x128xf32>
    %jit3A_91 = arith.constant 127 : i32
    %broadcast_in_dim3A_92 = vector.shape_cast %iota3A : vector<2x128x8x1xi32> to vector<2x128x8x1xi32>
    %broadcast_in_dim3A_93 = vector.broadcast %broadcast_in_dim3A_92 : vector<2x128x8x1xi32> to vector<2x128x8x128xi32>
    %broadcast_in_dim3A_94 = vector.broadcast %jit3A_91 : i32 to vector<2x128x8x128xi32>
    %select_n3A_95 = arith.select %eq3A_90, %broadcast_in_dim3A_93, %broadcast_in_dim3A_94 : vector<2x128x8x128xi1>, vector<2x128x8x128xi32>
    %reduce_min3A_96 = arith.constant dense<2147483647> : vector<2x8x128xi32>
    %reduce_min3A_97 = vector.multi_reduction <minsi>, %select_n3A_95, %reduce_min3A_96 [1] : vector<2x128x8x128xi32> to vector<2x8x128xi32>
    %lt3A_98 = vector.broadcast %broadcast_in_dim3A_88 : vector<2x1x8x128xf32> to vector<2x128x8x128xf32>
    %lt3A_99 = arith.cmpf olt, %reshape3A_87, %lt3A_98 : vector<2x128x8x128xf32>
    %jit3A_100 = arith.constant 0xFF800000 : f32
    %broadcast_in_dim3A_101 = vector.broadcast %jit3A_100 : f32 to vector<2x128x8x128xf32>
    %select_n3A_102 = arith.select %lt3A_99, %reshape3A_87, %broadcast_in_dim3A_101 : vector<2x128x8x128xi1>, vector<2x128x8x128xf32>
    %reduce_max3A_103 = arith.constant dense<0xFF800000> : vector<2x8x128xf32>
    %reduce_max3A_104 = vector.multi_reduction <maximumf>, %select_n3A_102, %reduce_max3A_103 [1] : vector<2x128x8x128xf32> to vector<2x8x128xf32>
    %get3A_105 = arith.constant 0 : index
    %get3A_106 = arith.constant 0 : index
    %get3A_107 = vector.load %arg7[%get3A_105, %get3A_106] : memref<2048x128xf32, #tpu.memory_space<vmem>>, vector<2048x128xf32>
    %reshape3A_108 = vector.shape_cast %get3A_107 : vector<2048x128xf32> to vector<2x128x8x128xf32>
    %broadcast_in_dim3A_109 = vector.shape_cast %reduce_max3A_104 : vector<2x8x128xf32> to vector<2x1x8x128xf32>
    %eq3A_110 = vector.broadcast %broadcast_in_dim3A_109 : vector<2x1x8x128xf32> to vector<2x128x8x128xf32>
    %eq3A_111 = arith.cmpf oeq, %reshape3A_108, %eq3A_110 : vector<2x128x8x128xf32>
    %jit3A_112 = arith.constant 127 : i32
    %broadcast_in_dim3A_113 = vector.shape_cast %iota3A : vector<2x128x8x1xi32> to vector<2x128x8x1xi32>
    %broadcast_in_dim3A_114 = vector.broadcast %broadcast_in_dim3A_113 : vector<2x128x8x1xi32> to vector<2x128x8x128xi32>
    %broadcast_in_dim3A_115 = vector.broadcast %jit3A_112 : i32 to vector<2x128x8x128xi32>
    %select_n3A_116 = arith.select %eq3A_111, %broadcast_in_dim3A_114, %broadcast_in_dim3A_115 : vector<2x128x8x128xi1>, vector<2x128x8x128xi32>
    %reduce_min3A_117 = arith.constant dense<2147483647> : vector<2x8x128xi32>
    %reduce_min3A_118 = vector.multi_reduction <minsi>, %select_n3A_116, %reduce_min3A_117 [1] : vector<2x128x8x128xi32> to vector<2x8x128xi32>
    %lt3A_119 = vector.broadcast %broadcast_in_dim3A_109 : vector<2x1x8x128xf32> to vector<2x128x8x128xf32>
    %lt3A_120 = arith.cmpf olt, %reshape3A_108, %lt3A_119 : vector<2x128x8x128xf32>
    %jit3A_121 = arith.constant 0xFF800000 : f32
    %broadcast_in_dim3A_122 = vector.broadcast %jit3A_121 : f32 to vector<2x128x8x128xf32>
    %select_n3A_123 = arith.select %lt3A_120, %reshape3A_108, %broadcast_in_dim3A_122 : vector<2x128x8x128xi1>, vector<2x128x8x128xf32>
    %reduce_max3A_124 = arith.constant dense<0xFF800000> : vector<2x8x128xf32>
    %reduce_max3A_125 = vector.multi_reduction <maximumf>, %select_n3A_123, %reduce_max3A_124 [1] : vector<2x128x8x128xf32> to vector<2x8x128xf32>
    %get3A_126 = arith.constant 0 : index
    %get3A_127 = arith.constant 0 : index
    %get3A_128 = vector.load %arg7[%get3A_126, %get3A_127] : memref<2048x128xf32, #tpu.memory_space<vmem>>, vector<2048x128xf32>
    %reshape3A_129 = vector.shape_cast %get3A_128 : vector<2048x128xf32> to vector<2x128x8x128xf32>
    %broadcast_in_dim3A_130 = vector.shape_cast %reduce_max3A_125 : vector<2x8x128xf32> to vector<2x1x8x128xf32>
    %eq3A_131 = vector.broadcast %broadcast_in_dim3A_130 : vector<2x1x8x128xf32> to vector<2x128x8x128xf32>
    %eq3A_132 = arith.cmpf oeq, %reshape3A_129, %eq3A_131 : vector<2x128x8x128xf32>
    %jit3A_133 = arith.constant 127 : i32
    %broadcast_in_dim3A_134 = vector.shape_cast %iota3A : vector<2x128x8x1xi32> to vector<2x128x8x1xi32>
    %broadcast_in_dim3A_135 = vector.broadcast %broadcast_in_dim3A_134 : vector<2x128x8x1xi32> to vector<2x128x8x128xi32>
    %broadcast_in_dim3A_136 = vector.broadcast %jit3A_133 : i32 to vector<2x128x8x128xi32>
    %select_n3A_137 = arith.select %eq3A_132, %broadcast_in_dim3A_135, %broadcast_in_dim3A_136 : vector<2x128x8x128xi1>, vector<2x128x8x128xi32>
    %reduce_min3A_138 = arith.constant dense<2147483647> : vector<2x8x128xi32>
    %reduce_min3A_139 = vector.multi_reduction <minsi>, %select_n3A_137, %reduce_min3A_138 [1] : vector<2x128x8x128xi32> to vector<2x8x128xi32>
    %lt3A_140 = vector.broadcast %broadcast_in_dim3A_130 : vector<2x1x8x128xf32> to vector<2x128x8x128xf32>
    %lt3A_141 = arith.cmpf olt, %reshape3A_129, %lt3A_140 : vector<2x128x8x128xf32>
    %jit3A_142 = arith.constant 0xFF800000 : f32
    %broadcast_in_dim3A_143 = vector.broadcast %jit3A_142 : f32 to vector<2x128x8x128xf32>
    %select_n3A_144 = arith.select %lt3A_141, %reshape3A_129, %broadcast_in_dim3A_143 : vector<2x128x8x128xi1>, vector<2x128x8x128xf32>
    %reduce_max3A_145 = arith.constant dense<0xFF800000> : vector<2x8x128xf32>
    %reduce_max3A_146 = vector.multi_reduction <maximumf>, %select_n3A_144, %reduce_max3A_145 [1] : vector<2x128x8x128xf32> to vector<2x8x128xf32>
    %get3A_147 = arith.constant 0 : index
    %get3A_148 = arith.constant 0 : index
    %get3A_149 = vector.load %arg7[%get3A_147, %get3A_148] : memref<2048x128xf32, #tpu.memory_space<vmem>>, vector<2048x128xf32>
    %reshape3A_150 = vector.shape_cast %get3A_149 : vector<2048x128xf32> to vector<2x128x8x128xf32>
    %broadcast_in_dim3A_151 = vector.shape_cast %reduce_max3A_146 : vector<2x8x128xf32> to vector<2x1x8x128xf32>
    %eq3A_152 = vector.broadcast %broadcast_in_dim3A_151 : vector<2x1x8x128xf32> to vector<2x128x8x128xf32>
    %eq3A_153 = arith.cmpf oeq, %reshape3A_150, %eq3A_152 : vector<2x128x8x128xf32>
    %jit3A_154 = arith.constant 127 : i32
    %broadcast_in_dim3A_155 = vector.shape_cast %iota3A : vector<2x128x8x1xi32> to vector<2x128x8x1xi32>
    %broadcast_in_dim3A_156 = vector.broadcast %broadcast_in_dim3A_155 : vector<2x128x8x1xi32> to vector<2x128x8x128xi32>
    %broadcast_in_dim3A_157 = vector.broadcast %jit3A_154 : i32 to vector<2x128x8x128xi32>
    %select_n3A_158 = arith.select %eq3A_153, %broadcast_in_dim3A_156, %broadcast_in_dim3A_157 : vector<2x128x8x128xi1>, vector<2x128x8x128xi32>
    %reduce_min3A_159 = arith.constant dense<2147483647> : vector<2x8x128xi32>
    %reduce_min3A_160 = vector.multi_reduction <minsi>, %select_n3A_158, %reduce_min3A_159 [1] : vector<2x128x8x128xi32> to vector<2x8x128xi32>
    %lt3A_161 = vector.broadcast %broadcast_in_dim3A_151 : vector<2x1x8x128xf32> to vector<2x128x8x128xf32>
    %lt3A_162 = arith.cmpf olt, %reshape3A_150, %lt3A_161 : vector<2x128x8x128xf32>
    %jit3A_163 = arith.constant 0xFF800000 : f32
    %broadcast_in_dim3A_164 = vector.broadcast %jit3A_163 : f32 to vector<2x128x8x128xf32>
    %select_n3A_165 = arith.select %lt3A_162, %reshape3A_150, %broadcast_in_dim3A_164 : vector<2x128x8x128xi1>, vector<2x128x8x128xf32>
    %reduce_max3A_166 = arith.constant dense<0xFF800000> : vector<2x8x128xf32>
    %reduce_max3A_167 = vector.multi_reduction <maximumf>, %select_n3A_165, %reduce_max3A_166 [1] : vector<2x128x8x128xf32> to vector<2x8x128xf32>
    %get3A_168 = arith.constant 0 : index
    %get3A_169 = arith.constant 0 : index
    %get3A_170 = vector.load %arg7[%get3A_168, %get3A_169] : memref<2048x128xf32, #tpu.memory_space<vmem>>, vector<2048x128xf32>
    %reshape3A_171 = vector.shape_cast %get3A_170 : vector<2048x128xf32> to vector<2x128x8x128xf32>
    %broadcast_in_dim3A_172 = vector.shape_cast %reduce_max3A_167 : vector<2x8x128xf32> to vector<2x1x8x128xf32>
    %eq3A_173 = vector.broadcast %broadcast_in_dim3A_172 : vector<2x1x8x128xf32> to vector<2x128x8x128xf32>
    %eq3A_174 = arith.cmpf oeq, %reshape3A_171, %eq3A_173 : vector<2x128x8x128xf32>
    %jit3A_175 = arith.constant 127 : i32
    %broadcast_in_dim3A_176 = vector.shape_cast %iota3A : vector<2x128x8x1xi32> to vector<2x128x8x1xi32>
    %broadcast_in_dim3A_177 = vector.broadcast %broadcast_in_dim3A_176 : vector<2x128x8x1xi32> to vector<2x128x8x128xi32>
    %broadcast_in_dim3A_178 = vector.broadcast %jit3A_175 : i32 to vector<2x128x8x128xi32>
    %select_n3A_179 = arith.select %eq3A_174, %broadcast_in_dim3A_177, %broadcast_in_dim3A_178 : vector<2x128x8x128xi1>, vector<2x128x8x128xi32>
    %reduce_min3A_180 = arith.constant dense<2147483647> : vector<2x8x128xi32>
    %reduce_min3A_181 = vector.multi_reduction <minsi>, %select_n3A_179, %reduce_min3A_180 [1] : vector<2x128x8x128xi32> to vector<2x8x128xi32>
    %iota3A_182 = tpu.iota {dimensions = array<i32: 0>} : vector<2x8x128xi32>
    %iota3A_183 = tpu.iota {dimensions = array<i32: 1>} : vector<2x8x128xi32>
    %reshape3A_184 = vector.shape_cast %reduce_max3A_15 : vector<2x8x128xf32> to vector<16x128xf32>
    %reshape3A_185 = vector.shape_cast %reduce_max3A_41 : vector<2x8x128xf32> to vector<16x128xf32>
    %reshape3A_186 = vector.shape_cast %reduce_max3A_62 : vector<2x8x128xf32> to vector<16x128xf32>
    %reshape3A_187 = vector.shape_cast %reduce_max3A_83 : vector<2x8x128xf32> to vector<16x128xf32>
    %reshape3A_188 = vector.shape_cast %reduce_max3A_104 : vector<2x8x128xf32> to vector<16x128xf32>
    %reshape3A_189 = vector.shape_cast %reduce_max3A_125 : vector<2x8x128xf32> to vector<16x128xf32>
    %reshape3A_190 = vector.shape_cast %reduce_max3A_146 : vector<2x8x128xf32> to vector<16x128xf32>
    %reshape3A_191 = vector.shape_cast %reduce_max3A_167 : vector<2x8x128xf32> to vector<16x128xf32>
    %concatenate3A = tpu.concatenate %reshape3A_184, %reshape3A_185, %reshape3A_186, %reshape3A_187, %reshape3A_188, %reshape3A_189, %reshape3A_190, %reshape3A_191 in 0 : vector<16x128xf32>, vector<16x128xf32>, vector<16x128xf32>, vector<16x128xf32>, vector<16x128xf32>, vector<16x128xf32>, vector<16x128xf32>, vector<16x128xf32> -> vector<128x128xf32>
    %mul3A_192 = arith.constant 128 : i32
    %mul3A_193 = vector.broadcast %mul3A_192 : i32 to vector<2x8x128xi32>
    %mul3A_194 = arith.muli %iota3A_182, %mul3A_193 : vector<2x8x128xi32>
    %add3A = arith.addi %mul3A_194, %reduce_min3A_35 : vector<2x8x128xi32>
    %mul3A_195 = arith.constant 8 : i32
    %mul3A_196 = vector.broadcast %mul3A_195 : i32 to vector<2x8x128xi32>
    %mul3A_197 = arith.muli %add3A, %mul3A_196 : vector<2x8x128xi32>
    %add3A_198 = arith.addi %mul3A_197, %iota3A_183 : vector<2x8x128xi32>
    %reshape3A_199 = vector.shape_cast %add3A_198 : vector<2x8x128xi32> to vector<16x128xi32>
    %mul3A_200 = arith.constant 128 : i32
    %mul3A_201 = vector.broadcast %mul3A_200 : i32 to vector<2x8x128xi32>
    %mul3A_202 = arith.muli %iota3A_182, %mul3A_201 : vector<2x8x128xi32>
    %add3A_203 = arith.addi %mul3A_202, %reduce_min3A_55 : vector<2x8x128xi32>
    %mul3A_204 = arith.constant 8 : i32
    %mul3A_205 = vector.broadcast %mul3A_204 : i32 to vector<2x8x128xi32>
    %mul3A_206 = arith.muli %add3A_203, %mul3A_205 : vector<2x8x128xi32>
    %add3A_207 = arith.addi %mul3A_206, %iota3A_183 : vector<2x8x128xi32>
    %reshape3A_208 = vector.shape_cast %add3A_207 : vector<2x8x128xi32> to vector<16x128xi32>
    %mul3A_209 = arith.constant 128 : i32
    %mul3A_210 = vector.broadcast %mul3A_209 : i32 to vector<2x8x128xi32>
    %mul3A_211 = arith.muli %iota3A_182, %mul3A_210 : vector<2x8x128xi32>
    %add3A_212 = arith.addi %mul3A_211, %reduce_min3A_76 : vector<2x8x128xi32>
    %mul3A_213 = arith.constant 8 : i32
    %mul3A_214 = vector.broadcast %mul3A_213 : i32 to vector<2x8x128xi32>
    %mul3A_215 = arith.muli %add3A_212, %mul3A_214 : vector<2x8x128xi32>
    %add3A_216 = arith.addi %mul3A_215, %iota3A_183 : vector<2x8x128xi32>
    %reshape3A_217 = vector.shape_cast %add3A_216 : vector<2x8x128xi32> to vector<16x128xi32>
    %mul3A_218 = arith.constant 128 : i32
    %mul3A_219 = vector.broadcast %mul3A_218 : i32 to vector<2x8x128xi32>
    %mul3A_220 = arith.muli %iota3A_182, %mul3A_219 : vector<2x8x128xi32>
    %add3A_221 = arith.addi %mul3A_220, %reduce_min3A_97 : vector<2x8x128xi32>
    %mul3A_222 = arith.constant 8 : i32
    %mul3A_223 = vector.broadcast %mul3A_222 : i32 to vector<2x8x128xi32>
    %mul3A_224 = arith.muli %add3A_221, %mul3A_223 : vector<2x8x128xi32>
    %add3A_225 = arith.addi %mul3A_224, %iota3A_183 : vector<2x8x128xi32>
    %reshape3A_226 = vector.shape_cast %add3A_225 : vector<2x8x128xi32> to vector<16x128xi32>
    %mul3A_227 = arith.constant 128 : i32
    %mul3A_228 = vector.broadcast %mul3A_227 : i32 to vector<2x8x128xi32>
    %mul3A_229 = arith.muli %iota3A_182, %mul3A_228 : vector<2x8x128xi32>
    %add3A_230 = arith.addi %mul3A_229, %reduce_min3A_118 : vector<2x8x128xi32>
    %mul3A_231 = arith.constant 8 : i32
    %mul3A_232 = vector.broadcast %mul3A_231 : i32 to vector<2x8x128xi32>
    %mul3A_233 = arith.muli %add3A_230, %mul3A_232 : vector<2x8x128xi32>
    %add3A_234 = arith.addi %mul3A_233, %iota3A_183 : vector<2x8x128xi32>
    %reshape3A_235 = vector.shape_cast %add3A_234 : vector<2x8x128xi32> to vector<16x128xi32>
    %mul3A_236 = arith.constant 128 : i32
    %mul3A_237 = vector.broadcast %mul3A_236 : i32 to vector<2x8x128xi32>
    %mul3A_238 = arith.muli %iota3A_182, %mul3A_237 : vector<2x8x128xi32>
    %add3A_239 = arith.addi %mul3A_238, %reduce_min3A_139 : vector<2x8x128xi32>
    %mul3A_240 = arith.constant 8 : i32
    %mul3A_241 = vector.broadcast %mul3A_240 : i32 to vector<2x8x128xi32>
    %mul3A_242 = arith.muli %add3A_239, %mul3A_241 : vector<2x8x128xi32>
    %add3A_243 = arith.addi %mul3A_242, %iota3A_183 : vector<2x8x128xi32>
    %reshape3A_244 = vector.shape_cast %add3A_243 : vector<2x8x128xi32> to vector<16x128xi32>
    %mul3A_245 = arith.constant 128 : i32
    %mul3A_246 = vector.broadcast %mul3A_245 : i32 to vector<2x8x128xi32>
    %mul3A_247 = arith.muli %iota3A_182, %mul3A_246 : vector<2x8x128xi32>
    %add3A_248 = arith.addi %mul3A_247, %reduce_min3A_160 : vector<2x8x128xi32>
    %mul3A_249 = arith.constant 8 : i32
    %mul3A_250 = vector.broadcast %mul3A_249 : i32 to vector<2x8x128xi32>
    %mul3A_251 = arith.muli %add3A_248, %mul3A_250 : vector<2x8x128xi32>
    %add3A_252 = arith.addi %mul3A_251, %iota3A_183 : vector<2x8x128xi32>
    %reshape3A_253 = vector.shape_cast %add3A_252 : vector<2x8x128xi32> to vector<16x128xi32>
    %mul3A_254 = arith.constant 128 : i32
    %mul3A_255 = vector.broadcast %mul3A_254 : i32 to vector<2x8x128xi32>
    %mul3A_256 = arith.muli %iota3A_182, %mul3A_255 : vector<2x8x128xi32>
    %add3A_257 = arith.addi %mul3A_256, %reduce_min3A_181 : vector<2x8x128xi32>
    %mul3A_258 = arith.constant 8 : i32
    %mul3A_259 = vector.broadcast %mul3A_258 : i32 to vector<2x8x128xi32>
    %mul3A_260 = arith.muli %add3A_257, %mul3A_259 : vector<2x8x128xi32>
    %add3A_261 = arith.addi %mul3A_260, %iota3A_183 : vector<2x8x128xi32>
    %reshape3A_262 = vector.shape_cast %add3A_261 : vector<2x8x128xi32> to vector<16x128xi32>
    %concatenate3A_263 = tpu.concatenate %reshape3A_199, %reshape3A_208, %reshape3A_217, %reshape3A_226, %reshape3A_235, %reshape3A_244, %reshape3A_253, %reshape3A_262 in 0 : vector<16x128xi32>, vector<16x128xi32>, vector<16x128xi32>, vector<16x128xi32>, vector<16x128xi32>, vector<16x128xi32>, vector<16x128xi32>, vector<16x128xi32> -> vector<128x128xi32>
    %broadcast_in_dim3A_264 = arith.constant 0 : i32
    %broadcast_in_dim3A_265 = vector.broadcast %broadcast_in_dim3A_264 : i32 to vector<32x128xi32>
    %iota3A_266 = tpu.iota {dimensions = array<i32: 0>} : vector<32x128xi32>
    %mul3A_267 = arith.constant 2048 : i32
    %mul3A_268 = arith.muli %arg0, %mul3A_267 : i32
    %reduce_max3A_269 = arith.constant dense<0xFF800000> : vector<128xf32>
    %reduce_max3A_270 = vector.multi_reduction <maximumf>, %concatenate3A, %reduce_max3A_269 [0] : vector<128x128xf32> to vector<128xf32>
    %broadcast_in_dim3A_271 = vector.shape_cast %reduce_max3A_270 : vector<128xf32> to vector<1x128xf32>
    %eq3A_272 = vector.broadcast %broadcast_in_dim3A_271 : vector<1x128xf32> to vector<128x128xf32>
    %eq3A_273 = arith.cmpf oeq, %concatenate3A, %eq3A_272 : vector<128x128xf32>
    %jit3A_274 = arith.constant 1073741824 : i32
    %broadcast_in_dim3A_275 = vector.broadcast %jit3A_274 : i32 to vector<128x128xi32>
    %select_n3A_276 = arith.select %eq3A_273, %concatenate3A_263, %broadcast_in_dim3A_275 : vector<128x128xi1>, vector<128x128xi32>
    %reduce_min3A_277 = arith.constant dense<2147483647> : vector<128xi32>
    %reduce_min3A_278 = vector.multi_reduction <minsi>, %select_n3A_276, %reduce_min3A_277 [0] : vector<128x128xi32> to vector<128xi32>
    %broadcast_in_dim3A_279 = vector.shape_cast %reduce_min3A_278 : vector<128xi32> to vector<1x128xi32>
    %eq3A_280 = vector.broadcast %broadcast_in_dim3A_279 : vector<1x128xi32> to vector<128x128xi32>
    %eq3A_281 = arith.cmpi eq, %concatenate3A_263, %eq3A_280 : vector<128x128xi32>
    %and3A = arith.andi %eq3A_273, %eq3A_281 : vector<128x128xi1>
    %jit3A_282 = arith.constant 0xFF800000 : f32
    %broadcast_in_dim3A_283 = vector.broadcast %jit3A_282 : f32 to vector<128x128xf32>
    %select_n3A_284 = arith.select %and3A, %broadcast_in_dim3A_283, %concatenate3A : vector<128x128xi1>, vector<128x128xf32>
    %reduce_max3A_285 = arith.constant dense<0xFF800000> : vector<128xf32>
    %reduce_max3A_286 = vector.multi_reduction <maximumf>, %select_n3A_284, %reduce_max3A_285 [0] : vector<128x128xf32> to vector<128xf32>
    %broadcast_in_dim3A_287 = vector.shape_cast %reduce_max3A_286 : vector<128xf32> to vector<1x128xf32>
    %eq3A_288 = vector.broadcast %broadcast_in_dim3A_287 : vector<1x128xf32> to vector<128x128xf32>
    %eq3A_289 = arith.cmpf oeq, %select_n3A_284, %eq3A_288 : vector<128x128xf32>
    %jit3A_290 = arith.constant 1073741824 : i32
    %broadcast_in_dim3A_291 = vector.broadcast %jit3A_290 : i32 to vector<128x128xi32>
    %select_n3A_292 = arith.select %eq3A_289, %concatenate3A_263, %broadcast_in_dim3A_291 : vector<128x128xi1>, vector<128x128xi32>
    %reduce_min3A_293 = arith.constant dense<2147483647> : vector<128xi32>
    %reduce_min3A_294 = vector.multi_reduction <minsi>, %select_n3A_292, %reduce_min3A_293 [0] : vector<128x128xi32> to vector<128xi32>
    %broadcast_in_dim3A_295 = vector.shape_cast %reduce_min3A_294 : vector<128xi32> to vector<1x128xi32>
    %eq3A_296 = arith.constant 0 : i32
    %eq3A_297 = vector.broadcast %eq3A_296 : i32 to vector<32x128xi32>
    %eq3A_298 = arith.cmpi eq, %iota3A_266, %eq3A_297 : vector<32x128xi32>
    %add3A_299 = vector.broadcast %mul3A_268 : i32 to vector<1x128xi32>
    %add3A_300 = arith.addi %broadcast_in_dim3A_295, %add3A_299 : vector<1x128xi32>
    %broadcast_in_dim3A_301 = vector.shape_cast %add3A_300 : vector<1x128xi32> to vector<1x128xi32>
    %broadcast_in_dim3A_302 = vector.broadcast %broadcast_in_dim3A_301 : vector<1x128xi32> to vector<32x128xi32>
    %select_n3A_303 = arith.select %eq3A_298, %broadcast_in_dim3A_302, %broadcast_in_dim3A_265 : vector<32x128xi1>, vector<32x128xi32>
    %eq3A_304 = vector.broadcast %broadcast_in_dim3A_295 : vector<1x128xi32> to vector<128x128xi32>
    %eq3A_305 = arith.cmpi eq, %concatenate3A_263, %eq3A_304 : vector<128x128xi32>
    %and3A_306 = arith.andi %eq3A_289, %eq3A_305 : vector<128x128xi1>
    %jit3A_307 = arith.constant 0xFF800000 : f32
    %broadcast_in_dim3A_308 = vector.broadcast %jit3A_307 : f32 to vector<128x128xf32>
    %select_n3A_309 = arith.select %and3A_306, %broadcast_in_dim3A_308, %select_n3A_284 : vector<128x128xi1>, vector<128x128xf32>
    %reduce_max3A_310 = arith.constant dense<0xFF800000> : vector<128xf32>
    %reduce_max3A_311 = vector.multi_reduction <maximumf>, %select_n3A_309, %reduce_max3A_310 [0] : vector<128x128xf32> to vector<128xf32>
    %broadcast_in_dim3A_312 = vector.shape_cast %reduce_max3A_311 : vector<128xf32> to vector<1x128xf32>
    %eq3A_313 = vector.broadcast %broadcast_in_dim3A_312 : vector<1x128xf32> to vector<128x128xf32>
    %eq3A_314 = arith.cmpf oeq, %select_n3A_309, %eq3A_313 : vector<128x128xf32>
    %jit3A_315 = arith.constant 1073741824 : i32
    %broadcast_in_dim3A_316 = vector.broadcast %jit3A_315 : i32 to vector<128x128xi32>
    %select_n3A_317 = arith.select %eq3A_314, %concatenate3A_263, %broadcast_in_dim3A_316 : vector<128x128xi1>, vector<128x128xi32>
    %reduce_min3A_318 = arith.constant dense<2147483647> : vector<128xi32>
    %reduce_min3A_319 = vector.multi_reduction <minsi>, %select_n3A_317, %reduce_min3A_318 [0] : vector<128x128xi32> to vector<128xi32>
    %broadcast_in_dim3A_320 = vector.shape_cast %reduce_min3A_319 : vector<128xi32> to vector<1x128xi32>
    %eq3A_321 = arith.constant 1 : i32
    %eq3A_322 = vector.broadcast %eq3A_321 : i32 to vector<32x128xi32>
    %eq3A_323 = arith.cmpi eq, %iota3A_266, %eq3A_322 : vector<32x128xi32>
    %add3A_324 = vector.broadcast %mul3A_268 : i32 to vector<1x128xi32>
    %add3A_325 = arith.addi %broadcast_in_dim3A_320, %add3A_324 : vector<1x128xi32>
    %broadcast_in_dim3A_326 = vector.shape_cast %add3A_325 : vector<1x128xi32> to vector<1x128xi32>
    %broadcast_in_dim3A_327 = vector.broadcast %broadcast_in_dim3A_326 : vector<1x128xi32> to vector<32x128xi32>
    %select_n3A_328 = arith.select %eq3A_323, %broadcast_in_dim3A_327, %select_n3A_303 : vector<32x128xi1>, vector<32x128xi32>
    %eq3A_329 = vector.broadcast %broadcast_in_dim3A_320 : vector<1x128xi32> to vector<128x128xi32>
    %eq3A_330 = arith.cmpi eq, %concatenate3A_263, %eq3A_329 : vector<128x128xi32>
    %and3A_331 = arith.andi %eq3A_314, %eq3A_330 : vector<128x128xi1>
    %jit3A_332 = arith.constant 0xFF800000 : f32
    %broadcast_in_dim3A_333 = vector.broadcast %jit3A_332 : f32 to vector<128x128xf32>
    %select_n3A_334 = arith.select %and3A_331, %broadcast_in_dim3A_333, %select_n3A_309 : vector<128x128xi1>, vector<128x128xf32>
    %reduce_max3A_335 = arith.constant dense<0xFF800000> : vector<128xf32>
    %reduce_max3A_336 = vector.multi_reduction <maximumf>, %select_n3A_334, %reduce_max3A_335 [0] : vector<128x128xf32> to vector<128xf32>
    %broadcast_in_dim3A_337 = vector.shape_cast %reduce_max3A_336 : vector<128xf32> to vector<1x128xf32>
    %eq3A_338 = vector.broadcast %broadcast_in_dim3A_337 : vector<1x128xf32> to vector<128x128xf32>
    %eq3A_339 = arith.cmpf oeq, %select_n3A_334, %eq3A_338 : vector<128x128xf32>
    %jit3A_340 = arith.constant 1073741824 : i32
    %broadcast_in_dim3A_341 = vector.broadcast %jit3A_340 : i32 to vector<128x128xi32>
    %select_n3A_342 = arith.select %eq3A_339, %concatenate3A_263, %broadcast_in_dim3A_341 : vector<128x128xi1>, vector<128x128xi32>
    %reduce_min3A_343 = arith.constant dense<2147483647> : vector<128xi32>
    %reduce_min3A_344 = vector.multi_reduction <minsi>, %select_n3A_342, %reduce_min3A_343 [0] : vector<128x128xi32> to vector<128xi32>
    %broadcast_in_dim3A_345 = vector.shape_cast %reduce_min3A_344 : vector<128xi32> to vector<1x128xi32>
    %eq3A_346 = arith.constant 2 : i32
    %eq3A_347 = vector.broadcast %eq3A_346 : i32 to vector<32x128xi32>
    %eq3A_348 = arith.cmpi eq, %iota3A_266, %eq3A_347 : vector<32x128xi32>
    %add3A_349 = vector.broadcast %mul3A_268 : i32 to vector<1x128xi32>
    %add3A_350 = arith.addi %broadcast_in_dim3A_345, %add3A_349 : vector<1x128xi32>
    %broadcast_in_dim3A_351 = vector.shape_cast %add3A_350 : vector<1x128xi32> to vector<1x128xi32>
    %broadcast_in_dim3A_352 = vector.broadcast %broadcast_in_dim3A_351 : vector<1x128xi32> to vector<32x128xi32>
    %select_n3A_353 = arith.select %eq3A_348, %broadcast_in_dim3A_352, %select_n3A_328 : vector<32x128xi1>, vector<32x128xi32>
    %eq3A_354 = vector.broadcast %broadcast_in_dim3A_345 : vector<1x128xi32> to vector<128x128xi32>
    %eq3A_355 = arith.cmpi eq, %concatenate3A_263, %eq3A_354 : vector<128x128xi32>
    %and3A_356 = arith.andi %eq3A_339, %eq3A_355 : vector<128x128xi1>
    %jit3A_357 = arith.constant 0xFF800000 : f32
    %broadcast_in_dim3A_358 = vector.broadcast %jit3A_357 : f32 to vector<128x128xf32>
    %select_n3A_359 = arith.select %and3A_356, %broadcast_in_dim3A_358, %select_n3A_334 : vector<128x128xi1>, vector<128x128xf32>
    %reduce_max3A_360 = arith.constant dense<0xFF800000> : vector<128xf32>
    %reduce_max3A_361 = vector.multi_reduction <maximumf>, %select_n3A_359, %reduce_max3A_360 [0] : vector<128x128xf32> to vector<128xf32>
    %broadcast_in_dim3A_362 = vector.shape_cast %reduce_max3A_361 : vector<128xf32> to vector<1x128xf32>
    %eq3A_363 = vector.broadcast %broadcast_in_dim3A_362 : vector<1x128xf32> to vector<128x128xf32>
    %eq3A_364 = arith.cmpf oeq, %select_n3A_359, %eq3A_363 : vector<128x128xf32>
    %jit3A_365 = arith.constant 1073741824 : i32
    %broadcast_in_dim3A_366 = vector.broadcast %jit3A_365 : i32 to vector<128x128xi32>
    %select_n3A_367 = arith.select %eq3A_364, %concatenate3A_263, %broadcast_in_dim3A_366 : vector<128x128xi1>, vector<128x128xi32>
    %reduce_min3A_368 = arith.constant dense<2147483647> : vector<128xi32>
    %reduce_min3A_369 = vector.multi_reduction <minsi>, %select_n3A_367, %reduce_min3A_368 [0] : vector<128x128xi32> to vector<128xi32>
    %broadcast_in_dim3A_370 = vector.shape_cast %reduce_min3A_369 : vector<128xi32> to vector<1x128xi32>
    %eq3A_371 = arith.constant 3 : i32
    %eq3A_372 = vector.broadcast %eq3A_371 : i32 to vector<32x128xi32>
    %eq3A_373 = arith.cmpi eq, %iota3A_266, %eq3A_372 : vector<32x128xi32>
    %add3A_374 = vector.broadcast %mul3A_268 : i32 to vector<1x128xi32>
    %add3A_375 = arith.addi %broadcast_in_dim3A_370, %add3A_374 : vector<1x128xi32>
    %broadcast_in_dim3A_376 = vector.shape_cast %add3A_375 : vector<1x128xi32> to vector<1x128xi32>
    %broadcast_in_dim3A_377 = vector.broadcast %broadcast_in_dim3A_376 : vector<1x128xi32> to vector<32x128xi32>
    %select_n3A_378 = arith.select %eq3A_373, %broadcast_in_dim3A_377, %select_n3A_353 : vector<32x128xi1>, vector<32x128xi32>
    %eq3A_379 = vector.broadcast %broadcast_in_dim3A_370 : vector<1x128xi32> to vector<128x128xi32>
    %eq3A_380 = arith.cmpi eq, %concatenate3A_263, %eq3A_379 : vector<128x128xi32>
    %and3A_381 = arith.andi %eq3A_364, %eq3A_380 : vector<128x128xi1>
    %jit3A_382 = arith.constant 0xFF800000 : f32
    %broadcast_in_dim3A_383 = vector.broadcast %jit3A_382 : f32 to vector<128x128xf32>
    %select_n3A_384 = arith.select %and3A_381, %broadcast_in_dim3A_383, %select_n3A_359 : vector<128x128xi1>, vector<128x128xf32>
    %reduce_max3A_385 = arith.constant dense<0xFF800000> : vector<128xf32>
    %reduce_max3A_386 = vector.multi_reduction <maximumf>, %select_n3A_384, %reduce_max3A_385 [0] : vector<128x128xf32> to vector<128xf32>
    %broadcast_in_dim3A_387 = vector.shape_cast %reduce_max3A_386 : vector<128xf32> to vector<1x128xf32>
    %eq3A_388 = vector.broadcast %broadcast_in_dim3A_387 : vector<1x128xf32> to vector<128x128xf32>
    %eq3A_389 = arith.cmpf oeq, %select_n3A_384, %eq3A_388 : vector<128x128xf32>
    %jit3A_390 = arith.constant 1073741824 : i32
    %broadcast_in_dim3A_391 = vector.broadcast %jit3A_390 : i32 to vector<128x128xi32>
    %select_n3A_392 = arith.select %eq3A_389, %concatenate3A_263, %broadcast_in_dim3A_391 : vector<128x128xi1>, vector<128x128xi32>
    %reduce_min3A_393 = arith.constant dense<2147483647> : vector<128xi32>
    %reduce_min3A_394 = vector.multi_reduction <minsi>, %select_n3A_392, %reduce_min3A_393 [0] : vector<128x128xi32> to vector<128xi32>
    %broadcast_in_dim3A_395 = vector.shape_cast %reduce_min3A_394 : vector<128xi32> to vector<1x128xi32>
    %eq3A_396 = arith.constant 4 : i32
    %eq3A_397 = vector.broadcast %eq3A_396 : i32 to vector<32x128xi32>
    %eq3A_398 = arith.cmpi eq, %iota3A_266, %eq3A_397 : vector<32x128xi32>
    %add3A_399 = vector.broadcast %mul3A_268 : i32 to vector<1x128xi32>
    %add3A_400 = arith.addi %broadcast_in_dim3A_395, %add3A_399 : vector<1x128xi32>
    %broadcast_in_dim3A_401 = vector.shape_cast %add3A_400 : vector<1x128xi32> to vector<1x128xi32>
    %broadcast_in_dim3A_402 = vector.broadcast %broadcast_in_dim3A_401 : vector<1x128xi32> to vector<32x128xi32>
    %select_n3A_403 = arith.select %eq3A_398, %broadcast_in_dim3A_402, %select_n3A_378 : vector<32x128xi1>, vector<32x128xi32>
    %eq3A_404 = vector.broadcast %broadcast_in_dim3A_395 : vector<1x128xi32> to vector<128x128xi32>
    %eq3A_405 = arith.cmpi eq, %concatenate3A_263, %eq3A_404 : vector<128x128xi32>
    %and3A_406 = arith.andi %eq3A_389, %eq3A_405 : vector<128x128xi1>
    %jit3A_407 = arith.constant 0xFF800000 : f32
    %broadcast_in_dim3A_408 = vector.broadcast %jit3A_407 : f32 to vector<128x128xf32>
    %select_n3A_409 = arith.select %and3A_406, %broadcast_in_dim3A_408, %select_n3A_384 : vector<128x128xi1>, vector<128x128xf32>
    %reduce_max3A_410 = arith.constant dense<0xFF800000> : vector<128xf32>
    %reduce_max3A_411 = vector.multi_reduction <maximumf>, %select_n3A_409, %reduce_max3A_410 [0] : vector<128x128xf32> to vector<128xf32>
    %broadcast_in_dim3A_412 = vector.shape_cast %reduce_max3A_411 : vector<128xf32> to vector<1x128xf32>
    %eq3A_413 = vector.broadcast %broadcast_in_dim3A_412 : vector<1x128xf32> to vector<128x128xf32>
    %eq3A_414 = arith.cmpf oeq, %select_n3A_409, %eq3A_413 : vector<128x128xf32>
    %jit3A_415 = arith.constant 1073741824 : i32
    %broadcast_in_dim3A_416 = vector.broadcast %jit3A_415 : i32 to vector<128x128xi32>
    %select_n3A_417 = arith.select %eq3A_414, %concatenate3A_263, %broadcast_in_dim3A_416 : vector<128x128xi1>, vector<128x128xi32>
    %reduce_min3A_418 = arith.constant dense<2147483647> : vector<128xi32>
    %reduce_min3A_419 = vector.multi_reduction <minsi>, %select_n3A_417, %reduce_min3A_418 [0] : vector<128x128xi32> to vector<128xi32>
    %broadcast_in_dim3A_420 = vector.shape_cast %reduce_min3A_419 : vector<128xi32> to vector<1x128xi32>
    %eq3A_421 = arith.constant 5 : i32
    %eq3A_422 = vector.broadcast %eq3A_421 : i32 to vector<32x128xi32>
    %eq3A_423 = arith.cmpi eq, %iota3A_266, %eq3A_422 : vector<32x128xi32>
    %add3A_424 = vector.broadcast %mul3A_268 : i32 to vector<1x128xi32>
    %add3A_425 = arith.addi %broadcast_in_dim3A_420, %add3A_424 : vector<1x128xi32>
    %broadcast_in_dim3A_426 = vector.shape_cast %add3A_425 : vector<1x128xi32> to vector<1x128xi32>
    %broadcast_in_dim3A_427 = vector.broadcast %broadcast_in_dim3A_426 : vector<1x128xi32> to vector<32x128xi32>
    %select_n3A_428 = arith.select %eq3A_423, %broadcast_in_dim3A_427, %select_n3A_403 : vector<32x128xi1>, vector<32x128xi32>
    %eq3A_429 = vector.broadcast %broadcast_in_dim3A_420 : vector<1x128xi32> to vector<128x128xi32>
    %eq3A_430 = arith.cmpi eq, %concatenate3A_263, %eq3A_429 : vector<128x128xi32>
    %and3A_431 = arith.andi %eq3A_414, %eq3A_430 : vector<128x128xi1>
    %jit3A_432 = arith.constant 0xFF800000 : f32
    %broadcast_in_dim3A_433 = vector.broadcast %jit3A_432 : f32 to vector<128x128xf32>
    %select_n3A_434 = arith.select %and3A_431, %broadcast_in_dim3A_433, %select_n3A_409 : vector<128x128xi1>, vector<128x128xf32>
    %reduce_max3A_435 = arith.constant dense<0xFF800000> : vector<128xf32>
    %reduce_max3A_436 = vector.multi_reduction <maximumf>, %select_n3A_434, %reduce_max3A_435 [0] : vector<128x128xf32> to vector<128xf32>
    %broadcast_in_dim3A_437 = vector.shape_cast %reduce_max3A_436 : vector<128xf32> to vector<1x128xf32>
    %eq3A_438 = vector.broadcast %broadcast_in_dim3A_437 : vector<1x128xf32> to vector<128x128xf32>
    %eq3A_439 = arith.cmpf oeq, %select_n3A_434, %eq3A_438 : vector<128x128xf32>
    %jit3A_440 = arith.constant 1073741824 : i32
    %broadcast_in_dim3A_441 = vector.broadcast %jit3A_440 : i32 to vector<128x128xi32>
    %select_n3A_442 = arith.select %eq3A_439, %concatenate3A_263, %broadcast_in_dim3A_441 : vector<128x128xi1>, vector<128x128xi32>
    %reduce_min3A_443 = arith.constant dense<2147483647> : vector<128xi32>
    %reduce_min3A_444 = vector.multi_reduction <minsi>, %select_n3A_442, %reduce_min3A_443 [0] : vector<128x128xi32> to vector<128xi32>
    %broadcast_in_dim3A_445 = vector.shape_cast %reduce_min3A_444 : vector<128xi32> to vector<1x128xi32>
    %eq3A_446 = arith.constant 6 : i32
    %eq3A_447 = vector.broadcast %eq3A_446 : i32 to vector<32x128xi32>
    %eq3A_448 = arith.cmpi eq, %iota3A_266, %eq3A_447 : vector<32x128xi32>
    %add3A_449 = vector.broadcast %mul3A_268 : i32 to vector<1x128xi32>
    %add3A_450 = arith.addi %broadcast_in_dim3A_445, %add3A_449 : vector<1x128xi32>
    %broadcast_in_dim3A_451 = vector.shape_cast %add3A_450 : vector<1x128xi32> to vector<1x128xi32>
    %broadcast_in_dim3A_452 = vector.broadcast %broadcast_in_dim3A_451 : vector<1x128xi32> to vector<32x128xi32>
    %select_n3A_453 = arith.select %eq3A_448, %broadcast_in_dim3A_452, %select_n3A_428 : vector<32x128xi1>, vector<32x128xi32>
    %eq3A_454 = vector.broadcast %broadcast_in_dim3A_445 : vector<1x128xi32> to vector<128x128xi32>
    %eq3A_455 = arith.cmpi eq, %concatenate3A_263, %eq3A_454 : vector<128x128xi32>
    %and3A_456 = arith.andi %eq3A_439, %eq3A_455 : vector<128x128xi1>
    %jit3A_457 = arith.constant 0xFF800000 : f32
    %broadcast_in_dim3A_458 = vector.broadcast %jit3A_457 : f32 to vector<128x128xf32>
    %select_n3A_459 = arith.select %and3A_456, %broadcast_in_dim3A_458, %select_n3A_434 : vector<128x128xi1>, vector<128x128xf32>
    %reduce_max3A_460 = arith.constant dense<0xFF800000> : vector<128xf32>
    %reduce_max3A_461 = vector.multi_reduction <maximumf>, %select_n3A_459, %reduce_max3A_460 [0] : vector<128x128xf32> to vector<128xf32>
    %broadcast_in_dim3A_462 = vector.shape_cast %reduce_max3A_461 : vector<128xf32> to vector<1x128xf32>
    %eq3A_463 = vector.broadcast %broadcast_in_dim3A_462 : vector<1x128xf32> to vector<128x128xf32>
    %eq3A_464 = arith.cmpf oeq, %select_n3A_459, %eq3A_463 : vector<128x128xf32>
    %jit3A_465 = arith.constant 1073741824 : i32
    %broadcast_in_dim3A_466 = vector.broadcast %jit3A_465 : i32 to vector<128x128xi32>
    %select_n3A_467 = arith.select %eq3A_464, %concatenate3A_263, %broadcast_in_dim3A_466 : vector<128x128xi1>, vector<128x128xi32>
    %reduce_min3A_468 = arith.constant dense<2147483647> : vector<128xi32>
    %reduce_min3A_469 = vector.multi_reduction <minsi>, %select_n3A_467, %reduce_min3A_468 [0] : vector<128x128xi32> to vector<128xi32>
    %broadcast_in_dim3A_470 = vector.shape_cast %reduce_min3A_469 : vector<128xi32> to vector<1x128xi32>
    %eq3A_471 = arith.constant 7 : i32
    %eq3A_472 = vector.broadcast %eq3A_471 : i32 to vector<32x128xi32>
    %eq3A_473 = arith.cmpi eq, %iota3A_266, %eq3A_472 : vector<32x128xi32>
    %add3A_474 = vector.broadcast %mul3A_268 : i32 to vector<1x128xi32>
    %add3A_475 = arith.addi %broadcast_in_dim3A_470, %add3A_474 : vector<1x128xi32>
    %broadcast_in_dim3A_476 = vector.shape_cast %add3A_475 : vector<1x128xi32> to vector<1x128xi32>
    %broadcast_in_dim3A_477 = vector.broadcast %broadcast_in_dim3A_476 : vector<1x128xi32> to vector<32x128xi32>
    %select_n3A_478 = arith.select %eq3A_473, %broadcast_in_dim3A_477, %select_n3A_453 : vector<32x128xi1>, vector<32x128xi32>
    %eq3A_479 = vector.broadcast %broadcast_in_dim3A_470 : vector<1x128xi32> to vector<128x128xi32>
    %eq3A_480 = arith.cmpi eq, %concatenate3A_263, %eq3A_479 : vector<128x128xi32>
    %and3A_481 = arith.andi %eq3A_464, %eq3A_480 : vector<128x128xi1>
    %jit3A_482 = arith.constant 0xFF800000 : f32
    %broadcast_in_dim3A_483 = vector.broadcast %jit3A_482 : f32 to vector<128x128xf32>
    %select_n3A_484 = arith.select %and3A_481, %broadcast_in_dim3A_483, %select_n3A_459 : vector<128x128xi1>, vector<128x128xf32>
    %reduce_max3A_485 = arith.constant dense<0xFF800000> : vector<128xf32>
    %reduce_max3A_486 = vector.multi_reduction <maximumf>, %select_n3A_484, %reduce_max3A_485 [0] : vector<128x128xf32> to vector<128xf32>
    %broadcast_in_dim3A_487 = vector.shape_cast %reduce_max3A_486 : vector<128xf32> to vector<1x128xf32>
    %eq3A_488 = vector.broadcast %broadcast_in_dim3A_487 : vector<1x128xf32> to vector<128x128xf32>
    %eq3A_489 = arith.cmpf oeq, %select_n3A_484, %eq3A_488 : vector<128x128xf32>
    %jit3A_490 = arith.constant 1073741824 : i32
    %broadcast_in_dim3A_491 = vector.broadcast %jit3A_490 : i32 to vector<128x128xi32>
    %select_n3A_492 = arith.select %eq3A_489, %concatenate3A_263, %broadcast_in_dim3A_491 : vector<128x128xi1>, vector<128x128xi32>
    %reduce_min3A_493 = arith.constant dense<2147483647> : vector<128xi32>
    %reduce_min3A_494 = vector.multi_reduction <minsi>, %select_n3A_492, %reduce_min3A_493 [0] : vector<128x128xi32> to vector<128xi32>
    %broadcast_in_dim3A_495 = vector.shape_cast %reduce_min3A_494 : vector<128xi32> to vector<1x128xi32>
    %eq3A_496 = arith.constant 8 : i32
    %eq3A_497 = vector.broadcast %eq3A_496 : i32 to vector<32x128xi32>
    %eq3A_498 = arith.cmpi eq, %iota3A_266, %eq3A_497 : vector<32x128xi32>
    %add3A_499 = vector.broadcast %mul3A_268 : i32 to vector<1x128xi32>
    %add3A_500 = arith.addi %broadcast_in_dim3A_495, %add3A_499 : vector<1x128xi32>
    %broadcast_in_dim3A_501 = vector.shape_cast %add3A_500 : vector<1x128xi32> to vector<1x128xi32>
    %broadcast_in_dim3A_502 = vector.broadcast %broadcast_in_dim3A_501 : vector<1x128xi32> to vector<32x128xi32>
    %select_n3A_503 = arith.select %eq3A_498, %broadcast_in_dim3A_502, %select_n3A_478 : vector<32x128xi1>, vector<32x128xi32>
    %eq3A_504 = vector.broadcast %broadcast_in_dim3A_495 : vector<1x128xi32> to vector<128x128xi32>
    %eq3A_505 = arith.cmpi eq, %concatenate3A_263, %eq3A_504 : vector<128x128xi32>
    %and3A_506 = arith.andi %eq3A_489, %eq3A_505 : vector<128x128xi1>
    %jit3A_507 = arith.constant 0xFF800000 : f32
    %broadcast_in_dim3A_508 = vector.broadcast %jit3A_507 : f32 to vector<128x128xf32>
    %select_n3A_509 = arith.select %and3A_506, %broadcast_in_dim3A_508, %select_n3A_484 : vector<128x128xi1>, vector<128x128xf32>
    %reduce_max3A_510 = arith.constant dense<0xFF800000> : vector<128xf32>
    %reduce_max3A_511 = vector.multi_reduction <maximumf>, %select_n3A_509, %reduce_max3A_510 [0] : vector<128x128xf32> to vector<128xf32>
    %broadcast_in_dim3A_512 = vector.shape_cast %reduce_max3A_511 : vector<128xf32> to vector<1x128xf32>
    %eq3A_513 = vector.broadcast %broadcast_in_dim3A_512 : vector<1x128xf32> to vector<128x128xf32>
    %eq3A_514 = arith.cmpf oeq, %select_n3A_509, %eq3A_513 : vector<128x128xf32>
    %jit3A_515 = arith.constant 1073741824 : i32
    %broadcast_in_dim3A_516 = vector.broadcast %jit3A_515 : i32 to vector<128x128xi32>
    %select_n3A_517 = arith.select %eq3A_514, %concatenate3A_263, %broadcast_in_dim3A_516 : vector<128x128xi1>, vector<128x128xi32>
    %reduce_min3A_518 = arith.constant dense<2147483647> : vector<128xi32>
    %reduce_min3A_519 = vector.multi_reduction <minsi>, %select_n3A_517, %reduce_min3A_518 [0] : vector<128x128xi32> to vector<128xi32>
    %broadcast_in_dim3A_520 = vector.shape_cast %reduce_min3A_519 : vector<128xi32> to vector<1x128xi32>
    %eq3A_521 = arith.constant 9 : i32
    %eq3A_522 = vector.broadcast %eq3A_521 : i32 to vector<32x128xi32>
    %eq3A_523 = arith.cmpi eq, %iota3A_266, %eq3A_522 : vector<32x128xi32>
    %add3A_524 = vector.broadcast %mul3A_268 : i32 to vector<1x128xi32>
    %add3A_525 = arith.addi %broadcast_in_dim3A_520, %add3A_524 : vector<1x128xi32>
    %broadcast_in_dim3A_526 = vector.shape_cast %add3A_525 : vector<1x128xi32> to vector<1x128xi32>
    %broadcast_in_dim3A_527 = vector.broadcast %broadcast_in_dim3A_526 : vector<1x128xi32> to vector<32x128xi32>
    %select_n3A_528 = arith.select %eq3A_523, %broadcast_in_dim3A_527, %select_n3A_503 : vector<32x128xi1>, vector<32x128xi32>
    %eq3A_529 = vector.broadcast %broadcast_in_dim3A_520 : vector<1x128xi32> to vector<128x128xi32>
    %eq3A_530 = arith.cmpi eq, %concatenate3A_263, %eq3A_529 : vector<128x128xi32>
    %and3A_531 = arith.andi %eq3A_514, %eq3A_530 : vector<128x128xi1>
    %jit3A_532 = arith.constant 0xFF800000 : f32
    %broadcast_in_dim3A_533 = vector.broadcast %jit3A_532 : f32 to vector<128x128xf32>
    %select_n3A_534 = arith.select %and3A_531, %broadcast_in_dim3A_533, %select_n3A_509 : vector<128x128xi1>, vector<128x128xf32>
    %reduce_max3A_535 = arith.constant dense<0xFF800000> : vector<128xf32>
    %reduce_max3A_536 = vector.multi_reduction <maximumf>, %select_n3A_534, %reduce_max3A_535 [0] : vector<128x128xf32> to vector<128xf32>
    %broadcast_in_dim3A_537 = vector.shape_cast %reduce_max3A_536 : vector<128xf32> to vector<1x128xf32>
    %eq3A_538 = vector.broadcast %broadcast_in_dim3A_537 : vector<1x128xf32> to vector<128x128xf32>
    %eq3A_539 = arith.cmpf oeq, %select_n3A_534, %eq3A_538 : vector<128x128xf32>
    %jit3A_540 = arith.constant 1073741824 : i32
    %broadcast_in_dim3A_541 = vector.broadcast %jit3A_540 : i32 to vector<128x128xi32>
    %select_n3A_542 = arith.select %eq3A_539, %concatenate3A_263, %broadcast_in_dim3A_541 : vector<128x128xi1>, vector<128x128xi32>
    %reduce_min3A_543 = arith.constant dense<2147483647> : vector<128xi32>
    %reduce_min3A_544 = vector.multi_reduction <minsi>, %select_n3A_542, %reduce_min3A_543 [0] : vector<128x128xi32> to vector<128xi32>
    %broadcast_in_dim3A_545 = vector.shape_cast %reduce_min3A_544 : vector<128xi32> to vector<1x128xi32>
    %eq3A_546 = arith.constant 10 : i32
    %eq3A_547 = vector.broadcast %eq3A_546 : i32 to vector<32x128xi32>
    %eq3A_548 = arith.cmpi eq, %iota3A_266, %eq3A_547 : vector<32x128xi32>
    %add3A_549 = vector.broadcast %mul3A_268 : i32 to vector<1x128xi32>
    %add3A_550 = arith.addi %broadcast_in_dim3A_545, %add3A_549 : vector<1x128xi32>
    %broadcast_in_dim3A_551 = vector.shape_cast %add3A_550 : vector<1x128xi32> to vector<1x128xi32>
    %broadcast_in_dim3A_552 = vector.broadcast %broadcast_in_dim3A_551 : vector<1x128xi32> to vector<32x128xi32>
    %select_n3A_553 = arith.select %eq3A_548, %broadcast_in_dim3A_552, %select_n3A_528 : vector<32x128xi1>, vector<32x128xi32>
    %eq3A_554 = vector.broadcast %broadcast_in_dim3A_545 : vector<1x128xi32> to vector<128x128xi32>
    %eq3A_555 = arith.cmpi eq, %concatenate3A_263, %eq3A_554 : vector<128x128xi32>
    %and3A_556 = arith.andi %eq3A_539, %eq3A_555 : vector<128x128xi1>
    %jit3A_557 = arith.constant 0xFF800000 : f32
    %broadcast_in_dim3A_558 = vector.broadcast %jit3A_557 : f32 to vector<128x128xf32>
    %select_n3A_559 = arith.select %and3A_556, %broadcast_in_dim3A_558, %select_n3A_534 : vector<128x128xi1>, vector<128x128xf32>
    %reduce_max3A_560 = arith.constant dense<0xFF800000> : vector<128xf32>
    %reduce_max3A_561 = vector.multi_reduction <maximumf>, %select_n3A_559, %reduce_max3A_560 [0] : vector<128x128xf32> to vector<128xf32>
    %broadcast_in_dim3A_562 = vector.shape_cast %reduce_max3A_561 : vector<128xf32> to vector<1x128xf32>
    %eq3A_563 = vector.broadcast %broadcast_in_dim3A_562 : vector<1x128xf32> to vector<128x128xf32>
    %eq3A_564 = arith.cmpf oeq, %select_n3A_559, %eq3A_563 : vector<128x128xf32>
    %jit3A_565 = arith.constant 1073741824 : i32
    %broadcast_in_dim3A_566 = vector.broadcast %jit3A_565 : i32 to vector<128x128xi32>
    %select_n3A_567 = arith.select %eq3A_564, %concatenate3A_263, %broadcast_in_dim3A_566 : vector<128x128xi1>, vector<128x128xi32>
    %reduce_min3A_568 = arith.constant dense<2147483647> : vector<128xi32>
    %reduce_min3A_569 = vector.multi_reduction <minsi>, %select_n3A_567, %reduce_min3A_568 [0] : vector<128x128xi32> to vector<128xi32>
    %broadcast_in_dim3A_570 = vector.shape_cast %reduce_min3A_569 : vector<128xi32> to vector<1x128xi32>
    %eq3A_571 = arith.constant 11 : i32
    %eq3A_572 = vector.broadcast %eq3A_571 : i32 to vector<32x128xi32>
    %eq3A_573 = arith.cmpi eq, %iota3A_266, %eq3A_572 : vector<32x128xi32>
    %add3A_574 = vector.broadcast %mul3A_268 : i32 to vector<1x128xi32>
    %add3A_575 = arith.addi %broadcast_in_dim3A_570, %add3A_574 : vector<1x128xi32>
    %broadcast_in_dim3A_576 = vector.shape_cast %add3A_575 : vector<1x128xi32> to vector<1x128xi32>
    %broadcast_in_dim3A_577 = vector.broadcast %broadcast_in_dim3A_576 : vector<1x128xi32> to vector<32x128xi32>
    %select_n3A_578 = arith.select %eq3A_573, %broadcast_in_dim3A_577, %select_n3A_553 : vector<32x128xi1>, vector<32x128xi32>
    %eq3A_579 = vector.broadcast %broadcast_in_dim3A_570 : vector<1x128xi32> to vector<128x128xi32>
    %eq3A_580 = arith.cmpi eq, %concatenate3A_263, %eq3A_579 : vector<128x128xi32>
    %and3A_581 = arith.andi %eq3A_564, %eq3A_580 : vector<128x128xi1>
    %jit3A_582 = arith.constant 0xFF800000 : f32
    %broadcast_in_dim3A_583 = vector.broadcast %jit3A_582 : f32 to vector<128x128xf32>
    %select_n3A_584 = arith.select %and3A_581, %broadcast_in_dim3A_583, %select_n3A_559 : vector<128x128xi1>, vector<128x128xf32>
    %reduce_max3A_585 = arith.constant dense<0xFF800000> : vector<128xf32>
    %reduce_max3A_586 = vector.multi_reduction <maximumf>, %select_n3A_584, %reduce_max3A_585 [0] : vector<128x128xf32> to vector<128xf32>
    %broadcast_in_dim3A_587 = vector.shape_cast %reduce_max3A_586 : vector<128xf32> to vector<1x128xf32>
    %eq3A_588 = vector.broadcast %broadcast_in_dim3A_587 : vector<1x128xf32> to vector<128x128xf32>
    %eq3A_589 = arith.cmpf oeq, %select_n3A_584, %eq3A_588 : vector<128x128xf32>
    %jit3A_590 = arith.constant 1073741824 : i32
    %broadcast_in_dim3A_591 = vector.broadcast %jit3A_590 : i32 to vector<128x128xi32>
    %select_n3A_592 = arith.select %eq3A_589, %concatenate3A_263, %broadcast_in_dim3A_591 : vector<128x128xi1>, vector<128x128xi32>
    %reduce_min3A_593 = arith.constant dense<2147483647> : vector<128xi32>
    %reduce_min3A_594 = vector.multi_reduction <minsi>, %select_n3A_592, %reduce_min3A_593 [0] : vector<128x128xi32> to vector<128xi32>
    %broadcast_in_dim3A_595 = vector.shape_cast %reduce_min3A_594 : vector<128xi32> to vector<1x128xi32>
    %eq3A_596 = arith.constant 12 : i32
    %eq3A_597 = vector.broadcast %eq3A_596 : i32 to vector<32x128xi32>
    %eq3A_598 = arith.cmpi eq, %iota3A_266, %eq3A_597 : vector<32x128xi32>
    %add3A_599 = vector.broadcast %mul3A_268 : i32 to vector<1x128xi32>
    %add3A_600 = arith.addi %broadcast_in_dim3A_595, %add3A_599 : vector<1x128xi32>
    %broadcast_in_dim3A_601 = vector.shape_cast %add3A_600 : vector<1x128xi32> to vector<1x128xi32>
    %broadcast_in_dim3A_602 = vector.broadcast %broadcast_in_dim3A_601 : vector<1x128xi32> to vector<32x128xi32>
    %select_n3A_603 = arith.select %eq3A_598, %broadcast_in_dim3A_602, %select_n3A_578 : vector<32x128xi1>, vector<32x128xi32>
    %eq3A_604 = vector.broadcast %broadcast_in_dim3A_595 : vector<1x128xi32> to vector<128x128xi32>
    %eq3A_605 = arith.cmpi eq, %concatenate3A_263, %eq3A_604 : vector<128x128xi32>
    %and3A_606 = arith.andi %eq3A_589, %eq3A_605 : vector<128x128xi1>
    %jit3A_607 = arith.constant 0xFF800000 : f32
    %broadcast_in_dim3A_608 = vector.broadcast %jit3A_607 : f32 to vector<128x128xf32>
    %select_n3A_609 = arith.select %and3A_606, %broadcast_in_dim3A_608, %select_n3A_584 : vector<128x128xi1>, vector<128x128xf32>
    %reduce_max3A_610 = arith.constant dense<0xFF800000> : vector<128xf32>
    %reduce_max3A_611 = vector.multi_reduction <maximumf>, %select_n3A_609, %reduce_max3A_610 [0] : vector<128x128xf32> to vector<128xf32>
    %broadcast_in_dim3A_612 = vector.shape_cast %reduce_max3A_611 : vector<128xf32> to vector<1x128xf32>
    %eq3A_613 = vector.broadcast %broadcast_in_dim3A_612 : vector<1x128xf32> to vector<128x128xf32>
    %eq3A_614 = arith.cmpf oeq, %select_n3A_609, %eq3A_613 : vector<128x128xf32>
    %jit3A_615 = arith.constant 1073741824 : i32
    %broadcast_in_dim3A_616 = vector.broadcast %jit3A_615 : i32 to vector<128x128xi32>
    %select_n3A_617 = arith.select %eq3A_614, %concatenate3A_263, %broadcast_in_dim3A_616 : vector<128x128xi1>, vector<128x128xi32>
    %reduce_min3A_618 = arith.constant dense<2147483647> : vector<128xi32>
    %reduce_min3A_619 = vector.multi_reduction <minsi>, %select_n3A_617, %reduce_min3A_618 [0] : vector<128x128xi32> to vector<128xi32>
    %broadcast_in_dim3A_620 = vector.shape_cast %reduce_min3A_619 : vector<128xi32> to vector<1x128xi32>
    %eq3A_621 = arith.constant 13 : i32
    %eq3A_622 = vector.broadcast %eq3A_621 : i32 to vector<32x128xi32>
    %eq3A_623 = arith.cmpi eq, %iota3A_266, %eq3A_622 : vector<32x128xi32>
    %add3A_624 = vector.broadcast %mul3A_268 : i32 to vector<1x128xi32>
    %add3A_625 = arith.addi %broadcast_in_dim3A_620, %add3A_624 : vector<1x128xi32>
    %broadcast_in_dim3A_626 = vector.shape_cast %add3A_625 : vector<1x128xi32> to vector<1x128xi32>
    %broadcast_in_dim3A_627 = vector.broadcast %broadcast_in_dim3A_626 : vector<1x128xi32> to vector<32x128xi32>
    %select_n3A_628 = arith.select %eq3A_623, %broadcast_in_dim3A_627, %select_n3A_603 : vector<32x128xi1>, vector<32x128xi32>
    %eq3A_629 = vector.broadcast %broadcast_in_dim3A_620 : vector<1x128xi32> to vector<128x128xi32>
    %eq3A_630 = arith.cmpi eq, %concatenate3A_263, %eq3A_629 : vector<128x128xi32>
    %and3A_631 = arith.andi %eq3A_614, %eq3A_630 : vector<128x128xi1>
    %jit3A_632 = arith.constant 0xFF800000 : f32
    %broadcast_in_dim3A_633 = vector.broadcast %jit3A_632 : f32 to vector<128x128xf32>
    %select_n3A_634 = arith.select %and3A_631, %broadcast_in_dim3A_633, %select_n3A_609 : vector<128x128xi1>, vector<128x128xf32>
    %reduce_max3A_635 = arith.constant dense<0xFF800000> : vector<128xf32>
    %reduce_max3A_636 = vector.multi_reduction <maximumf>, %select_n3A_634, %reduce_max3A_635 [0] : vector<128x128xf32> to vector<128xf32>
    %broadcast_in_dim3A_637 = vector.shape_cast %reduce_max3A_636 : vector<128xf32> to vector<1x128xf32>
    %eq3A_638 = vector.broadcast %broadcast_in_dim3A_637 : vector<1x128xf32> to vector<128x128xf32>
    %eq3A_639 = arith.cmpf oeq, %select_n3A_634, %eq3A_638 : vector<128x128xf32>
    %jit3A_640 = arith.constant 1073741824 : i32
    %broadcast_in_dim3A_641 = vector.broadcast %jit3A_640 : i32 to vector<128x128xi32>
    %select_n3A_642 = arith.select %eq3A_639, %concatenate3A_263, %broadcast_in_dim3A_641 : vector<128x128xi1>, vector<128x128xi32>
    %reduce_min3A_643 = arith.constant dense<2147483647> : vector<128xi32>
    %reduce_min3A_644 = vector.multi_reduction <minsi>, %select_n3A_642, %reduce_min3A_643 [0] : vector<128x128xi32> to vector<128xi32>
    %broadcast_in_dim3A_645 = vector.shape_cast %reduce_min3A_644 : vector<128xi32> to vector<1x128xi32>
    %eq3A_646 = arith.constant 14 : i32
    %eq3A_647 = vector.broadcast %eq3A_646 : i32 to vector<32x128xi32>
    %eq3A_648 = arith.cmpi eq, %iota3A_266, %eq3A_647 : vector<32x128xi32>
    %add3A_649 = vector.broadcast %mul3A_268 : i32 to vector<1x128xi32>
    %add3A_650 = arith.addi %broadcast_in_dim3A_645, %add3A_649 : vector<1x128xi32>
    %broadcast_in_dim3A_651 = vector.shape_cast %add3A_650 : vector<1x128xi32> to vector<1x128xi32>
    %broadcast_in_dim3A_652 = vector.broadcast %broadcast_in_dim3A_651 : vector<1x128xi32> to vector<32x128xi32>
    %select_n3A_653 = arith.select %eq3A_648, %broadcast_in_dim3A_652, %select_n3A_628 : vector<32x128xi1>, vector<32x128xi32>
    %eq3A_654 = vector.broadcast %broadcast_in_dim3A_645 : vector<1x128xi32> to vector<128x128xi32>
    %eq3A_655 = arith.cmpi eq, %concatenate3A_263, %eq3A_654 : vector<128x128xi32>
    %and3A_656 = arith.andi %eq3A_639, %eq3A_655 : vector<128x128xi1>
    %jit3A_657 = arith.constant 0xFF800000 : f32
    %broadcast_in_dim3A_658 = vector.broadcast %jit3A_657 : f32 to vector<128x128xf32>
    %select_n3A_659 = arith.select %and3A_656, %broadcast_in_dim3A_658, %select_n3A_634 : vector<128x128xi1>, vector<128x128xf32>
    %reduce_max3A_660 = arith.constant dense<0xFF800000> : vector<128xf32>
    %reduce_max3A_661 = vector.multi_reduction <maximumf>, %select_n3A_659, %reduce_max3A_660 [0] : vector<128x128xf32> to vector<128xf32>
    %broadcast_in_dim3A_662 = vector.shape_cast %reduce_max3A_661 : vector<128xf32> to vector<1x128xf32>
    %eq3A_663 = vector.broadcast %broadcast_in_dim3A_662 : vector<1x128xf32> to vector<128x128xf32>
    %eq3A_664 = arith.cmpf oeq, %select_n3A_659, %eq3A_663 : vector<128x128xf32>
    %jit3A_665 = arith.constant 1073741824 : i32
    %broadcast_in_dim3A_666 = vector.broadcast %jit3A_665 : i32 to vector<128x128xi32>
    %select_n3A_667 = arith.select %eq3A_664, %concatenate3A_263, %broadcast_in_dim3A_666 : vector<128x128xi1>, vector<128x128xi32>
    %reduce_min3A_668 = arith.constant dense<2147483647> : vector<128xi32>
    %reduce_min3A_669 = vector.multi_reduction <minsi>, %select_n3A_667, %reduce_min3A_668 [0] : vector<128x128xi32> to vector<128xi32>
    %broadcast_in_dim3A_670 = vector.shape_cast %reduce_min3A_669 : vector<128xi32> to vector<1x128xi32>
    %eq3A_671 = arith.constant 15 : i32
    %eq3A_672 = vector.broadcast %eq3A_671 : i32 to vector<32x128xi32>
    %eq3A_673 = arith.cmpi eq, %iota3A_266, %eq3A_672 : vector<32x128xi32>
    %add3A_674 = vector.broadcast %mul3A_268 : i32 to vector<1x128xi32>
    %add3A_675 = arith.addi %broadcast_in_dim3A_670, %add3A_674 : vector<1x128xi32>
    %broadcast_in_dim3A_676 = vector.shape_cast %add3A_675 : vector<1x128xi32> to vector<1x128xi32>
    %broadcast_in_dim3A_677 = vector.broadcast %broadcast_in_dim3A_676 : vector<1x128xi32> to vector<32x128xi32>
    %select_n3A_678 = arith.select %eq3A_673, %broadcast_in_dim3A_677, %select_n3A_653 : vector<32x128xi1>, vector<32x128xi32>
    %transpose3A = tpu.transpose %select_n3A_678, [1, 0] : vector<32x128xi32> -> vector<128x32xi32>
    %slice3A = vector.extract_strided_slice %transpose3A {offsets = [0, 0], sizes = [128, 16], strides = [1, 1]} : vector<128x32xi32> to vector<128x16xi32>
    %swap3A_679 = arith.constant 0 : index
    %swap3A_680 = arith.constant 0 : index
    %swap3A_681 = vector.load %arg5[%swap3A_679, %swap3A_680] : memref<128x16xi32, #tpu.memory_space<vmem>>, vector<128x16xi32>
    tpu.vector_store %arg5[%swap3A_679, %swap3A_680], %slice3A {strides = array<i32>} : memref<128x16xi32, #tpu.memory_space<vmem>>, vector<128x16xi32>,
    return
  }
  func.func @transform_0(%arg0: i32, %arg1: i32) -> (i32, i32, i32) {
    %add3A = arith.constant 4 : i32
    %add3A_0 = arith.addi %arg0, %add3A : i32
    %c0_i32 = arith.constant 0 : i32
    %c0_i32_1 = arith.constant 0 : i32
    %c0_i32_2 = arith.constant 0 : i32
    return %add3A_0, %c0_i32, %c0_i32_1 : i32, i32, i32
  }
  func.func @transform_1(%arg0: i32, %arg1: i32) -> (i32, i32, i32) {
    %add3A = arith.constant 4 : i32
    %add3A_0 = arith.addi %arg0, %add3A : i32
    %c0_i32 = arith.constant 0 : i32
    %c0_i32_1 = arith.constant 0 : i32
    return %add3A_0, %c0_i32, %arg1 : i32, i32, i32
  }
  func.func @transform_2(%arg0: i32, %arg1: i32) -> (i32, i32) {
    %add3A = arith.constant 4 : i32
    %add3A_0 = arith.addi %arg0, %add3A : i32
    %mul3A = arith.constant 16 : i32
    %mul3A_1 = arith.muli %add3A_0, %mul3A : i32
    %add3A_2 = arith.addi %mul3A_1, %arg1 : i32
    %c0_i32 = arith.constant 0 : i32
    %c0_i32_3 = arith.constant 0 : i32
    return %add3A_2, %c0_i32 : i32, i32
  }
  func.func @transform_3(%arg0: i32, %arg1: i32) -> (i32, i32) {
    %mul3A = arith.constant 16 : i32
    %mul3A_0 = arith.muli %arg0, %mul3A : i32
    %add3A = arith.addi %mul3A_0, %arg1 : i32
    %c0_i32 = arith.constant 0 : i32
    %c0_i32_1 = arith.constant 0 : i32
    return %add3A, %c0_i32 : i32, i32
  }
  func.func @transform_4(%arg0: i32, %arg1: i32) -> (i32, i32) {
    %mul3A = arith.constant 16 : i32
    %mul3A_0 = arith.muli %arg0, %mul3A : i32
    %add3A = arith.addi %mul3A_0, %arg1 : i32
    %c0_i32 = arith.constant 0 : i32
    %c0_i32_1 = arith.constant 0 : i32
    return %add3A, %c0_i32 : i32, i32
  }
}

module attributes {stable_mosaic.version = 14 : i64} {
  func.func @_knn_body(%arg0: i32, %arg1: i32, %arg2: memref<1x2048x8xf32, #tpu.memory_space<vmem>>, %arg3: memref<1x8x128xf32, #tpu.memory_space<vmem>>, %arg4: memref<128x128xf32, #tpu.memory_space<vmem>>, %arg5: memref<128x16xi32, #tpu.memory_space<vmem>>, %arg6: memref<128x128xf32, #tpu.memory_space<vmem>>, %arg7: memref<2048x128xf32, #tpu.memory_space<vmem>>) attributes {dimension_semantics = [#tpu.dimension_semantics<arbitrary>, #tpu.dimension_semantics<arbitrary>], iteration_bounds = array<i64: 4, 16>, scalar_prefetch = 0 : i64, scratch_operands = 1 : i64, tpu.core_type = #tpu.core_type<tc>, window_params = [{transform_indices = @transform_0, window_bounds = array<i64: 1, 2048, 8>}, {transform_indices = @transform_1, window_bounds = array<i64: 1, 8, 128>}, {transform_indices = @transform_2, window_bounds = array<i64: 128, 128>}, {transform_indices = @transform_3, window_bounds = array<i64: 128, 16>}, {transform_indices = @transform_4, window_bounds = array<i64: 128, 128>}]} {
    %get3A = arith.constant 0 : index
    %get3A_0 = arith.constant 0 : index
    %get3A_1 = arith.constant 0 : index
    %get3A_2 = vector.load %arg2[%get3A, %get3A_0, %get3A_1] : memref<1x2048x8xf32, #tpu.memory_space<vmem>>, vector<1x2048x8xf32>
    %get3A_3 = vector.shape_cast %get3A_2 : vector<1x2048x8xf32> to vector<2048x8xf32>
    %get3A_4 = arith.constant 0 : index
    %get3A_5 = arith.constant 0 : index
    %get3A_6 = arith.constant 0 : index
    %get3A_7 = vector.load %arg3[%get3A_4, %get3A_5, %get3A_6] : memref<1x8x128xf32, #tpu.memory_space<vmem>>, vector<1x8x128xf32>
    %get3A_8 = vector.shape_cast %get3A_7 : vector<1x8x128xf32> to vector<8x128xf32>
    %dot_general3A = arith.constant dense<0.000000e+00> : vector<2048x128xf32>
    %dot_general3A_9 = tpu.matmul %get3A_3, %get3A_8, %dot_general3A {dimension_numbers = #tpu.dot_dimension_numbers<[1], [0], [0], [1], [0, 0, 1, 1], [], []>, precision = #tpu.contract_precision<fp32>, transpose_lhs_hint = false} : vector<2048x8xf32>, vector<8x128xf32>, vector<2048x128xf32> -> vector<2048x128xf32>
    %swap3A = arith.constant 0 : index
    %swap3A_10 = arith.constant 0 : index
    %swap3A_11 = vector.load %arg7[%swap3A, %swap3A_10] : memref<2048x128xf32, #tpu.memory_space<vmem>>, vector<2048x128xf32>
    tpu.vector_store %arg7[%swap3A, %swap3A_10], %dot_general3A_9 {strides = array<i32>} : memref<2048x128xf32, #tpu.memory_space<vmem>>, vector<2048x128xf32>,
    %get3A_12 = arith.constant 0 : index
    %get3A_13 = arith.constant 0 : index
    %get3A_14 = vector.load %arg7[%get3A_12, %get3A_13] : memref<2048x128xf32, #tpu.memory_space<vmem>>, vector<2048x128xf32>
    %reshape3A = vector.shape_cast %get3A_14 : vector<2048x128xf32> to vector<2x128x8x128xf32>
    %reduce_max3A = arith.constant dense<0xFF800000> : vector<2x8x128xf32>
    %reduce_max3A_15 = vector.multi_reduction <maximumf>, %reshape3A, %reduce_max3A [1] : vector<2x128x8x128xf32> to vector<2x8x128xf32>
    %get3A_16 = arith.constant 0 : index
    %get3A_17 = arith.constant 0 : index
    %get3A_18 = vector.load %arg4[%get3A_16, %get3A_17] : memref<128x128xf32, #tpu.memory_space<vmem>>, vector<128x128xf32>
    %ge3A = arith.constant 0.000000e+00 : f32
    %ge3A_19 = vector.broadcast %ge3A : f32 to vector<128x128xf32>
    %ge3A_20 = arith.cmpf oge, %get3A_18, %ge3A_19 : vector<128x128xf32>
    %mul3A = arith.constant 0.00999999977 : f32
    %mul3A_21 = vector.broadcast %mul3A : f32 to vector<128x128xf32>
    %mul3A_22 = arith.mulf %mul3A_21, %get3A_18 : vector<128x128xf32>
    %select_n3A = arith.select %ge3A_20, %get3A_18, %mul3A_22 : vector<128x128xi1>, vector<128x128xf32>
    %swap3A_23 = arith.constant 0 : index
    %swap3A_24 = arith.constant 0 : index
    %swap3A_25 = vector.load %arg6[%swap3A_23, %swap3A_24] : memref<128x128xf32, #tpu.memory_space<vmem>>, vector<128x128xf32>
    tpu.vector_store %arg6[%swap3A_23, %swap3A_24], %select_n3A {strides = array<i32>} : memref<128x128xf32, #tpu.memory_space<vmem>>, vector<128x128xf32>,
    %iota3A = tpu.iota {dimensions = array<i32: 1>} : vector<2x128x8x1xi32>
    %get3A_26 = arith.constant 0 : index
    %get3A_27 = arith.constant 0 : index
    %get3A_28 = vector.load %arg7[%get3A_26, %get3A_27] : memref<2048x128xf32, #tpu.memory_space<vmem>>, vector<2048x128xf32>
    %reshape3A_29 = vector.shape_cast %get3A_28 : vector<2048x128xf32> to vector<2x128x8x128xf32>
    %broadcast_in_dim3A = vector.shape_cast %reduce_max3A_15 : vector<2x8x128xf32> to vector<2x1x8x128xf32>
    %eq3A = vector.broadcast %broadcast_in_dim3A : vector<2x1x8x128xf32> to vector<2x128x8x128xf32>
    %eq3A_30 = arith.cmpf oeq, %reshape3A_29, %eq3A : vector<2x128x8x128xf32>
    %jit3A = arith.constant 127 : i32
    %broadcast_in_dim3A_31 = vector.shape_cast %iota3A : vector<2x128x8x1xi32> to vector<2x128x8x1xi32>
    %broadcast_in_dim3A_32 = vector.broadcast %broadcast_in_dim3A_31 : vector<2x128x8x1xi32> to vector<2x128x8x128xi32>
    %broadcast_in_dim3A_33 = vector.broadcast %jit3A : i32 to vector<2x128x8x128xi32>
    %select_n3A_34 = arith.select %eq3A_30, %broadcast_in_dim3A_32, %broadcast_in_dim3A_33 : vector<2x128x8x128xi1>, vector<2x128x8x128xi32>
    %reduce_min3A = arith.constant dense<2147483647> : vector<2x8x128xi32>
    %reduce_min3A_35 = vector.multi_reduction <minsi>, %select_n3A_34, %reduce_min3A [1] : vector<2x128x8x128xi32> to vector<2x8x128xi32>
    %lt3A = vector.broadcast %broadcast_in_dim3A : vector<2x1x8x128xf32> to vector<2x128x8x128xf32>
    %lt3A_36 = arith.cmpf olt, %reshape3A_29, %lt3A : vector<2x128x8x128xf32>
    %jit3A_37 = arith.constant 0xFF800000 : f32
    %broadcast_in_dim3A_38 = vector.broadcast %jit3A_37 : f32 to vector<2x128x8x128xf32>
    %select_n3A_39 = arith.select %lt3A_36, %reshape3A_29, %broadcast_in_dim3A_38 : vector<2x128x8x128xi1>, vector<2x128x8x128xf32>
    %reduce_max3A_40 = arith.constant dense<0xFF800000> : vector<2x8x128xf32>
    %reduce_max3A_41 = vector.multi_reduction <maximumf>, %select_n3A_39, %reduce_max3A_40 [1] : vector<2x128x8x128xf32> to vector<2x8x128xf32>
    %get3A_42 = arith.constant 0 : index
    %get3A_43 = arith.constant 0 : index
    %get3A_44 = vector.load %arg7[%get3A_42, %get3A_43] : memref<2048x128xf32, #tpu.memory_space<vmem>>, vector<2048x128xf32>
    %reshape3A_45 = vector.shape_cast %get3A_44 : vector<2048x128xf32> to vector<2x128x8x128xf32>
    %broadcast_in_dim3A_46 = vector.shape_cast %reduce_max3A_41 : vector<2x8x128xf32> to vector<2x1x8x128xf32>
    %eq3A_47 = vector.broadcast %broadcast_in_dim3A_46 : vector<2x1x8x128xf32> to vector<2x128x8x128xf32>
    %eq3A_48 = arith.cmpf oeq, %reshape3A_45, %eq3A_47 : vector<2x128x8x128xf32>
    %jit3A_49 = arith.constant 127 : i32
    %broadcast_in_dim3A_50 = vector.shape_cast %iota3A : vector<2x128x8x1xi32> to vector<2x128x8x1xi32>
    %broadcast_in_dim3A_51 = vector.broadcast %broadcast_in_dim3A_50 : vector<2x128x8x1xi32> to vector<2x128x8x128xi32>
    %broadcast_in_dim3A_52 = vector.broadcast %jit3A_49 : i32 to vector<2x128x8x128xi32>
    %select_n3A_53 = arith.select %eq3A_48, %broadcast_in_dim3A_51, %broadcast_in_dim3A_52 : vector<2x128x8x128xi1>, vector<2x128x8x128xi32>
    %reduce_min3A_54 = arith.constant dense<2147483647> : vector<2x8x128xi32>
    %reduce_min3A_55 = vector.multi_reduction <minsi>, %select_n3A_53, %reduce_min3A_54 [1] : vector<2x128x8x128xi32> to vector<2x8x128xi32>
    %lt3A_56 = vector.broadcast %broadcast_in_dim3A_46 : vector<2x1x8x128xf32> to vector<2x128x8x128xf32>
    %lt3A_57 = arith.cmpf olt, %reshape3A_45, %lt3A_56 : vector<2x128x8x128xf32>
    %jit3A_58 = arith.constant 0xFF800000 : f32
    %broadcast_in_dim3A_59 = vector.broadcast %jit3A_58 : f32 to vector<2x128x8x128xf32>
    %select_n3A_60 = arith.select %lt3A_57, %reshape3A_45, %broadcast_in_dim3A_59 : vector<2x128x8x128xi1>, vector<2x128x8x128xf32>
    %reduce_max3A_61 = arith.constant dense<0xFF800000> : vector<2x8x128xf32>
    %reduce_max3A_62 = vector.multi_reduction <maximumf>, %select_n3A_60, %reduce_max3A_61 [1] : vector<2x128x8x128xf32> to vector<2x8x128xf32>
    %get3A_63 = arith.constant 0 : index
    %get3A_64 = arith.constant 0 : index
    %get3A_65 = vector.load %arg7[%get3A_63, %get3A_64] : memref<2048x128xf32, #tpu.memory_space<vmem>>, vector<2048x128xf32>
    %reshape3A_66 = vector.shape_cast %get3A_65 : vector<2048x128xf32> to vector<2x128x8x128xf32>
    %broadcast_in_dim3A_67 = vector.shape_cast %reduce_max3A_62 : vector<2x8x128xf32> to vector<2x1x8x128xf32>
    %eq3A_68 = vector.broadcast %broadcast_in_dim3A_67 : vector<2x1x8x128xf32> to vector<2x128x8x128xf32>
    %eq3A_69 = arith.cmpf oeq, %reshape3A_66, %eq3A_68 : vector<2x128x8x128xf32>
    %jit3A_70 = arith.constant 127 : i32
    %broadcast_in_dim3A_71 = vector.shape_cast %iota3A : vector<2x128x8x1xi32> to vector<2x128x8x1xi32>
    %broadcast_in_dim3A_72 = vector.broadcast %broadcast_in_dim3A_71 : vector<2x128x8x1xi32> to vector<2x128x8x128xi32>
    %broadcast_in_dim3A_73 = vector.broadcast %jit3A_70 : i32 to vector<2x128x8x128xi32>
    %select_n3A_74 = arith.select %eq3A_69, %broadcast_in_dim3A_72, %broadcast_in_dim3A_73 : vector<2x128x8x128xi1>, vector<2x128x8x128xi32>
    %reduce_min3A_75 = arith.constant dense<2147483647> : vector<2x8x128xi32>
    %reduce_min3A_76 = vector.multi_reduction <minsi>, %select_n3A_74, %reduce_min3A_75 [1] : vector<2x128x8x128xi32> to vector<2x8x128xi32>
    %lt3A_77 = vector.broadcast %broadcast_in_dim3A_67 : vector<2x1x8x128xf32> to vector<2x128x8x128xf32>
    %lt3A_78 = arith.cmpf olt, %reshape3A_66, %lt3A_77 : vector<2x128x8x128xf32>
    %jit3A_79 = arith.constant 0xFF800000 : f32
    %broadcast_in_dim3A_80 = vector.broadcast %jit3A_79 : f32 to vector<2x128x8x128xf32>
    %select_n3A_81 = arith.select %lt3A_78, %reshape3A_66, %broadcast_in_dim3A_80 : vector<2x128x8x128xi1>, vector<2x128x8x128xf32>
    %reduce_max3A_82 = arith.constant dense<0xFF800000> : vector<2x8x128xf32>
    %reduce_max3A_83 = vector.multi_reduction <maximumf>, %select_n3A_81, %reduce_max3A_82 [1] : vector<2x128x8x128xf32> to vector<2x8x128xf32>
    %get3A_84 = arith.constant 0 : index
    %get3A_85 = arith.constant 0 : index
    %get3A_86 = vector.load %arg7[%get3A_84, %get3A_85] : memref<2048x128xf32, #tpu.memory_space<vmem>>, vector<2048x128xf32>
    %reshape3A_87 = vector.shape_cast %get3A_86 : vector<2048x128xf32> to vector<2x128x8x128xf32>
    %broadcast_in_dim3A_88 = vector.shape_cast %reduce_max3A_83 : vector<2x8x128xf32> to vector<2x1x8x128xf32>
    %eq3A_89 = vector.broadcast %broadcast_in_dim3A_88 : vector<2x1x8x128xf32> to vector<2x128x8x128xf32>
    %eq3A_90 = arith.cmpf oeq, %reshape3A_87, %eq3A_89 : vector<2x128x8x128xf32>
    %jit3A_91 = arith.constant 127 : i32
    %broadcast_in_dim3A_92 = vector.shape_cast %iota3A : vector<2x128x8x1xi32> to vector<2x128x8x1xi32>
    %broadcast_in_dim3A_93 = vector.broadcast %broadcast_in_dim3A_92 : vector<2x128x8x1xi32> to vector<2x128x8x128xi32>
    %broadcast_in_dim3A_94 = vector.broadcast %jit3A_91 : i32 to vector<2x128x8x128xi32>
    %select_n3A_95 = arith.select %eq3A_90, %broadcast_in_dim3A_93, %broadcast_in_dim3A_94 : vector<2x128x8x128xi1>, vector<2x128x8x128xi32>
    %reduce_min3A_96 = arith.constant dense<2147483647> : vector<2x8x128xi32>
    %reduce_min3A_97 = vector.multi_reduction <minsi>, %select_n3A_95, %reduce_min3A_96 [1] : vector<2x128x8x128xi32> to vector<2x8x128xi32>
    %lt3A_98 = vector.broadcast %broadcast_in_dim3A_88 : vector<2x1x8x128xf32> to vector<2x128x8x128xf32>
    %lt3A_99 = arith.cmpf olt, %reshape3A_87, %lt3A_98 : vector<2x128x8x128xf32>
    %jit3A_100 = arith.constant 0xFF800000 : f32
    %broadcast_in_dim3A_101 = vector.broadcast %jit3A_100 : f32 to vector<2x128x8x128xf32>
    %select_n3A_102 = arith.select %lt3A_99, %reshape3A_87, %broadcast_in_dim3A_101 : vector<2x128x8x128xi1>, vector<2x128x8x128xf32>
    %reduce_max3A_103 = arith.constant dense<0xFF800000> : vector<2x8x128xf32>
    %reduce_max3A_104 = vector.multi_reduction <maximumf>, %select_n3A_102, %reduce_max3A_103 [1] : vector<2x128x8x128xf32> to vector<2x8x128xf32>
    %get3A_105 = arith.constant 0 : index
    %get3A_106 = arith.constant 0 : index
    %get3A_107 = vector.load %arg7[%get3A_105, %get3A_106] : memref<2048x128xf32, #tpu.memory_space<vmem>>, vector<2048x128xf32>
    %reshape3A_108 = vector.shape_cast %get3A_107 : vector<2048x128xf32> to vector<2x128x8x128xf32>
    %broadcast_in_dim3A_109 = vector.shape_cast %reduce_max3A_104 : vector<2x8x128xf32> to vector<2x1x8x128xf32>
    %eq3A_110 = vector.broadcast %broadcast_in_dim3A_109 : vector<2x1x8x128xf32> to vector<2x128x8x128xf32>
    %eq3A_111 = arith.cmpf oeq, %reshape3A_108, %eq3A_110 : vector<2x128x8x128xf32>
    %jit3A_112 = arith.constant 127 : i32
    %broadcast_in_dim3A_113 = vector.shape_cast %iota3A : vector<2x128x8x1xi32> to vector<2x128x8x1xi32>
    %broadcast_in_dim3A_114 = vector.broadcast %broadcast_in_dim3A_113 : vector<2x128x8x1xi32> to vector<2x128x8x128xi32>
    %broadcast_in_dim3A_115 = vector.broadcast %jit3A_112 : i32 to vector<2x128x8x128xi32>
    %select_n3A_116 = arith.select %eq3A_111, %broadcast_in_dim3A_114, %broadcast_in_dim3A_115 : vector<2x128x8x128xi1>, vector<2x128x8x128xi32>
    %reduce_min3A_117 = arith.constant dense<2147483647> : vector<2x8x128xi32>
    %reduce_min3A_118 = vector.multi_reduction <minsi>, %select_n3A_116, %reduce_min3A_117 [1] : vector<2x128x8x128xi32> to vector<2x8x128xi32>
    %lt3A_119 = vector.broadcast %broadcast_in_dim3A_109 : vector<2x1x8x128xf32> to vector<2x128x8x128xf32>
    %lt3A_120 = arith.cmpf olt, %reshape3A_108, %lt3A_119 : vector<2x128x8x128xf32>
    %jit3A_121 = arith.constant 0xFF800000 : f32
    %broadcast_in_dim3A_122 = vector.broadcast %jit3A_121 : f32 to vector<2x128x8x128xf32>
    %select_n3A_123 = arith.select %lt3A_120, %reshape3A_108, %broadcast_in_dim3A_122 : vector<2x128x8x128xi1>, vector<2x128x8x128xf32>
    %reduce_max3A_124 = arith.constant dense<0xFF800000> : vector<2x8x128xf32>
    %reduce_max3A_125 = vector.multi_reduction <maximumf>, %select_n3A_123, %reduce_max3A_124 [1] : vector<2x128x8x128xf32> to vector<2x8x128xf32>
    %get3A_126 = arith.constant 0 : index
    %get3A_127 = arith.constant 0 : index
    %get3A_128 = vector.load %arg7[%get3A_126, %get3A_127] : memref<2048x128xf32, #tpu.memory_space<vmem>>, vector<2048x128xf32>
    %reshape3A_129 = vector.shape_cast %get3A_128 : vector<2048x128xf32> to vector<2x128x8x128xf32>
    %broadcast_in_dim3A_130 = vector.shape_cast %reduce_max3A_125 : vector<2x8x128xf32> to vector<2x1x8x128xf32>
    %eq3A_131 = vector.broadcast %broadcast_in_dim3A_130 : vector<2x1x8x128xf32> to vector<2x128x8x128xf32>
    %eq3A_132 = arith.cmpf oeq, %reshape3A_129, %eq3A_131 : vector<2x128x8x128xf32>
    %jit3A_133 = arith.constant 127 : i32
    %broadcast_in_dim3A_134 = vector.shape_cast %iota3A : vector<2x128x8x1xi32> to vector<2x128x8x1xi32>
    %broadcast_in_dim3A_135 = vector.broadcast %broadcast_in_dim3A_134 : vector<2x128x8x1xi32> to vector<2x128x8x128xi32>
    %broadcast_in_dim3A_136 = vector.broadcast %jit3A_133 : i32 to vector<2x128x8x128xi32>
    %select_n3A_137 = arith.select %eq3A_132, %broadcast_in_dim3A_135, %broadcast_in_dim3A_136 : vector<2x128x8x128xi1>, vector<2x128x8x128xi32>
    %reduce_min3A_138 = arith.constant dense<2147483647> : vector<2x8x128xi32>
    %reduce_min3A_139 = vector.multi_reduction <minsi>, %select_n3A_137, %reduce_min3A_138 [1] : vector<2x128x8x128xi32> to vector<2x8x128xi32>
    %lt3A_140 = vector.broadcast %broadcast_in_dim3A_130 : vector<2x1x8x128xf32> to vector<2x128x8x128xf32>
    %lt3A_141 = arith.cmpf olt, %reshape3A_129, %lt3A_140 : vector<2x128x8x128xf32>
    %jit3A_142 = arith.constant 0xFF800000 : f32
    %broadcast_in_dim3A_143 = vector.broadcast %jit3A_142 : f32 to vector<2x128x8x128xf32>
    %select_n3A_144 = arith.select %lt3A_141, %reshape3A_129, %broadcast_in_dim3A_143 : vector<2x128x8x128xi1>, vector<2x128x8x128xf32>
    %reduce_max3A_145 = arith.constant dense<0xFF800000> : vector<2x8x128xf32>
    %reduce_max3A_146 = vector.multi_reduction <maximumf>, %select_n3A_144, %reduce_max3A_145 [1] : vector<2x128x8x128xf32> to vector<2x8x128xf32>
    %get3A_147 = arith.constant 0 : index
    %get3A_148 = arith.constant 0 : index
    %get3A_149 = vector.load %arg7[%get3A_147, %get3A_148] : memref<2048x128xf32, #tpu.memory_space<vmem>>, vector<2048x128xf32>
    %reshape3A_150 = vector.shape_cast %get3A_149 : vector<2048x128xf32> to vector<2x128x8x128xf32>
    %broadcast_in_dim3A_151 = vector.shape_cast %reduce_max3A_146 : vector<2x8x128xf32> to vector<2x1x8x128xf32>
    %eq3A_152 = vector.broadcast %broadcast_in_dim3A_151 : vector<2x1x8x128xf32> to vector<2x128x8x128xf32>
    %eq3A_153 = arith.cmpf oeq, %reshape3A_150, %eq3A_152 : vector<2x128x8x128xf32>
    %jit3A_154 = arith.constant 127 : i32
    %broadcast_in_dim3A_155 = vector.shape_cast %iota3A : vector<2x128x8x1xi32> to vector<2x128x8x1xi32>
    %broadcast_in_dim3A_156 = vector.broadcast %broadcast_in_dim3A_155 : vector<2x128x8x1xi32> to vector<2x128x8x128xi32>
    %broadcast_in_dim3A_157 = vector.broadcast %jit3A_154 : i32 to vector<2x128x8x128xi32>
    %select_n3A_158 = arith.select %eq3A_153, %broadcast_in_dim3A_156, %broadcast_in_dim3A_157 : vector<2x128x8x128xi1>, vector<2x128x8x128xi32>
    %reduce_min3A_159 = arith.constant dense<2147483647> : vector<2x8x128xi32>
    %reduce_min3A_160 = vector.multi_reduction <minsi>, %select_n3A_158, %reduce_min3A_159 [1] : vector<2x128x8x128xi32> to vector<2x8x128xi32>
    %lt3A_161 = vector.broadcast %broadcast_in_dim3A_151 : vector<2x1x8x128xf32> to vector<2x128x8x128xf32>
    %lt3A_162 = arith.cmpf olt, %reshape3A_150, %lt3A_161 : vector<2x128x8x128xf32>
    %jit3A_163 = arith.constant 0xFF800000 : f32
    %broadcast_in_dim3A_164 = vector.broadcast %jit3A_163 : f32 to vector<2x128x8x128xf32>
    %select_n3A_165 = arith.select %lt3A_162, %reshape3A_150, %broadcast_in_dim3A_164 : vector<2x128x8x128xi1>, vector<2x128x8x128xf32>
    %reduce_max3A_166 = arith.constant dense<0xFF800000> : vector<2x8x128xf32>
    %reduce_max3A_167 = vector.multi_reduction <maximumf>, %select_n3A_165, %reduce_max3A_166 [1] : vector<2x128x8x128xf32> to vector<2x8x128xf32>
    %get3A_168 = arith.constant 0 : index
    %get3A_169 = arith.constant 0 : index
    %get3A_170 = vector.load %arg7[%get3A_168, %get3A_169] : memref<2048x128xf32, #tpu.memory_space<vmem>>, vector<2048x128xf32>
    %reshape3A_171 = vector.shape_cast %get3A_170 : vector<2048x128xf32> to vector<2x128x8x128xf32>
    %broadcast_in_dim3A_172 = vector.shape_cast %reduce_max3A_167 : vector<2x8x128xf32> to vector<2x1x8x128xf32>
    %eq3A_173 = vector.broadcast %broadcast_in_dim3A_172 : vector<2x1x8x128xf32> to vector<2x128x8x128xf32>
    %eq3A_174 = arith.cmpf oeq, %reshape3A_171, %eq3A_173 : vector<2x128x8x128xf32>
    %jit3A_175 = arith.constant 127 : i32
    %broadcast_in_dim3A_176 = vector.shape_cast %iota3A : vector<2x128x8x1xi32> to vector<2x128x8x1xi32>
    %broadcast_in_dim3A_177 = vector.broadcast %broadcast_in_dim3A_176 : vector<2x128x8x1xi32> to vector<2x128x8x128xi32>
    %broadcast_in_dim3A_178 = vector.broadcast %jit3A_175 : i32 to vector<2x128x8x128xi32>
    %select_n3A_179 = arith.select %eq3A_174, %broadcast_in_dim3A_177, %broadcast_in_dim3A_178 : vector<2x128x8x128xi1>, vector<2x128x8x128xi32>
    %reduce_min3A_180 = arith.constant dense<2147483647> : vector<2x8x128xi32>
    %reduce_min3A_181 = vector.multi_reduction <minsi>, %select_n3A_179, %reduce_min3A_180 [1] : vector<2x128x8x128xi32> to vector<2x8x128xi32>
    %iota3A_182 = tpu.iota {dimensions = array<i32: 0>} : vector<2x8x128xi32>
    %iota3A_183 = tpu.iota {dimensions = array<i32: 1>} : vector<2x8x128xi32>
    %reshape3A_184 = vector.shape_cast %reduce_max3A_15 : vector<2x8x128xf32> to vector<16x128xf32>
    %reshape3A_185 = vector.shape_cast %reduce_max3A_41 : vector<2x8x128xf32> to vector<16x128xf32>
    %reshape3A_186 = vector.shape_cast %reduce_max3A_62 : vector<2x8x128xf32> to vector<16x128xf32>
    %reshape3A_187 = vector.shape_cast %reduce_max3A_83 : vector<2x8x128xf32> to vector<16x128xf32>
    %reshape3A_188 = vector.shape_cast %reduce_max3A_104 : vector<2x8x128xf32> to vector<16x128xf32>
    %reshape3A_189 = vector.shape_cast %reduce_max3A_125 : vector<2x8x128xf32> to vector<16x128xf32>
    %reshape3A_190 = vector.shape_cast %reduce_max3A_146 : vector<2x8x128xf32> to vector<16x128xf32>
    %reshape3A_191 = vector.shape_cast %reduce_max3A_167 : vector<2x8x128xf32> to vector<16x128xf32>
    %concatenate3A = tpu.concatenate %reshape3A_184, %reshape3A_185, %reshape3A_186, %reshape3A_187, %reshape3A_188, %reshape3A_189, %reshape3A_190, %reshape3A_191 in 0 : vector<16x128xf32>, vector<16x128xf32>, vector<16x128xf32>, vector<16x128xf32>, vector<16x128xf32>, vector<16x128xf32>, vector<16x128xf32>, vector<16x128xf32> -> vector<128x128xf32>
    %mul3A_192 = arith.constant 128 : i32
    %mul3A_193 = vector.broadcast %mul3A_192 : i32 to vector<2x8x128xi32>
    %mul3A_194 = arith.muli %iota3A_182, %mul3A_193 : vector<2x8x128xi32>
    %add3A = arith.addi %mul3A_194, %reduce_min3A_35 : vector<2x8x128xi32>
    %mul3A_195 = arith.constant 8 : i32
    %mul3A_196 = vector.broadcast %mul3A_195 : i32 to vector<2x8x128xi32>
    %mul3A_197 = arith.muli %add3A, %mul3A_196 : vector<2x8x128xi32>
    %add3A_198 = arith.addi %mul3A_197, %iota3A_183 : vector<2x8x128xi32>
    %reshape3A_199 = vector.shape_cast %add3A_198 : vector<2x8x128xi32> to vector<16x128xi32>
    %mul3A_200 = arith.constant 128 : i32
    %mul3A_201 = vector.broadcast %mul3A_200 : i32 to vector<2x8x128xi32>
    %mul3A_202 = arith.muli %iota3A_182, %mul3A_201 : vector<2x8x128xi32>
    %add3A_203 = arith.addi %mul3A_202, %reduce_min3A_55 : vector<2x8x128xi32>
    %mul3A_204 = arith.constant 8 : i32
    %mul3A_205 = vector.broadcast %mul3A_204 : i32 to vector<2x8x128xi32>
    %mul3A_206 = arith.muli %add3A_203, %mul3A_205 : vector<2x8x128xi32>
    %add3A_207 = arith.addi %mul3A_206, %iota3A_183 : vector<2x8x128xi32>
    %reshape3A_208 = vector.shape_cast %add3A_207 : vector<2x8x128xi32> to vector<16x128xi32>
    %mul3A_209 = arith.constant 128 : i32
    %mul3A_210 = vector.broadcast %mul3A_209 : i32 to vector<2x8x128xi32>
    %mul3A_211 = arith.muli %iota3A_182, %mul3A_210 : vector<2x8x128xi32>
    %add3A_212 = arith.addi %mul3A_211, %reduce_min3A_76 : vector<2x8x128xi32>
    %mul3A_213 = arith.constant 8 : i32
    %mul3A_214 = vector.broadcast %mul3A_213 : i32 to vector<2x8x128xi32>
    %mul3A_215 = arith.muli %add3A_212, %mul3A_214 : vector<2x8x128xi32>
    %add3A_216 = arith.addi %mul3A_215, %iota3A_183 : vector<2x8x128xi32>
    %reshape3A_217 = vector.shape_cast %add3A_216 : vector<2x8x128xi32> to vector<16x128xi32>
    %mul3A_218 = arith.constant 128 : i32
    %mul3A_219 = vector.broadcast %mul3A_218 : i32 to vector<2x8x128xi32>
    %mul3A_220 = arith.muli %iota3A_182, %mul3A_219 : vector<2x8x128xi32>
    %add3A_221 = arith.addi %mul3A_220, %reduce_min3A_97 : vector<2x8x128xi32>
    %mul3A_222 = arith.constant 8 : i32
    %mul3A_223 = vector.broadcast %mul3A_222 : i32 to vector<2x8x128xi32>
    %mul3A_224 = arith.muli %add3A_221, %mul3A_223 : vector<2x8x128xi32>
    %add3A_225 = arith.addi %mul3A_224, %iota3A_183 : vector<2x8x128xi32>
    %reshape3A_226 = vector.shape_cast %add3A_225 : vector<2x8x128xi32> to vector<16x128xi32>
    %mul3A_227 = arith.constant 128 : i32
    %mul3A_228 = vector.broadcast %mul3A_227 : i32 to vector<2x8x128xi32>
    %mul3A_229 = arith.muli %iota3A_182, %mul3A_228 : vector<2x8x128xi32>
    %add3A_230 = arith.addi %mul3A_229, %reduce_min3A_118 : vector<2x8x128xi32>
    %mul3A_231 = arith.constant 8 : i32
    %mul3A_232 = vector.broadcast %mul3A_231 : i32 to vector<2x8x128xi32>
    %mul3A_233 = arith.muli %add3A_230, %mul3A_232 : vector<2x8x128xi32>
    %add3A_234 = arith.addi %mul3A_233, %iota3A_183 : vector<2x8x128xi32>
    %reshape3A_235 = vector.shape_cast %add3A_234 : vector<2x8x128xi32> to vector<16x128xi32>
    %mul3A_236 = arith.constant 128 : i32
    %mul3A_237 = vector.broadcast %mul3A_236 : i32 to vector<2x8x128xi32>
    %mul3A_238 = arith.muli %iota3A_182, %mul3A_237 : vector<2x8x128xi32>
    %add3A_239 = arith.addi %mul3A_238, %reduce_min3A_139 : vector<2x8x128xi32>
    %mul3A_240 = arith.constant 8 : i32
    %mul3A_241 = vector.broadcast %mul3A_240 : i32 to vector<2x8x128xi32>
    %mul3A_242 = arith.muli %add3A_239, %mul3A_241 : vector<2x8x128xi32>
    %add3A_243 = arith.addi %mul3A_242, %iota3A_183 : vector<2x8x128xi32>
    %reshape3A_244 = vector.shape_cast %add3A_243 : vector<2x8x128xi32> to vector<16x128xi32>
    %mul3A_245 = arith.constant 128 : i32
    %mul3A_246 = vector.broadcast %mul3A_245 : i32 to vector<2x8x128xi32>
    %mul3A_247 = arith.muli %iota3A_182, %mul3A_246 : vector<2x8x128xi32>
    %add3A_248 = arith.addi %mul3A_247, %reduce_min3A_160 : vector<2x8x128xi32>
    %mul3A_249 = arith.constant 8 : i32
    %mul3A_250 = vector.broadcast %mul3A_249 : i32 to vector<2x8x128xi32>
    %mul3A_251 = arith.muli %add3A_248, %mul3A_250 : vector<2x8x128xi32>
    %add3A_252 = arith.addi %mul3A_251, %iota3A_183 : vector<2x8x128xi32>
    %reshape3A_253 = vector.shape_cast %add3A_252 : vector<2x8x128xi32> to vector<16x128xi32>
    %mul3A_254 = arith.constant 128 : i32
    %mul3A_255 = vector.broadcast %mul3A_254 : i32 to vector<2x8x128xi32>
    %mul3A_256 = arith.muli %iota3A_182, %mul3A_255 : vector<2x8x128xi32>
    %add3A_257 = arith.addi %mul3A_256, %reduce_min3A_181 : vector<2x8x128xi32>
    %mul3A_258 = arith.constant 8 : i32
    %mul3A_259 = vector.broadcast %mul3A_258 : i32 to vector<2x8x128xi32>
    %mul3A_260 = arith.muli %add3A_257, %mul3A_259 : vector<2x8x128xi32>
    %add3A_261 = arith.addi %mul3A_260, %iota3A_183 : vector<2x8x128xi32>
    %reshape3A_262 = vector.shape_cast %add3A_261 : vector<2x8x128xi32> to vector<16x128xi32>
    %concatenate3A_263 = tpu.concatenate %reshape3A_199, %reshape3A_208, %reshape3A_217, %reshape3A_226, %reshape3A_235, %reshape3A_244, %reshape3A_253, %reshape3A_262 in 0 : vector<16x128xi32>, vector<16x128xi32>, vector<16x128xi32>, vector<16x128xi32>, vector<16x128xi32>, vector<16x128xi32>, vector<16x128xi32>, vector<16x128xi32> -> vector<128x128xi32>
    %broadcast_in_dim3A_264 = arith.constant 0 : i32
    %broadcast_in_dim3A_265 = vector.broadcast %broadcast_in_dim3A_264 : i32 to vector<32x128xi32>
    %iota3A_266 = tpu.iota {dimensions = array<i32: 0>} : vector<32x128xi32>
    %mul3A_267 = arith.constant 2048 : i32
    %mul3A_268 = arith.muli %arg0, %mul3A_267 : i32
    %reduce_max3A_269 = arith.constant dense<0xFF800000> : vector<128xf32>
    %reduce_max3A_270 = vector.multi_reduction <maximumf>, %concatenate3A, %reduce_max3A_269 [0] : vector<128x128xf32> to vector<128xf32>
    %broadcast_in_dim3A_271 = vector.shape_cast %reduce_max3A_270 : vector<128xf32> to vector<1x128xf32>
    %eq3A_272 = vector.broadcast %broadcast_in_dim3A_271 : vector<1x128xf32> to vector<128x128xf32>
    %eq3A_273 = arith.cmpf oeq, %concatenate3A, %eq3A_272 : vector<128x128xf32>
    %jit3A_274 = arith.constant 1073741824 : i32
    %broadcast_in_dim3A_275 = vector.broadcast %jit3A_274 : i32 to vector<128x128xi32>
    %select_n3A_276 = arith.select %eq3A_273, %concatenate3A_263, %broadcast_in_dim3A_275 : vector<128x128xi1>, vector<128x128xi32>
    %reduce_min3A_277 = arith.constant dense<2147483647> : vector<128xi32>
    %reduce_min3A_278 = vector.multi_reduction <minsi>, %select_n3A_276, %reduce_min3A_277 [0] : vector<128x128xi32> to vector<128xi32>
    %broadcast_in_dim3A_279 = vector.shape_cast %reduce_min3A_278 : vector<128xi32> to vector<1x128xi32>
    %eq3A_280 = vector.broadcast %broadcast_in_dim3A_279 : vector<1x128xi32> to vector<128x128xi32>
    %eq3A_281 = arith.cmpi eq, %concatenate3A_263, %eq3A_280 : vector<128x128xi32>
    %and3A = arith.andi %eq3A_273, %eq3A_281 : vector<128x128xi1>
    %jit3A_282 = arith.constant 0xFF800000 : f32
    %broadcast_in_dim3A_283 = vector.broadcast %jit3A_282 : f32 to vector<128x128xf32>
    %select_n3A_284 = arith.select %and3A, %broadcast_in_dim3A_283, %concatenate3A : vector<128x128xi1>, vector<128x128xf32>
    %reduce_max3A_285 = arith.constant dense<0xFF800000> : vector<128xf32>
    %reduce_max3A_286 = vector.multi_reduction <maximumf>, %select_n3A_284, %reduce_max3A_285 [0] : vector<128x128xf32> to vector<128xf32>
    %broadcast_in_dim3A_287 = vector.shape_cast %reduce_max3A_286 : vector<128xf32> to vector<1x128xf32>
    %eq3A_288 = vector.broadcast %broadcast_in_dim3A_287 : vector<1x128xf32> to vector<128x128xf32>
    %eq3A_289 = arith.cmpf oeq, %select_n3A_284, %eq3A_288 : vector<128x128xf32>
    %jit3A_290 = arith.constant 1073741824 : i32
    %broadcast_in_dim3A_291 = vector.broadcast %jit3A_290 : i32 to vector<128x128xi32>
    %select_n3A_292 = arith.select %eq3A_289, %concatenate3A_263, %broadcast_in_dim3A_291 : vector<128x128xi1>, vector<128x128xi32>
    %reduce_min3A_293 = arith.constant dense<2147483647> : vector<128xi32>
    %reduce_min3A_294 = vector.multi_reduction <minsi>, %select_n3A_292, %reduce_min3A_293 [0] : vector<128x128xi32> to vector<128xi32>
    %broadcast_in_dim3A_295 = vector.shape_cast %reduce_min3A_294 : vector<128xi32> to vector<1x128xi32>
    %eq3A_296 = arith.constant 0 : i32
    %eq3A_297 = vector.broadcast %eq3A_296 : i32 to vector<32x128xi32>
    %eq3A_298 = arith.cmpi eq, %iota3A_266, %eq3A_297 : vector<32x128xi32>
    %add3A_299 = vector.broadcast %mul3A_268 : i32 to vector<1x128xi32>
    %add3A_300 = arith.addi %broadcast_in_dim3A_295, %add3A_299 : vector<1x128xi32>
    %broadcast_in_dim3A_301 = vector.shape_cast %add3A_300 : vector<1x128xi32> to vector<1x128xi32>
    %broadcast_in_dim3A_302 = vector.broadcast %broadcast_in_dim3A_301 : vector<1x128xi32> to vector<32x128xi32>
    %select_n3A_303 = arith.select %eq3A_298, %broadcast_in_dim3A_302, %broadcast_in_dim3A_265 : vector<32x128xi1>, vector<32x128xi32>
    %eq3A_304 = vector.broadcast %broadcast_in_dim3A_295 : vector<1x128xi32> to vector<128x128xi32>
    %eq3A_305 = arith.cmpi eq, %concatenate3A_263, %eq3A_304 : vector<128x128xi32>
    %and3A_306 = arith.andi %eq3A_289, %eq3A_305 : vector<128x128xi1>
    %jit3A_307 = arith.constant 0xFF800000 : f32
    %broadcast_in_dim3A_308 = vector.broadcast %jit3A_307 : f32 to vector<128x128xf32>
    %select_n3A_309 = arith.select %and3A_306, %broadcast_in_dim3A_308, %select_n3A_284 : vector<128x128xi1>, vector<128x128xf32>
    %reduce_max3A_310 = arith.constant dense<0xFF800000> : vector<128xf32>
    %reduce_max3A_311 = vector.multi_reduction <maximumf>, %select_n3A_309, %reduce_max3A_310 [0] : vector<128x128xf32> to vector<128xf32>
    %broadcast_in_dim3A_312 = vector.shape_cast %reduce_max3A_311 : vector<128xf32> to vector<1x128xf32>
    %eq3A_313 = vector.broadcast %broadcast_in_dim3A_312 : vector<1x128xf32> to vector<128x128xf32>
    %eq3A_314 = arith.cmpf oeq, %select_n3A_309, %eq3A_313 : vector<128x128xf32>
    %jit3A_315 = arith.constant 1073741824 : i32
    %broadcast_in_dim3A_316 = vector.broadcast %jit3A_315 : i32 to vector<128x128xi32>
    %select_n3A_317 = arith.select %eq3A_314, %concatenate3A_263, %broadcast_in_dim3A_316 : vector<128x128xi1>, vector<128x128xi32>
    %reduce_min3A_318 = arith.constant dense<2147483647> : vector<128xi32>
    %reduce_min3A_319 = vector.multi_reduction <minsi>, %select_n3A_317, %reduce_min3A_318 [0] : vector<128x128xi32> to vector<128xi32>
    %broadcast_in_dim3A_320 = vector.shape_cast %reduce_min3A_319 : vector<128xi32> to vector<1x128xi32>
    %eq3A_321 = arith.constant 1 : i32
    %eq3A_322 = vector.broadcast %eq3A_321 : i32 to vector<32x128xi32>
    %eq3A_323 = arith.cmpi eq, %iota3A_266, %eq3A_322 : vector<32x128xi32>
    %add3A_324 = vector.broadcast %mul3A_268 : i32 to vector<1x128xi32>
    %add3A_325 = arith.addi %broadcast_in_dim3A_320, %add3A_324 : vector<1x128xi32>
    %broadcast_in_dim3A_326 = vector.shape_cast %add3A_325 : vector<1x128xi32> to vector<1x128xi32>
    %broadcast_in_dim3A_327 = vector.broadcast %broadcast_in_dim3A_326 : vector<1x128xi32> to vector<32x128xi32>
    %select_n3A_328 = arith.select %eq3A_323, %broadcast_in_dim3A_327, %select_n3A_303 : vector<32x128xi1>, vector<32x128xi32>
    %eq3A_329 = vector.broadcast %broadcast_in_dim3A_320 : vector<1x128xi32> to vector<128x128xi32>
    %eq3A_330 = arith.cmpi eq, %concatenate3A_263, %eq3A_329 : vector<128x128xi32>
    %and3A_331 = arith.andi %eq3A_314, %eq3A_330 : vector<128x128xi1>
    %jit3A_332 = arith.constant 0xFF800000 : f32
    %broadcast_in_dim3A_333 = vector.broadcast %jit3A_332 : f32 to vector<128x128xf32>
    %select_n3A_334 = arith.select %and3A_331, %broadcast_in_dim3A_333, %select_n3A_309 : vector<128x128xi1>, vector<128x128xf32>
    %reduce_max3A_335 = arith.constant dense<0xFF800000> : vector<128xf32>
    %reduce_max3A_336 = vector.multi_reduction <maximumf>, %select_n3A_334, %reduce_max3A_335 [0] : vector<128x128xf32> to vector<128xf32>
    %broadcast_in_dim3A_337 = vector.shape_cast %reduce_max3A_336 : vector<128xf32> to vector<1x128xf32>
    %eq3A_338 = vector.broadcast %broadcast_in_dim3A_337 : vector<1x128xf32> to vector<128x128xf32>
    %eq3A_339 = arith.cmpf oeq, %select_n3A_334, %eq3A_338 : vector<128x128xf32>
    %jit3A_340 = arith.constant 1073741824 : i32
    %broadcast_in_dim3A_341 = vector.broadcast %jit3A_340 : i32 to vector<128x128xi32>
    %select_n3A_342 = arith.select %eq3A_339, %concatenate3A_263, %broadcast_in_dim3A_341 : vector<128x128xi1>, vector<128x128xi32>
    %reduce_min3A_343 = arith.constant dense<2147483647> : vector<128xi32>
    %reduce_min3A_344 = vector.multi_reduction <minsi>, %select_n3A_342, %reduce_min3A_343 [0] : vector<128x128xi32> to vector<128xi32>
    %broadcast_in_dim3A_345 = vector.shape_cast %reduce_min3A_344 : vector<128xi32> to vector<1x128xi32>
    %eq3A_346 = arith.constant 2 : i32
    %eq3A_347 = vector.broadcast %eq3A_346 : i32 to vector<32x128xi32>
    %eq3A_348 = arith.cmpi eq, %iota3A_266, %eq3A_347 : vector<32x128xi32>
    %add3A_349 = vector.broadcast %mul3A_268 : i32 to vector<1x128xi32>
    %add3A_350 = arith.addi %broadcast_in_dim3A_345, %add3A_349 : vector<1x128xi32>
    %broadcast_in_dim3A_351 = vector.shape_cast %add3A_350 : vector<1x128xi32> to vector<1x128xi32>
    %broadcast_in_dim3A_352 = vector.broadcast %broadcast_in_dim3A_351 : vector<1x128xi32> to vector<32x128xi32>
    %select_n3A_353 = arith.select %eq3A_348, %broadcast_in_dim3A_352, %select_n3A_328 : vector<32x128xi1>, vector<32x128xi32>
    %eq3A_354 = vector.broadcast %broadcast_in_dim3A_345 : vector<1x128xi32> to vector<128x128xi32>
    %eq3A_355 = arith.cmpi eq, %concatenate3A_263, %eq3A_354 : vector<128x128xi32>
    %and3A_356 = arith.andi %eq3A_339, %eq3A_355 : vector<128x128xi1>
    %jit3A_357 = arith.constant 0xFF800000 : f32
    %broadcast_in_dim3A_358 = vector.broadcast %jit3A_357 : f32 to vector<128x128xf32>
    %select_n3A_359 = arith.select %and3A_356, %broadcast_in_dim3A_358, %select_n3A_334 : vector<128x128xi1>, vector<128x128xf32>
    %reduce_max3A_360 = arith.constant dense<0xFF800000> : vector<128xf32>
    %reduce_max3A_361 = vector.multi_reduction <maximumf>, %select_n3A_359, %reduce_max3A_360 [0] : vector<128x128xf32> to vector<128xf32>
    %broadcast_in_dim3A_362 = vector.shape_cast %reduce_max3A_361 : vector<128xf32> to vector<1x128xf32>
    %eq3A_363 = vector.broadcast %broadcast_in_dim3A_362 : vector<1x128xf32> to vector<128x128xf32>
    %eq3A_364 = arith.cmpf oeq, %select_n3A_359, %eq3A_363 : vector<128x128xf32>
    %jit3A_365 = arith.constant 1073741824 : i32
    %broadcast_in_dim3A_366 = vector.broadcast %jit3A_365 : i32 to vector<128x128xi32>
    %select_n3A_367 = arith.select %eq3A_364, %concatenate3A_263, %broadcast_in_dim3A_366 : vector<128x128xi1>, vector<128x128xi32>
    %reduce_min3A_368 = arith.constant dense<2147483647> : vector<128xi32>
    %reduce_min3A_369 = vector.multi_reduction <minsi>, %select_n3A_367, %reduce_min3A_368 [0] : vector<128x128xi32> to vector<128xi32>
    %broadcast_in_dim3A_370 = vector.shape_cast %reduce_min3A_369 : vector<128xi32> to vector<1x128xi32>
    %eq3A_371 = arith.constant 3 : i32
    %eq3A_372 = vector.broadcast %eq3A_371 : i32 to vector<32x128xi32>
    %eq3A_373 = arith.cmpi eq, %iota3A_266, %eq3A_372 : vector<32x128xi32>
    %add3A_374 = vector.broadcast %mul3A_268 : i32 to vector<1x128xi32>
    %add3A_375 = arith.addi %broadcast_in_dim3A_370, %add3A_374 : vector<1x128xi32>
    %broadcast_in_dim3A_376 = vector.shape_cast %add3A_375 : vector<1x128xi32> to vector<1x128xi32>
    %broadcast_in_dim3A_377 = vector.broadcast %broadcast_in_dim3A_376 : vector<1x128xi32> to vector<32x128xi32>
    %select_n3A_378 = arith.select %eq3A_373, %broadcast_in_dim3A_377, %select_n3A_353 : vector<32x128xi1>, vector<32x128xi32>
    %eq3A_379 = vector.broadcast %broadcast_in_dim3A_370 : vector<1x128xi32> to vector<128x128xi32>
    %eq3A_380 = arith.cmpi eq, %concatenate3A_263, %eq3A_379 : vector<128x128xi32>
    %and3A_381 = arith.andi %eq3A_364, %eq3A_380 : vector<128x128xi1>
    %jit3A_382 = arith.constant 0xFF800000 : f32
    %broadcast_in_dim3A_383 = vector.broadcast %jit3A_382 : f32 to vector<128x128xf32>
    %select_n3A_384 = arith.select %and3A_381, %broadcast_in_dim3A_383, %select_n3A_359 : vector<128x128xi1>, vector<128x128xf32>
    %reduce_max3A_385 = arith.constant dense<0xFF800000> : vector<128xf32>
    %reduce_max3A_386 = vector.multi_reduction <maximumf>, %select_n3A_384, %reduce_max3A_385 [0] : vector<128x128xf32> to vector<128xf32>
    %broadcast_in_dim3A_387 = vector.shape_cast %reduce_max3A_386 : vector<128xf32> to vector<1x128xf32>
    %eq3A_388 = vector.broadcast %broadcast_in_dim3A_387 : vector<1x128xf32> to vector<128x128xf32>
    %eq3A_389 = arith.cmpf oeq, %select_n3A_384, %eq3A_388 : vector<128x128xf32>
    %jit3A_390 = arith.constant 1073741824 : i32
    %broadcast_in_dim3A_391 = vector.broadcast %jit3A_390 : i32 to vector<128x128xi32>
    %select_n3A_392 = arith.select %eq3A_389, %concatenate3A_263, %broadcast_in_dim3A_391 : vector<128x128xi1>, vector<128x128xi32>
    %reduce_min3A_393 = arith.constant dense<2147483647> : vector<128xi32>
    %reduce_min3A_394 = vector.multi_reduction <minsi>, %select_n3A_392, %reduce_min3A_393 [0] : vector<128x128xi32> to vector<128xi32>
    %broadcast_in_dim3A_395 = vector.shape_cast %reduce_min3A_394 : vector<128xi32> to vector<1x128xi32>
    %eq3A_396 = arith.constant 4 : i32
    %eq3A_397 = vector.broadcast %eq3A_396 : i32 to vector<32x128xi32>
    %eq3A_398 = arith.cmpi eq, %iota3A_266, %eq3A_397 : vector<32x128xi32>
    %add3A_399 = vector.broadcast %mul3A_268 : i32 to vector<1x128xi32>
    %add3A_400 = arith.addi %broadcast_in_dim3A_395, %add3A_399 : vector<1x128xi32>
    %broadcast_in_dim3A_401 = vector.shape_cast %add3A_400 : vector<1x128xi32> to vector<1x128xi32>
    %broadcast_in_dim3A_402 = vector.broadcast %broadcast_in_dim3A_401 : vector<1x128xi32> to vector<32x128xi32>
    %select_n3A_403 = arith.select %eq3A_398, %broadcast_in_dim3A_402, %select_n3A_378 : vector<32x128xi1>, vector<32x128xi32>
    %eq3A_404 = vector.broadcast %broadcast_in_dim3A_395 : vector<1x128xi32> to vector<128x128xi32>
    %eq3A_405 = arith.cmpi eq, %concatenate3A_263, %eq3A_404 : vector<128x128xi32>
    %and3A_406 = arith.andi %eq3A_389, %eq3A_405 : vector<128x128xi1>
    %jit3A_407 = arith.constant 0xFF800000 : f32
    %broadcast_in_dim3A_408 = vector.broadcast %jit3A_407 : f32 to vector<128x128xf32>
    %select_n3A_409 = arith.select %and3A_406, %broadcast_in_dim3A_408, %select_n3A_384 : vector<128x128xi1>, vector<128x128xf32>
    %reduce_max3A_410 = arith.constant dense<0xFF800000> : vector<128xf32>
    %reduce_max3A_411 = vector.multi_reduction <maximumf>, %select_n3A_409, %reduce_max3A_410 [0] : vector<128x128xf32> to vector<128xf32>
    %broadcast_in_dim3A_412 = vector.shape_cast %reduce_max3A_411 : vector<128xf32> to vector<1x128xf32>
    %eq3A_413 = vector.broadcast %broadcast_in_dim3A_412 : vector<1x128xf32> to vector<128x128xf32>
    %eq3A_414 = arith.cmpf oeq, %select_n3A_409, %eq3A_413 : vector<128x128xf32>
    %jit3A_415 = arith.constant 1073741824 : i32
    %broadcast_in_dim3A_416 = vector.broadcast %jit3A_415 : i32 to vector<128x128xi32>
    %select_n3A_417 = arith.select %eq3A_414, %concatenate3A_263, %broadcast_in_dim3A_416 : vector<128x128xi1>, vector<128x128xi32>
    %reduce_min3A_418 = arith.constant dense<2147483647> : vector<128xi32>
    %reduce_min3A_419 = vector.multi_reduction <minsi>, %select_n3A_417, %reduce_min3A_418 [0] : vector<128x128xi32> to vector<128xi32>
    %broadcast_in_dim3A_420 = vector.shape_cast %reduce_min3A_419 : vector<128xi32> to vector<1x128xi32>
    %eq3A_421 = arith.constant 5 : i32
    %eq3A_422 = vector.broadcast %eq3A_421 : i32 to vector<32x128xi32>
    %eq3A_423 = arith.cmpi eq, %iota3A_266, %eq3A_422 : vector<32x128xi32>
    %add3A_424 = vector.broadcast %mul3A_268 : i32 to vector<1x128xi32>
    %add3A_425 = arith.addi %broadcast_in_dim3A_420, %add3A_424 : vector<1x128xi32>
    %broadcast_in_dim3A_426 = vector.shape_cast %add3A_425 : vector<1x128xi32> to vector<1x128xi32>
    %broadcast_in_dim3A_427 = vector.broadcast %broadcast_in_dim3A_426 : vector<1x128xi32> to vector<32x128xi32>
    %select_n3A_428 = arith.select %eq3A_423, %broadcast_in_dim3A_427, %select_n3A_403 : vector<32x128xi1>, vector<32x128xi32>
    %eq3A_429 = vector.broadcast %broadcast_in_dim3A_420 : vector<1x128xi32> to vector<128x128xi32>
    %eq3A_430 = arith.cmpi eq, %concatenate3A_263, %eq3A_429 : vector<128x128xi32>
    %and3A_431 = arith.andi %eq3A_414, %eq3A_430 : vector<128x128xi1>
    %jit3A_432 = arith.constant 0xFF800000 : f32
    %broadcast_in_dim3A_433 = vector.broadcast %jit3A_432 : f32 to vector<128x128xf32>
    %select_n3A_434 = arith.select %and3A_431, %broadcast_in_dim3A_433, %select_n3A_409 : vector<128x128xi1>, vector<128x128xf32>
    %reduce_max3A_435 = arith.constant dense<0xFF800000> : vector<128xf32>
    %reduce_max3A_436 = vector.multi_reduction <maximumf>, %select_n3A_434, %reduce_max3A_435 [0] : vector<128x128xf32> to vector<128xf32>
    %broadcast_in_dim3A_437 = vector.shape_cast %reduce_max3A_436 : vector<128xf32> to vector<1x128xf32>
    %eq3A_438 = vector.broadcast %broadcast_in_dim3A_437 : vector<1x128xf32> to vector<128x128xf32>
    %eq3A_439 = arith.cmpf oeq, %select_n3A_434, %eq3A_438 : vector<128x128xf32>
    %jit3A_440 = arith.constant 1073741824 : i32
    %broadcast_in_dim3A_441 = vector.broadcast %jit3A_440 : i32 to vector<128x128xi32>
    %select_n3A_442 = arith.select %eq3A_439, %concatenate3A_263, %broadcast_in_dim3A_441 : vector<128x128xi1>, vector<128x128xi32>
    %reduce_min3A_443 = arith.constant dense<2147483647> : vector<128xi32>
    %reduce_min3A_444 = vector.multi_reduction <minsi>, %select_n3A_442, %reduce_min3A_443 [0] : vector<128x128xi32> to vector<128xi32>
    %broadcast_in_dim3A_445 = vector.shape_cast %reduce_min3A_444 : vector<128xi32> to vector<1x128xi32>
    %eq3A_446 = arith.constant 6 : i32
    %eq3A_447 = vector.broadcast %eq3A_446 : i32 to vector<32x128xi32>
    %eq3A_448 = arith.cmpi eq, %iota3A_266, %eq3A_447 : vector<32x128xi32>
    %add3A_449 = vector.broadcast %mul3A_268 : i32 to vector<1x128xi32>
    %add3A_450 = arith.addi %broadcast_in_dim3A_445, %add3A_449 : vector<1x128xi32>
    %broadcast_in_dim3A_451 = vector.shape_cast %add3A_450 : vector<1x128xi32> to vector<1x128xi32>
    %broadcast_in_dim3A_452 = vector.broadcast %broadcast_in_dim3A_451 : vector<1x128xi32> to vector<32x128xi32>
    %select_n3A_453 = arith.select %eq3A_448, %broadcast_in_dim3A_452, %select_n3A_428 : vector<32x128xi1>, vector<32x128xi32>
    %eq3A_454 = vector.broadcast %broadcast_in_dim3A_445 : vector<1x128xi32> to vector<128x128xi32>
    %eq3A_455 = arith.cmpi eq, %concatenate3A_263, %eq3A_454 : vector<128x128xi32>
    %and3A_456 = arith.andi %eq3A_439, %eq3A_455 : vector<128x128xi1>
    %jit3A_457 = arith.constant 0xFF800000 : f32
    %broadcast_in_dim3A_458 = vector.broadcast %jit3A_457 : f32 to vector<128x128xf32>
    %select_n3A_459 = arith.select %and3A_456, %broadcast_in_dim3A_458, %select_n3A_434 : vector<128x128xi1>, vector<128x128xf32>
    %reduce_max3A_460 = arith.constant dense<0xFF800000> : vector<128xf32>
    %reduce_max3A_461 = vector.multi_reduction <maximumf>, %select_n3A_459, %reduce_max3A_460 [0] : vector<128x128xf32> to vector<128xf32>
    %broadcast_in_dim3A_462 = vector.shape_cast %reduce_max3A_461 : vector<128xf32> to vector<1x128xf32>
    %eq3A_463 = vector.broadcast %broadcast_in_dim3A_462 : vector<1x128xf32> to vector<128x128xf32>
    %eq3A_464 = arith.cmpf oeq, %select_n3A_459, %eq3A_463 : vector<128x128xf32>
    %jit3A_465 = arith.constant 1073741824 : i32
    %broadcast_in_dim3A_466 = vector.broadcast %jit3A_465 : i32 to vector<128x128xi32>
    %select_n3A_467 = arith.select %eq3A_464, %concatenate3A_263, %broadcast_in_dim3A_466 : vector<128x128xi1>, vector<128x128xi32>
    %reduce_min3A_468 = arith.constant dense<2147483647> : vector<128xi32>
    %reduce_min3A_469 = vector.multi_reduction <minsi>, %select_n3A_467, %reduce_min3A_468 [0] : vector<128x128xi32> to vector<128xi32>
    %broadcast_in_dim3A_470 = vector.shape_cast %reduce_min3A_469 : vector<128xi32> to vector<1x128xi32>
    %eq3A_471 = arith.constant 7 : i32
    %eq3A_472 = vector.broadcast %eq3A_471 : i32 to vector<32x128xi32>
    %eq3A_473 = arith.cmpi eq, %iota3A_266, %eq3A_472 : vector<32x128xi32>
    %add3A_474 = vector.broadcast %mul3A_268 : i32 to vector<1x128xi32>
    %add3A_475 = arith.addi %broadcast_in_dim3A_470, %add3A_474 : vector<1x128xi32>
    %broadcast_in_dim3A_476 = vector.shape_cast %add3A_475 : vector<1x128xi32> to vector<1x128xi32>
    %broadcast_in_dim3A_477 = vector.broadcast %broadcast_in_dim3A_476 : vector<1x128xi32> to vector<32x128xi32>
    %select_n3A_478 = arith.select %eq3A_473, %broadcast_in_dim3A_477, %select_n3A_453 : vector<32x128xi1>, vector<32x128xi32>
    %eq3A_479 = vector.broadcast %broadcast_in_dim3A_470 : vector<1x128xi32> to vector<128x128xi32>
    %eq3A_480 = arith.cmpi eq, %concatenate3A_263, %eq3A_479 : vector<128x128xi32>
    %and3A_481 = arith.andi %eq3A_464, %eq3A_480 : vector<128x128xi1>
    %jit3A_482 = arith.constant 0xFF800000 : f32
    %broadcast_in_dim3A_483 = vector.broadcast %jit3A_482 : f32 to vector<128x128xf32>
    %select_n3A_484 = arith.select %and3A_481, %broadcast_in_dim3A_483, %select_n3A_459 : vector<128x128xi1>, vector<128x128xf32>
    %reduce_max3A_485 = arith.constant dense<0xFF800000> : vector<128xf32>
    %reduce_max3A_486 = vector.multi_reduction <maximumf>, %select_n3A_484, %reduce_max3A_485 [0] : vector<128x128xf32> to vector<128xf32>
    %broadcast_in_dim3A_487 = vector.shape_cast %reduce_max3A_486 : vector<128xf32> to vector<1x128xf32>
    %eq3A_488 = vector.broadcast %broadcast_in_dim3A_487 : vector<1x128xf32> to vector<128x128xf32>
    %eq3A_489 = arith.cmpf oeq, %select_n3A_484, %eq3A_488 : vector<128x128xf32>
    %jit3A_490 = arith.constant 1073741824 : i32
    %broadcast_in_dim3A_491 = vector.broadcast %jit3A_490 : i32 to vector<128x128xi32>
    %select_n3A_492 = arith.select %eq3A_489, %concatenate3A_263, %broadcast_in_dim3A_491 : vector<128x128xi1>, vector<128x128xi32>
    %reduce_min3A_493 = arith.constant dense<2147483647> : vector<128xi32>
    %reduce_min3A_494 = vector.multi_reduction <minsi>, %select_n3A_492, %reduce_min3A_493 [0] : vector<128x128xi32> to vector<128xi32>
    %broadcast_in_dim3A_495 = vector.shape_cast %reduce_min3A_494 : vector<128xi32> to vector<1x128xi32>
    %eq3A_496 = arith.constant 8 : i32
    %eq3A_497 = vector.broadcast %eq3A_496 : i32 to vector<32x128xi32>
    %eq3A_498 = arith.cmpi eq, %iota3A_266, %eq3A_497 : vector<32x128xi32>
    %add3A_499 = vector.broadcast %mul3A_268 : i32 to vector<1x128xi32>
    %add3A_500 = arith.addi %broadcast_in_dim3A_495, %add3A_499 : vector<1x128xi32>
    %broadcast_in_dim3A_501 = vector.shape_cast %add3A_500 : vector<1x128xi32> to vector<1x128xi32>
    %broadcast_in_dim3A_502 = vector.broadcast %broadcast_in_dim3A_501 : vector<1x128xi32> to vector<32x128xi32>
    %select_n3A_503 = arith.select %eq3A_498, %broadcast_in_dim3A_502, %select_n3A_478 : vector<32x128xi1>, vector<32x128xi32>
    %eq3A_504 = vector.broadcast %broadcast_in_dim3A_495 : vector<1x128xi32> to vector<128x128xi32>
    %eq3A_505 = arith.cmpi eq, %concatenate3A_263, %eq3A_504 : vector<128x128xi32>
    %and3A_506 = arith.andi %eq3A_489, %eq3A_505 : vector<128x128xi1>
    %jit3A_507 = arith.constant 0xFF800000 : f32
    %broadcast_in_dim3A_508 = vector.broadcast %jit3A_507 : f32 to vector<128x128xf32>
    %select_n3A_509 = arith.select %and3A_506, %broadcast_in_dim3A_508, %select_n3A_484 : vector<128x128xi1>, vector<128x128xf32>
    %reduce_max3A_510 = arith.constant dense<0xFF800000> : vector<128xf32>
    %reduce_max3A_511 = vector.multi_reduction <maximumf>, %select_n3A_509, %reduce_max3A_510 [0] : vector<128x128xf32> to vector<128xf32>
    %broadcast_in_dim3A_512 = vector.shape_cast %reduce_max3A_511 : vector<128xf32> to vector<1x128xf32>
    %eq3A_513 = vector.broadcast %broadcast_in_dim3A_512 : vector<1x128xf32> to vector<128x128xf32>
    %eq3A_514 = arith.cmpf oeq, %select_n3A_509, %eq3A_513 : vector<128x128xf32>
    %jit3A_515 = arith.constant 1073741824 : i32
    %broadcast_in_dim3A_516 = vector.broadcast %jit3A_515 : i32 to vector<128x128xi32>
    %select_n3A_517 = arith.select %eq3A_514, %concatenate3A_263, %broadcast_in_dim3A_516 : vector<128x128xi1>, vector<128x128xi32>
    %reduce_min3A_518 = arith.constant dense<2147483647> : vector<128xi32>
    %reduce_min3A_519 = vector.multi_reduction <minsi>, %select_n3A_517, %reduce_min3A_518 [0] : vector<128x128xi32> to vector<128xi32>
    %broadcast_in_dim3A_520 = vector.shape_cast %reduce_min3A_519 : vector<128xi32> to vector<1x128xi32>
    %eq3A_521 = arith.constant 9 : i32
    %eq3A_522 = vector.broadcast %eq3A_521 : i32 to vector<32x128xi32>
    %eq3A_523 = arith.cmpi eq, %iota3A_266, %eq3A_522 : vector<32x128xi32>
    %add3A_524 = vector.broadcast %mul3A_268 : i32 to vector<1x128xi32>
    %add3A_525 = arith.addi %broadcast_in_dim3A_520, %add3A_524 : vector<1x128xi32>
    %broadcast_in_dim3A_526 = vector.shape_cast %add3A_525 : vector<1x128xi32> to vector<1x128xi32>
    %broadcast_in_dim3A_527 = vector.broadcast %broadcast_in_dim3A_526 : vector<1x128xi32> to vector<32x128xi32>
    %select_n3A_528 = arith.select %eq3A_523, %broadcast_in_dim3A_527, %select_n3A_503 : vector<32x128xi1>, vector<32x128xi32>
    %eq3A_529 = vector.broadcast %broadcast_in_dim3A_520 : vector<1x128xi32> to vector<128x128xi32>
    %eq3A_530 = arith.cmpi eq, %concatenate3A_263, %eq3A_529 : vector<128x128xi32>
    %and3A_531 = arith.andi %eq3A_514, %eq3A_530 : vector<128x128xi1>
    %jit3A_532 = arith.constant 0xFF800000 : f32
    %broadcast_in_dim3A_533 = vector.broadcast %jit3A_532 : f32 to vector<128x128xf32>
    %select_n3A_534 = arith.select %and3A_531, %broadcast_in_dim3A_533, %select_n3A_509 : vector<128x128xi1>, vector<128x128xf32>
    %reduce_max3A_535 = arith.constant dense<0xFF800000> : vector<128xf32>
    %reduce_max3A_536 = vector.multi_reduction <maximumf>, %select_n3A_534, %reduce_max3A_535 [0] : vector<128x128xf32> to vector<128xf32>
    %broadcast_in_dim3A_537 = vector.shape_cast %reduce_max3A_536 : vector<128xf32> to vector<1x128xf32>
    %eq3A_538 = vector.broadcast %broadcast_in_dim3A_537 : vector<1x128xf32> to vector<128x128xf32>
    %eq3A_539 = arith.cmpf oeq, %select_n3A_534, %eq3A_538 : vector<128x128xf32>
    %jit3A_540 = arith.constant 1073741824 : i32
    %broadcast_in_dim3A_541 = vector.broadcast %jit3A_540 : i32 to vector<128x128xi32>
    %select_n3A_542 = arith.select %eq3A_539, %concatenate3A_263, %broadcast_in_dim3A_541 : vector<128x128xi1>, vector<128x128xi32>
    %reduce_min3A_543 = arith.constant dense<2147483647> : vector<128xi32>
    %reduce_min3A_544 = vector.multi_reduction <minsi>, %select_n3A_542, %reduce_min3A_543 [0] : vector<128x128xi32> to vector<128xi32>
    %broadcast_in_dim3A_545 = vector.shape_cast %reduce_min3A_544 : vector<128xi32> to vector<1x128xi32>
    %eq3A_546 = arith.constant 10 : i32
    %eq3A_547 = vector.broadcast %eq3A_546 : i32 to vector<32x128xi32>
    %eq3A_548 = arith.cmpi eq, %iota3A_266, %eq3A_547 : vector<32x128xi32>
    %add3A_549 = vector.broadcast %mul3A_268 : i32 to vector<1x128xi32>
    %add3A_550 = arith.addi %broadcast_in_dim3A_545, %add3A_549 : vector<1x128xi32>
    %broadcast_in_dim3A_551 = vector.shape_cast %add3A_550 : vector<1x128xi32> to vector<1x128xi32>
    %broadcast_in_dim3A_552 = vector.broadcast %broadcast_in_dim3A_551 : vector<1x128xi32> to vector<32x128xi32>
    %select_n3A_553 = arith.select %eq3A_548, %broadcast_in_dim3A_552, %select_n3A_528 : vector<32x128xi1>, vector<32x128xi32>
    %eq3A_554 = vector.broadcast %broadcast_in_dim3A_545 : vector<1x128xi32> to vector<128x128xi32>
    %eq3A_555 = arith.cmpi eq, %concatenate3A_263, %eq3A_554 : vector<128x128xi32>
    %and3A_556 = arith.andi %eq3A_539, %eq3A_555 : vector<128x128xi1>
    %jit3A_557 = arith.constant 0xFF800000 : f32
    %broadcast_in_dim3A_558 = vector.broadcast %jit3A_557 : f32 to vector<128x128xf32>
    %select_n3A_559 = arith.select %and3A_556, %broadcast_in_dim3A_558, %select_n3A_534 : vector<128x128xi1>, vector<128x128xf32>
    %reduce_max3A_560 = arith.constant dense<0xFF800000> : vector<128xf32>
    %reduce_max3A_561 = vector.multi_reduction <maximumf>, %select_n3A_559, %reduce_max3A_560 [0] : vector<128x128xf32> to vector<128xf32>
    %broadcast_in_dim3A_562 = vector.shape_cast %reduce_max3A_561 : vector<128xf32> to vector<1x128xf32>
    %eq3A_563 = vector.broadcast %broadcast_in_dim3A_562 : vector<1x128xf32> to vector<128x128xf32>
    %eq3A_564 = arith.cmpf oeq, %select_n3A_559, %eq3A_563 : vector<128x128xf32>
    %jit3A_565 = arith.constant 1073741824 : i32
    %broadcast_in_dim3A_566 = vector.broadcast %jit3A_565 : i32 to vector<128x128xi32>
    %select_n3A_567 = arith.select %eq3A_564, %concatenate3A_263, %broadcast_in_dim3A_566 : vector<128x128xi1>, vector<128x128xi32>
    %reduce_min3A_568 = arith.constant dense<2147483647> : vector<128xi32>
    %reduce_min3A_569 = vector.multi_reduction <minsi>, %select_n3A_567, %reduce_min3A_568 [0] : vector<128x128xi32> to vector<128xi32>
    %broadcast_in_dim3A_570 = vector.shape_cast %reduce_min3A_569 : vector<128xi32> to vector<1x128xi32>
    %eq3A_571 = arith.constant 11 : i32
    %eq3A_572 = vector.broadcast %eq3A_571 : i32 to vector<32x128xi32>
    %eq3A_573 = arith.cmpi eq, %iota3A_266, %eq3A_572 : vector<32x128xi32>
    %add3A_574 = vector.broadcast %mul3A_268 : i32 to vector<1x128xi32>
    %add3A_575 = arith.addi %broadcast_in_dim3A_570, %add3A_574 : vector<1x128xi32>
    %broadcast_in_dim3A_576 = vector.shape_cast %add3A_575 : vector<1x128xi32> to vector<1x128xi32>
    %broadcast_in_dim3A_577 = vector.broadcast %broadcast_in_dim3A_576 : vector<1x128xi32> to vector<32x128xi32>
    %select_n3A_578 = arith.select %eq3A_573, %broadcast_in_dim3A_577, %select_n3A_553 : vector<32x128xi1>, vector<32x128xi32>
    %eq3A_579 = vector.broadcast %broadcast_in_dim3A_570 : vector<1x128xi32> to vector<128x128xi32>
    %eq3A_580 = arith.cmpi eq, %concatenate3A_263, %eq3A_579 : vector<128x128xi32>
    %and3A_581 = arith.andi %eq3A_564, %eq3A_580 : vector<128x128xi1>
    %jit3A_582 = arith.constant 0xFF800000 : f32
    %broadcast_in_dim3A_583 = vector.broadcast %jit3A_582 : f32 to vector<128x128xf32>
    %select_n3A_584 = arith.select %and3A_581, %broadcast_in_dim3A_583, %select_n3A_559 : vector<128x128xi1>, vector<128x128xf32>
    %reduce_max3A_585 = arith.constant dense<0xFF800000> : vector<128xf32>
    %reduce_max3A_586 = vector.multi_reduction <maximumf>, %select_n3A_584, %reduce_max3A_585 [0] : vector<128x128xf32> to vector<128xf32>
    %broadcast_in_dim3A_587 = vector.shape_cast %reduce_max3A_586 : vector<128xf32> to vector<1x128xf32>
    %eq3A_588 = vector.broadcast %broadcast_in_dim3A_587 : vector<1x128xf32> to vector<128x128xf32>
    %eq3A_589 = arith.cmpf oeq, %select_n3A_584, %eq3A_588 : vector<128x128xf32>
    %jit3A_590 = arith.constant 1073741824 : i32
    %broadcast_in_dim3A_591 = vector.broadcast %jit3A_590 : i32 to vector<128x128xi32>
    %select_n3A_592 = arith.select %eq3A_589, %concatenate3A_263, %broadcast_in_dim3A_591 : vector<128x128xi1>, vector<128x128xi32>
    %reduce_min3A_593 = arith.constant dense<2147483647> : vector<128xi32>
    %reduce_min3A_594 = vector.multi_reduction <minsi>, %select_n3A_592, %reduce_min3A_593 [0] : vector<128x128xi32> to vector<128xi32>
    %broadcast_in_dim3A_595 = vector.shape_cast %reduce_min3A_594 : vector<128xi32> to vector<1x128xi32>
    %eq3A_596 = arith.constant 12 : i32
    %eq3A_597 = vector.broadcast %eq3A_596 : i32 to vector<32x128xi32>
    %eq3A_598 = arith.cmpi eq, %iota3A_266, %eq3A_597 : vector<32x128xi32>
    %add3A_599 = vector.broadcast %mul3A_268 : i32 to vector<1x128xi32>
    %add3A_600 = arith.addi %broadcast_in_dim3A_595, %add3A_599 : vector<1x128xi32>
    %broadcast_in_dim3A_601 = vector.shape_cast %add3A_600 : vector<1x128xi32> to vector<1x128xi32>
    %broadcast_in_dim3A_602 = vector.broadcast %broadcast_in_dim3A_601 : vector<1x128xi32> to vector<32x128xi32>
    %select_n3A_603 = arith.select %eq3A_598, %broadcast_in_dim3A_602, %select_n3A_578 : vector<32x128xi1>, vector<32x128xi32>
    %eq3A_604 = vector.broadcast %broadcast_in_dim3A_595 : vector<1x128xi32> to vector<128x128xi32>
    %eq3A_605 = arith.cmpi eq, %concatenate3A_263, %eq3A_604 : vector<128x128xi32>
    %and3A_606 = arith.andi %eq3A_589, %eq3A_605 : vector<128x128xi1>
    %jit3A_607 = arith.constant 0xFF800000 : f32
    %broadcast_in_dim3A_608 = vector.broadcast %jit3A_607 : f32 to vector<128x128xf32>
    %select_n3A_609 = arith.select %and3A_606, %broadcast_in_dim3A_608, %select_n3A_584 : vector<128x128xi1>, vector<128x128xf32>
    %reduce_max3A_610 = arith.constant dense<0xFF800000> : vector<128xf32>
    %reduce_max3A_611 = vector.multi_reduction <maximumf>, %select_n3A_609, %reduce_max3A_610 [0] : vector<128x128xf32> to vector<128xf32>
    %broadcast_in_dim3A_612 = vector.shape_cast %reduce_max3A_611 : vector<128xf32> to vector<1x128xf32>
    %eq3A_613 = vector.broadcast %broadcast_in_dim3A_612 : vector<1x128xf32> to vector<128x128xf32>
    %eq3A_614 = arith.cmpf oeq, %select_n3A_609, %eq3A_613 : vector<128x128xf32>
    %jit3A_615 = arith.constant 1073741824 : i32
    %broadcast_in_dim3A_616 = vector.broadcast %jit3A_615 : i32 to vector<128x128xi32>
    %select_n3A_617 = arith.select %eq3A_614, %concatenate3A_263, %broadcast_in_dim3A_616 : vector<128x128xi1>, vector<128x128xi32>
    %reduce_min3A_618 = arith.constant dense<2147483647> : vector<128xi32>
    %reduce_min3A_619 = vector.multi_reduction <minsi>, %select_n3A_617, %reduce_min3A_618 [0] : vector<128x128xi32> to vector<128xi32>
    %broadcast_in_dim3A_620 = vector.shape_cast %reduce_min3A_619 : vector<128xi32> to vector<1x128xi32>
    %eq3A_621 = arith.constant 13 : i32
    %eq3A_622 = vector.broadcast %eq3A_621 : i32 to vector<32x128xi32>
    %eq3A_623 = arith.cmpi eq, %iota3A_266, %eq3A_622 : vector<32x128xi32>
    %add3A_624 = vector.broadcast %mul3A_268 : i32 to vector<1x128xi32>
    %add3A_625 = arith.addi %broadcast_in_dim3A_620, %add3A_624 : vector<1x128xi32>
    %broadcast_in_dim3A_626 = vector.shape_cast %add3A_625 : vector<1x128xi32> to vector<1x128xi32>
    %broadcast_in_dim3A_627 = vector.broadcast %broadcast_in_dim3A_626 : vector<1x128xi32> to vector<32x128xi32>
    %select_n3A_628 = arith.select %eq3A_623, %broadcast_in_dim3A_627, %select_n3A_603 : vector<32x128xi1>, vector<32x128xi32>
    %eq3A_629 = vector.broadcast %broadcast_in_dim3A_620 : vector<1x128xi32> to vector<128x128xi32>
    %eq3A_630 = arith.cmpi eq, %concatenate3A_263, %eq3A_629 : vector<128x128xi32>
    %and3A_631 = arith.andi %eq3A_614, %eq3A_630 : vector<128x128xi1>
    %jit3A_632 = arith.constant 0xFF800000 : f32
    %broadcast_in_dim3A_633 = vector.broadcast %jit3A_632 : f32 to vector<128x128xf32>
    %select_n3A_634 = arith.select %and3A_631, %broadcast_in_dim3A_633, %select_n3A_609 : vector<128x128xi1>, vector<128x128xf32>
    %reduce_max3A_635 = arith.constant dense<0xFF800000> : vector<128xf32>
    %reduce_max3A_636 = vector.multi_reduction <maximumf>, %select_n3A_634, %reduce_max3A_635 [0] : vector<128x128xf32> to vector<128xf32>
    %broadcast_in_dim3A_637 = vector.shape_cast %reduce_max3A_636 : vector<128xf32> to vector<1x128xf32>
    %eq3A_638 = vector.broadcast %broadcast_in_dim3A_637 : vector<1x128xf32> to vector<128x128xf32>
    %eq3A_639 = arith.cmpf oeq, %select_n3A_634, %eq3A_638 : vector<128x128xf32>
    %jit3A_640 = arith.constant 1073741824 : i32
    %broadcast_in_dim3A_641 = vector.broadcast %jit3A_640 : i32 to vector<128x128xi32>
    %select_n3A_642 = arith.select %eq3A_639, %concatenate3A_263, %broadcast_in_dim3A_641 : vector<128x128xi1>, vector<128x128xi32>
    %reduce_min3A_643 = arith.constant dense<2147483647> : vector<128xi32>
    %reduce_min3A_644 = vector.multi_reduction <minsi>, %select_n3A_642, %reduce_min3A_643 [0] : vector<128x128xi32> to vector<128xi32>
    %broadcast_in_dim3A_645 = vector.shape_cast %reduce_min3A_644 : vector<128xi32> to vector<1x128xi32>
    %eq3A_646 = arith.constant 14 : i32
    %eq3A_647 = vector.broadcast %eq3A_646 : i32 to vector<32x128xi32>
    %eq3A_648 = arith.cmpi eq, %iota3A_266, %eq3A_647 : vector<32x128xi32>
    %add3A_649 = vector.broadcast %mul3A_268 : i32 to vector<1x128xi32>
    %add3A_650 = arith.addi %broadcast_in_dim3A_645, %add3A_649 : vector<1x128xi32>
    %broadcast_in_dim3A_651 = vector.shape_cast %add3A_650 : vector<1x128xi32> to vector<1x128xi32>
    %broadcast_in_dim3A_652 = vector.broadcast %broadcast_in_dim3A_651 : vector<1x128xi32> to vector<32x128xi32>
    %select_n3A_653 = arith.select %eq3A_648, %broadcast_in_dim3A_652, %select_n3A_628 : vector<32x128xi1>, vector<32x128xi32>
    %eq3A_654 = vector.broadcast %broadcast_in_dim3A_645 : vector<1x128xi32> to vector<128x128xi32>
    %eq3A_655 = arith.cmpi eq, %concatenate3A_263, %eq3A_654 : vector<128x128xi32>
    %and3A_656 = arith.andi %eq3A_639, %eq3A_655 : vector<128x128xi1>
    %jit3A_657 = arith.constant 0xFF800000 : f32
    %broadcast_in_dim3A_658 = vector.broadcast %jit3A_657 : f32 to vector<128x128xf32>
    %select_n3A_659 = arith.select %and3A_656, %broadcast_in_dim3A_658, %select_n3A_634 : vector<128x128xi1>, vector<128x128xf32>
    %reduce_max3A_660 = arith.constant dense<0xFF800000> : vector<128xf32>
    %reduce_max3A_661 = vector.multi_reduction <maximumf>, %select_n3A_659, %reduce_max3A_660 [0] : vector<128x128xf32> to vector<128xf32>
    %broadcast_in_dim3A_662 = vector.shape_cast %reduce_max3A_661 : vector<128xf32> to vector<1x128xf32>
    %eq3A_663 = vector.broadcast %broadcast_in_dim3A_662 : vector<1x128xf32> to vector<128x128xf32>
    %eq3A_664 = arith.cmpf oeq, %select_n3A_659, %eq3A_663 : vector<128x128xf32>
    %jit3A_665 = arith.constant 1073741824 : i32
    %broadcast_in_dim3A_666 = vector.broadcast %jit3A_665 : i32 to vector<128x128xi32>
    %select_n3A_667 = arith.select %eq3A_664, %concatenate3A_263, %broadcast_in_dim3A_666 : vector<128x128xi1>, vector<128x128xi32>
    %reduce_min3A_668 = arith.constant dense<2147483647> : vector<128xi32>
    %reduce_min3A_669 = vector.multi_reduction <minsi>, %select_n3A_667, %reduce_min3A_668 [0] : vector<128x128xi32> to vector<128xi32>
    %broadcast_in_dim3A_670 = vector.shape_cast %reduce_min3A_669 : vector<128xi32> to vector<1x128xi32>
    %eq3A_671 = arith.constant 15 : i32
    %eq3A_672 = vector.broadcast %eq3A_671 : i32 to vector<32x128xi32>
    %eq3A_673 = arith.cmpi eq, %iota3A_266, %eq3A_672 : vector<32x128xi32>
    %add3A_674 = vector.broadcast %mul3A_268 : i32 to vector<1x128xi32>
    %add3A_675 = arith.addi %broadcast_in_dim3A_670, %add3A_674 : vector<1x128xi32>
    %broadcast_in_dim3A_676 = vector.shape_cast %add3A_675 : vector<1x128xi32> to vector<1x128xi32>
    %broadcast_in_dim3A_677 = vector.broadcast %broadcast_in_dim3A_676 : vector<1x128xi32> to vector<32x128xi32>
    %select_n3A_678 = arith.select %eq3A_673, %broadcast_in_dim3A_677, %select_n3A_653 : vector<32x128xi1>, vector<32x128xi32>
    %transpose3A = tpu.transpose %select_n3A_678, [1, 0] : vector<32x128xi32> -> vector<128x32xi32>
    %slice3A = vector.extract_strided_slice %transpose3A {offsets = [0, 0], sizes = [128, 16], strides = [1, 1]} : vector<128x32xi32> to vector<128x16xi32>
    %swap3A_679 = arith.constant 0 : index
    %swap3A_680 = arith.constant 0 : index
    %swap3A_681 = vector.load %arg5[%swap3A_679, %swap3A_680] : memref<128x16xi32, #tpu.memory_space<vmem>>, vector<128x16xi32>
    tpu.vector_store %arg5[%swap3A_679, %swap3A_680], %slice3A {strides = array<i32>} : memref<128x16xi32, #tpu.memory_space<vmem>>, vector<128x16xi32>,
    return
  }
  func.func @transform_0(%arg0: i32, %arg1: i32) -> (i32, i32, i32) {
    %add3A = arith.constant 0 : i32
    %add3A_0 = arith.addi %arg0, %add3A : i32
    %c0_i32 = arith.constant 0 : i32
    %c0_i32_1 = arith.constant 0 : i32
    %c0_i32_2 = arith.constant 0 : i32
    return %add3A_0, %c0_i32, %c0_i32_1 : i32, i32, i32
  }
  func.func @transform_1(%arg0: i32, %arg1: i32) -> (i32, i32, i32) {
    %add3A = arith.constant 0 : i32
    %add3A_0 = arith.addi %arg0, %add3A : i32
    %c0_i32 = arith.constant 0 : i32
    %c0_i32_1 = arith.constant 0 : i32
    return %add3A_0, %c0_i32, %arg1 : i32, i32, i32
  }
  func.func @transform_2(%arg0: i32, %arg1: i32) -> (i32, i32) {
    %add3A = arith.constant 0 : i32
    %add3A_0 = arith.addi %arg0, %add3A : i32
    %mul3A = arith.constant 16 : i32
    %mul3A_1 = arith.muli %add3A_0, %mul3A : i32
    %add3A_2 = arith.addi %mul3A_1, %arg1 : i32
    %c0_i32 = arith.constant 0 : i32
    %c0_i32_3 = arith.constant 0 : i32
    return %add3A_2, %c0_i32 : i32, i32
  }
  func.func @transform_3(%arg0: i32, %arg1: i32) -> (i32, i32) {
    %mul3A = arith.constant 16 : i32
    %mul3A_0 = arith.muli %arg0, %mul3A : i32
    %add3A = arith.addi %mul3A_0, %arg1 : i32
    %c0_i32 = arith.constant 0 : i32
    %c0_i32_1 = arith.constant 0 : i32
    return %add3A, %c0_i32 : i32, i32
  }
  func.func @transform_4(%arg0: i32, %arg1: i32) -> (i32, i32) {
    %mul3A = arith.constant 16 : i32
    %mul3A_0 = arith.muli %arg0, %mul3A : i32
    %add3A = arith.addi %mul3A_0, %arg1 : i32
    %c0_i32 = arith.constant 0 : i32
    %c0_i32_1 = arith.constant 0 : i32
    return %add3A, %c0_i32 : i32, i32
  }
}

module attributes {stable_mosaic.version = 14 : i64} {
  func.func @_mm_body(%arg0: i32, %arg1: memref<512x128xf32, #tpu.memory_space<vmem>>, %arg2: memref<512x128xf32, #tpu.memory_space<vmem>>, %arg3: memref<512x128xf32, #tpu.memory_space<vmem>>, %arg4: memref<128x128xf32, #tpu.memory_space<vmem>>, %arg5: memref<128x128xf32, #tpu.memory_space<vmem>>, %arg6: memref<128x128xf32, #tpu.memory_space<vmem>>, %arg7: memref<128x128xf32, #tpu.memory_space<vmem>>, %arg8: memref<1x128xf32, #tpu.memory_space<vmem>>, %arg9: memref<1x128xf32, #tpu.memory_space<vmem>>, %arg10: memref<1x128xf32, #tpu.memory_space<vmem>>, %arg11: memref<1x128xf32, #tpu.memory_space<vmem>>, %arg12: memref<1x128x512xf32, #tpu.memory_space<vmem>>) attributes {dimension_semantics = [#tpu.dimension_semantics<arbitrary>], iteration_bounds = array<i64: 32>, scalar_prefetch = 0 : i64, scratch_operands = 0 : i64, tpu.core_type = #tpu.core_type<tc>, window_params = [{transform_indices = @transform_0, window_bounds = array<i64: 512, 128>}, {transform_indices = @transform_1, window_bounds = array<i64: 512, 128>}, {transform_indices = @transform_2, window_bounds = array<i64: 512, 128>}, {pipeline_mode = #tpu.pipeline_mode<synchronous>, transform_indices = @transform_3, window_bounds = array<i64: 128, 128>}, {pipeline_mode = #tpu.pipeline_mode<synchronous>, transform_indices = @transform_4, window_bounds = array<i64: 128, 128>}, {pipeline_mode = #tpu.pipeline_mode<synchronous>, transform_indices = @transform_5, window_bounds = array<i64: 128, 128>}, {pipeline_mode = #tpu.pipeline_mode<synchronous>, transform_indices = @transform_6, window_bounds = array<i64: 128, 128>}, {pipeline_mode = #tpu.pipeline_mode<synchronous>, transform_indices = @transform_7, window_bounds = array<i64: 1, 128>}, {pipeline_mode = #tpu.pipeline_mode<synchronous>, transform_indices = @transform_8, window_bounds = array<i64: 1, 128>}, {pipeline_mode = #tpu.pipeline_mode<synchronous>, transform_indices = @transform_9, window_bounds = array<i64: 1, 128>}, {pipeline_mode = #tpu.pipeline_mode<synchronous>, transform_indices = @transform_10, window_bounds = array<i64: 1, 128>}, {transform_indices = @transform_11, window_bounds = array<i64: 1, 128, 512>}]} {
    %get3A = arith.constant 0 : index
    %get3A_0 = arith.constant 0 : index
    %get3A_1 = vector.load %arg1[%get3A, %get3A_0] : memref<512x128xf32, #tpu.memory_space<vmem>>, vector<512x128xf32>
    %ge3A = arith.constant 0.000000e+00 : f32
    %ge3A_2 = vector.broadcast %ge3A : f32 to vector<512x128xf32>
    %ge3A_3 = arith.cmpf oge, %get3A_1, %ge3A_2 : vector<512x128xf32>
    %mul3A = arith.constant 0.00999999977 : f32
    %mul3A_4 = vector.broadcast %mul3A : f32 to vector<512x128xf32>
    %mul3A_5 = arith.mulf %mul3A_4, %get3A_1 : vector<512x128xf32>
    %select_n3A = arith.select %ge3A_3, %get3A_1, %mul3A_5 : vector<512x128xi1>, vector<512x128xf32>
    %lt3A = arith.constant 16 : i32
    %lt3A_6 = arith.cmpi slt, %arg0, %lt3A : i32
    %get3A_7 = arith.constant 0 : index
    %get3A_8 = arith.constant 0 : index
    %get3A_9 = vector.load %arg2[%get3A_7, %get3A_8] : memref<512x128xf32, #tpu.memory_space<vmem>>, vector<512x128xf32>
    %get3A_10 = arith.constant 0 : index
    %get3A_11 = arith.constant 0 : index
    %get3A_12 = vector.load %arg3[%get3A_10, %get3A_11] : memref<512x128xf32, #tpu.memory_space<vmem>>, vector<512x128xf32>
    %select_n3A_13 = arith.select %lt3A_6, %get3A_9, %get3A_12 : vector<512x128xf32>
    %get3A_14 = arith.constant 0 : index
    %get3A_15 = arith.constant 0 : index
    %get3A_16 = vector.load %arg4[%get3A_14, %get3A_15] : memref<128x128xf32, #tpu.memory_space<vmem>>, vector<128x128xf32>
    %dot_general3A = arith.constant dense<0.000000e+00> : vector<512x128xf32>
    %dot_general3A_17 = tpu.matmul %select_n3A, %get3A_16, %dot_general3A {dimension_numbers = #tpu.dot_dimension_numbers<[1], [0], [0], [1], [0, 0, 1, 1], [], []>, transpose_lhs_hint = false} : vector<512x128xf32>, vector<128x128xf32>, vector<512x128xf32> -> vector<512x128xf32>
    %get3A_18 = arith.constant 0 : index
    %get3A_19 = arith.constant 0 : index
    %get3A_20 = vector.load %arg8[%get3A_18, %get3A_19] : memref<1x128xf32, #tpu.memory_space<vmem>>, vector<1x128xf32>
    %add3A = vector.broadcast %get3A_20 : vector<1x128xf32> to vector<512x128xf32>
    %add3A_21 = arith.addf %dot_general3A_17, %add3A : vector<512x128xf32>
    %get3A_22 = arith.constant 0 : index
    %get3A_23 = arith.constant 0 : index
    %get3A_24 = vector.load %arg5[%get3A_22, %get3A_23] : memref<128x128xf32, #tpu.memory_space<vmem>>, vector<128x128xf32>
    %dot_general3A_25 = arith.constant dense<0.000000e+00> : vector<512x128xf32>
    %dot_general3A_26 = tpu.matmul %select_n3A_13, %get3A_24, %dot_general3A_25 {dimension_numbers = #tpu.dot_dimension_numbers<[1], [0], [0], [1], [0, 0, 1, 1], [], []>, transpose_lhs_hint = false} : vector<512x128xf32>, vector<128x128xf32>, vector<512x128xf32> -> vector<512x128xf32>
    %add3A_27 = arith.addf %add3A_21, %dot_general3A_26 : vector<512x128xf32>
    %get3A_28 = arith.constant 0 : index
    %get3A_29 = arith.constant 0 : index
    %get3A_30 = vector.load %arg9[%get3A_28, %get3A_29] : memref<1x128xf32, #tpu.memory_space<vmem>>, vector<1x128xf32>
    %mul3A_31 = arith.constant 1.600000e+01 : f32
    %mul3A_32 = vector.broadcast %mul3A_31 : f32 to vector<1x128xf32>
    %mul3A_33 = arith.mulf %mul3A_32, %get3A_30 : vector<1x128xf32>
    %add3A_34 = vector.broadcast %mul3A_33 : vector<1x128xf32> to vector<512x128xf32>
    %add3A_35 = arith.addf %add3A_27, %add3A_34 : vector<512x128xf32>
    %mul3A_36 = arith.constant 0.0588235296 : f32
    %mul3A_37 = vector.broadcast %mul3A_36 : f32 to vector<512x128xf32>
    %mul3A_38 = arith.mulf %add3A_35, %mul3A_37 : vector<512x128xf32>
    %add3A_39 = arith.addf %mul3A_38, %get3A_1 : vector<512x128xf32>
    %ge3A_40 = arith.constant 0.000000e+00 : f32
    %ge3A_41 = vector.broadcast %ge3A_40 : f32 to vector<512x128xf32>
    %ge3A_42 = arith.cmpf oge, %add3A_39, %ge3A_41 : vector<512x128xf32>
    %mul3A_43 = arith.constant 0.00999999977 : f32
    %mul3A_44 = vector.broadcast %mul3A_43 : f32 to vector<512x128xf32>
    %mul3A_45 = arith.mulf %mul3A_44, %add3A_39 : vector<512x128xf32>
    %select_n3A_46 = arith.select %ge3A_42, %add3A_39, %mul3A_45 : vector<512x128xi1>, vector<512x128xf32>
    %get3A_47 = arith.constant 0 : index
    %get3A_48 = arith.constant 0 : index
    %get3A_49 = vector.load %arg6[%get3A_47, %get3A_48] : memref<128x128xf32, #tpu.memory_space<vmem>>, vector<128x128xf32>
    %get3A_50 = arith.constant 0 : index
    %get3A_51 = arith.constant 0 : index
    %get3A_52 = vector.load %arg7[%get3A_50, %get3A_51] : memref<128x128xf32, #tpu.memory_space<vmem>>, vector<128x128xf32>
    %add3A_53 = arith.addf %get3A_49, %get3A_52 : vector<128x128xf32>
    %dot_general3A_54 = arith.constant dense<0.000000e+00> : vector<512x128xf32>
    %dot_general3A_55 = tpu.matmul %select_n3A_46, %add3A_53, %dot_general3A_54 {dimension_numbers = #tpu.dot_dimension_numbers<[1], [0], [0], [1], [0, 0, 1, 1], [], []>, transpose_lhs_hint = false} : vector<512x128xf32>, vector<128x128xf32>, vector<512x128xf32> -> vector<512x128xf32>
    %get3A_56 = arith.constant 0 : index
    %get3A_57 = arith.constant 0 : index
    %get3A_58 = vector.load %arg10[%get3A_56, %get3A_57] : memref<1x128xf32, #tpu.memory_space<vmem>>, vector<1x128xf32>
    %get3A_59 = arith.constant 0 : index
    %get3A_60 = arith.constant 0 : index
    %get3A_61 = vector.load %arg11[%get3A_59, %get3A_60] : memref<1x128xf32, #tpu.memory_space<vmem>>, vector<1x128xf32>
    %add3A_62 = arith.addf %get3A_58, %get3A_61 : vector<1x128xf32>
    %add3A_63 = vector.broadcast %add3A_62 : vector<1x128xf32> to vector<512x128xf32>
    %add3A_64 = arith.addf %dot_general3A_55, %add3A_63 : vector<512x128xf32>
    %mul3A_65 = arith.constant 5.000000e-01 : f32
    %mul3A_66 = vector.broadcast %mul3A_65 : f32 to vector<512x128xf32>
    %mul3A_67 = arith.mulf %add3A_64, %mul3A_66 : vector<512x128xf32>
    %add3A_68 = arith.addf %mul3A_67, %add3A_39 : vector<512x128xf32>
    %transpose3A = tpu.transpose %add3A_68, [1, 0] : vector<512x128xf32> -> vector<128x512xf32>
    %swap3A = arith.constant 0 : index
    %swap3A_69 = arith.constant 0 : index
    %swap3A_70 = arith.constant 0 : index
    %swap3A_71 = vector.load %arg12[%swap3A, %swap3A_69, %swap3A_70] : memref<1x128x512xf32, #tpu.memory_space<vmem>>, vector<1x128x512xf32>
    %swap3A_72 = vector.shape_cast %swap3A_71 : vector<1x128x512xf32> to vector<128x512xf32>
    %swap3A_73 = vector.shape_cast %transpose3A : vector<128x512xf32> to vector<1x128x512xf32>
    tpu.vector_store %arg12[%swap3A, %swap3A_69, %swap3A_70], %swap3A_73 {strides = array<i32>} : memref<1x128x512xf32, #tpu.memory_space<vmem>>, vector<1x128x512xf32>,
    return
  }
  func.func @transform_0(%arg0: i32) -> (i32, i32) {
    %c0_i32 = arith.constant 0 : i32
    %c0_i32_0 = arith.constant 0 : i32
    return %arg0, %c0_i32 : i32, i32
  }
  func.func @transform_1(%arg0: i32) -> (i32, i32) {
    %min3A = arith.constant 15 : i32
    %min3A_0 = arith.minsi %arg0, %min3A : i32
    %c0_i32 = arith.constant 0 : i32
    %c0_i32_1 = arith.constant 0 : i32
    return %min3A_0, %c0_i32 : i32, i32
  }
  func.func @transform_2(%arg0: i32) -> (i32, i32) {
    %sub3A = arith.constant 16 : i32
    %sub3A_0 = arith.subi %arg0, %sub3A : i32
    %max3A = arith.constant 0 : i32
    %max3A_1 = arith.maxsi %sub3A_0, %max3A : i32
    %c0_i32 = arith.constant 0 : i32
    %c0_i32_2 = arith.constant 0 : i32
    return %max3A_1, %c0_i32 : i32, i32
  }
  func.func @transform_3(%arg0: i32) -> (i32, i32) {
    %c0_i32 = arith.constant 0 : i32
    %c0_i32_0 = arith.constant 0 : i32
    %c0_i32_1 = arith.constant 0 : i32
    return %c0_i32, %c0_i32_0 : i32, i32
  }
  func.func @transform_4(%arg0: i32) -> (i32, i32) {
    %c0_i32 = arith.constant 0 : i32
    %c0_i32_0 = arith.constant 0 : i32
    %c0_i32_1 = arith.constant 0 : i32
    return %c0_i32, %c0_i32_0 : i32, i32
  }
  func.func @transform_5(%arg0: i32) -> (i32, i32) {
    %c0_i32 = arith.constant 0 : i32
    %c0_i32_0 = arith.constant 0 : i32
    %c0_i32_1 = arith.constant 0 : i32
    return %c0_i32, %c0_i32_0 : i32, i32
  }
  func.func @transform_6(%arg0: i32) -> (i32, i32) {
    %c0_i32 = arith.constant 0 : i32
    %c0_i32_0 = arith.constant 0 : i32
    %c0_i32_1 = arith.constant 0 : i32
    return %c0_i32, %c0_i32_0 : i32, i32
  }
  func.func @transform_7(%arg0: i32) -> (i32, i32) {
    %c0_i32 = arith.constant 0 : i32
    %c0_i32_0 = arith.constant 0 : i32
    %c0_i32_1 = arith.constant 0 : i32
    return %c0_i32, %c0_i32_0 : i32, i32
  }
  func.func @transform_8(%arg0: i32) -> (i32, i32) {
    %c0_i32 = arith.constant 0 : i32
    %c0_i32_0 = arith.constant 0 : i32
    %c0_i32_1 = arith.constant 0 : i32
    return %c0_i32, %c0_i32_0 : i32, i32
  }
  func.func @transform_9(%arg0: i32) -> (i32, i32) {
    %c0_i32 = arith.constant 0 : i32
    %c0_i32_0 = arith.constant 0 : i32
    %c0_i32_1 = arith.constant 0 : i32
    return %c0_i32, %c0_i32_0 : i32, i32
  }
  func.func @transform_10(%arg0: i32) -> (i32, i32) {
    %c0_i32 = arith.constant 0 : i32
    %c0_i32_0 = arith.constant 0 : i32
    %c0_i32_1 = arith.constant 0 : i32
    return %c0_i32, %c0_i32_0 : i32, i32
  }
  func.func @transform_11(%arg0: i32) -> (i32, i32, i32) {
    %jit3A = arith.constant 4 : i32
    %div3A = arith.divsi %arg0, %jit3A : i32
    %sign3A = arith.constant 0 : i32
    %sign3A_0 = arith.cmpi sgt, %arg0, %sign3A : i32
    %sign3A_1 = arith.extui %sign3A_0 : i1 to i32
    %sign3A_2 = arith.constant 0 : i32
    %sign3A_3 = arith.cmpi slt, %arg0, %sign3A_2 : i32
    %sign3A_4 = arith.extui %sign3A_3 : i1 to i32
    %sign3A_5 = arith.subi %sign3A_1, %sign3A_4 : i32
    %sign3A_6 = arith.constant 0 : i32
    %sign3A_7 = arith.cmpi sgt, %jit3A, %sign3A_6 : i32
    %sign3A_8 = arith.extui %sign3A_7 : i1 to i32
    %sign3A_9 = arith.constant 0 : i32
    %sign3A_10 = arith.cmpi slt, %jit3A, %sign3A_9 : i32
    %sign3A_11 = arith.extui %sign3A_10 : i1 to i32
    %sign3A_12 = arith.subi %sign3A_8, %sign3A_11 : i32
    %ne3A = arith.cmpi ne, %sign3A_5, %sign3A_12 : i32
    %rem3A = arith.remsi %arg0, %jit3A : i32
    %ne3A_13 = arith.constant 0 : i32
    %ne3A_14 = arith.cmpi ne, %rem3A, %ne3A_13 : i32
    %and3A = arith.andi %ne3A, %ne3A_14 : i1
    %sub3A = arith.constant 1 : i32
    %sub3A_15 = arith.subi %div3A, %sub3A : i32
    %select_n3A = arith.select %and3A, %sub3A_15, %div3A : i32
    %jit3A_16 = arith.constant 4 : i32
    %eq3A = arith.constant 0 : i32
    %eq3A_17 = arith.cmpi eq, %jit3A_16, %eq3A : i32
    %jit3A_18 = arith.constant 1 : i32
    %select_n3A_19 = arith.select %eq3A_17, %jit3A_18, %jit3A_16 : i32
    %rem3A_20 = arith.remsi %arg0, %select_n3A_19 : i32
    %ne3A_21 = arith.constant 0 : i32
    %ne3A_22 = arith.cmpi ne, %rem3A_20, %ne3A_21 : i32
    %lt3A = arith.constant 0 : i32
    %lt3A_23 = arith.cmpi slt, %rem3A_20, %lt3A : i32
    %lt3A_24 = arith.constant 0 : i32
    %lt3A_25 = arith.cmpi slt, %select_n3A_19, %lt3A_24 : i32
    %ne3A_26 = arith.xori %lt3A_23, %lt3A_25 : i1
    %and3A_27 = arith.andi %ne3A_26, %ne3A_22 : i1
    %add3A = arith.addi %rem3A_20, %select_n3A_19 : i32
    %select_n3A_28 = arith.select %and3A_27, %add3A, %rem3A_20 : i32
    %c0_i32 = arith.constant 0 : i32
    %c0_i32_29 = arith.constant 0 : i32
    return %select_n3A, %c0_i32, %select_n3A_28 : i32, i32, i32
  }
}

</mosaic_0001>

<sc_bundles>
// kernel: kernel.10.cloned.1.call-start
scs
__scs_entry_jumppad:
0x0: {  	(pc) =	sbr.rel $0x88, $3  }
0x1: {  	(tag) =	ssettag $0x0;
	lr =	simm.s32 $0x1  }
0x2: {  	[smem:$0x3F97] =	sst lr;
	_ =	strace $0xD0000000  }
0x3: {  	_ = 	snop  }
0x4: {  	_ = 	snop  }
0x5: {  	_ = 	snop  }
0x6: {  	_ = 	snop  }
0x7: {  	_ = 	snop  }
__scs_overlays_trampoline_lowered:
0x8: {  	[smem:$0x3FA6] =	sst s0  }
0x9: {  	[smem:$0x3FA7] =	sst s1  }
0xa: {  	[smem:$0x3FA8] =	sst s2  }
0xb: {  	[smem:$0x3FA9] =	sst s3  }
0xc: {  	[smem:$0x3FAA] =	sst s4  }
0xd: {  	[smem:$0x3FAB] =	sst s5  }
0xe: {  	[smem:$0x3FAC] =	sst s6  }
0xf: {  	[smem:$0x3FAD] =	sst s7  }
0x10: {  	[smem:$0x3FAE] =	sst s8  }
0x11: {  	[smem:$0x3FAF] =	sst s9;
	s0 =	simm.s32 @!p0 $0x0  }
0x12: {  	s1 =	sld [smem:$0x3F95];
	s0 =	simm.s32 @p0 $0x1  }
0x13: {  	[smem:$0x3FB0] =	sst s0;
	s0 =	simm.s32 @!p1 $0x0  }
0x14: {  	s2 =	sld [smem:$0x3F94];
	s0 =	simm.s32 @p1 $0x1  }
0x15: {  	[smem:$0x3FB1] =	sst s0;
	s0 =	simm.s32 @!p2 $0x0  }
0x16: {  	s3 =	sld [smem:$0x3FDB];
	s0 =	simm.s32 @p2 $0x1  }
0x17: {  	s4 =	simm.s32 $0x1BF5;
	[smem:$0x3FB3] =	sst s0  }
0x18: {  	s0 =	sld [smem:$0x3F96];
	_ =	swait.ge [sflag:s4], $0x0  }
0x19: {  	s7 =	sld [smem:$0x3F97]  }
0x1a: {  	s8 =	sadd.s32 $0xFFFFE003, lr  }
0x1b: {  	s9 =	sadd.s32 $0xFFFFFEF7, lr;
	s5 =	simm.s32 $0xFFFFFFFF;
	p2 =	slt.u32 s8, $0xFFFFF086  }
0x1c: {  	p1 =	slt.u32 s9, $0xF7A;
	s5 =	simm.s32 @!p2 $0x0  }
0x1d: {  	s5 =	simm.s32 @p1 $0x1;
	p0 =	seq.s32 s7, s2  }
0x1e: {  	s7 =	smul.u32 @!p0 $0xF7A, s2;
	p2 =	seq.s32 @!p0 s5, $0x0  }
0x1f: {  	s9 =	smul.u32 $0xF7A, s1;
	s8 =	simm.s32 @!p0 $0x1BF5;
	p2 =	por !p2, p0  }
0x20: {  	[sflag:s8] =	ssyncset.s32 @!p0 $0xFFFFF086;
	s6 =	sadd.s32 @!p0 s3, s7;
	s7 =	simm.s32 @!p0 $0x108  }
0x21: {  	s3 =	sadd.s32 s3, s9;
	s6 =	sadd.s32 @!p0 $0x88, s6;
	s7 =	simm.s32 @p2 $0x1082  }
0x22: {  	[simem:s7], [sflag:s8] =	dma.local @!p0 [hbm:s6], $0xF7A  }
0x23: {  	s9 =	sor.u32 $0xD0000000, s2;
	s6 =	simm.s32 $0x108;
	_ =	swait.ge @!p0 [sflag:s8], $0x0  }
0x24: {  	s3 =	sadd.s32 $0x88, s3;
	s6 =	simm.s32 @!p1 $0x1082;
	[sflag:s4] =	ssyncset.s32 $0xFFFFF086  }
0x25: {  	[simem:s6], [sflag:s4] =	dma.local [hbm:s3], $0xF7A  }
0x26: {  	[smem:$0x3F97] =	sst s1;
	(tag) =	ssettag s2;
	_ =	strace s9  }
0x27: {  	s1 =	sld [smem:$0x3FA7]  }
0x28: {  	s2 =	sld [smem:$0x3FA8]  }
0x29: {  	s4 =	sld [smem:$0x3FAA]  }
0x2a: {  	p0 =	seq.s32 s5, $0x0;
	s5 =	sld [smem:$0x3FAB]  }
0x2b: {  	s6 =	sld [smem:$0x3FAC]  }
0x2c: {  	s7 =	sld [smem:$0x3FAD]  }
0x2d: {  	s3 =	simm.s32 $0x108;
	s8 =	sld [smem:$0x3FAE]  }
0x2e: {  	s3 =	simm.s32 @!p0 $0x1082;
	s9 =	sld [smem:$0x3FAF]  }
0x2f: {  	lr =	sadd.s32 s0, s3;
	s0 =	sld [smem:$0x3FA6]  }
0x30: {  	s3 =	sld [smem:$0x3FA9]  }
0x31: {  	[smem:$0x3FB2] =	sst s10  }
0x32: {  	s10 =	sld [smem:$0x3FB0];
	_ =	sdelay $0x3  }
0x33: {  	p0 =	seq.s32 s10, $0x1;
	s10 =	sld [smem:$0x3FB2];
	_ =	sdelay $0x3  }
0x34: {  	[smem:$0x3FB2] =	sst s10  }
0x35: {  	s10 =	sld [smem:$0x3FB1];
	_ =	sdelay $0x3  }
0x36: {  	p1 =	seq.s32 s10, $0x1;
	s10 =	sld [smem:$0x3FB2];
	_ =	sdelay $0x3  }
0x37: {  	[smem:$0x3FB2] =	sst s10  }
0x38: {  	s10 =	sld [smem:$0x3FB3]  }
0x39: {  	_ = 	snop;
	(pc) =	sbr.ind lr, $3  }
0x3a: {  	_ = 	snop  }
0x3b: {  	_ = 	snop  }
0x3c: {  	p2 =	seq.s32 s10, $0x1;
	s10 =	sld [smem:$0x3FB2]  }
0x3d: {  	_ =	shalt  }
0x3e: {  	_ =	shalt  }
0x3f: {  	_ =	shalt  }
0x40: {  	_ =	shalt  }
0x41: {  	_ =	shalt  }
0x42: {  	_ =	shalt  }
0x43: {  	_ =	shalt  }
0x44: {  	_ =	shalt  }
0x45: {  	_ =	shalt  }
0x46: {  	_ =	shalt  }
0x47: {  	_ =	shalt  }
0x48: {  	_ =	shalt  }
0x49: {  	_ =	shalt  }
0x4a: {  	_ =	shalt  }
0x4b: {  	_ =	shalt  }
0x4c: {  	_ =	shalt  }
0x4d: {  	_ =	shalt  }
0x4e: {  	_ =	shalt  }
0x4f: {  	_ =	shalt  }
0x50: {  	_ =	shalt  }
0x51: {  	_ =	shalt  }
0x52: {  	_ =	shalt  }
0x53: {  	_ =	shalt  }
0x54: {  	_ =	shalt  }
0x55: {  	_ =	shalt  }
0x56: {  	_ =	shalt  }
0x57: {  	_ =	shalt  }
0x58: {  	_ =	shalt  }
0x59: {  	_ =	shalt  }
0x5a: {  	_ =	shalt  }
0x5b: {  	_ =	shalt  }
0x5c: {  	_ =	shalt  }
0x5d: {  	_ =	shalt  }
0x5e: {  	_ =	shalt  }
0x5f: {  	_ =	shalt  }
0x60: {  	_ =	shalt  }
0x61: {  	_ =	shalt  }
0x62: {  	_ =	shalt  }
0x63: {  	_ =	shalt  }
0x64: {  	_ =	shalt  }
0x65: {  	_ =	shalt  }
0x66: {  	_ =	shalt  }
0x67: {  	_ =	shalt  }
0x68: {  	_ =	shalt  }
0x69: {  	_ =	shalt  }
0x6a: {  	_ =	shalt  }
0x6b: {  	_ =	shalt  }
0x6c: {  	_ =	shalt  }
0x6d: {  	_ =	shalt  }
0x6e: {  	_ =	shalt  }
0x6f: {  	_ =	shalt  }
0x70: {  	_ =	shalt  }
0x71: {  	_ =	shalt  }
0x72: {  	_ =	shalt  }
0x73: {  	_ =	shalt  }
0x74: {  	_ =	shalt  }
0x75: {  	_ =	shalt  }
0x76: {  	_ =	shalt  }
0x77: {  	_ =	shalt  }
0x78: {  	_ =	shalt  }
0x79: {  	_ =	shalt  }
0x7a: {  	_ =	shalt  }
0x7b: {  	_ =	shalt  }
0x7c: {  	_ =	shalt  }
0x7d: {  	_ =	shalt  }
0x7e: {  	_ =	shalt  }
0x7f: {  	_ =	shalt  }
0x80: {  	_ =	shalt  }
0x81: {  	_ =	shalt  }
0x82: {  	_ =	shalt  }
0x83: {  	_ =	shalt  }
0x84: {  	_ =	shalt  }
0x85: {  	_ =	shalt  }
0x86: {  	_ =	shalt  }
0x87: {  	_ =	shalt  }
.Lfunc_end0:
.L_simem_size_0:
called_computation.1_lowered:
.L_overlay_start_0:
0x88: {  	s2 =	sld [smem:$0x3FD9]  }
0x89: {  	s3 =	sld [smem:$0x3FFE];
	_ =	sdelay $0x1  }
0x8a: {  	s1 =	srdreg.scid  }
0x8b: {  	s0 =	sand.u32 $0x1, s1  }
0x8c: {  	s16 =	sshll.u32 s0, $0xA;
	s2 =	sadd.s32 s3, s2  }
0x8d: {  	s2 =	sadd.s32 s2, s16  }
0x8e: {  	[smem:$0x3FBE] =	sst s2  }
0x8f: {  	_ = 	snop  }
0x90: {  	(tm) =	ssettm $0x1  }
0x91: {  	s17 =	sld [smem:$0x3FFB];
	_ =	sdelay $0x3  }
0x92: {  	_ =	strace s17  }
0x93: {  	s2 =	sld [smem:$0x3FFC];
	_ =	sdelay $0x3  }
0x94: {  	_ =	strace s2  }
0x95: {  	s2 =	sld [smem:$0x3FFD];
	_ =	sdelay $0x3  }
0x96: {  	_ =	strace s2  }
0x97: {  	_ =	strace $0x8FFFFFFF  }
0x98: {  	s18 =	sld [smem:$0x3FDB];
	_ =	sdelay $0x1  }
0x99: {  	s19 =	simm.s32 $_scs_section_size  }
0x9a: {  	s4 =	simm.s32 $_size__tile_overlayer_lowered;
	s5 =	simm.s32 $_tile_overlayer_lowered  }
0x9b: {  	s22 =	simm.s32 $0x1BFF;
	s21 =	sshll.u32 s5, $0x1;
	s2 =	sadd.s32 s19, s18  }
0x9c: {  	s6 =	simm.s32 $0x0;
	s20 =	sshll.u32 s4, $0x1;
	s4 =	sadd.s32 s21, s2  }
0x9d: {  	[timem:s6], [sflag:s22] =	dma.local [hbm:s4], s20  }
0x9e: {  	_ =	swait.ge [sflag:s22], s20  }
0x9f: {  	s3 =	ssub.s32 $0x0, s20;
	[sflag:s22] =	ssyncset.done $0x0  }
0xa0: {  	[sflag:s22] =	ssyncadd.s32 s3;
	_ =	sdelay $0x1  }
0xa1: {  	s23 =	simm.s32 $0x1B8B  }
0xa2: {  	_ =	swait.ge [sflag:s23], $0x1  }
0xa3: {  	[sflag:s23] =	ssyncset.done $0x0  }
0xa4: {  	s25 =	simm.s32 $0x1B8E;
	s24 =	sld [smem:$0x3FFE];
	[sflag:s23] =	ssyncadd.s32 $0xFFFFFFFF  }
0xa5: {  	s26 =	simm.s32 $execute0_lowered;
	[smem:$0x3FD2] =	sst s25  }
0xa6: {  	s4 =	sshll.u32 s26, $0x1;
	_ =	strace $0x80000046;
	[dreg:$0x1] =	wrdreg $0xFFFFFFFF  }
0xa7: {  	s28 =	simm.s32 $_size_execute0_lowered;
	s2 =	sadd.s32 s2, s4;
	[dreg:$0x0] =	wrdreg $0x0  }
0xa8: {  	s4 =	sshll.u32 s28, $0x1;
	[dreg:$0x2] =	wrdreg s2  }
0xa9: {  	[dreg:$0x3] =	wrdreg s4  }
0xaa: {  	[dreg:$0x4] =	wrdreg $0xC0  }
0xab: {  	_ =	task [dreg:s6], $0x5FFFF  }
0xac: {  	[dreg:$0x1] =	wrdreg $0xFFFFFFFF  }
0xad: {  	[dreg:$0x0] =	wrdreg $0x60  }
0xae: {  	[dreg:$0x2] =	wrdreg s24  }
0xaf: {  	[dreg:$0x3] =	wrdreg $0x102000  }
0xb0: {  	[dreg:$0x4] =	wrdreg $0xA  }
0xb1: {  	_ =	task.clear_ibuf [dreg:s6], $0x5FFFF;
	_ =	strace $0x90000046  }
0xb2: {  	s29 =	simm.s32 $0xA;
	_ =	strace $0x80000048  }
0xb3: {  	_ =	swait.ge [sflag:s29], $0x1  }
0xb4: {  	[sflag:s29] =	ssyncadd.s32 $0xFFFFFFFF  }
0xb5: {  	_ =	strace $0x90000048  }
0xb6: {  	_ =	sfence  }
0xb7: {  	s30 =	sld [smem:$0x0];
	_ =	sdelay $0x2  }
0xb8: {  	s31 =	sshll.u32 s1, $0xD;
	s1 =	sshrl.u32 s1, $0x2  }
0xb9: {  	s3 =	sand.u32 $0x4000, s31;
	s1 =	sadd.s32 s1, s30  }
0xba: {  	s0 =	sor.u32 s3, s0;
	s1 =	sshll.u32 s1, $0x11  }
0xbb: {  	s0 =	sor.u32 s1, s0  }
0xbc: {  	s0 =	sadd.s32 $0x8F2B, s0  }
0xbd: {  	[sflag:s0] =	ssyncadd.remote.s32 $0x1  }
0xbe: {  	_ =	sfence.sel $0xFFFF  }
0xbf: {  	[dreg:$0x0] =	wrdreg $0xFFFFFFFF;
	(pc) =	sbr.abs _section_cstart, $3  }
0xc0: {  	[dreg:$0x1] =	wrdreg $0xFFFFFFFF  }
0xc1: {  	_ =	task.clear_ibuf [dreg:s6], $0x2FFFF;
	_ =	strace $0x9FFFFFFF  }
0xc2: {  	(tm) =	ssettm $0x7FFFFFFF  }
0xc3: {  	_ =	shalt  }
tec
execute0_lowered:
.L_overlay_start_1:
0x0: {  	(tag) =	ssettag $0x1  }
0x1: {  	s0 =	rddreg [dreg:$0x0]  }
0x2: {  	s1 =	rddreg [dreg:$0x1];
	s2 =	simm.s32 $0x0  }
0x3: {  	s10 =	srdreg.scid;
	s9 =	stileid.u32;
	s28 =	simm.s32 $0x1  }
0x4: {  	s29 =	simm.s32 $0x11600;
	s30 =	simm.s32 $0x2;
	s31 =	simm.s32 $0x3  }
0x5: {  	[smem:$0x7FF] =	sst s2;
	s3 =	sadd.s32 $0x2E00, s0;
	s2 =	sand.u32 $0x1, s10  }
0x6: {  	s4 =	sadd.s32 $0x22E00, s0;
	s5 =	sshll.u32 s9, $0xA;
	s8 =	sshll.u32 s9, $0xD  }
0x7: {  	s14 =	sshll.u32 s9, $0xC;
	_ =	strace $0x80000047;
	s6 =	sshll.u32 s2, $0x9  }
0x8: {  	s7 =	ssub.s32 $0x2, s2;
	s0 =	sadd.s32 s8, s0;
	s16 =	sshll.u32 s2, $0xC  }
0x9: {  	s5 =	sor.u32 s6, s5;
	s11 =	sshrl.u32 s7, $0x1;
	s18 =	sor.u32 s16, s8  }
0xa: {  	s0 =	sadd.s32 s16, s0;
	s6 =	simm.s32 $0x6;
	s8 =	simm.s32 $0x7  }
0xb: {  	s10 =	sadd.s32 s4, s5;
	s12 =	ssub.s32 s7, s11;
	s7 =	sadd.s32 s14, s1  }
0xc: {  	s19 =	sor.u32 $0x380, s18;
	s0 =	sadd.s32 $0x26E00, s0;
	s22 =	sor.u32 $0x300, s18  }
0xd: {  	s23 =	sor.u32 $0x280, s18;
	s2 =	sor.u32 $0x200, s18;
	s18 =	simm.s32 $0x9  }
0xe: {  	s13 =	sadd.s32 $0x10, s10;
	s15 =	sadd.s32 $0x20, s10;
	[dreg:$0x3] =	wrdreg s10  }
0xf: {  	s17 =	sadd.s32 $0x30, s10;
	s9 =	sadd.s32 $0x400, s7;
	s10 =	sadd.s32 $0x800, s7  }
0x10: {  	s11 =	sadd.s32 $0xC00, s7;
	s5 =	smax.u32 s12, $0x1;
	[dreg:$0x8] =	wrdreg s0  }
0x11: {  	s20 =	sshrl.u32 s19, $0x3;
	s0 =	sshrl.u32 s22, $0x3;
	[dreg:$0x4] =	wrdreg s13  }
0x12: {  	s24 =	sshrl.u32 s23, $0x3;
	s25 =	sshrl.u32 s2, $0x3;
	[dreg:$0x5] =	wrdreg s15  }
0x13: {  	s19 =	simm.s32 $0x80;
	s12 =	simm.s32 $0x8;
	[dreg:$0x6] =	wrdreg s17  }
.Ltmp0:
0x14: {  	[dreg:$0x7] =	wrdreg s5;
	s21 =	sadd.s32 s20, s4;
	(pc) =	sbr.rel .LBB2_1-.Ltmp0, $4  }
0x15: {  	s2 =	simm.s32 $0x0;
	s0 =	sadd.s32 s0, s4;
	[dreg:$0x9] =	wrdreg s21  }
0x16: {  	v0 =	vimm.s32 $0x0;
	v1 =	vimm.f32 $0.0e+00;
	v2 =	vimm.s32 $0x1;
	s26 =	sadd.s32 s25, s4;
	s25 =	simm.s32 $0xC200;
	[dreg:$0xa] =	wrdreg s0  }
0x17: {  	v3 =	vimm.s32 $0x2;
	v4 =	vimm.s32 $0x3;
	v5 =	vimm.s32 $0x4;
	s0 =	sadd.s32 s24, s4;
	[dreg:$0xc] =	wrdreg s26;
	s24 =	simm.s32 $0x180  }
0x18: {  	v6 =	vimm.s32 $0x5;
	v7 =	vimm.s32 $0x6;
	v8 =	vimm.s32 $0x7;
	s26 =	simm.s32 $0x11200;
	[dreg:$0xb] =	wrdreg s0;
	s0 =	simm.s32 $0x4  }
.LBB2_4:
0x19: {  	s1 =	simm.s32 $0x5  }
0x1a: {  	_ =	swait.ge [sflag:s1], $0x80  }
0x1b: {  	[sflag:s1] =	ssyncset.done $0x0  }
0x1c: {  	[sflag:s1] =	ssyncadd.s32 $0xFFFFFF80  }
0x1d: {  	_ =	swait.ge [sflag:s6], $0x80  }
0x1e: {  	[sflag:s6] =	ssyncset.done $0x0  }
0x1f: {  	[sflag:s6] =	ssyncadd.s32 $0xFFFFFF80  }
0x20: {  	_ =	swait.ge [sflag:s8], $0x80  }
0x21: {  	[sflag:s8] =	ssyncset.done $0x0  }
0x22: {  	[sflag:s8] =	ssyncadd.s32 $0xFFFFFF80  }
0x23: {  	_ =	swait.ge [sflag:s12], $0x80  }
0x24: {  	s2 =	rddreg [dreg:$0xd]  }
0x25: {  	s23 =	rddreg [dreg:$0x7];
	s2 =	sadd.s32 $0x1, s2  }
0x26: {  	p0 =	sne.s32 s2, s23  }
.Ltmp1:
0x27: {  	_ = 	snop;
	(pc) =	sbr.rel @!p0 .LBB2_5-.Ltmp1, $3  }
0x28: {  	_ =	sdelay $0x1  }
0x29: {  	[sflag:s12] =	ssyncset.done $0x0  }
0x2a: {  	[sflag:s12] =	ssyncadd.s32 $0xFFFFFF80  }
.LBB2_1:
0x2b: {  	[tilespmem:$0x11600] =	vst v0  }
0x2c: {  	[tilespmem:$0x11200] =	vst v1  }
0x2d: {  	[tilespmem:$0x11210] =	vst v1  }
0x2e: {  	[tilespmem:$0x11220] =	vst v1  }
0x2f: {  	[tilespmem:$0x11230] =	vst v1  }
0x30: {  	[tilespmem:$0x11240] =	vst v1  }
0x31: {  	[tilespmem:$0x11250] =	vst v1  }
0x32: {  	[tilespmem:$0x11260] =	vst v1  }
0x33: {  	[tilespmem:$0x11270] =	vst v1  }
0x34: {  	[tilespmem:$0x11610] =	vst v2  }
0x35: {  	[tilespmem:$0x11280] =	vst v1  }
0x36: {  	[tilespmem:$0x11290] =	vst v1  }
0x37: {  	[tilespmem:$0x112A0] =	vst v1  }
0x38: {  	[tilespmem:$0x112B0] =	vst v1  }
0x39: {  	[tilespmem:$0x112C0] =	vst v1  }
0x3a: {  	[tilespmem:$0x112D0] =	vst v1  }
0x3b: {  	[tilespmem:$0x112E0] =	vst v1  }
0x3c: {  	[tilespmem:$0x112F0] =	vst v1  }
0x3d: {  	[tilespmem:$0x11620] =	vst v3  }
0x3e: {  	[tilespmem:$0x11300] =	vst v1  }
0x3f: {  	[tilespmem:$0x11310] =	vst v1  }
0x40: {  	[tilespmem:$0x11320] =	vst v1  }
0x41: {  	[tilespmem:$0x11330] =	vst v1  }
0x42: {  	[tilespmem:$0x11340] =	vst v1  }
0x43: {  	[tilespmem:$0x11350] =	vst v1  }
0x44: {  	[tilespmem:$0x11360] =	vst v1  }
0x45: {  	[tilespmem:$0x11370] =	vst v1  }
0x46: {  	[tilespmem:$0x11630] =	vst v4  }
0x47: {  	[tilespmem:$0x11380] =	vst v1  }
0x48: {  	[tilespmem:$0x11390] =	vst v1  }
0x49: {  	[tilespmem:$0x113A0] =	vst v1  }
0x4a: {  	[tilespmem:$0x113B0] =	vst v1  }
0x4b: {  	[tilespmem:$0x113C0] =	vst v1  }
0x4c: {  	[tilespmem:$0x113D0] =	vst v1  }
0x4d: {  	[tilespmem:$0x113E0] =	vst v1  }
0x4e: {  	[tilespmem:$0x113F0] =	vst v1  }
0x4f: {  	[tilespmem:$0x11640] =	vst v5  }
0x50: {  	[tilespmem:$0x11400] =	vst v1  }
0x51: {  	[tilespmem:$0x11410] =	vst v1  }
0x52: {  	[tilespmem:$0x11420] =	vst v1  }
0x53: {  	[tilespmem:$0x11430] =	vst v1  }
0x54: {  	[tilespmem:$0x11440] =	vst v1  }
0x55: {  	[tilespmem:$0x11450] =	vst v1  }
0x56: {  	[tilespmem:$0x11460] =	vst v1  }
0x57: {  	[tilespmem:$0x11470] =	vst v1  }
0x58: {  	[tilespmem:$0x11650] =	vst v6  }
0x59: {  	[tilespmem:$0x11480] =	vst v1  }
0x5a: {  	[tilespmem:$0x11490] =	vst v1  }
0x5b: {  	[tilespmem:$0x114A0] =	vst v1  }
0x5c: {  	[tilespmem:$0x114B0] =	vst v1  }
0x5d: {  	[tilespmem:$0x114C0] =	vst v1  }
0x5e: {  	[tilespmem:$0x114D0] =	vst v1  }
0x5f: {  	[tilespmem:$0x114E0] =	vst v1  }
0x60: {  	[tilespmem:$0x114F0] =	vst v1  }
0x61: {  	[tilespmem:$0x11660] =	vst v7  }
0x62: {  	[tilespmem:$0x11500] =	vst v1  }
0x63: {  	[tilespmem:$0x11510] =	vst v1  }
0x64: {  	[tilespmem:$0x11520] =	vst v1  }
0x65: {  	[tilespmem:$0x11530] =	vst v1  }
0x66: {  	[tilespmem:$0x11540] =	vst v1  }
0x67: {  	[tilespmem:$0x11550] =	vst v1  }
0x68: {  	[tilespmem:$0x11560] =	vst v1  }
0x69: {  	[tilespmem:$0x11570] =	vst v1  }
0x6a: {  	[tilespmem:$0x11670] =	vst v8  }
0x6b: {  	[tilespmem:$0x11580] =	vst v1  }
0x6c: {  	[tilespmem:$0x11590] =	vst v1  }
0x6d: {  	[tilespmem:$0x115A0] =	vst v1  }
0x6e: {  	[tilespmem:$0x115B0] =	vst v1  }
0x6f: {  	[tilespmem:$0x115C0] =	vst v1  }
0x70: {  	[tilespmem:$0x115D0] =	vst v1  }
0x71: {  	[dreg:$0xd] =	wrdreg s2;
	[tilespmem:$0x115E0] =	vst v1  }
0x72: {  	[tilespmem:$0x115F0] =	vst v1;
	s1 =	simm.s32 $0x0;
	s15 =	rddreg [dreg:$0x3]  }
0x73: {  	[tilespmem:s1], [sflag:$0x9] =	stream.linear.gather [hbm4b:s15+s1], $0x80, $0x38;
	[tilespmem:$0x11680] =	vst v63  }
0x74: {  	_ =	swait.ge [sflag:s18], $0x80  }
0x75: {  	[sflag:s18] =	ssyncset.done $0x0  }
0x76: {  	s16 =	simm.s32 $0x200;
	[sflag:s18] =	ssyncadd.s32 $0xFFFFFF80  }
0x77: {  	[tilespmem:s16], [sflag:$0x1] =	stream.indirect.gather [hbm4b:s3+s19], $0x80, s1, s19, $0xb8;
	[tilespmem:$0x11680] =	vst v63  }
0x78: {  	s17 =	rddreg [dreg:$0x4]  }
0x79: {  	[tilespmem:s19], [sflag:$0x9] =	stream.linear.gather [hbm4b:s17+s1], $0x80, $0x38;
	[tilespmem:$0x11680] =	vst v63  }
0x7a: {  	_ =	swait.ge [sflag:s18], $0x80  }
0x7b: {  	[sflag:s18] =	ssyncset.done $0x0  }
0x7c: {  	s20 =	simm.s32 $0x4200;
	[sflag:s18] =	ssyncadd.s32 $0xFFFFFF80  }
0x7d: {  	[tilespmem:s20], [sflag:$0x2] =	stream.indirect.gather [hbm4b:s3+s19], $0x80, s19, s19, $0xb8;
	[tilespmem:$0x11680] =	vst v63  }
0x7e: {  	s4 =	simm.s32 $0x100;
	s21 =	rddreg [dreg:$0x5]  }
0x7f: {  	[tilespmem:s4], [sflag:$0x9] =	stream.linear.gather [hbm4b:s21+s1], $0x80, $0x38;
	[tilespmem:$0x11680] =	vst v63  }
0x80: {  	_ =	swait.ge [sflag:s18], $0x80  }
0x81: {  	[sflag:s18] =	ssyncset.done $0x0  }
0x82: {  	s22 =	simm.s32 $0x8200;
	[sflag:s18] =	ssyncadd.s32 $0xFFFFFF80  }
0x83: {  	[tilespmem:s22], [sflag:$0x3] =	stream.indirect.gather [hbm4b:s3+s19], $0x80, s4, s19, $0xb8;
	[tilespmem:$0x11680] =	vst v63  }
0x84: {  	s23 =	rddreg [dreg:$0x6]  }
0x85: {  	[tilespmem:s24], [sflag:$0x9] =	stream.linear.gather [hbm4b:s23+s1], $0x80, $0x38;
	[tilespmem:$0x11680] =	vst v63  }
0x86: {  	_ =	swait.ge [sflag:s18], $0x80  }
0x87: {  	s17 =	rddreg [dreg:$0xc]  }
0x88: {  	s16 =	rddreg [dreg:$0xb]  }
0x89: {  	[sflag:s18] =	ssyncset.done $0x0;
	s4 =	rddreg [dreg:$0xa]  }
0x8a: {  	s15 =	simm.s32 $0x0;
	s22 =	rddreg [dreg:$0x9];
	[sflag:s18] =	ssyncadd.s32 $0xFFFFFF80  }
0x8b: {  	[tilespmem:s25], [sflag:$0x4] =	stream.indirect.gather [hbm4b:s3+s19], $0x80, s24, s19, $0xb8;
	[tilespmem:$0x11680] =	vst v63  }
.LBB2_2:
0x8c: {  	p0 =	seq.s32 s15, $0x0  }
0x8d: {  	s1 =	simm.s32 @!p0 $0x5  }
0x8e: {  	_ =	swait.ge @!p0 [sflag:s1], $0x80  }
0x8f: {  	[sflag:s1] =	ssyncset.done @!p0 $0x0  }
0x90: {  	[sflag:s1] =	ssyncadd.s32 @!p0 $0xFFFFFF80  }
0x91: {  	[spmem:s7] =	stream.linear.scatter [tilespmem:s26], [sflag:$0x9], $0x400, $0x38;
	[tilespmem:$0x11680] =	vst v63  }
0x92: {  	_ =	swait.ge [sflag:s18], $0x400  }
0x93: {  	[sflag:s18] =	ssyncset.done $0x0  }
0x94: {  	[sflag:s18] =	ssyncadd.s32 $0xFFFFFC00  }
0x95: {  	_ =	swait.ge [sflag:s28], $0x4000  }
0x96: {  	[sflag:s28] =	ssyncset.done $0x0  }
0x97: {  	s14 =	simm.s32 $0x200;
	s20 =	stileid.u32;
	[sflag:s28] =	ssyncadd.s32 $0xFFFFC000  }
0x98: {  	[spmem:s7] =	stream.indirect.scatter.add.f32 [tilespmem:s14], [sflag:$0x9], $0x80, s29, s19, $0xb8;
	[tilespmem:$0x11680] =	vst v63  }
0x99: {  	s2 =	sshrl.u32 s7, $0x3;
	s5 =	sshll.u32 s20, $0x6;
	_ =	swait.ge [sflag:s18], $0x4000  }
0x9a: {  	s23 =	sor.u32 $0x1C05, s5;
	[sflag:s18] =	ssyncset.done $0x0;
	s21 =	rddreg [dreg:$0x8]  }
0x9b: {  	p0 =	seq.s32 s15, $0xE00;
	[sflag:s18] =	ssyncadd.s32 $0xFFFFC000;
	s14 =	sadd.s32 s15, s21  }
0x9c: {  	[hbm:s14], [sflag:s23] =	dma.local [spmem:s2], $0x80  }
0x9d: {  	s1 =	simm.s32 @!p0 $0x0;
	s2 =	simm.s32 @!p0 $0x9  }
0x9e: {  	[tilespmem:s1], [sflag:$0x9] =	stream.linear.gather @!p0 [hbm4b:s17+s1], $0x80, $0x38;
	[tilespmem:$0x11680] =	vst v63  }
0x9f: {  	_ =	swait.ge @!p0 [sflag:s2], $0x80  }
0xa0: {  	p1 =	seq.s32 @!p0 s15, $0x0;
	s20 =	simm.s32 @!p0 $0x80;
	[sflag:s2] =	ssyncset.done @!p0 $0x0  }
0xa1: {  	p1 =	por p0, !p1;
	s21 =	simm.s32 @!p0 $0x200;
	[sflag:s2] =	ssyncadd.s32 @!p0 $0xFFFFFF80  }
0xa2: {  	[tilespmem:s21], [sflag:$0x1] =	stream.indirect.gather @!p0 [hbm4b:s3+s20], $0x80, s1, s20, $0xb8;
	[tilespmem:$0x11680] =	vst v63  }
0xa3: {  	_ =	swait.ge @p1 [sflag:s6], $0x80  }
0xa4: {  	[sflag:s6] =	ssyncset.done @p1 $0x0  }
0xa5: {  	[sflag:s6] =	ssyncadd.s32 @p1 $0xFFFFFF80  }
0xa6: {  	[spmem:s9] =	stream.linear.scatter [tilespmem:s26], [sflag:$0x9], $0x400, $0x38;
	[tilespmem:$0x11680] =	vst v63  }
0xa7: {  	_ =	swait.ge [sflag:s18], $0x400  }
0xa8: {  	[sflag:s18] =	ssyncset.done $0x0  }
0xa9: {  	[sflag:s18] =	ssyncadd.s32 $0xFFFFFC00  }
0xaa: {  	_ =	swait.ge [sflag:s30], $0x4000  }
0xab: {  	[sflag:s30] =	ssyncset.done $0x0  }
0xac: {  	s13 =	simm.s32 $0x4200;
	[sflag:s30] =	ssyncadd.s32 $0xFFFFC000  }
0xad: {  	[spmem:s9] =	stream.indirect.scatter.add.f32 [tilespmem:s13], [sflag:$0x9], $0x80, s29, s19, $0xb8;
	[tilespmem:$0x11680] =	vst v63  }
0xae: {  	_ =	swait.ge [sflag:s18], $0x4000  }
0xaf: {  	s23 =	sor.u32 $0x1C06, s5;
	[sflag:s18] =	ssyncset.done $0x0  }
0xb0: {  	s21 =	sadd.s32 $0x80, s14;
	s13 =	sshrl.u32 s9, $0x3;
	[sflag:s18] =	ssyncadd.s32 $0xFFFFC000  }
0xb1: {  	[hbm:s21], [sflag:s23] =	dma.local [spmem:s13], $0x80  }
0xb2: {  	[tilespmem:s20], [sflag:$0x9] =	stream.linear.gather @!p0 [hbm4b:s16+s1], $0x80, $0x38;
	[tilespmem:$0x11680] =	vst v63  }
0xb3: {  	_ =	swait.ge @!p0 [sflag:s2], $0x80  }
0xb4: {  	[sflag:s2] =	ssyncset.done @!p0 $0x0  }
0xb5: {  	s1 =	simm.s32 @!p0 $0x4200;
	[sflag:s2] =	ssyncadd.s32 @!p0 $0xFFFFFF80  }
0xb6: {  	[tilespmem:s1], [sflag:$0x2] =	stream.indirect.gather @!p0 [hbm4b:s3+s20], $0x80, s20, s20, $0xb8;
	[tilespmem:$0x11680] =	vst v63  }
0xb7: {  	_ =	swait.ge @p1 [sflag:s8], $0x80  }
0xb8: {  	[sflag:s8] =	ssyncset.done @p1 $0x0  }
0xb9: {  	[sflag:s8] =	ssyncadd.s32 @p1 $0xFFFFFF80  }
0xba: {  	[spmem:s10] =	stream.linear.scatter [tilespmem:s26], [sflag:$0x9], $0x400, $0x38;
	[tilespmem:$0x11680] =	vst v63  }
0xbb: {  	_ =	swait.ge [sflag:s18], $0x400  }
0xbc: {  	[sflag:s18] =	ssyncset.done $0x0  }
0xbd: {  	[sflag:s18] =	ssyncadd.s32 $0xFFFFFC00  }
0xbe: {  	_ =	swait.ge [sflag:s31], $0x4000  }
0xbf: {  	[sflag:s31] =	ssyncset.done $0x0  }
0xc0: {  	s13 =	simm.s32 $0x8200;
	[sflag:s31] =	ssyncadd.s32 $0xFFFFC000  }
0xc1: {  	[spmem:s10] =	stream.indirect.scatter.add.f32 [tilespmem:s13], [sflag:$0x9], $0x80, s29, s19, $0xb8;
	[tilespmem:$0x11680] =	vst v63  }
0xc2: {  	s21 =	sor.u32 $0x1C07, s5;
	_ =	swait.ge [sflag:s18], $0x4000  }
0xc3: {  	s23 =	sshrl.u32 s10, $0x3;
	s2 =	simm.s32 @!p0 $0x100;
	[sflag:s18] =	ssyncset.done $0x0  }
0xc4: {  	s20 =	sadd.s32 $0x100, s14;
	s1 =	simm.s32 @!p0 $0x0;
	[sflag:s18] =	ssyncadd.s32 $0xFFFFC000  }
0xc5: {  	[hbm:s20], [sflag:s21] =	dma.local [spmem:s23], $0x80  }
0xc6: {  	[tilespmem:s2], [sflag:$0x9] =	stream.linear.gather @!p0 [hbm4b:s4+s1], $0x80, $0x38;
	[tilespmem:$0x11680] =	vst v63  }
0xc7: {  	s1 =	simm.s32 @!p0 $0x9  }
0xc8: {  	_ =	swait.ge @!p0 [sflag:s1], $0x80  }
0xc9: {  	[sflag:s1] =	ssyncset.done @!p0 $0x0  }
0xca: {  	s13 =	simm.s32 @!p0 $0x8200;
	[sflag:s1] =	ssyncadd.s32 @!p0 $0xFFFFFF80;
	s1 =	simm.s32 @!p0 $0x80  }
0xcb: {  	[tilespmem:s13], [sflag:$0x3] =	stream.indirect.gather @!p0 [hbm4b:s3+s1], $0x80, s2, s1, $0xb8;
	[tilespmem:$0x11680] =	vst v63  }
0xcc: {  	_ =	swait.ge @p1 [sflag:s12], $0x80  }
0xcd: {  	[sflag:s12] =	ssyncset.done @p1 $0x0  }
0xce: {  	[sflag:s12] =	ssyncadd.s32 @p1 $0xFFFFFF80  }
0xcf: {  	[spmem:s11] =	stream.linear.scatter [tilespmem:s26], [sflag:$0x9], $0x400, $0x38;
	[tilespmem:$0x11680] =	vst v63  }
0xd0: {  	_ =	swait.ge [sflag:s18], $0x400  }
0xd1: {  	[sflag:s18] =	ssyncset.done $0x0  }
0xd2: {  	[sflag:s18] =	ssyncadd.s32 $0xFFFFFC00  }
0xd3: {  	_ =	swait.ge [sflag:s0], $0x4000  }
0xd4: {  	[sflag:s0] =	ssyncset.done $0x0  }
0xd5: {  	[sflag:s0] =	ssyncadd.s32 $0xFFFFC000  }
0xd6: {  	[spmem:s11] =	stream.indirect.scatter.add.f32 [tilespmem:s25], [sflag:$0x9], $0x80, s29, s19, $0xb8;
	[tilespmem:$0x11680] =	vst v63  }
.Ltmp2:
0xd7: {  	_ = 	snop;
	(pc) =	sbr.rel @p0 .LBB2_4-.Ltmp2, $4  }
0xd8: {  	_ =	swait.ge [sflag:s18], $0x4000  }
0xd9: {  	s20 =	sadd.s32 $0x180, s14;
	[sflag:s18] =	ssyncset.done $0x0  }
0xda: {  	s21 =	sor.u32 $0x1C08, s5;
	s23 =	sshrl.u32 s11, $0x3;
	[sflag:s18] =	ssyncadd.s32 $0xFFFFC000  }
0xdb: {  	[hbm:s20], [sflag:s21] =	dma.local [spmem:s23], $0x80  }
0xdc: {  	s1 =	simm.s32 $0x0  }
0xdd: {  	[tilespmem:s24], [sflag:$0x9] =	stream.linear.gather [hbm4b:s22+s1], $0x80, $0x38;
	[tilespmem:$0x11680] =	vst v63  }
.Ltmp3:
0xde: {  	_ = 	snop;
	(pc) =	sbr.rel .LBB2_2-.Ltmp3, $4  }
0xdf: {  	s15 =	sadd.s32 $0x200, s15;
	_ =	swait.ge [sflag:s18], $0x80  }
0xe0: {  	s4 =	sadd.s32 $0x40, s4;
	s16 =	sadd.s32 $0x40, s16;
	[sflag:s18] =	ssyncset.done $0x0  }
0xe1: {  	s17 =	sadd.s32 $0x40, s17;
	s22 =	sadd.s32 $0x40, s22;
	[sflag:s18] =	ssyncadd.s32 $0xFFFFFF80  }
0xe2: {  	[tilespmem:s25], [sflag:$0x4] =	stream.indirect.gather [hbm4b:s3+s19], $0x80, s24, s19, $0xb8;
	[tilespmem:$0x11680] =	vst v63  }
.LBB2_5:
0xe3: {  	_ =	sfence.sel $0x180000  }
0xe4: {  	[bflag:$0x0] =	sbarrier.arrive $0xFFFF  }
0xe5: {  	_ =	strace $0x90000047  }
0xe6: {  	s0 =	stileid.u32;
	[bflag:$0x2] =	sbarrier.arrive $0xFFFF  }
0xe7: {  	p0 =	sne.s32 s0, $0x0;
	s0 =	rddreg [dreg:$0x2]  }
0xe8: {  	s0 =	sadd.s32 @!p0 $0x100000, s0  }
0xe9: {  	[sflag:s0] =	ssyncadd.tile.s32 @!p0 $0x1;
	_ =	shalt  }
.Lfunc_end2:
_tile_overlayer_lowered:
.L_overlay_start_2:
0xea: {  	(tag) =	ssettag $0x2  }
0xeb: {  	s0 =	rddreg [dreg:$0x0];
	s2 =	stileid.u32  }
0xec: {  	s1 =	rddreg [dreg:$0x1];
	p0 =	sne.s32 s2, $0x0  }
0xed: {  	s3 =	rddreg [dreg:$0x2];
	[bflag:$0x3] =	sbarrier.arrive $0xFFFF;
	s2 =	simm.s32 @!p0 $0x1C09  }
0xee: {  	[timem:s3], [sflag:s2] =	dma.local @!p0 [hbm:s0], s1  }
0xef: {  	s0 =	simm.s32 @!p0 $0x9  }
0xf0: {  	_ =	swait.ge @!p0 [sflag:s0], s1  }
0xf1: {  	s1 =	ssub.s32 @!p0 $0x0, s1;
	[sflag:s0] =	ssyncset.done @!p0 $0x0  }
0xf2: {  	[sflag:s0] =	ssyncadd.s32 @!p0 s1  }
0xf3: {  	[bflag:$0x3] =	sbarrier.arrive $0xFFFF  }
0xf4: {  	_ =	shalt  }

// kernel: kernel.7.cloned.1.call-start
scs
__scs_entry_jumppad:
0x0: {  	(pc) =	sbr.rel $0x88, $3  }
0x1: {  	(tag) =	ssettag $0x0;
	lr =	simm.s32 $0x1  }
0x2: {  	[smem:$0x3F97] =	sst lr;
	_ =	strace $0xD0000000  }
0x3: {  	_ = 	snop  }
0x4: {  	_ = 	snop  }
0x5: {  	_ = 	snop  }
0x6: {  	_ = 	snop  }
0x7: {  	_ = 	snop  }
__scs_overlays_trampoline_lowered:
0x8: {  	[smem:$0x3FA6] =	sst s0  }
0x9: {  	[smem:$0x3FA7] =	sst s1  }
0xa: {  	[smem:$0x3FA8] =	sst s2  }
0xb: {  	[smem:$0x3FA9] =	sst s3  }
0xc: {  	[smem:$0x3FAA] =	sst s4  }
0xd: {  	[smem:$0x3FAB] =	sst s5  }
0xe: {  	[smem:$0x3FAC] =	sst s6  }
0xf: {  	[smem:$0x3FAD] =	sst s7  }
0x10: {  	[smem:$0x3FAE] =	sst s8  }
0x11: {  	[smem:$0x3FAF] =	sst s9;
	s0 =	simm.s32 @!p0 $0x0  }
0x12: {  	s1 =	sld [smem:$0x3F95];
	s0 =	simm.s32 @p0 $0x1  }
0x13: {  	[smem:$0x3FB0] =	sst s0;
	s0 =	simm.s32 @!p1 $0x0  }
0x14: {  	s2 =	sld [smem:$0x3F94];
	s0 =	simm.s32 @p1 $0x1  }
0x15: {  	[smem:$0x3FB1] =	sst s0;
	s0 =	simm.s32 @!p2 $0x0  }
0x16: {  	s3 =	sld [smem:$0x3FDB];
	s0 =	simm.s32 @p2 $0x1  }
0x17: {  	s4 =	simm.s32 $0x1BF5;
	[smem:$0x3FB3] =	sst s0  }
0x18: {  	s0 =	sld [smem:$0x3F96];
	_ =	swait.ge [sflag:s4], $0x0  }
0x19: {  	s7 =	sld [smem:$0x3F97]  }
0x1a: {  	s8 =	sadd.s32 $0xFFFFE003, lr  }
0x1b: {  	s9 =	sadd.s32 $0xFFFFFEF7, lr;
	s5 =	simm.s32 $0xFFFFFFFF;
	p2 =	slt.u32 s8, $0xFFFFF086  }
0x1c: {  	p1 =	slt.u32 s9, $0xF7A;
	s5 =	simm.s32 @!p2 $0x0  }
0x1d: {  	s5 =	simm.s32 @p1 $0x1;
	p0 =	seq.s32 s7, s2  }
0x1e: {  	s7 =	smul.u32 @!p0 $0xF7A, s2;
	p2 =	seq.s32 @!p0 s5, $0x0  }
0x1f: {  	s9 =	smul.u32 $0xF7A, s1;
	s8 =	simm.s32 @!p0 $0x1BF5;
	p2 =	por !p2, p0  }
0x20: {  	[sflag:s8] =	ssyncset.s32 @!p0 $0xFFFFF086;
	s6 =	sadd.s32 @!p0 s3, s7;
	s7 =	simm.s32 @!p0 $0x108  }
0x21: {  	s3 =	sadd.s32 s3, s9;
	s6 =	sadd.s32 @!p0 $0x88, s6;
	s7 =	simm.s32 @p2 $0x1082  }
0x22: {  	[simem:s7], [sflag:s8] =	dma.local @!p0 [hbm:s6], $0xF7A  }
0x23: {  	s9 =	sor.u32 $0xD0000000, s2;
	s6 =	simm.s32 $0x108;
	_ =	swait.ge @!p0 [sflag:s8], $0x0  }
0x24: {  	s3 =	sadd.s32 $0x88, s3;
	s6 =	simm.s32 @!p1 $0x1082;
	[sflag:s4] =	ssyncset.s32 $0xFFFFF086  }
0x25: {  	[simem:s6], [sflag:s4] =	dma.local [hbm:s3], $0xF7A  }
0x26: {  	[smem:$0x3F97] =	sst s1;
	(tag) =	ssettag s2;
	_ =	strace s9  }
0x27: {  	s1 =	sld [smem:$0x3FA7]  }
0x28: {  	s2 =	sld [smem:$0x3FA8]  }
0x29: {  	s4 =	sld [smem:$0x3FAA]  }
0x2a: {  	p0 =	seq.s32 s5, $0x0;
	s5 =	sld [smem:$0x3FAB]  }
0x2b: {  	s6 =	sld [smem:$0x3FAC]  }
0x2c: {  	s7 =	sld [smem:$0x3FAD]  }
0x2d: {  	s3 =	simm.s32 $0x108;
	s8 =	sld [smem:$0x3FAE]  }
0x2e: {  	s3 =	simm.s32 @!p0 $0x1082;
	s9 =	sld [smem:$0x3FAF]  }
0x2f: {  	lr =	sadd.s32 s0, s3;
	s0 =	sld [smem:$0x3FA6]  }
0x30: {  	s3 =	sld [smem:$0x3FA9]  }
0x31: {  	[smem:$0x3FB2] =	sst s10  }
0x32: {  	s10 =	sld [smem:$0x3FB0];
	_ =	sdelay $0x3  }
0x33: {  	p0 =	seq.s32 s10, $0x1;
	s10 =	sld [smem:$0x3FB2];
	_ =	sdelay $0x3  }
0x34: {  	[smem:$0x3FB2] =	sst s10  }
0x35: {  	s10 =	sld [smem:$0x3FB1];
	_ =	sdelay $0x3  }
0x36: {  	p1 =	seq.s32 s10, $0x1;
	s10 =	sld [smem:$0x3FB2];
	_ =	sdelay $0x3  }
0x37: {  	[smem:$0x3FB2] =	sst s10  }
0x38: {  	s10 =	sld [smem:$0x3FB3]  }
0x39: {  	_ = 	snop;
	(pc) =	sbr.ind lr, $3  }
0x3a: {  	_ = 	snop  }
0x3b: {  	_ = 	snop  }
0x3c: {  	p2 =	seq.s32 s10, $0x1;
	s10 =	sld [smem:$0x3FB2]  }
0x3d: {  	_ =	shalt  }
0x3e: {  	_ =	shalt  }
0x3f: {  	_ =	shalt  }
0x40: {  	_ =	shalt  }
0x41: {  	_ =	shalt  }
0x42: {  	_ =	shalt  }
0x43: {  	_ =	shalt  }
0x44: {  	_ =	shalt  }
0x45: {  	_ =	shalt  }
0x46: {  	_ =	shalt  }
0x47: {  	_ =	shalt  }
0x48: {  	_ =	shalt  }
0x49: {  	_ =	shalt  }
0x4a: {  	_ =	shalt  }
0x4b: {  	_ =	shalt  }
0x4c: {  	_ =	shalt  }
0x4d: {  	_ =	shalt  }
0x4e: {  	_ =	shalt  }
0x4f: {  	_ =	shalt  }
0x50: {  	_ =	shalt  }
0x51: {  	_ =	shalt  }
0x52: {  	_ =	shalt  }
0x53: {  	_ =	shalt  }
0x54: {  	_ =	shalt  }
0x55: {  	_ =	shalt  }
0x56: {  	_ =	shalt  }
0x57: {  	_ =	shalt  }
0x58: {  	_ =	shalt  }
0x59: {  	_ =	shalt  }
0x5a: {  	_ =	shalt  }
0x5b: {  	_ =	shalt  }
0x5c: {  	_ =	shalt  }
0x5d: {  	_ =	shalt  }
0x5e: {  	_ =	shalt  }
0x5f: {  	_ =	shalt  }
0x60: {  	_ =	shalt  }
0x61: {  	_ =	shalt  }
0x62: {  	_ =	shalt  }
0x63: {  	_ =	shalt  }
0x64: {  	_ =	shalt  }
0x65: {  	_ =	shalt  }
0x66: {  	_ =	shalt  }
0x67: {  	_ =	shalt  }
0x68: {  	_ =	shalt  }
0x69: {  	_ =	shalt  }
0x6a: {  	_ =	shalt  }
0x6b: {  	_ =	shalt  }
0x6c: {  	_ =	shalt  }
0x6d: {  	_ =	shalt  }
0x6e: {  	_ =	shalt  }
0x6f: {  	_ =	shalt  }
0x70: {  	_ =	shalt  }
0x71: {  	_ =	shalt  }
0x72: {  	_ =	shalt  }
0x73: {  	_ =	shalt  }
0x74: {  	_ =	shalt  }
0x75: {  	_ =	shalt  }
0x76: {  	_ =	shalt  }
0x77: {  	_ =	shalt  }
0x78: {  	_ =	shalt  }
0x79: {  	_ =	shalt  }
0x7a: {  	_ =	shalt  }
0x7b: {  	_ =	shalt  }
0x7c: {  	_ =	shalt  }
0x7d: {  	_ =	shalt  }
0x7e: {  	_ =	shalt  }
0x7f: {  	_ =	shalt  }
0x80: {  	_ =	shalt  }
0x81: {  	_ =	shalt  }
0x82: {  	_ =	shalt  }
0x83: {  	_ =	shalt  }
0x84: {  	_ =	shalt  }
0x85: {  	_ =	shalt  }
0x86: {  	_ =	shalt  }
0x87: {  	_ =	shalt  }
.Lfunc_end0:
.L_simem_size_0:
called_computation_lowered:
.L_overlay_start_0:
0x88: {  	s2 =	sld [smem:$0x3FD9]  }
0x89: {  	s3 =	sld [smem:$0x3FFE];
	_ =	sdelay $0x1  }
0x8a: {  	s1 =	srdreg.scid  }
0x8b: {  	s0 =	sand.u32 $0x1, s1  }
0x8c: {  	s17 =	sshll.u32 s0, $0xA;
	s2 =	sadd.s32 s3, s2  }
0x8d: {  	s2 =	sadd.s32 s2, s17  }
0x8e: {  	[smem:$0x3FBE] =	sst s2  }
0x8f: {  	_ = 	snop  }
0x90: {  	(tm) =	ssettm $0x1  }
0x91: {  	s18 =	sld [smem:$0x3FFB];
	_ =	sdelay $0x3  }
0x92: {  	_ =	strace s18  }
0x93: {  	s2 =	sld [smem:$0x3FFC];
	_ =	sdelay $0x3  }
0x94: {  	_ =	strace s2  }
0x95: {  	s2 =	sld [smem:$0x3FFD];
	_ =	sdelay $0x3  }
0x96: {  	_ =	strace s2  }
0x97: {  	_ =	strace $0x8FFFFFFF  }
0x98: {  	s19 =	sld [smem:$0x3FDB];
	_ =	sdelay $0x1  }
0x99: {  	s20 =	simm.s32 $_scs_section_size  }
0x9a: {  	s4 =	simm.s32 $_size__tile_overlayer_lowered;
	s5 =	simm.s32 $_tile_overlayer_lowered  }
0x9b: {  	s6 =	simm.s32 $0x1BFF;
	s21 =	sshll.u32 s5, $0x1;
	s3 =	sadd.s32 s20, s19  }
0x9c: {  	s22 =	simm.s32 $0x0;
	s4 =	sshll.u32 s4, $0x1;
	s5 =	sadd.s32 s21, s3  }
0x9d: {  	[timem:s22], [sflag:s6] =	dma.local [hbm:s5], s4  }
0x9e: {  	_ =	swait.ge [sflag:s6], s4  }
0x9f: {  	s4 =	ssub.s32 $0x0, s4;
	[sflag:s6] =	ssyncset.done $0x0  }
0xa0: {  	[sflag:s6] =	ssyncadd.s32 s4;
	_ =	sdelay $0x1  }
0xa1: {  	s23 =	simm.s32 $0x1B8B  }
0xa2: {  	_ =	swait.ge [sflag:s23], $0x1  }
0xa3: {  	[sflag:s23] =	ssyncset.done $0x0  }
0xa4: {  	[sflag:s23] =	ssyncadd.s32 $0xFFFFFFFF  }
0xa5: {  	s4 =	sld [smem:$0x0]  }
0xa6: {  	s5 =	sand.u32 $0xFFFFFFFE, s1  }
0xa7: {  	p0 =	sne.s32 s1, s5  }
0xa8: {  	s5 =	sshll.u32 @p0 s5, $0xE  }
0xa9: {  	s5 =	sadd.s32 @p0 $0x11B8D, s5;
	s6 =	sshll.u32 @p0 s4, $0x11  }
0xaa: {  	s5 =	sor.u32 @p0 s6, s5  }
0xab: {  	[sflag:s5] =	ssyncadd.remote.s32 @p0 $0x1;
	_ =	sdelay $0x1  }
0xac: {  	s5 =	simm.s32 @p0 $0x1B8D  }
0xad: {  	_ =	swait.eq @p0 [sflag:s5], $0x1  }
0xae: {  	[sflag:s5] =	ssyncadd.s32 @p0 $0xFFFFFFFF  }
0xaf: {  	s6 =	sshll.u32 @!p0 s1, $0xE  }
0xb0: {  	s6 =	sor.u32 @!p0 $0x4000, s6;
	s5 =	simm.s32 @!p0 $0x1B8D  }
0xb1: {  	s4 =	sshll.u32 @!p0 s4, $0x11;
	s6 =	sadd.s32 @!p0 $0x11B8D, s6;
	_ =	swait.eq @!p0 [sflag:s5], $0x1  }
0xb2: {  	s4 =	sor.u32 @!p0 s4, s6;
	[sflag:s5] =	ssyncadd.s32 @!p0 $0xFFFFFFFF  }
0xb3: {  	s25 =	simm.s32 $0x1B8E;
	s24 =	sld [smem:$0x3FFE];
	[sflag:s4] =	ssyncadd.remote.s32 @!p0 $0x1  }
0xb4: {  	s26 =	simm.s32 $execute0_lowered;
	[smem:$0x3FD2] =	sst s25  }
0xb5: {  	s5 =	sshll.u32 s26, $0x1;
	_ =	strace $0x80000049;
	[dreg:$0x1] =	wrdreg $0xFFFFFFFF  }
0xb6: {  	s28 =	simm.s32 $_size_execute0_lowered;
	s3 =	sadd.s32 s3, s5;
	[dreg:$0x0] =	wrdreg $0x0  }
0xb7: {  	s5 =	sshll.u32 s28, $0x1;
	[dreg:$0x2] =	wrdreg s3  }
0xb8: {  	[dreg:$0x3] =	wrdreg s5  }
0xb9: {  	[dreg:$0x4] =	wrdreg $0xC0  }
0xba: {  	_ =	task [dreg:s22], $0x5FFFF  }
0xbb: {  	[dreg:$0x1] =	wrdreg $0xFFFFFFFF  }
0xbc: {  	[dreg:$0x0] =	wrdreg $0x60  }
0xbd: {  	[dreg:$0x2] =	wrdreg s24  }
0xbe: {  	[dreg:$0x3] =	wrdreg $0x102000  }
0xbf: {  	[dreg:$0x4] =	wrdreg $0x9  }
0xc0: {  	_ =	task.clear_ibuf [dreg:s22], $0x5FFFF;
	_ =	strace $0x90000049  }
0xc1: {  	s29 =	simm.s32 $0x9;
	_ =	strace $0x8000004B  }
0xc2: {  	_ =	swait.ge [sflag:s29], $0x1  }
0xc3: {  	[sflag:s29] =	ssyncadd.s32 $0xFFFFFFFF  }
0xc4: {  	_ =	strace $0x9000004B  }
0xc5: {  	_ =	sfence  }
0xc6: {  	s30 =	sld [smem:$0x0];
	_ =	sdelay $0x2  }
0xc7: {  	s31 =	sshll.u32 s1, $0xD;
	s1 =	sshrl.u32 s1, $0x2  }
0xc8: {  	s4 =	sand.u32 $0x4000, s31;
	s1 =	sadd.s32 s1, s30  }
0xc9: {  	s0 =	sor.u32 s4, s0;
	s1 =	sshll.u32 s1, $0x11  }
0xca: {  	s0 =	sor.u32 s1, s0  }
0xcb: {  	s0 =	sadd.s32 $0x8F2B, s0  }
0xcc: {  	[sflag:s0] =	ssyncadd.remote.s32 $0x1  }
0xcd: {  	_ =	sfence.sel $0xFFFF  }
0xce: {  	[dreg:$0x0] =	wrdreg $0xFFFFFFFF;
	(pc) =	sbr.abs _section_cstart, $3  }
0xcf: {  	[dreg:$0x1] =	wrdreg $0xFFFFFFFF  }
0xd0: {  	_ =	task.clear_ibuf [dreg:s22], $0x2FFFF;
	_ =	strace $0x9FFFFFFF  }
0xd1: {  	(tm) =	ssettm $0x7FFFFFFF  }
tec
execute0_lowered:
.L_overlay_start_1:
0x0: {  	(tag) =	ssettag $0x1  }
0x1: {  	s0 =	rddreg [dreg:$0x0]  }
0x2: {  	s1 =	rddreg [dreg:$0x1];
	s2 =	simm.s32 $0x0  }
0x3: {  	s10 =	srdreg.scid;
	s9 =	stileid.u32;
	s28 =	simm.s32 $0x1  }
0x4: {  	s29 =	simm.s32 $0x11600;
	s30 =	simm.s32 $0x2;
	s31 =	simm.s32 $0x3  }
0x5: {  	[smem:$0x7FF] =	sst s2;
	s3 =	sadd.s32 $0x46E00, s0;
	s2 =	sand.u32 $0x1, s10  }
0x6: {  	s4 =	sadd.s32 $0x66E00, s0;
	s5 =	sshll.u32 s9, $0xA;
	s8 =	sshll.u32 s9, $0xD  }
0x7: {  	s14 =	sshll.u32 s9, $0xC;
	_ =	strace $0x8000004A;
	s6 =	sshll.u32 s2, $0x9  }
0x8: {  	s7 =	ssub.s32 $0x2, s2;
	s0 =	sadd.s32 s8, s0;
	s16 =	sshll.u32 s2, $0xC  }
0x9: {  	s5 =	sor.u32 s6, s5;
	s11 =	sshrl.u32 s7, $0x1;
	s18 =	sor.u32 s16, s8  }
0xa: {  	s0 =	sadd.s32 s16, s0;
	s6 =	simm.s32 $0x6;
	s8 =	simm.s32 $0x7  }
0xb: {  	s10 =	sadd.s32 s4, s5;
	s12 =	ssub.s32 s7, s11;
	s7 =	sadd.s32 s14, s1  }
0xc: {  	s19 =	sor.u32 $0x380, s18;
	s0 =	sadd.s32 $0x6AE00, s0;
	s22 =	sor.u32 $0x300, s18  }
0xd: {  	s23 =	sor.u32 $0x280, s18;
	s2 =	sor.u32 $0x200, s18;
	s18 =	simm.s32 $0x9  }
0xe: {  	s13 =	sadd.s32 $0x10, s10;
	s15 =	sadd.s32 $0x20, s10;
	[dreg:$0x3] =	wrdreg s10  }
0xf: {  	s17 =	sadd.s32 $0x30, s10;
	s9 =	sadd.s32 $0x400, s7;
	s10 =	sadd.s32 $0x800, s7  }
0x10: {  	s11 =	sadd.s32 $0xC00, s7;
	s5 =	smax.u32 s12, $0x1;
	[dreg:$0x8] =	wrdreg s0  }
0x11: {  	s20 =	sshrl.u32 s19, $0x3;
	s0 =	sshrl.u32 s22, $0x3;
	[dreg:$0x4] =	wrdreg s13  }
0x12: {  	s24 =	sshrl.u32 s23, $0x3;
	s25 =	sshrl.u32 s2, $0x3;
	[dreg:$0x5] =	wrdreg s15  }
0x13: {  	s19 =	simm.s32 $0x80;
	s12 =	simm.s32 $0x8;
	[dreg:$0x6] =	wrdreg s17  }
.Ltmp0:
0x14: {  	[dreg:$0x7] =	wrdreg s5;
	s21 =	sadd.s32 s20, s4;
	(pc) =	sbr.rel .LBB2_1-.Ltmp0, $4  }
0x15: {  	s2 =	simm.s32 $0x0;
	s0 =	sadd.s32 s0, s4;
	[dreg:$0x9] =	wrdreg s21  }
0x16: {  	v0 =	vimm.s32 $0x0;
	v1 =	vimm.f32 $0.0e+00;
	v2 =	vimm.s32 $0x1;
	s26 =	sadd.s32 s25, s4;
	s25 =	simm.s32 $0xC200;
	[dreg:$0xa] =	wrdreg s0  }
0x17: {  	v3 =	vimm.s32 $0x2;
	v4 =	vimm.s32 $0x3;
	v5 =	vimm.s32 $0x4;
	s0 =	sadd.s32 s24, s4;
	[dreg:$0xc] =	wrdreg s26;
	s24 =	simm.s32 $0x180  }
0x18: {  	v6 =	vimm.s32 $0x5;
	v7 =	vimm.s32 $0x6;
	v8 =	vimm.s32 $0x7;
	s26 =	simm.s32 $0x11200;
	[dreg:$0xb] =	wrdreg s0;
	s0 =	simm.s32 $0x4  }
.LBB2_4:
0x19: {  	s1 =	simm.s32 $0x5  }
0x1a: {  	_ =	swait.ge [sflag:s1], $0x80  }
0x1b: {  	[sflag:s1] =	ssyncset.done $0x0  }
0x1c: {  	[sflag:s1] =	ssyncadd.s32 $0xFFFFFF80  }
0x1d: {  	_ =	swait.ge [sflag:s6], $0x80  }
0x1e: {  	[sflag:s6] =	ssyncset.done $0x0  }
0x1f: {  	[sflag:s6] =	ssyncadd.s32 $0xFFFFFF80  }
0x20: {  	_ =	swait.ge [sflag:s8], $0x80  }
0x21: {  	[sflag:s8] =	ssyncset.done $0x0  }
0x22: {  	[sflag:s8] =	ssyncadd.s32 $0xFFFFFF80  }
0x23: {  	_ =	swait.ge [sflag:s12], $0x80  }
0x24: {  	s2 =	rddreg [dreg:$0xd]  }
0x25: {  	s23 =	rddreg [dreg:$0x7];
	s2 =	sadd.s32 $0x1, s2  }
0x26: {  	p0 =	sne.s32 s2, s23  }
.Ltmp1:
0x27: {  	_ = 	snop;
	(pc) =	sbr.rel @!p0 .LBB2_5-.Ltmp1, $3  }
0x28: {  	_ =	sdelay $0x1  }
0x29: {  	[sflag:s12] =	ssyncset.done $0x0  }
0x2a: {  	[sflag:s12] =	ssyncadd.s32 $0xFFFFFF80  }
.LBB2_1:
0x2b: {  	[tilespmem:$0x11600] =	vst v0  }
0x2c: {  	[tilespmem:$0x11200] =	vst v1  }
0x2d: {  	[tilespmem:$0x11210] =	vst v1  }
0x2e: {  	[tilespmem:$0x11220] =	vst v1  }
0x2f: {  	[tilespmem:$0x11230] =	vst v1  }
0x30: {  	[tilespmem:$0x11240] =	vst v1  }
0x31: {  	[tilespmem:$0x11250] =	vst v1  }
0x32: {  	[tilespmem:$0x11260] =	vst v1  }
0x33: {  	[tilespmem:$0x11270] =	vst v1  }
0x34: {  	[tilespmem:$0x11610] =	vst v2  }
0x35: {  	[tilespmem:$0x11280] =	vst v1  }
0x36: {  	[tilespmem:$0x11290] =	vst v1  }
0x37: {  	[tilespmem:$0x112A0] =	vst v1  }
0x38: {  	[tilespmem:$0x112B0] =	vst v1  }
0x39: {  	[tilespmem:$0x112C0] =	vst v1  }
0x3a: {  	[tilespmem:$0x112D0] =	vst v1  }
0x3b: {  	[tilespmem:$0x112E0] =	vst v1  }
0x3c: {  	[tilespmem:$0x112F0] =	vst v1  }
0x3d: {  	[tilespmem:$0x11620] =	vst v3  }
0x3e: {  	[tilespmem:$0x11300] =	vst v1  }
0x3f: {  	[tilespmem:$0x11310] =	vst v1  }
0x40: {  	[tilespmem:$0x11320] =	vst v1  }
0x41: {  	[tilespmem:$0x11330] =	vst v1  }
0x42: {  	[tilespmem:$0x11340] =	vst v1  }
0x43: {  	[tilespmem:$0x11350] =	vst v1  }
0x44: {  	[tilespmem:$0x11360] =	vst v1  }
0x45: {  	[tilespmem:$0x11370] =	vst v1  }
0x46: {  	[tilespmem:$0x11630] =	vst v4  }
0x47: {  	[tilespmem:$0x11380] =	vst v1  }
0x48: {  	[tilespmem:$0x11390] =	vst v1  }
0x49: {  	[tilespmem:$0x113A0] =	vst v1  }
0x4a: {  	[tilespmem:$0x113B0] =	vst v1  }
0x4b: {  	[tilespmem:$0x113C0] =	vst v1  }
0x4c: {  	[tilespmem:$0x113D0] =	vst v1  }
0x4d: {  	[tilespmem:$0x113E0] =	vst v1  }
0x4e: {  	[tilespmem:$0x113F0] =	vst v1  }
0x4f: {  	[tilespmem:$0x11640] =	vst v5  }
0x50: {  	[tilespmem:$0x11400] =	vst v1  }
0x51: {  	[tilespmem:$0x11410] =	vst v1  }
0x52: {  	[tilespmem:$0x11420] =	vst v1  }
0x53: {  	[tilespmem:$0x11430] =	vst v1  }
0x54: {  	[tilespmem:$0x11440] =	vst v1  }
0x55: {  	[tilespmem:$0x11450] =	vst v1  }
0x56: {  	[tilespmem:$0x11460] =	vst v1  }
0x57: {  	[tilespmem:$0x11470] =	vst v1  }
0x58: {  	[tilespmem:$0x11650] =	vst v6  }
0x59: {  	[tilespmem:$0x11480] =	vst v1  }
0x5a: {  	[tilespmem:$0x11490] =	vst v1  }
0x5b: {  	[tilespmem:$0x114A0] =	vst v1  }
0x5c: {  	[tilespmem:$0x114B0] =	vst v1  }
0x5d: {  	[tilespmem:$0x114C0] =	vst v1  }
0x5e: {  	[tilespmem:$0x114D0] =	vst v1  }
0x5f: {  	[tilespmem:$0x114E0] =	vst v1  }
0x60: {  	[tilespmem:$0x114F0] =	vst v1  }
0x61: {  	[tilespmem:$0x11660] =	vst v7  }
0x62: {  	[tilespmem:$0x11500] =	vst v1  }
0x63: {  	[tilespmem:$0x11510] =	vst v1  }
0x64: {  	[tilespmem:$0x11520] =	vst v1  }
0x65: {  	[tilespmem:$0x11530] =	vst v1  }
0x66: {  	[tilespmem:$0x11540] =	vst v1  }
0x67: {  	[tilespmem:$0x11550] =	vst v1  }
0x68: {  	[tilespmem:$0x11560] =	vst v1  }
0x69: {  	[tilespmem:$0x11570] =	vst v1  }
0x6a: {  	[tilespmem:$0x11670] =	vst v8  }
0x6b: {  	[tilespmem:$0x11580] =	vst v1  }
0x6c: {  	[tilespmem:$0x11590] =	vst v1  }
0x6d: {  	[tilespmem:$0x115A0] =	vst v1  }
0x6e: {  	[tilespmem:$0x115B0] =	vst v1  }
0x6f: {  	[tilespmem:$0x115C0] =	vst v1  }
0x70: {  	[tilespmem:$0x115D0] =	vst v1  }
0x71: {  	[dreg:$0xd] =	wrdreg s2;
	[tilespmem:$0x115E0] =	vst v1  }
0x72: {  	[tilespmem:$0x115F0] =	vst v1;
	s1 =	simm.s32 $0x0;
	s15 =	rddreg [dreg:$0x3]  }
0x73: {  	[tilespmem:s1], [sflag:$0x9] =	stream.linear.gather [hbm4b:s15+s1], $0x80, $0x38;
	[tilespmem:$0x11680] =	vst v63  }
0x74: {  	_ =	swait.ge [sflag:s18], $0x80  }
0x75: {  	[sflag:s18] =	ssyncset.done $0x0  }
0x76: {  	s16 =	simm.s32 $0x200;
	[sflag:s18] =	ssyncadd.s32 $0xFFFFFF80  }
0x77: {  	[tilespmem:s16], [sflag:$0x1] =	stream.indirect.gather [hbm4b:s3+s19], $0x80, s1, s19, $0xb8;
	[tilespmem:$0x11680] =	vst v63  }
0x78: {  	s17 =	rddreg [dreg:$0x4]  }
0x79: {  	[tilespmem:s19], [sflag:$0x9] =	stream.linear.gather [hbm4b:s17+s1], $0x80, $0x38;
	[tilespmem:$0x11680] =	vst v63  }
0x7a: {  	_ =	swait.ge [sflag:s18], $0x80  }
0x7b: {  	[sflag:s18] =	ssyncset.done $0x0  }
0x7c: {  	s20 =	simm.s32 $0x4200;
	[sflag:s18] =	ssyncadd.s32 $0xFFFFFF80  }
0x7d: {  	[tilespmem:s20], [sflag:$0x2] =	stream.indirect.gather [hbm4b:s3+s19], $0x80, s19, s19, $0xb8;
	[tilespmem:$0x11680] =	vst v63  }
0x7e: {  	s4 =	simm.s32 $0x100;
	s21 =	rddreg [dreg:$0x5]  }
0x7f: {  	[tilespmem:s4], [sflag:$0x9] =	stream.linear.gather [hbm4b:s21+s1], $0x80, $0x38;
	[tilespmem:$0x11680] =	vst v63  }
0x80: {  	_ =	swait.ge [sflag:s18], $0x80  }
0x81: {  	[sflag:s18] =	ssyncset.done $0x0  }
0x82: {  	s22 =	simm.s32 $0x8200;
	[sflag:s18] =	ssyncadd.s32 $0xFFFFFF80  }
0x83: {  	[tilespmem:s22], [sflag:$0x3] =	stream.indirect.gather [hbm4b:s3+s19], $0x80, s4, s19, $0xb8;
	[tilespmem:$0x11680] =	vst v63  }
0x84: {  	s23 =	rddreg [dreg:$0x6]  }
0x85: {  	[tilespmem:s24], [sflag:$0x9] =	stream.linear.gather [hbm4b:s23+s1], $0x80, $0x38;
	[tilespmem:$0x11680] =	vst v63  }
0x86: {  	_ =	swait.ge [sflag:s18], $0x80  }
0x87: {  	s17 =	rddreg [dreg:$0xc]  }
0x88: {  	s16 =	rddreg [dreg:$0xb]  }
0x89: {  	[sflag:s18] =	ssyncset.done $0x0;
	s4 =	rddreg [dreg:$0xa]  }
0x8a: {  	s15 =	simm.s32 $0x0;
	s22 =	rddreg [dreg:$0x9];
	[sflag:s18] =	ssyncadd.s32 $0xFFFFFF80  }
0x8b: {  	[tilespmem:s25], [sflag:$0x4] =	stream.indirect.gather [hbm4b:s3+s19], $0x80, s24, s19, $0xb8;
	[tilespmem:$0x11680] =	vst v63  }
.LBB2_2:
0x8c: {  	p0 =	seq.s32 s15, $0x0  }
0x8d: {  	s1 =	simm.s32 @!p0 $0x5  }
0x8e: {  	_ =	swait.ge @!p0 [sflag:s1], $0x80  }
0x8f: {  	[sflag:s1] =	ssyncset.done @!p0 $0x0  }
0x90: {  	[sflag:s1] =	ssyncadd.s32 @!p0 $0xFFFFFF80  }
0x91: {  	[spmem:s7] =	stream.linear.scatter [tilespmem:s26], [sflag:$0x9], $0x400, $0x38;
	[tilespmem:$0x11680] =	vst v63  }
0x92: {  	_ =	swait.ge [sflag:s18], $0x400  }
0x93: {  	[sflag:s18] =	ssyncset.done $0x0  }
0x94: {  	[sflag:s18] =	ssyncadd.s32 $0xFFFFFC00  }
0x95: {  	_ =	swait.ge [sflag:s28], $0x4000  }
0x96: {  	[sflag:s28] =	ssyncset.done $0x0  }
0x97: {  	s14 =	simm.s32 $0x200;
	s20 =	stileid.u32;
	[sflag:s28] =	ssyncadd.s32 $0xFFFFC000  }
0x98: {  	[spmem:s7] =	stream.indirect.scatter.add.f32 [tilespmem:s14], [sflag:$0x9], $0x80, s29, s19, $0xb8;
	[tilespmem:$0x11680] =	vst v63  }
0x99: {  	s2 =	sshrl.u32 s7, $0x3;
	s5 =	sshll.u32 s20, $0x6;
	_ =	swait.ge [sflag:s18], $0x4000  }
0x9a: {  	s23 =	sor.u32 $0x1C05, s5;
	[sflag:s18] =	ssyncset.done $0x0;
	s21 =	rddreg [dreg:$0x8]  }
0x9b: {  	p0 =	seq.s32 s15, $0xE00;
	[sflag:s18] =	ssyncadd.s32 $0xFFFFC000;
	s14 =	sadd.s32 s15, s21  }
0x9c: {  	[hbm:s14], [sflag:s23] =	dma.local [spmem:s2], $0x80  }
0x9d: {  	s1 =	simm.s32 @!p0 $0x0;
	s2 =	simm.s32 @!p0 $0x9  }
0x9e: {  	[tilespmem:s1], [sflag:$0x9] =	stream.linear.gather @!p0 [hbm4b:s17+s1], $0x80, $0x38;
	[tilespmem:$0x11680] =	vst v63  }
0x9f: {  	_ =	swait.ge @!p0 [sflag:s2], $0x80  }
0xa0: {  	p1 =	seq.s32 @!p0 s15, $0x0;
	s20 =	simm.s32 @!p0 $0x80;
	[sflag:s2] =	ssyncset.done @!p0 $0x0  }
0xa1: {  	p1 =	por p0, !p1;
	s21 =	simm.s32 @!p0 $0x200;
	[sflag:s2] =	ssyncadd.s32 @!p0 $0xFFFFFF80  }
0xa2: {  	[tilespmem:s21], [sflag:$0x1] =	stream.indirect.gather @!p0 [hbm4b:s3+s20], $0x80, s1, s20, $0xb8;
	[tilespmem:$0x11680] =	vst v63  }
0xa3: {  	_ =	swait.ge @p1 [sflag:s6], $0x80  }
0xa4: {  	[sflag:s6] =	ssyncset.done @p1 $0x0  }
0xa5: {  	[sflag:s6] =	ssyncadd.s32 @p1 $0xFFFFFF80  }
0xa6: {  	[spmem:s9] =	stream.linear.scatter [tilespmem:s26], [sflag:$0x9], $0x400, $0x38;
	[tilespmem:$0x11680] =	vst v63  }
0xa7: {  	_ =	swait.ge [sflag:s18], $0x400  }
0xa8: {  	[sflag:s18] =	ssyncset.done $0x0  }
0xa9: {  	[sflag:s18] =	ssyncadd.s32 $0xFFFFFC00  }
0xaa: {  	_ =	swait.ge [sflag:s30], $0x4000  }
0xab: {  	[sflag:s30] =	ssyncset.done $0x0  }
0xac: {  	s13 =	simm.s32 $0x4200;
	[sflag:s30] =	ssyncadd.s32 $0xFFFFC000  }
0xad: {  	[spmem:s9] =	stream.indirect.scatter.add.f32 [tilespmem:s13], [sflag:$0x9], $0x80, s29, s19, $0xb8;
	[tilespmem:$0x11680] =	vst v63  }
0xae: {  	_ =	swait.ge [sflag:s18], $0x4000  }
0xaf: {  	s23 =	sor.u32 $0x1C06, s5;
	[sflag:s18] =	ssyncset.done $0x0  }
0xb0: {  	s21 =	sadd.s32 $0x80, s14;
	s13 =	sshrl.u32 s9, $0x3;
	[sflag:s18] =	ssyncadd.s32 $0xFFFFC000  }
0xb1: {  	[hbm:s21], [sflag:s23] =	dma.local [spmem:s13], $0x80  }
0xb2: {  	[tilespmem:s20], [sflag:$0x9] =	stream.linear.gather @!p0 [hbm4b:s16+s1], $0x80, $0x38;
	[tilespmem:$0x11680] =	vst v63  }
0xb3: {  	_ =	swait.ge @!p0 [sflag:s2], $0x80  }
0xb4: {  	[sflag:s2] =	ssyncset.done @!p0 $0x0  }
0xb5: {  	s1 =	simm.s32 @!p0 $0x4200;
	[sflag:s2] =	ssyncadd.s32 @!p0 $0xFFFFFF80  }
0xb6: {  	[tilespmem:s1], [sflag:$0x2] =	stream.indirect.gather @!p0 [hbm4b:s3+s20], $0x80, s20, s20, $0xb8;
	[tilespmem:$0x11680] =	vst v63  }
0xb7: {  	_ =	swait.ge @p1 [sflag:s8], $0x80  }
0xb8: {  	[sflag:s8] =	ssyncset.done @p1 $0x0  }
0xb9: {  	[sflag:s8] =	ssyncadd.s32 @p1 $0xFFFFFF80  }
0xba: {  	[spmem:s10] =	stream.linear.scatter [tilespmem:s26], [sflag:$0x9], $0x400, $0x38;
	[tilespmem:$0x11680] =	vst v63  }
0xbb: {  	_ =	swait.ge [sflag:s18], $0x400  }
0xbc: {  	[sflag:s18] =	ssyncset.done $0x0  }
0xbd: {  	[sflag:s18] =	ssyncadd.s32 $0xFFFFFC00  }
0xbe: {  	_ =	swait.ge [sflag:s31], $0x4000  }
0xbf: {  	[sflag:s31] =	ssyncset.done $0x0  }
0xc0: {  	s13 =	simm.s32 $0x8200;
	[sflag:s31] =	ssyncadd.s32 $0xFFFFC000  }
0xc1: {  	[spmem:s10] =	stream.indirect.scatter.add.f32 [tilespmem:s13], [sflag:$0x9], $0x80, s29, s19, $0xb8;
	[tilespmem:$0x11680] =	vst v63  }
0xc2: {  	s21 =	sor.u32 $0x1C07, s5;
	_ =	swait.ge [sflag:s18], $0x4000  }
0xc3: {  	s23 =	sshrl.u32 s10, $0x3;
	s2 =	simm.s32 @!p0 $0x100;
	[sflag:s18] =	ssyncset.done $0x0  }
0xc4: {  	s20 =	sadd.s32 $0x100, s14;
	s1 =	simm.s32 @!p0 $0x0;
	[sflag:s18] =	ssyncadd.s32 $0xFFFFC000  }
0xc5: {  	[hbm:s20], [sflag:s21] =	dma.local [spmem:s23], $0x80  }
0xc6: {  	[tilespmem:s2], [sflag:$0x9] =	stream.linear.gather @!p0 [hbm4b:s4+s1], $0x80, $0x38;
	[tilespmem:$0x11680] =	vst v63  }
0xc7: {  	s1 =	simm.s32 @!p0 $0x9  }
0xc8: {  	_ =	swait.ge @!p0 [sflag:s1], $0x80  }
0xc9: {  	[sflag:s1] =	ssyncset.done @!p0 $0x0  }
0xca: {  	s13 =	simm.s32 @!p0 $0x8200;
	[sflag:s1] =	ssyncadd.s32 @!p0 $0xFFFFFF80;
	s1 =	simm.s32 @!p0 $0x80  }
0xcb: {  	[tilespmem:s13], [sflag:$0x3] =	stream.indirect.gather @!p0 [hbm4b:s3+s1], $0x80, s2, s1, $0xb8;
	[tilespmem:$0x11680] =	vst v63  }
0xcc: {  	_ =	swait.ge @p1 [sflag:s12], $0x80  }
0xcd: {  	[sflag:s12] =	ssyncset.done @p1 $0x0  }
0xce: {  	[sflag:s12] =	ssyncadd.s32 @p1 $0xFFFFFF80  }
0xcf: {  	[spmem:s11] =	stream.linear.scatter [tilespmem:s26], [sflag:$0x9], $0x400, $0x38;
	[tilespmem:$0x11680] =	vst v63  }
0xd0: {  	_ =	swait.ge [sflag:s18], $0x400  }
0xd1: {  	[sflag:s18] =	ssyncset.done $0x0  }
0xd2: {  	[sflag:s18] =	ssyncadd.s32 $0xFFFFFC00  }
0xd3: {  	_ =	swait.ge [sflag:s0], $0x4000  }
0xd4: {  	[sflag:s0] =	ssyncset.done $0x0  }
0xd5: {  	[sflag:s0] =	ssyncadd.s32 $0xFFFFC000  }
0xd6: {  	[spmem:s11] =	stream.indirect.scatter.add.f32 [tilespmem:s25], [sflag:$0x9], $0x80, s29, s19, $0xb8;
	[tilespmem:$0x11680] =	vst v63  }
.Ltmp2:
0xd7: {  	_ = 	snop;
	(pc) =	sbr.rel @p0 .LBB2_4-.Ltmp2, $4  }
0xd8: {  	_ =	swait.ge [sflag:s18], $0x4000  }
0xd9: {  	s20 =	sadd.s32 $0x180, s14;
	[sflag:s18] =	ssyncset.done $0x0  }
0xda: {  	s21 =	sor.u32 $0x1C08, s5;
	s23 =	sshrl.u32 s11, $0x3;
	[sflag:s18] =	ssyncadd.s32 $0xFFFFC000  }
0xdb: {  	[hbm:s20], [sflag:s21] =	dma.local [spmem:s23], $0x80  }
0xdc: {  	s1 =	simm.s32 $0x0  }
0xdd: {  	[tilespmem:s24], [sflag:$0x9] =	stream.linear.gather [hbm4b:s22+s1], $0x80, $0x38;
	[tilespmem:$0x11680] =	vst v63  }
.Ltmp3:
0xde: {  	_ = 	snop;
	(pc) =	sbr.rel .LBB2_2-.Ltmp3, $4  }
0xdf: {  	s15 =	sadd.s32 $0x200, s15;
	_ =	swait.ge [sflag:s18], $0x80  }
0xe0: {  	s4 =	sadd.s32 $0x40, s4;
	s16 =	sadd.s32 $0x40, s16;
	[sflag:s18] =	ssyncset.done $0x0  }
0xe1: {  	s17 =	sadd.s32 $0x40, s17;
	s22 =	sadd.s32 $0x40, s22;
	[sflag:s18] =	ssyncadd.s32 $0xFFFFFF80  }
0xe2: {  	[tilespmem:s25], [sflag:$0x4] =	stream.indirect.gather [hbm4b:s3+s19], $0x80, s24, s19, $0xb8;
	[tilespmem:$0x11680] =	vst v63  }
.LBB2_5:
0xe3: {  	_ =	sfence.sel $0x180000  }
0xe4: {  	[bflag:$0x0] =	sbarrier.arrive $0xFFFF  }
0xe5: {  	_ =	strace $0x9000004A  }
0xe6: {  	s0 =	stileid.u32;
	[bflag:$0x2] =	sbarrier.arrive $0xFFFF  }
0xe7: {  	p0 =	sne.s32 s0, $0x0;
	s0 =	rddreg [dreg:$0x2]  }
0xe8: {  	s0 =	sadd.s32 @!p0 $0x100000, s0  }
0xe9: {  	[sflag:s0] =	ssyncadd.tile.s32 @!p0 $0x1;
	_ =	shalt  }
.Lfunc_end2:
_tile_overlayer_lowered:
.L_overlay_start_2:
0xea: {  	(tag) =	ssettag $0x2  }
0xeb: {  	s0 =	rddreg [dreg:$0x0];
	s2 =	stileid.u32  }
0xec: {  	s1 =	rddreg [dreg:$0x1];
	p0 =	sne.s32 s2, $0x0  }
0xed: {  	s3 =	rddreg [dreg:$0x2];
	[bflag:$0x3] =	sbarrier.arrive $0xFFFF;
	s2 =	simm.s32 @!p0 $0x1C09  }
0xee: {  	[timem:s3], [sflag:s2] =	dma.local @!p0 [hbm:s0], s1  }
0xef: {  	s0 =	simm.s32 @!p0 $0x9  }
0xf0: {  	_ =	swait.ge @!p0 [sflag:s0], s1  }
0xf1: {  	s1 =	ssub.s32 @!p0 $0x0, s1;
	[sflag:s0] =	ssyncset.done @!p0 $0x0  }
0xf2: {  	[sflag:s0] =	ssyncadd.s32 @!p0 s1  }
0xf3: {  	[bflag:$0x3] =	sbarrier.arrive $0xFFFF  }
0xf4: {  	_ =	shalt  }

</sc_bundles>
